<compile_context>
chip_gen: v7x
topology: tpu7x:2x2x1
jax: 0.10.2.dev20260603
libtpu: 0.0.44.dev20260713+nightly
codegen_flags: <defaults>
</compile_context>

<pallas_src>
import jax
import jax.numpy as jnp
from jax import lax
from jax.experimental import pallas as pl
from jax.experimental.pallas import tpu as pltpu
from jax.experimental.pallas import tpu_sc as plsc

NSC = 2
NTILE = 16
CH = 128
KC = 2
SLAB = 14
ZB = 90
BN = 2000


def _sc_segsum(d, n, nchunks, core_indexed_table):
    na = n + 400
    assert na % (NTILE * ZB) == 0 and n % (NTILE * 625) == 0
    ptc = nchunks // (NTILE if core_indexed_table else NTILE * NSC)
    slabs = n // 625

    nsl = ptc // SLAB

    def body(tbl_ref, src_ref, dst_ref, out_ref, acc, sidx, didx, rows, zbuf,
             gsem0, gsem1, ssem0, ssem1, isem):
        gsem = (gsem0, gsem1)
        ssem = (ssem0, ssem1)
        c = lax.axis_index("c")
        s = lax.axis_index("s")

        if core_indexed_table:
            tbl = tbl_ref.at[c]
            tid = s
        else:
            tbl = tbl_ref.at[0]
            tid = c * NTILE + s

        pltpu.async_copy(src_ref.at[tid, 0], sidx.at[0], isem)
        pltpu.async_copy(dst_ref.at[tid, 0], didx.at[0], isem)

        def zrow(i, _):
            for j in range(d // 16):
                zbuf[i, pl.ds(16 * j, 16)] = jnp.zeros((16,), jnp.float32)
            return 0
        lax.fori_loop(0, ZB, zrow, 0)
        zbase = s * (na // NTILE)

        def zcp(i, _):
            pltpu.async_copy(zbuf, acc.at[pl.ds(zbase + i * ZB, ZB)], ssem0)
            return 0
        lax.fori_loop(0, na // (NTILE * ZB), zcp, 0)

        def zwait(i, _):
            pltpu.make_async_copy(
                zbuf, acc.at[pl.ds(zbase + i * ZB, ZB)], ssem0).wait()
            return 0
        lax.fori_loop(0, na // (NTILE * ZB), zwait, 0)
        plsc.subcore_barrier()

        def slab(i, _):
            p = i % 2
            pltpu.make_async_copy(src_ref.at[tid, i], sidx.at[p], isem).wait()
            pltpu.make_async_copy(dst_ref.at[tid, i], didx.at[p], isem).wait()

            @pl.when(i + 1 < nsl)
            def _():
                pltpu.async_copy(src_ref.at[tid, i + 1], sidx.at[1 - p], isem)
                pltpu.async_copy(dst_ref.at[tid, i + 1], didx.at[1 - p], isem)

            U = SLAB // KC
            gd = {0: pltpu.async_copy(tbl.at[sidx.at[p, 0]],
                                      rows.at[0], gsem[0])}
            sd = {}
            for u in range(U):
                q = u % 2
                if u + 1 < U:
                    if u - 1 in sd:
                        for w in sd.pop(u - 1):
                            w.wait()
                    gd[u + 1] = pltpu.async_copy(
                        tbl.at[sidx.at[p, u + 1]],
                        rows.at[1 - q], gsem[1 - q])
                gd.pop(u).wait()
                sd[u] = [pltpu.async_copy(
                    rows.at[q, pl.ds(k * CH, CH)],
                    acc.at[didx.at[p, KC * u + k]],
                    ssem[q], add=True) for k in range(KC)]
            for u in sorted(sd):
                for w in sd.pop(u):
                    w.wait()
            return 0
        lax.fori_loop(0, nsl, slab, 0)
        plsc.subcore_barrier()

        spt = slabs // NTILE

        def ocp(i, _):
            pltpu.sync_copy(acc.at[pl.ds((s * spt + i) * 625, 625)],
                            out_ref.at[c, s * spt + i])
            return 0
        lax.fori_loop(0, spt, ocp, 0)

    mesh = plsc.VectorSubcoreMesh(core_axis_name="c", subcore_axis_name="s")
    return pl.kernel(
        body,
        out_type=jax.ShapeDtypeStruct((NSC, slabs, 625, d), jnp.float32),
        mesh=mesh,
        compiler_params=pltpu.CompilerParams(use_tc_tiling_on_sc=False),
        scratch_types=[
            pltpu.VMEM_SHARED((na, d), jnp.float32),
            pltpu.VMEM((2, SLAB // KC, KC * CH), jnp.int32),
            pltpu.VMEM((2, SLAB, CH), jnp.int32),
            pltpu.VMEM((2, KC * CH, d), jnp.float32),
            pltpu.VMEM((ZB, d), jnp.float32),
            pltpu.SemaphoreType.DMA,
            pltpu.SemaphoreType.DMA,
            pltpu.SemaphoreType.DMA,
            pltpu.SemaphoreType.DMA,
            pltpu.SemaphoreType.DMA,
        ],
    )


def _dot(a, b):
    return jnp.dot(a, b, preferred_element_type=jnp.float32)


def _layer1_body(p_ref, x_ref, w_ref, b_ref, h_ref, inv_ref):
    p = p_ref[0] + p_ref[1]
    inv = 1.0 / jnp.maximum(p[:, 2:3], 1.0)
    inp = jnp.concatenate([x_ref[:, 0:2], p[:, 0:2] * inv], axis=1)
    h = jnp.maximum(_dot(inp, w_ref[...]) + b_ref[...], 0.0)
    h_ref[0] = h[:, 0:32]
    h_ref[1] = h[:, 32:64]
    inv_ref[...] = inv


def _layer_body(h_ref, s_ref, inv_ref, w_ref, b_ref, o_ref):
    h = jnp.concatenate([h_ref[0], h_ref[1]], axis=1)
    agg = jnp.concatenate([s_ref[0], s_ref[1]], axis=1) * inv_ref[...]
    o = jnp.maximum(_dot(jnp.concatenate([h, agg], axis=1), w_ref[...])
                    + b_ref[...], 0.0)
    o_ref[0] = o[:, 0:32]
    o_ref[1] = o[:, 32:64]


def _head_body(h_ref, s_ref, inv_ref, w_ref, b_ref, aw_ref, ab_ref, gi_ref,
               adv_ref, ps_ref, as_ref, cnt_ref):
    nb = gi_ref.shape[0]
    h = jnp.concatenate([h_ref[0], h_ref[1]], axis=1)
    agg = jnp.concatenate([s_ref[0], s_ref[1]], axis=1) * inv_ref[...]
    hh = jnp.maximum(_dot(jnp.concatenate([h, agg], axis=1), w_ref[...])
                     + b_ref[...], 0.0)
    advn = 2.0 * jnp.tanh(_dot(hh, aw_ref[...]) + ab_ref[...])
    adv_ref[...] = advn

    nseg = ps_ref.shape[0]
    ids = lax.broadcasted_iota(jnp.int32, (1, nseg), 1)
    oh = (gi_ref[...] == ids).astype(jnp.float32)

    @pl.when(pl.program_id(0) == 0)
    def _():
        ps_ref[...] = jnp.zeros_like(ps_ref)
        as_ref[...] = jnp.zeros_like(as_ref)
        cnt_ref[...] = jnp.zeros_like(cnt_ref)

    dn = (((0,), (0,)), ((), ()))
    ps_ref[...] += lax.dot_general(oh, hh, dn,
                                   preferred_element_type=jnp.float32)
    as_ref[...] += lax.dot_general(oh, advn, dn,
                                   preferred_element_type=jnp.float32)
    cnt_ref[...] += lax.dot_general(oh, jnp.ones((nb, 1), jnp.float32), dn,
                                    preferred_element_type=jnp.float32)


def _combine_body(ps_ref, cnt_ref, as_ref, vw_ref, vb_ref, adv_ref, gi_ref,
                  out_ref):
    nseg = ps_ref.shape[0]
    cnt = jnp.maximum(cnt_ref[...], 1.0)
    pooled = ps_ref[...] / cnt
    value = jnp.tanh(_dot(pooled, vw_ref[...]) + vb_ref[...])
    combined = value - as_ref[...] / cnt
    ids = lax.broadcasted_iota(jnp.int32, (1, nseg), 1)
    oh = (gi_ref[...] == ids).astype(jnp.float32)
    out_ref[...] = _dot(oh, combined) + adv_ref[...]


def kernel(x, edge_index, graph_indices, W1s, W1n, b1, W2s, W2n, b2, mWs, mWn,
           mb, madvW, madvb, mvalW, mvalb, bWs, bWn, bb, badvW, badvb, bvalW,
           bvalb):
    n = x.shape[0]
    e = edge_index.shape[1]
    nseg = 256
    f32 = jnp.float32

    is_maker = x[0, 2] == 1.0
    W3s = jnp.where(is_maker, mWs, bWs)
    W3n = jnp.where(is_maker, mWn, bWn)
    b3 = jnp.where(is_maker, mb, bb)
    advW = jnp.where(is_maker, madvW, badvW)
    advb = jnp.where(is_maker, madvb, badvb)
    valW = jnp.where(is_maker, mvalW, bvalW)
    valb = jnp.where(is_maker, mvalb, bvalb)

    x16 = jnp.concatenate(
        [x[:, 0:2], jnp.ones((n, 1), f32), jnp.zeros((n, 13), f32)], axis=1)

    step = NSC * NTILE * SLAB * CH
    epad = ((e + step - 1) // step) * step
    trash = n + (jnp.arange(epad - e, dtype=jnp.int32) % 256)
    src = jnp.concatenate(
        [edge_index[0], jnp.zeros((epad - e,), jnp.int32)]).reshape(-1, CH)
    dst = jnp.concatenate([edge_index[1], trash]).reshape(-1, CH)
    nchunks = epad // CH

    w1 = jnp.concatenate([W1s, W1n], axis=0)
    w2 = jnp.concatenate([W2s, W2n], axis=0)
    w3 = jnp.concatenate([W3s, W3n], axis=0)
    b1r, b2r, b3r = b1.reshape(1, -1), b2.reshape(1, -1), b3.reshape(1, -1)
    advbr, valbr = advb.reshape(1, 1), valb.reshape(1, 1)
    gi2 = graph_indices.reshape(n, 1)

    seg1 = _sc_segsum(16, n, nchunks, core_indexed_table=False)
    seg2 = _sc_segsum(32, n, nchunks, core_indexed_table=True)

    grid = (n // BN,)
    full2 = lambda shp: pl.BlockSpec(shp, lambda i: (0, 0))
    rows2 = lambda d: pl.BlockSpec((BN, d), lambda i: (i, 0))
    rows3 = lambda d: pl.BlockSpec((NSC, BN, d), lambda i: (0, i, 0))

    src1 = src.reshape(NSC * NTILE, -1, SLAB // KC, KC * CH)
    dst1 = dst.reshape(NSC * NTILE, -1, SLAB, CH)
    src2 = src.reshape(NTILE, -1, SLAB // KC, KC * CH)
    dst2 = dst.reshape(NTILE, -1, SLAB, CH)

    p1 = seg1(x16.reshape(1, n, 16), src1, dst1).reshape(NSC, n, 16)
    h1, inv = pl.pallas_call(
        _layer1_body,
        grid=grid,
        in_specs=[rows3(16), rows2(3), full2((4, 64)), full2((1, 64))],
        out_specs=[rows3(32), rows2(1)],
        out_shape=[jax.ShapeDtypeStruct((NSC, n, 32), f32),
                   jax.ShapeDtypeStruct((n, 1), f32)],
    )(p1, x, w1, b1r)

    s2 = seg2(h1, src2, dst2).reshape(NSC, n, 32)
    h2 = pl.pallas_call(
        _layer_body,
        grid=grid,
        in_specs=[rows3(32), rows3(32), rows2(1), full2((128, 64)),
                  full2((1, 64))],
        out_specs=rows3(32),
        out_shape=jax.ShapeDtypeStruct((NSC, n, 32), f32),
    )(h1, s2, inv, w2, b2r)

    s3 = seg2(h2, src2, dst2).reshape(NSC, n, 32)
    advn, psum, asum, cnt = pl.pallas_call(
        _head_body,
        grid=grid,
        in_specs=[rows3(32), rows3(32), rows2(1), full2((128, 64)),
                  full2((1, 64)), full2((64, 1)), full2((1, 1)), rows2(1)],
        out_specs=[rows2(1), full2((nseg, 64)), full2((nseg, 1)),
                   full2((nseg, 1))],
        out_shape=[jax.ShapeDtypeStruct((n, 1), f32),
                   jax.ShapeDtypeStruct((nseg, 64), f32),
                   jax.ShapeDtypeStruct((nseg, 1), f32),
                   jax.ShapeDtypeStruct((nseg, 1), f32)],
    )(h2, s3, inv, w3, b3r, advW, advbr, gi2)

    out = pl.pallas_call(
        _combine_body,
        grid=grid,
        in_specs=[full2((nseg, 64)), full2((nseg, 1)), full2((nseg, 1)),
                  full2((64, 1)), full2((1, 1)), rows2(1), rows2(1)],
        out_specs=rows2(1),
        out_shape=jax.ShapeDtypeStruct((n, 1), f32),
    )(psum, cnt, asum, valW, valbr, advn, gi2)
    return out[:, 0]

# --- scband reference (transcript-rebuilt; emitter-appended) ---
"""Pipeline reference for scband-duelling-two-headed-16673063043608 (READ-ONLY COPY).

The authoritative reference and input builder live on the scoring server;
editing this copy changes nothing except your own understanding.
"""

import jax, jax.numpy as jnp
import numpy as np

N = 50000
E = 800000
H = 64
B = 256

def seg_mean(vals, idx, num):
    s = jax.ops.segment_sum(vals, idx, num_segments=num)
    c = jax.ops.segment_sum(jnp.ones((vals.shape[0], 1), vals.dtype), idx, num_segments=num)
    return s / jnp.maximum(c, 1.0)

def gnn_layer(h, src, dst, Ws, Wn, b, n):
    agg = seg_mean(h[src], dst, n)
    return jax.nn.relu(h @ Ws + agg @ Wn + b)

def setup_inputs(seed: int = 0):
    key = jax.random.key(seed)
    ks = jax.random.split(key, 32)
    x = jax.random.normal(ks[0], (N, 3), jnp.float32)
    x = x.at[:, 2].set(1.0)
    edge_index = jax.random.randint(ks[1], (2, E), 0, N, dtype=jnp.int32)
    graph_indices = jnp.sort(jax.random.randint(ks[2], (N,), 0, B, dtype=jnp.int32))
    def w(k, shape):
        return jax.random.normal(k, shape, jnp.float32) * 0.1
    return {
        "x": x, "edge_index": edge_index, "graph_indices": graph_indices,
        "W1s": w(ks[3], (2, H)), "W1n": w(ks[4], (2, H)), "b1": jnp.zeros((H,), jnp.float32),
        "W2s": w(ks[5], (H, H)), "W2n": w(ks[6], (H, H)), "b2": jnp.zeros((H,), jnp.float32),
        "mWs": w(ks[7], (H, H)), "mWn": w(ks[8], (H, H)), "mb": jnp.zeros((H,), jnp.float32),
        "madvW": w(ks[9], (H, 1)), "madvb": jnp.zeros((1,), jnp.float32),
        "mvalW": w(ks[10], (H, 1)), "mvalb": jnp.zeros((1,), jnp.float32),
        "bWs": w(ks[11], (H, H)), "bWn": w(ks[12], (H, H)), "bb": jnp.zeros((H,), jnp.float32),
        "badvW": w(ks[13], (H, 1)), "badvb": jnp.zeros((1,), jnp.float32),
        "bvalW": w(ks[14], (H, 1)), "bvalb": jnp.zeros((1,), jnp.float32),
    }

def reference(x, edge_index, graph_indices, W1s, W1n, b1, W2s, W2n, b2, mWs, mWn, mb, madvW, madvb, mvalW, mvalb, bWs, bWn, bb, badvW, badvb, bvalW, bvalb):
    is_maker = x[0, 2] == 1.0
    xf = x[:, :2]
    src = edge_index[0]
    dst = edge_index[1]
    n = xf.shape[0]
    h = gnn_layer(xf, src, dst, W1s, W1n, b1, n)
    h = gnn_layer(h, src, dst, W2s, W2n, b2, n)
    Ws = jnp.where(is_maker, mWs, bWs)
    Wn = jnp.where(is_maker, mWn, bWn)
    b = jnp.where(is_maker, mb, bb)
    advW = jnp.where(is_maker, madvW, badvW)
    advb = jnp.where(is_maker, madvb, badvb)
    valW = jnp.where(is_maker, mvalW, bvalW)
    valb = jnp.where(is_maker, mvalb, bvalb)
    hh = gnn_layer(h, src, dst, Ws, Wn, b, n)
    adv = hh @ advW + advb
    pooled = seg_mean(hh, graph_indices, B)
    val = pooled @ valW + valb
    advantages = 2.0 * jnp.tanh(adv)
    value = jnp.tanh(val)
    adv_means = seg_mean(advantages, graph_indices, B)
    out = (value[graph_indices] + advantages - adv_means[graph_indices]).squeeze()
    return out

if __name__ == "__main__":
    import jax
    _d = setup_inputs()
    print(jax.jit(kernel)(*tuple(_d.values())))

</pallas_src>

<mosaic_0001>
#map = affine_map<(d0, d1) -> (0, 0, 0)>
#map1 = affine_map<(d0, d1) -> (0, 0, 0, 0)>
module attributes {stable_mosaic.version = 14 : i64} {
  func.func @body(%arg0: i32, %arg1: i32, %arg2: memref<2x50000x32xf32, #tpu.memory_space<hbm>>, %arg3: memref<16x28x7x256xi32, #tpu.memory_space<hbm>>, %arg4: memref<16x28x14x128xi32, #tpu.memory_space<hbm>>, %arg5: memref<2x80x625x32xf32, #tpu.memory_space<hbm>>, %arg6: memref<50400x32xf32, #tpu.memory_space<vmem_shared>>, %arg7: memref<2x7x256xi32, #tpu.memory_space<vmem>>, %arg8: memref<2x14x128xi32, #tpu.memory_space<vmem>>, %arg9: memref<2x256x32xf32, #tpu.memory_space<vmem>>, %arg10: memref<90x32xf32, #tpu.memory_space<vmem>>, %arg11: memref<!tpu.dma_semaphore, #tpu.memory_space<semaphore_mem>>, %arg12: memref<!tpu.dma_semaphore, #tpu.memory_space<semaphore_mem>>, %arg13: memref<!tpu.dma_semaphore, #tpu.memory_space<semaphore_mem>>, %arg14: memref<!tpu.dma_semaphore, #tpu.memory_space<semaphore_mem>>, %arg15: memref<!tpu.dma_semaphore, #tpu.memory_space<semaphore_mem>>) attributes {dimension_semantics = [#tpu.dimension_semantics<core_parallel>, #tpu.dimension_semantics<subcore_parallel>], iteration_bounds = array<i64: 2, 16>, scalar_prefetch = 0 : i64, scratch_operands = 10 : i64, tpu.core_type = #tpu.core_type<sc_vector_subcore>, window_params = [{transform_indices = #map}, {transform_indices = #map1}, {transform_indices = #map1}, {transform_indices = #map1}]} {
    %dma_start3A = arith.constant 0 : i32
    %dma_start3A_0 = arith.constant 0 : i32
    %dma_start3A_1 = arith.constant 0 : i32
    %dma_start3A_2 = arith.constant 0 : i32
    %dma_start3A_3 = tpu.memref_slice %arg7[%dma_start3A_0, %dma_start3A_1, %dma_start3A_2] : memref<2x7x256xi32, #tpu.memory_space<vmem>> -> memref<1x7x256xi32, #tpu.memory_space<vmem>>
    %dma_start3A_4 = tpu.memref_squeeze %dma_start3A_3 : memref<1x7x256xi32, #tpu.memory_space<vmem>> -> memref<7x256xi32, #tpu.memory_space<vmem>>
    %dma_start3A_5 = arith.constant 0 : i32
    %dma_start3A_6 = arith.constant 0 : i32
    %dma_start3A_7 = tpu.memref_slice %arg3[%arg1, %dma_start3A, %dma_start3A_5, %dma_start3A_6] : memref<16x28x7x256xi32, #tpu.memory_space<hbm>> -> memref<1x1x7x256xi32, #tpu.memory_space<hbm>>
    %dma_start3A_8 = tpu.memref_squeeze %dma_start3A_7 : memref<1x1x7x256xi32, #tpu.memory_space<hbm>> -> memref<7x256xi32, #tpu.memory_space<hbm>>
    %dma_start3A_9 = arith.constant 0 : i32
    %dma_start3A_10 = arith.constant 0 : i32
    %dma_start3A_11 = tpu.memref_slice %arg7[%dma_start3A_0, %dma_start3A_9, %dma_start3A_10] : memref<2x7x256xi32, #tpu.memory_space<vmem>> -> memref<1x7x256xi32, #tpu.memory_space<vmem>>
    %dma_start3A_12 = tpu.memref_squeeze %dma_start3A_11 : memref<1x7x256xi32, #tpu.memory_space<vmem>> -> memref<7x256xi32, #tpu.memory_space<vmem>>
    %dma_start3A_13 = arith.constant 0 : i32
    %dma_start3A_14 = arith.constant 0 : i32
    %dma_start3A_15 = tpu.memref_slice %arg3[%arg1, %dma_start3A, %dma_start3A_13, %dma_start3A_14] : memref<16x28x7x256xi32, #tpu.memory_space<hbm>> -> memref<1x1x7x256xi32, #tpu.memory_space<hbm>>
    %dma_start3A_16 = tpu.memref_squeeze %dma_start3A_15 : memref<1x1x7x256xi32, #tpu.memory_space<hbm>> -> memref<7x256xi32, #tpu.memory_space<hbm>>
    tpu.enqueue_dma source(%dma_start3A_16 : memref<7x256xi32, #tpu.memory_space<hbm>>) target(%dma_start3A_12 : memref<7x256xi32, #tpu.memory_space<vmem>>) target_semaphore(%arg15 : memref<!tpu.dma_semaphore, #tpu.memory_space<semaphore_mem>>)
    %dma_start3A_17 = arith.constant 0 : i32
    %dma_start3A_18 = arith.constant 0 : i32
    %dma_start3A_19 = arith.constant 0 : i32
    %dma_start3A_20 = arith.constant 0 : i32
    %dma_start3A_21 = tpu.memref_slice %arg8[%dma_start3A_18, %dma_start3A_19, %dma_start3A_20] : memref<2x14x128xi32, #tpu.memory_space<vmem>> -> memref<1x14x128xi32, #tpu.memory_space<vmem>>
    %dma_start3A_22 = tpu.memref_squeeze %dma_start3A_21 : memref<1x14x128xi32, #tpu.memory_space<vmem>> -> memref<14x128xi32, #tpu.memory_space<vmem>>
    %dma_start3A_23 = arith.constant 0 : i32
    %dma_start3A_24 = arith.constant 0 : i32
    %dma_start3A_25 = tpu.memref_slice %arg4[%arg1, %dma_start3A_17, %dma_start3A_23, %dma_start3A_24] : memref<16x28x14x128xi32, #tpu.memory_space<hbm>> -> memref<1x1x14x128xi32, #tpu.memory_space<hbm>>
    %dma_start3A_26 = tpu.memref_squeeze %dma_start3A_25 : memref<1x1x14x128xi32, #tpu.memory_space<hbm>> -> memref<14x128xi32, #tpu.memory_space<hbm>>
    %dma_start3A_27 = arith.constant 0 : i32
    %dma_start3A_28 = arith.constant 0 : i32
    %dma_start3A_29 = tpu.memref_slice %arg8[%dma_start3A_18, %dma_start3A_27, %dma_start3A_28] : memref<2x14x128xi32, #tpu.memory_space<vmem>> -> memref<1x14x128xi32, #tpu.memory_space<vmem>>
    %dma_start3A_30 = tpu.memref_squeeze %dma_start3A_29 : memref<1x14x128xi32, #tpu.memory_space<vmem>> -> memref<14x128xi32, #tpu.memory_space<vmem>>
    %dma_start3A_31 = arith.constant 0 : i32
    %dma_start3A_32 = arith.constant 0 : i32
    %dma_start3A_33 = tpu.memref_slice %arg4[%arg1, %dma_start3A_17, %dma_start3A_31, %dma_start3A_32] : memref<16x28x14x128xi32, #tpu.memory_space<hbm>> -> memref<1x1x14x128xi32, #tpu.memory_space<hbm>>
    %dma_start3A_34 = tpu.memref_squeeze %dma_start3A_33 : memref<1x1x14x128xi32, #tpu.memory_space<hbm>> -> memref<14x128xi32, #tpu.memory_space<hbm>>
    tpu.enqueue_dma source(%dma_start3A_34 : memref<14x128xi32, #tpu.memory_space<hbm>>) target(%dma_start3A_30 : memref<14x128xi32, #tpu.memory_space<vmem>>) target_semaphore(%arg15 : memref<!tpu.dma_semaphore, #tpu.memory_space<semaphore_mem>>)
    %scan3A = arith.constant 0 : i32
    %scan3A_35 = arith.constant 0 : i32
    %scan3A_36 = arith.constant 90 : i32
    %scan3A_37 = arith.addi %scan3A_35, %scan3A_36 : i32
    %scan3A_38 = arith.constant 1 : i32
    %scan3A_39 = scf.for %scan3A_71 = %scan3A_35 to %scan3A_37 step %scan3A_38 iter_args(%scan3A_72 = %scan3A) -> (i32)  : i32 {
      %broadcast_in_dim3A = arith.constant 0.000000e+00 : f32
      %broadcast_in_dim3A_73 = vector.broadcast %broadcast_in_dim3A : f32 to vector<16xf32>
      %swap3A = arith.index_cast %scan3A_71 : i32 to index
      %swap3A_74 = arith.constant 0 : index
      %swap3A_75 = tpu.vector_load %arg10[%swap3A, %swap3A_74] {strides = array<i32>} : memref<90x32xf32, #tpu.memory_space<vmem>>, vector<1x16xf32>,
      %swap3A_76 = vector.shape_cast %swap3A_75 : vector<1x16xf32> to vector<16xf32>
      %swap3A_77 = vector.shape_cast %broadcast_in_dim3A_73 : vector<16xf32> to vector<1x16xf32>
      tpu.vector_store %arg10[%swap3A, %swap3A_74], %swap3A_77 {strides = array<i32>} : memref<90x32xf32, #tpu.memory_space<vmem>>, vector<1x16xf32>,
      %broadcast_in_dim3A_78 = arith.constant 0.000000e+00 : f32
      %broadcast_in_dim3A_79 = vector.broadcast %broadcast_in_dim3A_78 : f32 to vector<16xf32>
      %swap3A_80 = arith.index_cast %scan3A_71 : i32 to index
      %swap3A_81 = arith.constant 16 : index
      %swap3A_82 = tpu.vector_load %arg10[%swap3A_80, %swap3A_81] {strides = array<i32>} : memref<90x32xf32, #tpu.memory_space<vmem>>, vector<1x16xf32>,
      %swap3A_83 = vector.shape_cast %swap3A_82 : vector<1x16xf32> to vector<16xf32>
      %swap3A_84 = vector.shape_cast %broadcast_in_dim3A_79 : vector<16xf32> to vector<1x16xf32>
      tpu.vector_store %arg10[%swap3A_80, %swap3A_81], %swap3A_84 {strides = array<i32>} : memref<90x32xf32, #tpu.memory_space<vmem>>, vector<1x16xf32>,
      %scan3A_85 = arith.constant 0 : i32
      scf.yield %scan3A_85 : i32
    }
    %scan3A_40 = arith.constant 90 : i32
    %mul3A = arith.constant 3150 : i32
    %mul3A_41 = arith.muli %arg1, %mul3A : i32
    %scan3A_42 = arith.constant 0 : i32
    %scan3A_43 = arith.constant 0 : i32
    %scan3A_44 = arith.constant 35 : i32
    %scan3A_45 = arith.addi %scan3A_43, %scan3A_44 : i32
    %scan3A_46 = arith.constant 1 : i32
    %scan3A_47 = scf.for %scan3A_71 = %scan3A_43 to %scan3A_45 step %scan3A_46 iter_args(%scan3A_72 = %scan3A_42) -> (i32)  : i32 {
      %mul3A_73 = arith.constant 90 : i32
      %mul3A_74 = arith.muli %scan3A_71, %mul3A_73 : i32
      %add3A = arith.addi %mul3A_41, %mul3A_74 : i32
      %dma_start3A_75 = arith.constant 0 : i32
      %dma_start3A_76 = tpu.memref_slice %arg6[%add3A, %dma_start3A_75] : memref<50400x32xf32, #tpu.memory_space<vmem_shared>> -> memref<90x32xf32, #tpu.memory_space<vmem_shared>>
      %dma_start3A_77 = arith.constant 0 : i32
      %dma_start3A_78 = tpu.memref_slice %arg6[%add3A, %dma_start3A_77] : memref<50400x32xf32, #tpu.memory_space<vmem_shared>> -> memref<90x32xf32, #tpu.memory_space<vmem_shared>>
      tpu.enqueue_dma source(%arg10 : memref<90x32xf32, #tpu.memory_space<vmem>>) target(%dma_start3A_78 : memref<90x32xf32, #tpu.memory_space<vmem_shared>>) target_semaphore(%arg13 : memref<!tpu.dma_semaphore, #tpu.memory_space<semaphore_mem>>)
      %scan3A_79 = arith.constant 0 : i32
      scf.yield %scan3A_79 : i32
    }
    %scan3A_48 = arith.constant 35 : i32
    %scan3A_49 = arith.constant 0 : i32
    %scan3A_50 = arith.constant 0 : i32
    %scan3A_51 = arith.constant 35 : i32
    %scan3A_52 = arith.addi %scan3A_50, %scan3A_51 : i32
    %scan3A_53 = arith.constant 1 : i32
    %scan3A_54 = scf.for %scan3A_71 = %scan3A_50 to %scan3A_52 step %scan3A_53 iter_args(%scan3A_72 = %scan3A_49) -> (i32)  : i32 {
      %mul3A_73 = arith.constant 90 : i32
      %mul3A_74 = arith.muli %scan3A_71, %mul3A_73 : i32
      %add3A = arith.addi %mul3A_41, %mul3A_74 : i32
      %dma_wait3A = arith.constant 0 : i32
      %dma_wait3A_75 = tpu.memref_slice %arg6[%add3A, %dma_wait3A] : memref<50400x32xf32, #tpu.memory_space<vmem_shared>> -> memref<90x32xf32, #tpu.memory_space<vmem_shared>>
      %dma_wait3A_76 = arith.constant 0 : i32
      %dma_wait3A_77 = tpu.memref_slice %arg6[%add3A, %dma_wait3A_76] : memref<50400x32xf32, #tpu.memory_space<vmem_shared>> -> memref<90x32xf32, #tpu.memory_space<vmem_shared>>
      tpu.wait_dma2 semaphore(%arg13 : memref<!tpu.dma_semaphore, #tpu.memory_space<semaphore_mem>>) src(%arg10 : memref<90x32xf32, #tpu.memory_space<vmem>>) dst(%dma_wait3A_77 : memref<90x32xf32, #tpu.memory_space<vmem_shared>>)
      %scan3A_78 = arith.constant 0 : i32
      scf.yield %scan3A_78 : i32
    }
    %scan3A_55 = arith.constant 35 : i32
    %barrier3A = arith.constant 0 : index
    tpu.barrier barrier_id(%barrier3A)
    %scan3A_56 = arith.constant 0 : i32
    %scan3A_57 = arith.constant 0 : i32
    %scan3A_58 = arith.constant 28 : i32
    %scan3A_59 = arith.addi %scan3A_57, %scan3A_58 : i32
    %scan3A_60 = arith.constant 1 : i32
    %scan3A_61 = scf.for %scan3A_71 = %scan3A_57 to %scan3A_59 step %scan3A_60 iter_args(%scan3A_72 = %scan3A_56) -> (i32)  : i32 {
      %jit3A = arith.constant 2 : i32
      %eq3A = arith.constant 0 : i32
      %eq3A_73 = arith.cmpi eq, %jit3A, %eq3A : i32
      %jit3A_74 = arith.constant 1 : i32
      %select_n3A = arith.select %eq3A_73, %jit3A_74, %jit3A : i32
      %rem3A = arith.remsi %scan3A_71, %select_n3A : i32
      %ne3A = arith.constant 0 : i32
      %ne3A_75 = arith.cmpi ne, %rem3A, %ne3A : i32
      %lt3A = arith.constant 0 : i32
      %lt3A_76 = arith.cmpi slt, %rem3A, %lt3A : i32
      %lt3A_77 = arith.constant 0 : i32
      %lt3A_78 = arith.cmpi slt, %select_n3A, %lt3A_77 : i32
      %ne3A_79 = arith.xori %lt3A_76, %lt3A_78 : i1
      %and3A = arith.andi %ne3A_79, %ne3A_75 : i1
      %add3A = arith.addi %rem3A, %select_n3A : i32
      %select_n3A_80 = arith.select %and3A, %add3A, %rem3A : i32
      %dma_wait3A = arith.constant 0 : i32
      %dma_wait3A_81 = arith.constant 0 : i32
      %dma_wait3A_82 = tpu.memref_slice %arg7[%select_n3A_80, %dma_wait3A, %dma_wait3A_81] : memref<2x7x256xi32, #tpu.memory_space<vmem>> -> memref<1x7x256xi32, #tpu.memory_space<vmem>>
      %dma_wait3A_83 = tpu.memref_squeeze %dma_wait3A_82 : memref<1x7x256xi32, #tpu.memory_space<vmem>> -> memref<7x256xi32, #tpu.memory_space<vmem>>
      %dma_wait3A_84 = arith.constant 0 : i32
      %dma_wait3A_85 = arith.constant 0 : i32
      %dma_wait3A_86 = tpu.memref_slice %arg3[%arg1, %scan3A_71, %dma_wait3A_84, %dma_wait3A_85] : memref<16x28x7x256xi32, #tpu.memory_space<hbm>> -> memref<1x1x7x256xi32, #tpu.memory_space<hbm>>
      %dma_wait3A_87 = tpu.memref_squeeze %dma_wait3A_86 : memref<1x1x7x256xi32, #tpu.memory_space<hbm>> -> memref<7x256xi32, #tpu.memory_space<hbm>>
      %dma_wait3A_88 = arith.constant 0 : i32
      %dma_wait3A_89 = arith.constant 0 : i32
      %dma_wait3A_90 = tpu.memref_slice %arg7[%select_n3A_80, %dma_wait3A_88, %dma_wait3A_89] : memref<2x7x256xi32, #tpu.memory_space<vmem>> -> memref<1x7x256xi32, #tpu.memory_space<vmem>>
      %dma_wait3A_91 = tpu.memref_squeeze %dma_wait3A_90 : memref<1x7x256xi32, #tpu.memory_space<vmem>> -> memref<7x256xi32, #tpu.memory_space<vmem>>
      %dma_wait3A_92 = arith.constant 0 : i32
      %dma_wait3A_93 = arith.constant 0 : i32
      %dma_wait3A_94 = tpu.memref_slice %arg3[%arg1, %scan3A_71, %dma_wait3A_92, %dma_wait3A_93] : memref<16x28x7x256xi32, #tpu.memory_space<hbm>> -> memref<1x1x7x256xi32, #tpu.memory_space<hbm>>
      %dma_wait3A_95 = tpu.memref_squeeze %dma_wait3A_94 : memref<1x1x7x256xi32, #tpu.memory_space<hbm>> -> memref<7x256xi32, #tpu.memory_space<hbm>>
      tpu.wait_dma2 semaphore(%arg15 : memref<!tpu.dma_semaphore, #tpu.memory_space<semaphore_mem>>) src(%dma_wait3A_95 : memref<7x256xi32, #tpu.memory_space<hbm>>) dst(%dma_wait3A_91 : memref<7x256xi32, #tpu.memory_space<vmem>>)
      %dma_wait3A_96 = arith.constant 0 : i32
      %dma_wait3A_97 = arith.constant 0 : i32
      %dma_wait3A_98 = tpu.memref_slice %arg8[%select_n3A_80, %dma_wait3A_96, %dma_wait3A_97] : memref<2x14x128xi32, #tpu.memory_space<vmem>> -> memref<1x14x128xi32, #tpu.memory_space<vmem>>
      %dma_wait3A_99 = tpu.memref_squeeze %dma_wait3A_98 : memref<1x14x128xi32, #tpu.memory_space<vmem>> -> memref<14x128xi32, #tpu.memory_space<vmem>>
      %dma_wait3A_100 = arith.constant 0 : i32
      %dma_wait3A_101 = arith.constant 0 : i32
      %dma_wait3A_102 = tpu.memref_slice %arg4[%arg1, %scan3A_71, %dma_wait3A_100, %dma_wait3A_101] : memref<16x28x14x128xi32, #tpu.memory_space<hbm>> -> memref<1x1x14x128xi32, #tpu.memory_space<hbm>>
      %dma_wait3A_103 = tpu.memref_squeeze %dma_wait3A_102 : memref<1x1x14x128xi32, #tpu.memory_space<hbm>> -> memref<14x128xi32, #tpu.memory_space<hbm>>
      %dma_wait3A_104 = arith.constant 0 : i32
      %dma_wait3A_105 = arith.constant 0 : i32
      %dma_wait3A_106 = tpu.memref_slice %arg8[%select_n3A_80, %dma_wait3A_104, %dma_wait3A_105] : memref<2x14x128xi32, #tpu.memory_space<vmem>> -> memref<1x14x128xi32, #tpu.memory_space<vmem>>
      %dma_wait3A_107 = tpu.memref_squeeze %dma_wait3A_106 : memref<1x14x128xi32, #tpu.memory_space<vmem>> -> memref<14x128xi32, #tpu.memory_space<vmem>>
      %dma_wait3A_108 = arith.constant 0 : i32
      %dma_wait3A_109 = arith.constant 0 : i32
      %dma_wait3A_110 = tpu.memref_slice %arg4[%arg1, %scan3A_71, %dma_wait3A_108, %dma_wait3A_109] : memref<16x28x14x128xi32, #tpu.memory_space<hbm>> -> memref<1x1x14x128xi32, #tpu.memory_space<hbm>>
      %dma_wait3A_111 = tpu.memref_squeeze %dma_wait3A_110 : memref<1x1x14x128xi32, #tpu.memory_space<hbm>> -> memref<14x128xi32, #tpu.memory_space<hbm>>
      tpu.wait_dma2 semaphore(%arg15 : memref<!tpu.dma_semaphore, #tpu.memory_space<semaphore_mem>>) src(%dma_wait3A_111 : memref<14x128xi32, #tpu.memory_space<hbm>>) dst(%dma_wait3A_107 : memref<14x128xi32, #tpu.memory_space<vmem>>)
      %add3A_112 = arith.constant 1 : i32
      %add3A_113 = arith.addi %scan3A_71, %add3A_112 : i32
      %lt3A_114 = arith.constant 28 : i32
      %lt3A_115 = arith.cmpi slt, %add3A_113, %lt3A_114 : i32
      %convert_element_type3A = arith.extui %lt3A_115 : i1 to i32
      %cond3A = arith.constant 0 : i32
      %cond3A_116 = arith.cmpi ne, %convert_element_type3A, %cond3A : i32
      scf.if %cond3A_116 {
        %add3A_678 = arith.constant 1 : i32
        %add3A_679 = arith.addi %scan3A_71, %add3A_678 : i32
        %sub3A = arith.constant 1 : i32
        %sub3A_680 = arith.subi %sub3A, %select_n3A_80 : i32
        %dma_start3A_681 = arith.constant 0 : i32
        %dma_start3A_682 = arith.constant 0 : i32
        %dma_start3A_683 = tpu.memref_slice %arg7[%sub3A_680, %dma_start3A_681, %dma_start3A_682] : memref<2x7x256xi32, #tpu.memory_space<vmem>> -> memref<1x7x256xi32, #tpu.memory_space<vmem>>
        %dma_start3A_684 = tpu.memref_squeeze %dma_start3A_683 : memref<1x7x256xi32, #tpu.memory_space<vmem>> -> memref<7x256xi32, #tpu.memory_space<vmem>>
        %dma_start3A_685 = arith.constant 0 : i32
        %dma_start3A_686 = arith.constant 0 : i32
        %dma_start3A_687 = tpu.memref_slice %arg3[%arg1, %add3A_679, %dma_start3A_685, %dma_start3A_686] : memref<16x28x7x256xi32, #tpu.memory_space<hbm>> -> memref<1x1x7x256xi32, #tpu.memory_space<hbm>>
        %dma_start3A_688 = tpu.memref_squeeze %dma_start3A_687 : memref<1x1x7x256xi32, #tpu.memory_space<hbm>> -> memref<7x256xi32, #tpu.memory_space<hbm>>
        %dma_start3A_689 = arith.constant 0 : i32
        %dma_start3A_690 = arith.constant 0 : i32
        %dma_start3A_691 = tpu.memref_slice %arg7[%sub3A_680, %dma_start3A_689, %dma_start3A_690] : memref<2x7x256xi32, #tpu.memory_space<vmem>> -> memref<1x7x256xi32, #tpu.memory_space<vmem>>
        %dma_start3A_692 = tpu.memref_squeeze %dma_start3A_691 : memref<1x7x256xi32, #tpu.memory_space<vmem>> -> memref<7x256xi32, #tpu.memory_space<vmem>>
        %dma_start3A_693 = arith.constant 0 : i32
        %dma_start3A_694 = arith.constant 0 : i32
        %dma_start3A_695 = tpu.memref_slice %arg3[%arg1, %add3A_679, %dma_start3A_693, %dma_start3A_694] : memref<16x28x7x256xi32, #tpu.memory_space<hbm>> -> memref<1x1x7x256xi32, #tpu.memory_space<hbm>>
        %dma_start3A_696 = tpu.memref_squeeze %dma_start3A_695 : memref<1x1x7x256xi32, #tpu.memory_space<hbm>> -> memref<7x256xi32, #tpu.memory_space<hbm>>
        tpu.enqueue_dma source(%dma_start3A_696 : memref<7x256xi32, #tpu.memory_space<hbm>>) target(%dma_start3A_692 : memref<7x256xi32, #tpu.memory_space<vmem>>) target_semaphore(%arg15 : memref<!tpu.dma_semaphore, #tpu.memory_space<semaphore_mem>>)
        %add3A_697 = arith.constant 1 : i32
        %add3A_698 = arith.addi %scan3A_71, %add3A_697 : i32
        %sub3A_699 = arith.constant 1 : i32
        %sub3A_700 = arith.subi %sub3A_699, %select_n3A_80 : i32
        %dma_start3A_701 = arith.constant 0 : i32
        %dma_start3A_702 = arith.constant 0 : i32
        %dma_start3A_703 = tpu.memref_slice %arg8[%sub3A_700, %dma_start3A_701, %dma_start3A_702] : memref<2x14x128xi32, #tpu.memory_space<vmem>> -> memref<1x14x128xi32, #tpu.memory_space<vmem>>
        %dma_start3A_704 = tpu.memref_squeeze %dma_start3A_703 : memref<1x14x128xi32, #tpu.memory_space<vmem>> -> memref<14x128xi32, #tpu.memory_space<vmem>>
        %dma_start3A_705 = arith.constant 0 : i32
        %dma_start3A_706 = arith.constant 0 : i32
        %dma_start3A_707 = tpu.memref_slice %arg4[%arg1, %add3A_698, %dma_start3A_705, %dma_start3A_706] : memref<16x28x14x128xi32, #tpu.memory_space<hbm>> -> memref<1x1x14x128xi32, #tpu.memory_space<hbm>>
        %dma_start3A_708 = tpu.memref_squeeze %dma_start3A_707 : memref<1x1x14x128xi32, #tpu.memory_space<hbm>> -> memref<14x128xi32, #tpu.memory_space<hbm>>
        %dma_start3A_709 = arith.constant 0 : i32
        %dma_start3A_710 = arith.constant 0 : i32
        %dma_start3A_711 = tpu.memref_slice %arg8[%sub3A_700, %dma_start3A_709, %dma_start3A_710] : memref<2x14x128xi32, #tpu.memory_space<vmem>> -> memref<1x14x128xi32, #tpu.memory_space<vmem>>
        %dma_start3A_712 = tpu.memref_squeeze %dma_start3A_711 : memref<1x14x128xi32, #tpu.memory_space<vmem>> -> memref<14x128xi32, #tpu.memory_space<vmem>>
        %dma_start3A_713 = arith.constant 0 : i32
        %dma_start3A_714 = arith.constant 0 : i32
        %dma_start3A_715 = tpu.memref_slice %arg4[%arg1, %add3A_698, %dma_start3A_713, %dma_start3A_714] : memref<16x28x14x128xi32, #tpu.memory_space<hbm>> -> memref<1x1x14x128xi32, #tpu.memory_space<hbm>>
        %dma_start3A_716 = tpu.memref_squeeze %dma_start3A_715 : memref<1x1x14x128xi32, #tpu.memory_space<hbm>> -> memref<14x128xi32, #tpu.memory_space<hbm>>
        tpu.enqueue_dma source(%dma_start3A_716 : memref<14x128xi32, #tpu.memory_space<hbm>>) target(%dma_start3A_712 : memref<14x128xi32, #tpu.memory_space<vmem>>) target_semaphore(%arg15 : memref<!tpu.dma_semaphore, #tpu.memory_space<semaphore_mem>>)
      } else {
      }
      %dma_start3A_117 = arith.constant 0 : i32
      %dma_start3A_118 = arith.constant 0 : i32
      %dma_start3A_119 = arith.constant 0 : i32
      %dma_start3A_120 = arith.constant 0 : i32
      %dma_start3A_121 = tpu.memref_slice %arg9[%dma_start3A_118, %dma_start3A_119, %dma_start3A_120] : memref<2x256x32xf32, #tpu.memory_space<vmem>> -> memref<1x256x32xf32, #tpu.memory_space<vmem>>
      %dma_start3A_122 = tpu.memref_squeeze %dma_start3A_121 : memref<1x256x32xf32, #tpu.memory_space<vmem>> -> memref<256x32xf32, #tpu.memory_space<vmem>>
      %dma_start3A_123 = arith.constant 0 : i32
      %dma_start3A_124 = tpu.memref_slice %arg7[%select_n3A_80, %dma_start3A_117, %dma_start3A_123] : memref<2x7x256xi32, #tpu.memory_space<vmem>> -> memref<1x1x256xi32, #tpu.memory_space<vmem>>
      %dma_start3A_125 = tpu.memref_squeeze %dma_start3A_124 : memref<1x1x256xi32, #tpu.memory_space<vmem>> -> memref<256xi32, #tpu.memory_space<vmem>>
      %dma_start3A_126 = arith.constant 0 : i32
      %dma_start3A_127 = arith.constant 0 : i32
      %dma_start3A_128 = tpu.memref_slice %arg2[%arg0, %dma_start3A_126, %dma_start3A_127] : memref<2x50000x32xf32, #tpu.memory_space<hbm>> -> memref<1x50000x32xf32, #tpu.memory_space<hbm>>
      %dma_start3A_129 = tpu.memref_squeeze %dma_start3A_128 : memref<1x50000x32xf32, #tpu.memory_space<hbm>> -> memref<50000x32xf32, #tpu.memory_space<hbm>>
      %dma_start3A_130 = arith.constant 0 : i32
      %dma_start3A_131 = arith.constant 0 : i32
      %dma_start3A_132 = tpu.memref_slice %dma_start3A_129[%dma_start3A_130, %dma_start3A_131] : memref<50000x32xf32, #tpu.memory_space<hbm>> -> memref<50000x32xf32, #tpu.memory_space<hbm>>
      tpu.enqueue_indirect_dma source(%dma_start3A_132 : memref<50000x32xf32, #tpu.memory_space<hbm>>) target(%dma_start3A_122 : memref<256x32xf32, #tpu.memory_space<vmem>>) offsets(%dma_start3A_125 : memref<256xi32, #tpu.memory_space<vmem>>) semaphore(%arg11 : memref<!tpu.dma_semaphore, #tpu.memory_space<semaphore_mem>>)
      %dma_start3A_133 = arith.constant 1 : i32
      %dma_start3A_134 = arith.constant 1 : i32
      %dma_start3A_135 = arith.constant 0 : i32
      %dma_start3A_136 = arith.constant 0 : i32
      %dma_start3A_137 = tpu.memref_slice %arg9[%dma_start3A_134, %dma_start3A_135, %dma_start3A_136] : memref<2x256x32xf32, #tpu.memory_space<vmem>> -> memref<1x256x32xf32, #tpu.memory_space<vmem>>
      %dma_start3A_138 = tpu.memref_squeeze %dma_start3A_137 : memref<1x256x32xf32, #tpu.memory_space<vmem>> -> memref<256x32xf32, #tpu.memory_space<vmem>>
      %dma_start3A_139 = arith.constant 0 : i32
      %dma_start3A_140 = tpu.memref_slice %arg7[%select_n3A_80, %dma_start3A_133, %dma_start3A_139] : memref<2x7x256xi32, #tpu.memory_space<vmem>> -> memref<1x1x256xi32, #tpu.memory_space<vmem>>
      %dma_start3A_141 = tpu.memref_squeeze %dma_start3A_140 : memref<1x1x256xi32, #tpu.memory_space<vmem>> -> memref<256xi32, #tpu.memory_space<vmem>>
      %dma_start3A_142 = arith.constant 0 : i32
      %dma_start3A_143 = arith.constant 0 : i32
      %dma_start3A_144 = tpu.memref_slice %arg2[%arg0, %dma_start3A_142, %dma_start3A_143] : memref<2x50000x32xf32, #tpu.memory_space<hbm>> -> memref<1x50000x32xf32, #tpu.memory_space<hbm>>
      %dma_start3A_145 = tpu.memref_squeeze %dma_start3A_144 : memref<1x50000x32xf32, #tpu.memory_space<hbm>> -> memref<50000x32xf32, #tpu.memory_space<hbm>>
      %dma_start3A_146 = arith.constant 0 : i32
      %dma_start3A_147 = arith.constant 0 : i32
      %dma_start3A_148 = tpu.memref_slice %dma_start3A_145[%dma_start3A_146, %dma_start3A_147] : memref<50000x32xf32, #tpu.memory_space<hbm>> -> memref<50000x32xf32, #tpu.memory_space<hbm>>
      tpu.enqueue_indirect_dma source(%dma_start3A_148 : memref<50000x32xf32, #tpu.memory_space<hbm>>) target(%dma_start3A_138 : memref<256x32xf32, #tpu.memory_space<vmem>>) offsets(%dma_start3A_141 : memref<256xi32, #tpu.memory_space<vmem>>) semaphore(%arg12 : memref<!tpu.dma_semaphore, #tpu.memory_space<semaphore_mem>>)
      %dma_wait3A_149 = arith.constant 0 : i32
      %dma_wait3A_150 = arith.constant 0 : i32
      %dma_wait3A_151 = arith.constant 0 : i32
      %dma_wait3A_152 = arith.constant 0 : i32
      %dma_wait3A_153 = tpu.memref_slice %arg9[%dma_wait3A_150, %dma_wait3A_151, %dma_wait3A_152] : memref<2x256x32xf32, #tpu.memory_space<vmem>> -> memref<1x256x32xf32, #tpu.memory_space<vmem>>
      %dma_wait3A_154 = tpu.memref_squeeze %dma_wait3A_153 : memref<1x256x32xf32, #tpu.memory_space<vmem>> -> memref<256x32xf32, #tpu.memory_space<vmem>>
      %dma_wait3A_155 = arith.constant 0 : i32
      %dma_wait3A_156 = tpu.memref_slice %arg7[%select_n3A_80, %dma_wait3A_149, %dma_wait3A_155] : memref<2x7x256xi32, #tpu.memory_space<vmem>> -> memref<1x1x256xi32, #tpu.memory_space<vmem>>
      %dma_wait3A_157 = tpu.memref_squeeze %dma_wait3A_156 : memref<1x1x256xi32, #tpu.memory_space<vmem>> -> memref<256xi32, #tpu.memory_space<vmem>>
      %dma_wait3A_158 = arith.constant 0 : i32
      %dma_wait3A_159 = arith.constant 0 : i32
      %dma_wait3A_160 = tpu.memref_slice %arg2[%arg0, %dma_wait3A_158, %dma_wait3A_159] : memref<2x50000x32xf32, #tpu.memory_space<hbm>> -> memref<1x50000x32xf32, #tpu.memory_space<hbm>>
      %dma_wait3A_161 = tpu.memref_squeeze %dma_wait3A_160 : memref<1x50000x32xf32, #tpu.memory_space<hbm>> -> memref<50000x32xf32, #tpu.memory_space<hbm>>
      %dma_wait3A_162 = arith.constant 0 : i32
      %dma_wait3A_163 = arith.constant 0 : i32
      %dma_wait3A_164 = tpu.memref_slice %dma_wait3A_161[%dma_wait3A_162, %dma_wait3A_163] : memref<50000x32xf32, #tpu.memory_space<hbm>> -> memref<50000x32xf32, #tpu.memory_space<hbm>>
      tpu.wait_indirect_dma semaphore(%arg11 : memref<!tpu.dma_semaphore, #tpu.memory_space<semaphore_mem>>) src(%dma_wait3A_164 : memref<50000x32xf32, #tpu.memory_space<hbm>>) dst(%dma_wait3A_154 : memref<256x32xf32, #tpu.memory_space<vmem>>)
      %dma_start3A_165 = arith.constant 0 : i32
      %dma_start3A_166 = arith.constant 0 : i32
      %dma_start3A_167 = arith.constant 0 : i32
      %dma_start3A_168 = arith.constant 0 : i32
      %dma_start3A_169 = tpu.memref_slice %arg9[%dma_start3A_165, %dma_start3A_167, %dma_start3A_168] : memref<2x256x32xf32, #tpu.memory_space<vmem>> -> memref<1x128x32xf32, #tpu.memory_space<vmem>>
      %dma_start3A_170 = tpu.memref_squeeze %dma_start3A_169 : memref<1x128x32xf32, #tpu.memory_space<vmem>> -> memref<128x32xf32, #tpu.memory_space<vmem>>
      %dma_start3A_171 = arith.constant 0 : i32
      %dma_start3A_172 = tpu.memref_slice %arg8[%select_n3A_80, %dma_start3A_166, %dma_start3A_171] : memref<2x14x128xi32, #tpu.memory_space<vmem>> -> memref<1x1x128xi32, #tpu.memory_space<vmem>>
      %dma_start3A_173 = tpu.memref_squeeze %dma_start3A_172 : memref<1x1x128xi32, #tpu.memory_space<vmem>> -> memref<128xi32, #tpu.memory_space<vmem>>
      %dma_start3A_174 = arith.constant 0 : i32
      %dma_start3A_175 = arith.constant 0 : i32
      %dma_start3A_176 = tpu.memref_slice %arg6[%dma_start3A_174, %dma_start3A_175] : memref<50400x32xf32, #tpu.memory_space<vmem_shared>> -> memref<50400x32xf32, #tpu.memory_space<vmem_shared>>
      tpu.enqueue_indirect_dma source(%dma_start3A_170 : memref<128x32xf32, #tpu.memory_space<vmem>>) target(%dma_start3A_176 : memref<50400x32xf32, #tpu.memory_space<vmem_shared>>) offsets(%dma_start3A_173 : memref<128xi32, #tpu.memory_space<vmem>>) semaphore(%arg13 : memref<!tpu.dma_semaphore, #tpu.memory_space<semaphore_mem>>) {add = true}
      %dma_start3A_177 = arith.constant 0 : i32
      %dma_start3A_178 = arith.constant 1 : i32
      %dma_start3A_179 = arith.constant 128 : i32
      %dma_start3A_180 = arith.constant 0 : i32
      %dma_start3A_181 = tpu.memref_slice %arg9[%dma_start3A_177, %dma_start3A_179, %dma_start3A_180] : memref<2x256x32xf32, #tpu.memory_space<vmem>> -> memref<1x128x32xf32, #tpu.memory_space<vmem>>
      %dma_start3A_182 = tpu.memref_squeeze %dma_start3A_181 : memref<1x128x32xf32, #tpu.memory_space<vmem>> -> memref<128x32xf32, #tpu.memory_space<vmem>>
      %dma_start3A_183 = arith.constant 0 : i32
      %dma_start3A_184 = tpu.memref_slice %arg8[%select_n3A_80, %dma_start3A_178, %dma_start3A_183] : memref<2x14x128xi32, #tpu.memory_space<vmem>> -> memref<1x1x128xi32, #tpu.memory_space<vmem>>
      %dma_start3A_185 = tpu.memref_squeeze %dma_start3A_184 : memref<1x1x128xi32, #tpu.memory_space<vmem>> -> memref<128xi32, #tpu.memory_space<vmem>>
      %dma_start3A_186 = arith.constant 0 : i32
      %dma_start3A_187 = arith.constant 0 : i32
      %dma_start3A_188 = tpu.memref_slice %arg6[%dma_start3A_186, %dma_start3A_187] : memref<50400x32xf32, #tpu.memory_space<vmem_shared>> -> memref<50400x32xf32, #tpu.memory_space<vmem_shared>>
      tpu.enqueue_indirect_dma source(%dma_start3A_182 : memref<128x32xf32, #tpu.memory_space<vmem>>) target(%dma_start3A_188 : memref<50400x32xf32, #tpu.memory_space<vmem_shared>>) offsets(%dma_start3A_185 : memref<128xi32, #tpu.memory_space<vmem>>) semaphore(%arg13 : memref<!tpu.dma_semaphore, #tpu.memory_space<semaphore_mem>>) {add = true}
      %dma_wait3A_189 = arith.constant 0 : i32
      %dma_wait3A_190 = arith.constant 0 : i32
      %dma_wait3A_191 = arith.constant 0 : i32
      %dma_wait3A_192 = arith.constant 0 : i32
      %dma_wait3A_193 = tpu.memref_slice %arg9[%dma_wait3A_189, %dma_wait3A_191, %dma_wait3A_192] : memref<2x256x32xf32, #tpu.memory_space<vmem>> -> memref<1x128x32xf32, #tpu.memory_space<vmem>>
      %dma_wait3A_194 = tpu.memref_squeeze %dma_wait3A_193 : memref<1x128x32xf32, #tpu.memory_space<vmem>> -> memref<128x32xf32, #tpu.memory_space<vmem>>
      %dma_wait3A_195 = arith.constant 0 : i32
      %dma_wait3A_196 = tpu.memref_slice %arg8[%select_n3A_80, %dma_wait3A_190, %dma_wait3A_195] : memref<2x14x128xi32, #tpu.memory_space<vmem>> -> memref<1x1x128xi32, #tpu.memory_space<vmem>>
      %dma_wait3A_197 = tpu.memref_squeeze %dma_wait3A_196 : memref<1x1x128xi32, #tpu.memory_space<vmem>> -> memref<128xi32, #tpu.memory_space<vmem>>
      %dma_wait3A_198 = arith.constant 0 : i32
      %dma_wait3A_199 = arith.constant 0 : i32
      %dma_wait3A_200 = tpu.memref_slice %arg6[%dma_wait3A_198, %dma_wait3A_199] : memref<50400x32xf32, #tpu.memory_space<vmem_shared>> -> memref<50400x32xf32, #tpu.memory_space<vmem_shared>>
      tpu.wait_indirect_dma semaphore(%arg13 : memref<!tpu.dma_semaphore, #tpu.memory_space<semaphore_mem>>) src(%dma_wait3A_194 : memref<128x32xf32, #tpu.memory_space<vmem>>) dst(%dma_wait3A_200 : memref<50400x32xf32, #tpu.memory_space<vmem_shared>>)
      %dma_wait3A_201 = arith.constant 0 : i32
      %dma_wait3A_202 = arith.constant 1 : i32
      %dma_wait3A_203 = arith.constant 128 : i32
      %dma_wait3A_204 = arith.constant 0 : i32
      %dma_wait3A_205 = tpu.memref_slice %arg9[%dma_wait3A_201, %dma_wait3A_203, %dma_wait3A_204] : memref<2x256x32xf32, #tpu.memory_space<vmem>> -> memref<1x128x32xf32, #tpu.memory_space<vmem>>
      %dma_wait3A_206 = tpu.memref_squeeze %dma_wait3A_205 : memref<1x128x32xf32, #tpu.memory_space<vmem>> -> memref<128x32xf32, #tpu.memory_space<vmem>>
      %dma_wait3A_207 = arith.constant 0 : i32
      %dma_wait3A_208 = tpu.memref_slice %arg8[%select_n3A_80, %dma_wait3A_202, %dma_wait3A_207] : memref<2x14x128xi32, #tpu.memory_space<vmem>> -> memref<1x1x128xi32, #tpu.memory_space<vmem>>
      %dma_wait3A_209 = tpu.memref_squeeze %dma_wait3A_208 : memref<1x1x128xi32, #tpu.memory_space<vmem>> -> memref<128xi32, #tpu.memory_space<vmem>>
      %dma_wait3A_210 = arith.constant 0 : i32
      %dma_wait3A_211 = arith.constant 0 : i32
      %dma_wait3A_212 = tpu.memref_slice %arg6[%dma_wait3A_210, %dma_wait3A_211] : memref<50400x32xf32, #tpu.memory_space<vmem_shared>> -> memref<50400x32xf32, #tpu.memory_space<vmem_shared>>
      tpu.wait_indirect_dma semaphore(%arg13 : memref<!tpu.dma_semaphore, #tpu.memory_space<semaphore_mem>>) src(%dma_wait3A_206 : memref<128x32xf32, #tpu.memory_space<vmem>>) dst(%dma_wait3A_212 : memref<50400x32xf32, #tpu.memory_space<vmem_shared>>)
      %dma_start3A_213 = arith.constant 2 : i32
      %dma_start3A_214 = arith.constant 0 : i32
      %dma_start3A_215 = arith.constant 0 : i32
      %dma_start3A_216 = arith.constant 0 : i32
      %dma_start3A_217 = tpu.memref_slice %arg9[%dma_start3A_214, %dma_start3A_215, %dma_start3A_216] : memref<2x256x32xf32, #tpu.memory_space<vmem>> -> memref<1x256x32xf32, #tpu.memory_space<vmem>>
      %dma_start3A_218 = tpu.memref_squeeze %dma_start3A_217 : memref<1x256x32xf32, #tpu.memory_space<vmem>> -> memref<256x32xf32, #tpu.memory_space<vmem>>
      %dma_start3A_219 = arith.constant 0 : i32
      %dma_start3A_220 = tpu.memref_slice %arg7[%select_n3A_80, %dma_start3A_213, %dma_start3A_219] : memref<2x7x256xi32, #tpu.memory_space<vmem>> -> memref<1x1x256xi32, #tpu.memory_space<vmem>>
      %dma_start3A_221 = tpu.memref_squeeze %dma_start3A_220 : memref<1x1x256xi32, #tpu.memory_space<vmem>> -> memref<256xi32, #tpu.memory_space<vmem>>
      %dma_start3A_222 = arith.constant 0 : i32
      %dma_start3A_223 = arith.constant 0 : i32
      %dma_start3A_224 = tpu.memref_slice %arg2[%arg0, %dma_start3A_222, %dma_start3A_223] : memref<2x50000x32xf32, #tpu.memory_space<hbm>> -> memref<1x50000x32xf32, #tpu.memory_space<hbm>>
      %dma_start3A_225 = tpu.memref_squeeze %dma_start3A_224 : memref<1x50000x32xf32, #tpu.memory_space<hbm>> -> memref<50000x32xf32, #tpu.memory_space<hbm>>
      %dma_start3A_226 = arith.constant 0 : i32
      %dma_start3A_227 = arith.constant 0 : i32
      %dma_start3A_228 = tpu.memref_slice %dma_start3A_225[%dma_start3A_226, %dma_start3A_227] : memref<50000x32xf32, #tpu.memory_space<hbm>> -> memref<50000x32xf32, #tpu.memory_space<hbm>>
      tpu.enqueue_indirect_dma source(%dma_start3A_228 : memref<50000x32xf32, #tpu.memory_space<hbm>>) target(%dma_start3A_218 : memref<256x32xf32, #tpu.memory_space<vmem>>) offsets(%dma_start3A_221 : memref<256xi32, #tpu.memory_space<vmem>>) semaphore(%arg11 : memref<!tpu.dma_semaphore, #tpu.memory_space<semaphore_mem>>)
      %dma_wait3A_229 = arith.constant 1 : i32
      %dma_wait3A_230 = arith.constant 1 : i32
      %dma_wait3A_231 = arith.constant 0 : i32
      %dma_wait3A_232 = arith.constant 0 : i32
      %dma_wait3A_233 = tpu.memref_slice %arg9[%dma_wait3A_230, %dma_wait3A_231, %dma_wait3A_232] : memref<2x256x32xf32, #tpu.memory_space<vmem>> -> memref<1x256x32xf32, #tpu.memory_space<vmem>>
      %dma_wait3A_234 = tpu.memref_squeeze %dma_wait3A_233 : memref<1x256x32xf32, #tpu.memory_space<vmem>> -> memref<256x32xf32, #tpu.memory_space<vmem>>
      %dma_wait3A_235 = arith.constant 0 : i32
      %dma_wait3A_236 = tpu.memref_slice %arg7[%select_n3A_80, %dma_wait3A_229, %dma_wait3A_235] : memref<2x7x256xi32, #tpu.memory_space<vmem>> -> memref<1x1x256xi32, #tpu.memory_space<vmem>>
      %dma_wait3A_237 = tpu.memref_squeeze %dma_wait3A_236 : memref<1x1x256xi32, #tpu.memory_space<vmem>> -> memref<256xi32, #tpu.memory_space<vmem>>
      %dma_wait3A_238 = arith.constant 0 : i32
      %dma_wait3A_239 = arith.constant 0 : i32
      %dma_wait3A_240 = tpu.memref_slice %arg2[%arg0, %dma_wait3A_238, %dma_wait3A_239] : memref<2x50000x32xf32, #tpu.memory_space<hbm>> -> memref<1x50000x32xf32, #tpu.memory_space<hbm>>
      %dma_wait3A_241 = tpu.memref_squeeze %dma_wait3A_240 : memref<1x50000x32xf32, #tpu.memory_space<hbm>> -> memref<50000x32xf32, #tpu.memory_space<hbm>>
      %dma_wait3A_242 = arith.constant 0 : i32
      %dma_wait3A_243 = arith.constant 0 : i32
      %dma_wait3A_244 = tpu.memref_slice %dma_wait3A_241[%dma_wait3A_242, %dma_wait3A_243] : memref<50000x32xf32, #tpu.memory_space<hbm>> -> memref<50000x32xf32, #tpu.memory_space<hbm>>
      tpu.wait_indirect_dma semaphore(%arg12 : memref<!tpu.dma_semaphore, #tpu.memory_space<semaphore_mem>>) src(%dma_wait3A_244 : memref<50000x32xf32, #tpu.memory_space<hbm>>) dst(%dma_wait3A_234 : memref<256x32xf32, #tpu.memory_space<vmem>>)
      %dma_start3A_245 = arith.constant 1 : i32
      %dma_start3A_246 = arith.constant 2 : i32
      %dma_start3A_247 = arith.constant 0 : i32
      %dma_start3A_248 = arith.constant 0 : i32
      %dma_start3A_249 = tpu.memref_slice %arg9[%dma_start3A_245, %dma_start3A_247, %dma_start3A_248] : memref<2x256x32xf32, #tpu.memory_space<vmem>> -> memref<1x128x32xf32, #tpu.memory_space<vmem>>
      %dma_start3A_250 = tpu.memref_squeeze %dma_start3A_249 : memref<1x128x32xf32, #tpu.memory_space<vmem>> -> memref<128x32xf32, #tpu.memory_space<vmem>>
      %dma_start3A_251 = arith.constant 0 : i32
      %dma_start3A_252 = tpu.memref_slice %arg8[%select_n3A_80, %dma_start3A_246, %dma_start3A_251] : memref<2x14x128xi32, #tpu.memory_space<vmem>> -> memref<1x1x128xi32, #tpu.memory_space<vmem>>
      %dma_start3A_253 = tpu.memref_squeeze %dma_start3A_252 : memref<1x1x128xi32, #tpu.memory_space<vmem>> -> memref<128xi32, #tpu.memory_space<vmem>>
      %dma_start3A_254 = arith.constant 0 : i32
      %dma_start3A_255 = arith.constant 0 : i32
      %dma_start3A_256 = tpu.memref_slice %arg6[%dma_start3A_254, %dma_start3A_255] : memref<50400x32xf32, #tpu.memory_space<vmem_shared>> -> memref<50400x32xf32, #tpu.memory_space<vmem_shared>>
      tpu.enqueue_indirect_dma source(%dma_start3A_250 : memref<128x32xf32, #tpu.memory_space<vmem>>) target(%dma_start3A_256 : memref<50400x32xf32, #tpu.memory_space<vmem_shared>>) offsets(%dma_start3A_253 : memref<128xi32, #tpu.memory_space<vmem>>) semaphore(%arg14 : memref<!tpu.dma_semaphore, #tpu.memory_space<semaphore_mem>>) {add = true}
      %dma_start3A_257 = arith.constant 1 : i32
      %dma_start3A_258 = arith.constant 3 : i32
      %dma_start3A_259 = arith.constant 128 : i32
      %dma_start3A_260 = arith.constant 0 : i32
      %dma_start3A_261 = tpu.memref_slice %arg9[%dma_start3A_257, %dma_start3A_259, %dma_start3A_260] : memref<2x256x32xf32, #tpu.memory_space<vmem>> -> memref<1x128x32xf32, #tpu.memory_space<vmem>>
      %dma_start3A_262 = tpu.memref_squeeze %dma_start3A_261 : memref<1x128x32xf32, #tpu.memory_space<vmem>> -> memref<128x32xf32, #tpu.memory_space<vmem>>
      %dma_start3A_263 = arith.constant 0 : i32
      %dma_start3A_264 = tpu.memref_slice %arg8[%select_n3A_80, %dma_start3A_258, %dma_start3A_263] : memref<2x14x128xi32, #tpu.memory_space<vmem>> -> memref<1x1x128xi32, #tpu.memory_space<vmem>>
      %dma_start3A_265 = tpu.memref_squeeze %dma_start3A_264 : memref<1x1x128xi32, #tpu.memory_space<vmem>> -> memref<128xi32, #tpu.memory_space<vmem>>
      %dma_start3A_266 = arith.constant 0 : i32
      %dma_start3A_267 = arith.constant 0 : i32
      %dma_start3A_268 = tpu.memref_slice %arg6[%dma_start3A_266, %dma_start3A_267] : memref<50400x32xf32, #tpu.memory_space<vmem_shared>> -> memref<50400x32xf32, #tpu.memory_space<vmem_shared>>
      tpu.enqueue_indirect_dma source(%dma_start3A_262 : memref<128x32xf32, #tpu.memory_space<vmem>>) target(%dma_start3A_268 : memref<50400x32xf32, #tpu.memory_space<vmem_shared>>) offsets(%dma_start3A_265 : memref<128xi32, #tpu.memory_space<vmem>>) semaphore(%arg14 : memref<!tpu.dma_semaphore, #tpu.memory_space<semaphore_mem>>) {add = true}
      %dma_wait3A_269 = arith.constant 1 : i32
      %dma_wait3A_270 = arith.constant 2 : i32
      %dma_wait3A_271 = arith.constant 0 : i32
      %dma_wait3A_272 = arith.constant 0 : i32
      %dma_wait3A_273 = tpu.memref_slice %arg9[%dma_wait3A_269, %dma_wait3A_271, %dma_wait3A_272] : memref<2x256x32xf32, #tpu.memory_space<vmem>> -> memref<1x128x32xf32, #tpu.memory_space<vmem>>
      %dma_wait3A_274 = tpu.memref_squeeze %dma_wait3A_273 : memref<1x128x32xf32, #tpu.memory_space<vmem>> -> memref<128x32xf32, #tpu.memory_space<vmem>>
      %dma_wait3A_275 = arith.constant 0 : i32
      %dma_wait3A_276 = tpu.memref_slice %arg8[%select_n3A_80, %dma_wait3A_270, %dma_wait3A_275] : memref<2x14x128xi32, #tpu.memory_space<vmem>> -> memref<1x1x128xi32, #tpu.memory_space<vmem>>
      %dma_wait3A_277 = tpu.memref_squeeze %dma_wait3A_276 : memref<1x1x128xi32, #tpu.memory_space<vmem>> -> memref<128xi32, #tpu.memory_space<vmem>>
      %dma_wait3A_278 = arith.constant 0 : i32
      %dma_wait3A_279 = arith.constant 0 : i32
      %dma_wait3A_280 = tpu.memref_slice %arg6[%dma_wait3A_278, %dma_wait3A_279] : memref<50400x32xf32, #tpu.memory_space<vmem_shared>> -> memref<50400x32xf32, #tpu.memory_space<vmem_shared>>
      tpu.wait_indirect_dma semaphore(%arg14 : memref<!tpu.dma_semaphore, #tpu.memory_space<semaphore_mem>>) src(%dma_wait3A_274 : memref<128x32xf32, #tpu.memory_space<vmem>>) dst(%dma_wait3A_280 : memref<50400x32xf32, #tpu.memory_space<vmem_shared>>)
      %dma_wait3A_281 = arith.constant 1 : i32
      %dma_wait3A_282 = arith.constant 3 : i32
      %dma_wait3A_283 = arith.constant 128 : i32
      %dma_wait3A_284 = arith.constant 0 : i32
      %dma_wait3A_285 = tpu.memref_slice %arg9[%dma_wait3A_281, %dma_wait3A_283, %dma_wait3A_284] : memref<2x256x32xf32, #tpu.memory_space<vmem>> -> memref<1x128x32xf32, #tpu.memory_space<vmem>>
      %dma_wait3A_286 = tpu.memref_squeeze %dma_wait3A_285 : memref<1x128x32xf32, #tpu.memory_space<vmem>> -> memref<128x32xf32, #tpu.memory_space<vmem>>
      %dma_wait3A_287 = arith.constant 0 : i32
      %dma_wait3A_288 = tpu.memref_slice %arg8[%select_n3A_80, %dma_wait3A_282, %dma_wait3A_287] : memref<2x14x128xi32, #tpu.memory_space<vmem>> -> memref<1x1x128xi32, #tpu.memory_space<vmem>>
      %dma_wait3A_289 = tpu.memref_squeeze %dma_wait3A_288 : memref<1x1x128xi32, #tpu.memory_space<vmem>> -> memref<128xi32, #tpu.memory_space<vmem>>
      %dma_wait3A_290 = arith.constant 0 : i32
      %dma_wait3A_291 = arith.constant 0 : i32
      %dma_wait3A_292 = tpu.memref_slice %arg6[%dma_wait3A_290, %dma_wait3A_291] : memref<50400x32xf32, #tpu.memory_space<vmem_shared>> -> memref<50400x32xf32, #tpu.memory_space<vmem_shared>>
      tpu.wait_indirect_dma semaphore(%arg14 : memref<!tpu.dma_semaphore, #tpu.memory_space<semaphore_mem>>) src(%dma_wait3A_286 : memref<128x32xf32, #tpu.memory_space<vmem>>) dst(%dma_wait3A_292 : memref<50400x32xf32, #tpu.memory_space<vmem_shared>>)
      %dma_start3A_293 = arith.constant 3 : i32
      %dma_start3A_294 = arith.constant 1 : i32
      %dma_start3A_295 = arith.constant 0 : i32
      %dma_start3A_296 = arith.constant 0 : i32
      %dma_start3A_297 = tpu.memref_slice %arg9[%dma_start3A_294, %dma_start3A_295, %dma_start3A_296] : memref<2x256x32xf32, #tpu.memory_space<vmem>> -> memref<1x256x32xf32, #tpu.memory_space<vmem>>
      %dma_start3A_298 = tpu.memref_squeeze %dma_start3A_297 : memref<1x256x32xf32, #tpu.memory_space<vmem>> -> memref<256x32xf32, #tpu.memory_space<vmem>>
      %dma_start3A_299 = arith.constant 0 : i32
      %dma_start3A_300 = tpu.memref_slice %arg7[%select_n3A_80, %dma_start3A_293, %dma_start3A_299] : memref<2x7x256xi32, #tpu.memory_space<vmem>> -> memref<1x1x256xi32, #tpu.memory_space<vmem>>
      %dma_start3A_301 = tpu.memref_squeeze %dma_start3A_300 : memref<1x1x256xi32, #tpu.memory_space<vmem>> -> memref<256xi32, #tpu.memory_space<vmem>>
      %dma_start3A_302 = arith.constant 0 : i32
      %dma_start3A_303 = arith.constant 0 : i32
      %dma_start3A_304 = tpu.memref_slice %arg2[%arg0, %dma_start3A_302, %dma_start3A_303] : memref<2x50000x32xf32, #tpu.memory_space<hbm>> -> memref<1x50000x32xf32, #tpu.memory_space<hbm>>
      %dma_start3A_305 = tpu.memref_squeeze %dma_start3A_304 : memref<1x50000x32xf32, #tpu.memory_space<hbm>> -> memref<50000x32xf32, #tpu.memory_space<hbm>>
      %dma_start3A_306 = arith.constant 0 : i32
      %dma_start3A_307 = arith.constant 0 : i32
      %dma_start3A_308 = tpu.memref_slice %dma_start3A_305[%dma_start3A_306, %dma_start3A_307] : memref<50000x32xf32, #tpu.memory_space<hbm>> -> memref<50000x32xf32, #tpu.memory_space<hbm>>
      tpu.enqueue_indirect_dma source(%dma_start3A_308 : memref<50000x32xf32, #tpu.memory_space<hbm>>) target(%dma_start3A_298 : memref<256x32xf32, #tpu.memory_space<vmem>>) offsets(%dma_start3A_301 : memref<256xi32, #tpu.memory_space<vmem>>) semaphore(%arg12 : memref<!tpu.dma_semaphore, #tpu.memory_space<semaphore_mem>>)
      %dma_wait3A_309 = arith.constant 2 : i32
      %dma_wait3A_310 = arith.constant 0 : i32
      %dma_wait3A_311 = arith.constant 0 : i32
      %dma_wait3A_312 = arith.constant 0 : i32
      %dma_wait3A_313 = tpu.memref_slice %arg9[%dma_wait3A_310, %dma_wait3A_311, %dma_wait3A_312] : memref<2x256x32xf32, #tpu.memory_space<vmem>> -> memref<1x256x32xf32, #tpu.memory_space<vmem>>
      %dma_wait3A_314 = tpu.memref_squeeze %dma_wait3A_313 : memref<1x256x32xf32, #tpu.memory_space<vmem>> -> memref<256x32xf32, #tpu.memory_space<vmem>>
      %dma_wait3A_315 = arith.constant 0 : i32
      %dma_wait3A_316 = tpu.memref_slice %arg7[%select_n3A_80, %dma_wait3A_309, %dma_wait3A_315] : memref<2x7x256xi32, #tpu.memory_space<vmem>> -> memref<1x1x256xi32, #tpu.memory_space<vmem>>
      %dma_wait3A_317 = tpu.memref_squeeze %dma_wait3A_316 : memref<1x1x256xi32, #tpu.memory_space<vmem>> -> memref<256xi32, #tpu.memory_space<vmem>>
      %dma_wait3A_318 = arith.constant 0 : i32
      %dma_wait3A_319 = arith.constant 0 : i32
      %dma_wait3A_320 = tpu.memref_slice %arg2[%arg0, %dma_wait3A_318, %dma_wait3A_319] : memref<2x50000x32xf32, #tpu.memory_space<hbm>> -> memref<1x50000x32xf32, #tpu.memory_space<hbm>>
      %dma_wait3A_321 = tpu.memref_squeeze %dma_wait3A_320 : memref<1x50000x32xf32, #tpu.memory_space<hbm>> -> memref<50000x32xf32, #tpu.memory_space<hbm>>
      %dma_wait3A_322 = arith.constant 0 : i32
      %dma_wait3A_323 = arith.constant 0 : i32
      %dma_wait3A_324 = tpu.memref_slice %dma_wait3A_321[%dma_wait3A_322, %dma_wait3A_323] : memref<50000x32xf32, #tpu.memory_space<hbm>> -> memref<50000x32xf32, #tpu.memory_space<hbm>>
      tpu.wait_indirect_dma semaphore(%arg11 : memref<!tpu.dma_semaphore, #tpu.memory_space<semaphore_mem>>) src(%dma_wait3A_324 : memref<50000x32xf32, #tpu.memory_space<hbm>>) dst(%dma_wait3A_314 : memref<256x32xf32, #tpu.memory_space<vmem>>)
      %dma_start3A_325 = arith.constant 0 : i32
      %dma_start3A_326 = arith.constant 4 : i32
      %dma_start3A_327 = arith.constant 0 : i32
      %dma_start3A_328 = arith.constant 0 : i32
      %dma_start3A_329 = tpu.memref_slice %arg9[%dma_start3A_325, %dma_start3A_327, %dma_start3A_328] : memref<2x256x32xf32, #tpu.memory_space<vmem>> -> memref<1x128x32xf32, #tpu.memory_space<vmem>>
      %dma_start3A_330 = tpu.memref_squeeze %dma_start3A_329 : memref<1x128x32xf32, #tpu.memory_space<vmem>> -> memref<128x32xf32, #tpu.memory_space<vmem>>
      %dma_start3A_331 = arith.constant 0 : i32
      %dma_start3A_332 = tpu.memref_slice %arg8[%select_n3A_80, %dma_start3A_326, %dma_start3A_331] : memref<2x14x128xi32, #tpu.memory_space<vmem>> -> memref<1x1x128xi32, #tpu.memory_space<vmem>>
      %dma_start3A_333 = tpu.memref_squeeze %dma_start3A_332 : memref<1x1x128xi32, #tpu.memory_space<vmem>> -> memref<128xi32, #tpu.memory_space<vmem>>
      %dma_start3A_334 = arith.constant 0 : i32
      %dma_start3A_335 = arith.constant 0 : i32
      %dma_start3A_336 = tpu.memref_slice %arg6[%dma_start3A_334, %dma_start3A_335] : memref<50400x32xf32, #tpu.memory_space<vmem_shared>> -> memref<50400x32xf32, #tpu.memory_space<vmem_shared>>
      tpu.enqueue_indirect_dma source(%dma_start3A_330 : memref<128x32xf32, #tpu.memory_space<vmem>>) target(%dma_start3A_336 : memref<50400x32xf32, #tpu.memory_space<vmem_shared>>) offsets(%dma_start3A_333 : memref<128xi32, #tpu.memory_space<vmem>>) semaphore(%arg13 : memref<!tpu.dma_semaphore, #tpu.memory_space<semaphore_mem>>) {add = true}
      %dma_start3A_337 = arith.constant 0 : i32
      %dma_start3A_338 = arith.constant 5 : i32
      %dma_start3A_339 = arith.constant 128 : i32
      %dma_start3A_340 = arith.constant 0 : i32
      %dma_start3A_341 = tpu.memref_slice %arg9[%dma_start3A_337, %dma_start3A_339, %dma_start3A_340] : memref<2x256x32xf32, #tpu.memory_space<vmem>> -> memref<1x128x32xf32, #tpu.memory_space<vmem>>
      %dma_start3A_342 = tpu.memref_squeeze %dma_start3A_341 : memref<1x128x32xf32, #tpu.memory_space<vmem>> -> memref<128x32xf32, #tpu.memory_space<vmem>>
      %dma_start3A_343 = arith.constant 0 : i32
      %dma_start3A_344 = tpu.memref_slice %arg8[%select_n3A_80, %dma_start3A_338, %dma_start3A_343] : memref<2x14x128xi32, #tpu.memory_space<vmem>> -> memref<1x1x128xi32, #tpu.memory_space<vmem>>
      %dma_start3A_345 = tpu.memref_squeeze %dma_start3A_344 : memref<1x1x128xi32, #tpu.memory_space<vmem>> -> memref<128xi32, #tpu.memory_space<vmem>>
      %dma_start3A_346 = arith.constant 0 : i32
      %dma_start3A_347 = arith.constant 0 : i32
      %dma_start3A_348 = tpu.memref_slice %arg6[%dma_start3A_346, %dma_start3A_347] : memref<50400x32xf32, #tpu.memory_space<vmem_shared>> -> memref<50400x32xf32, #tpu.memory_space<vmem_shared>>
      tpu.enqueue_indirect_dma source(%dma_start3A_342 : memref<128x32xf32, #tpu.memory_space<vmem>>) target(%dma_start3A_348 : memref<50400x32xf32, #tpu.memory_space<vmem_shared>>) offsets(%dma_start3A_345 : memref<128xi32, #tpu.memory_space<vmem>>) semaphore(%arg13 : memref<!tpu.dma_semaphore, #tpu.memory_space<semaphore_mem>>) {add = true}
      %dma_wait3A_349 = arith.constant 0 : i32
      %dma_wait3A_350 = arith.constant 4 : i32
      %dma_wait3A_351 = arith.constant 0 : i32
      %dma_wait3A_352 = arith.constant 0 : i32
      %dma_wait3A_353 = tpu.memref_slice %arg9[%dma_wait3A_349, %dma_wait3A_351, %dma_wait3A_352] : memref<2x256x32xf32, #tpu.memory_space<vmem>> -> memref<1x128x32xf32, #tpu.memory_space<vmem>>
      %dma_wait3A_354 = tpu.memref_squeeze %dma_wait3A_353 : memref<1x128x32xf32, #tpu.memory_space<vmem>> -> memref<128x32xf32, #tpu.memory_space<vmem>>
      %dma_wait3A_355 = arith.constant 0 : i32
      %dma_wait3A_356 = tpu.memref_slice %arg8[%select_n3A_80, %dma_wait3A_350, %dma_wait3A_355] : memref<2x14x128xi32, #tpu.memory_space<vmem>> -> memref<1x1x128xi32, #tpu.memory_space<vmem>>
      %dma_wait3A_357 = tpu.memref_squeeze %dma_wait3A_356 : memref<1x1x128xi32, #tpu.memory_space<vmem>> -> memref<128xi32, #tpu.memory_space<vmem>>
      %dma_wait3A_358 = arith.constant 0 : i32
      %dma_wait3A_359 = arith.constant 0 : i32
      %dma_wait3A_360 = tpu.memref_slice %arg6[%dma_wait3A_358, %dma_wait3A_359] : memref<50400x32xf32, #tpu.memory_space<vmem_shared>> -> memref<50400x32xf32, #tpu.memory_space<vmem_shared>>
      tpu.wait_indirect_dma semaphore(%arg13 : memref<!tpu.dma_semaphore, #tpu.memory_space<semaphore_mem>>) src(%dma_wait3A_354 : memref<128x32xf32, #tpu.memory_space<vmem>>) dst(%dma_wait3A_360 : memref<50400x32xf32, #tpu.memory_space<vmem_shared>>)
      %dma_wait3A_361 = arith.constant 0 : i32
      %dma_wait3A_362 = arith.constant 5 : i32
      %dma_wait3A_363 = arith.constant 128 : i32
      %dma_wait3A_364 = arith.constant 0 : i32
      %dma_wait3A_365 = tpu.memref_slice %arg9[%dma_wait3A_361, %dma_wait3A_363, %dma_wait3A_364] : memref<2x256x32xf32, #tpu.memory_space<vmem>> -> memref<1x128x32xf32, #tpu.memory_space<vmem>>
      %dma_wait3A_366 = tpu.memref_squeeze %dma_wait3A_365 : memref<1x128x32xf32, #tpu.memory_space<vmem>> -> memref<128x32xf32, #tpu.memory_space<vmem>>
      %dma_wait3A_367 = arith.constant 0 : i32
      %dma_wait3A_368 = tpu.memref_slice %arg8[%select_n3A_80, %dma_wait3A_362, %dma_wait3A_367] : memref<2x14x128xi32, #tpu.memory_space<vmem>> -> memref<1x1x128xi32, #tpu.memory_space<vmem>>
      %dma_wait3A_369 = tpu.memref_squeeze %dma_wait3A_368 : memref<1x1x128xi32, #tpu.memory_space<vmem>> -> memref<128xi32, #tpu.memory_space<vmem>>
      %dma_wait3A_370 = arith.constant 0 : i32
      %dma_wait3A_371 = arith.constant 0 : i32
      %dma_wait3A_372 = tpu.memref_slice %arg6[%dma_wait3A_370, %dma_wait3A_371] : memref<50400x32xf32, #tpu.memory_space<vmem_shared>> -> memref<50400x32xf32, #tpu.memory_space<vmem_shared>>
      tpu.wait_indirect_dma semaphore(%arg13 : memref<!tpu.dma_semaphore, #tpu.memory_space<semaphore_mem>>) src(%dma_wait3A_366 : memref<128x32xf32, #tpu.memory_space<vmem>>) dst(%dma_wait3A_372 : memref<50400x32xf32, #tpu.memory_space<vmem_shared>>)
      %dma_start3A_373 = arith.constant 4 : i32
      %dma_start3A_374 = arith.constant 0 : i32
      %dma_start3A_375 = arith.constant 0 : i32
      %dma_start3A_376 = arith.constant 0 : i32
      %dma_start3A_377 = tpu.memref_slice %arg9[%dma_start3A_374, %dma_start3A_375, %dma_start3A_376] : memref<2x256x32xf32, #tpu.memory_space<vmem>> -> memref<1x256x32xf32, #tpu.memory_space<vmem>>
      %dma_start3A_378 = tpu.memref_squeeze %dma_start3A_377 : memref<1x256x32xf32, #tpu.memory_space<vmem>> -> memref<256x32xf32, #tpu.memory_space<vmem>>
      %dma_start3A_379 = arith.constant 0 : i32
      %dma_start3A_380 = tpu.memref_slice %arg7[%select_n3A_80, %dma_start3A_373, %dma_start3A_379] : memref<2x7x256xi32, #tpu.memory_space<vmem>> -> memref<1x1x256xi32, #tpu.memory_space<vmem>>
      %dma_start3A_381 = tpu.memref_squeeze %dma_start3A_380 : memref<1x1x256xi32, #tpu.memory_space<vmem>> -> memref<256xi32, #tpu.memory_space<vmem>>
      %dma_start3A_382 = arith.constant 0 : i32
      %dma_start3A_383 = arith.constant 0 : i32
      %dma_start3A_384 = tpu.memref_slice %arg2[%arg0, %dma_start3A_382, %dma_start3A_383] : memref<2x50000x32xf32, #tpu.memory_space<hbm>> -> memref<1x50000x32xf32, #tpu.memory_space<hbm>>
      %dma_start3A_385 = tpu.memref_squeeze %dma_start3A_384 : memref<1x50000x32xf32, #tpu.memory_space<hbm>> -> memref<50000x32xf32, #tpu.memory_space<hbm>>
      %dma_start3A_386 = arith.constant 0 : i32
      %dma_start3A_387 = arith.constant 0 : i32
      %dma_start3A_388 = tpu.memref_slice %dma_start3A_385[%dma_start3A_386, %dma_start3A_387] : memref<50000x32xf32, #tpu.memory_space<hbm>> -> memref<50000x32xf32, #tpu.memory_space<hbm>>
      tpu.enqueue_indirect_dma source(%dma_start3A_388 : memref<50000x32xf32, #tpu.memory_space<hbm>>) target(%dma_start3A_378 : memref<256x32xf32, #tpu.memory_space<vmem>>) offsets(%dma_start3A_381 : memref<256xi32, #tpu.memory_space<vmem>>) semaphore(%arg11 : memref<!tpu.dma_semaphore, #tpu.memory_space<semaphore_mem>>)
      %dma_wait3A_389 = arith.constant 3 : i32
      %dma_wait3A_390 = arith.constant 1 : i32
      %dma_wait3A_391 = arith.constant 0 : i32
      %dma_wait3A_392 = arith.constant 0 : i32
      %dma_wait3A_393 = tpu.memref_slice %arg9[%dma_wait3A_390, %dma_wait3A_391, %dma_wait3A_392] : memref<2x256x32xf32, #tpu.memory_space<vmem>> -> memref<1x256x32xf32, #tpu.memory_space<vmem>>
      %dma_wait3A_394 = tpu.memref_squeeze %dma_wait3A_393 : memref<1x256x32xf32, #tpu.memory_space<vmem>> -> memref<256x32xf32, #tpu.memory_space<vmem>>
      %dma_wait3A_395 = arith.constant 0 : i32
      %dma_wait3A_396 = tpu.memref_slice %arg7[%select_n3A_80, %dma_wait3A_389, %dma_wait3A_395] : memref<2x7x256xi32, #tpu.memory_space<vmem>> -> memref<1x1x256xi32, #tpu.memory_space<vmem>>
      %dma_wait3A_397 = tpu.memref_squeeze %dma_wait3A_396 : memref<1x1x256xi32, #tpu.memory_space<vmem>> -> memref<256xi32, #tpu.memory_space<vmem>>
      %dma_wait3A_398 = arith.constant 0 : i32
      %dma_wait3A_399 = arith.constant 0 : i32
      %dma_wait3A_400 = tpu.memref_slice %arg2[%arg0, %dma_wait3A_398, %dma_wait3A_399] : memref<2x50000x32xf32, #tpu.memory_space<hbm>> -> memref<1x50000x32xf32, #tpu.memory_space<hbm>>
      %dma_wait3A_401 = tpu.memref_squeeze %dma_wait3A_400 : memref<1x50000x32xf32, #tpu.memory_space<hbm>> -> memref<50000x32xf32, #tpu.memory_space<hbm>>
      %dma_wait3A_402 = arith.constant 0 : i32
      %dma_wait3A_403 = arith.constant 0 : i32
      %dma_wait3A_404 = tpu.memref_slice %dma_wait3A_401[%dma_wait3A_402, %dma_wait3A_403] : memref<50000x32xf32, #tpu.memory_space<hbm>> -> memref<50000x32xf32, #tpu.memory_space<hbm>>
      tpu.wait_indirect_dma semaphore(%arg12 : memref<!tpu.dma_semaphore, #tpu.memory_space<semaphore_mem>>) src(%dma_wait3A_404 : memref<50000x32xf32, #tpu.memory_space<hbm>>) dst(%dma_wait3A_394 : memref<256x32xf32, #tpu.memory_space<vmem>>)
      %dma_start3A_405 = arith.constant 1 : i32
      %dma_start3A_406 = arith.constant 6 : i32
      %dma_start3A_407 = arith.constant 0 : i32
      %dma_start3A_408 = arith.constant 0 : i32
      %dma_start3A_409 = tpu.memref_slice %arg9[%dma_start3A_405, %dma_start3A_407, %dma_start3A_408] : memref<2x256x32xf32, #tpu.memory_space<vmem>> -> memref<1x128x32xf32, #tpu.memory_space<vmem>>
      %dma_start3A_410 = tpu.memref_squeeze %dma_start3A_409 : memref<1x128x32xf32, #tpu.memory_space<vmem>> -> memref<128x32xf32, #tpu.memory_space<vmem>>
      %dma_start3A_411 = arith.constant 0 : i32
      %dma_start3A_412 = tpu.memref_slice %arg8[%select_n3A_80, %dma_start3A_406, %dma_start3A_411] : memref<2x14x128xi32, #tpu.memory_space<vmem>> -> memref<1x1x128xi32, #tpu.memory_space<vmem>>
      %dma_start3A_413 = tpu.memref_squeeze %dma_start3A_412 : memref<1x1x128xi32, #tpu.memory_space<vmem>> -> memref<128xi32, #tpu.memory_space<vmem>>
      %dma_start3A_414 = arith.constant 0 : i32
      %dma_start3A_415 = arith.constant 0 : i32
      %dma_start3A_416 = tpu.memref_slice %arg6[%dma_start3A_414, %dma_start3A_415] : memref<50400x32xf32, #tpu.memory_space<vmem_shared>> -> memref<50400x32xf32, #tpu.memory_space<vmem_shared>>
      tpu.enqueue_indirect_dma source(%dma_start3A_410 : memref<128x32xf32, #tpu.memory_space<vmem>>) target(%dma_start3A_416 : memref<50400x32xf32, #tpu.memory_space<vmem_shared>>) offsets(%dma_start3A_413 : memref<128xi32, #tpu.memory_space<vmem>>) semaphore(%arg14 : memref<!tpu.dma_semaphore, #tpu.memory_space<semaphore_mem>>) {add = true}
      %dma_start3A_417 = arith.constant 1 : i32
      %dma_start3A_418 = arith.constant 7 : i32
      %dma_start3A_419 = arith.constant 128 : i32
      %dma_start3A_420 = arith.constant 0 : i32
      %dma_start3A_421 = tpu.memref_slice %arg9[%dma_start3A_417, %dma_start3A_419, %dma_start3A_420] : memref<2x256x32xf32, #tpu.memory_space<vmem>> -> memref<1x128x32xf32, #tpu.memory_space<vmem>>
      %dma_start3A_422 = tpu.memref_squeeze %dma_start3A_421 : memref<1x128x32xf32, #tpu.memory_space<vmem>> -> memref<128x32xf32, #tpu.memory_space<vmem>>
      %dma_start3A_423 = arith.constant 0 : i32
      %dma_start3A_424 = tpu.memref_slice %arg8[%select_n3A_80, %dma_start3A_418, %dma_start3A_423] : memref<2x14x128xi32, #tpu.memory_space<vmem>> -> memref<1x1x128xi32, #tpu.memory_space<vmem>>
      %dma_start3A_425 = tpu.memref_squeeze %dma_start3A_424 : memref<1x1x128xi32, #tpu.memory_space<vmem>> -> memref<128xi32, #tpu.memory_space<vmem>>
      %dma_start3A_426 = arith.constant 0 : i32
      %dma_start3A_427 = arith.constant 0 : i32
      %dma_start3A_428 = tpu.memref_slice %arg6[%dma_start3A_426, %dma_start3A_427] : memref<50400x32xf32, #tpu.memory_space<vmem_shared>> -> memref<50400x32xf32, #tpu.memory_space<vmem_shared>>
      tpu.enqueue_indirect_dma source(%dma_start3A_422 : memref<128x32xf32, #tpu.memory_space<vmem>>) target(%dma_start3A_428 : memref<50400x32xf32, #tpu.memory_space<vmem_shared>>) offsets(%dma_start3A_425 : memref<128xi32, #tpu.memory_space<vmem>>) semaphore(%arg14 : memref<!tpu.dma_semaphore, #tpu.memory_space<semaphore_mem>>) {add = true}
      %dma_wait3A_429 = arith.constant 1 : i32
      %dma_wait3A_430 = arith.constant 6 : i32
      %dma_wait3A_431 = arith.constant 0 : i32
      %dma_wait3A_432 = arith.constant 0 : i32
      %dma_wait3A_433 = tpu.memref_slice %arg9[%dma_wait3A_429, %dma_wait3A_431, %dma_wait3A_432] : memref<2x256x32xf32, #tpu.memory_space<vmem>> -> memref<1x128x32xf32, #tpu.memory_space<vmem>>
      %dma_wait3A_434 = tpu.memref_squeeze %dma_wait3A_433 : memref<1x128x32xf32, #tpu.memory_space<vmem>> -> memref<128x32xf32, #tpu.memory_space<vmem>>
      %dma_wait3A_435 = arith.constant 0 : i32
      %dma_wait3A_436 = tpu.memref_slice %arg8[%select_n3A_80, %dma_wait3A_430, %dma_wait3A_435] : memref<2x14x128xi32, #tpu.memory_space<vmem>> -> memref<1x1x128xi32, #tpu.memory_space<vmem>>
      %dma_wait3A_437 = tpu.memref_squeeze %dma_wait3A_436 : memref<1x1x128xi32, #tpu.memory_space<vmem>> -> memref<128xi32, #tpu.memory_space<vmem>>
      %dma_wait3A_438 = arith.constant 0 : i32
      %dma_wait3A_439 = arith.constant 0 : i32
      %dma_wait3A_440 = tpu.memref_slice %arg6[%dma_wait3A_438, %dma_wait3A_439] : memref<50400x32xf32, #tpu.memory_space<vmem_shared>> -> memref<50400x32xf32, #tpu.memory_space<vmem_shared>>
      tpu.wait_indirect_dma semaphore(%arg14 : memref<!tpu.dma_semaphore, #tpu.memory_space<semaphore_mem>>) src(%dma_wait3A_434 : memref<128x32xf32, #tpu.memory_space<vmem>>) dst(%dma_wait3A_440 : memref<50400x32xf32, #tpu.memory_space<vmem_shared>>)
      %dma_wait3A_441 = arith.constant 1 : i32
      %dma_wait3A_442 = arith.constant 7 : i32
      %dma_wait3A_443 = arith.constant 128 : i32
      %dma_wait3A_444 = arith.constant 0 : i32
      %dma_wait3A_445 = tpu.memref_slice %arg9[%dma_wait3A_441, %dma_wait3A_443, %dma_wait3A_444] : memref<2x256x32xf32, #tpu.memory_space<vmem>> -> memref<1x128x32xf32, #tpu.memory_space<vmem>>
      %dma_wait3A_446 = tpu.memref_squeeze %dma_wait3A_445 : memref<1x128x32xf32, #tpu.memory_space<vmem>> -> memref<128x32xf32, #tpu.memory_space<vmem>>
      %dma_wait3A_447 = arith.constant 0 : i32
      %dma_wait3A_448 = tpu.memref_slice %arg8[%select_n3A_80, %dma_wait3A_442, %dma_wait3A_447] : memref<2x14x128xi32, #tpu.memory_space<vmem>> -> memref<1x1x128xi32, #tpu.memory_space<vmem>>
      %dma_wait3A_449 = tpu.memref_squeeze %dma_wait3A_448 : memref<1x1x128xi32, #tpu.memory_space<vmem>> -> memref<128xi32, #tpu.memory_space<vmem>>
      %dma_wait3A_450 = arith.constant 0 : i32
      %dma_wait3A_451 = arith.constant 0 : i32
      %dma_wait3A_452 = tpu.memref_slice %arg6[%dma_wait3A_450, %dma_wait3A_451] : memref<50400x32xf32, #tpu.memory_space<vmem_shared>> -> memref<50400x32xf32, #tpu.memory_space<vmem_shared>>
      tpu.wait_indirect_dma semaphore(%arg14 : memref<!tpu.dma_semaphore, #tpu.memory_space<semaphore_mem>>) src(%dma_wait3A_446 : memref<128x32xf32, #tpu.memory_space<vmem>>) dst(%dma_wait3A_452 : memref<50400x32xf32, #tpu.memory_space<vmem_shared>>)
      %dma_start3A_453 = arith.constant 5 : i32
      %dma_start3A_454 = arith.constant 1 : i32
      %dma_start3A_455 = arith.constant 0 : i32
      %dma_start3A_456 = arith.constant 0 : i32
      %dma_start3A_457 = tpu.memref_slice %arg9[%dma_start3A_454, %dma_start3A_455, %dma_start3A_456] : memref<2x256x32xf32, #tpu.memory_space<vmem>> -> memref<1x256x32xf32, #tpu.memory_space<vmem>>
      %dma_start3A_458 = tpu.memref_squeeze %dma_start3A_457 : memref<1x256x32xf32, #tpu.memory_space<vmem>> -> memref<256x32xf32, #tpu.memory_space<vmem>>
      %dma_start3A_459 = arith.constant 0 : i32
      %dma_start3A_460 = tpu.memref_slice %arg7[%select_n3A_80, %dma_start3A_453, %dma_start3A_459] : memref<2x7x256xi32, #tpu.memory_space<vmem>> -> memref<1x1x256xi32, #tpu.memory_space<vmem>>
      %dma_start3A_461 = tpu.memref_squeeze %dma_start3A_460 : memref<1x1x256xi32, #tpu.memory_space<vmem>> -> memref<256xi32, #tpu.memory_space<vmem>>
      %dma_start3A_462 = arith.constant 0 : i32
      %dma_start3A_463 = arith.constant 0 : i32
      %dma_start3A_464 = tpu.memref_slice %arg2[%arg0, %dma_start3A_462, %dma_start3A_463] : memref<2x50000x32xf32, #tpu.memory_space<hbm>> -> memref<1x50000x32xf32, #tpu.memory_space<hbm>>
      %dma_start3A_465 = tpu.memref_squeeze %dma_start3A_464 : memref<1x50000x32xf32, #tpu.memory_space<hbm>> -> memref<50000x32xf32, #tpu.memory_space<hbm>>
      %dma_start3A_466 = arith.constant 0 : i32
      %dma_start3A_467 = arith.constant 0 : i32
      %dma_start3A_468 = tpu.memref_slice %dma_start3A_465[%dma_start3A_466, %dma_start3A_467] : memref<50000x32xf32, #tpu.memory_space<hbm>> -> memref<50000x32xf32, #tpu.memory_space<hbm>>
      tpu.enqueue_indirect_dma source(%dma_start3A_468 : memref<50000x32xf32, #tpu.memory_space<hbm>>) target(%dma_start3A_458 : memref<256x32xf32, #tpu.memory_space<vmem>>) offsets(%dma_start3A_461 : memref<256xi32, #tpu.memory_space<vmem>>) semaphore(%arg12 : memref<!tpu.dma_semaphore, #tpu.memory_space<semaphore_mem>>)
      %dma_wait3A_469 = arith.constant 4 : i32
      %dma_wait3A_470 = arith.constant 0 : i32
      %dma_wait3A_471 = arith.constant 0 : i32
      %dma_wait3A_472 = arith.constant 0 : i32
      %dma_wait3A_473 = tpu.memref_slice %arg9[%dma_wait3A_470, %dma_wait3A_471, %dma_wait3A_472] : memref<2x256x32xf32, #tpu.memory_space<vmem>> -> memref<1x256x32xf32, #tpu.memory_space<vmem>>
      %dma_wait3A_474 = tpu.memref_squeeze %dma_wait3A_473 : memref<1x256x32xf32, #tpu.memory_space<vmem>> -> memref<256x32xf32, #tpu.memory_space<vmem>>
      %dma_wait3A_475 = arith.constant 0 : i32
      %dma_wait3A_476 = tpu.memref_slice %arg7[%select_n3A_80, %dma_wait3A_469, %dma_wait3A_475] : memref<2x7x256xi32, #tpu.memory_space<vmem>> -> memref<1x1x256xi32, #tpu.memory_space<vmem>>
      %dma_wait3A_477 = tpu.memref_squeeze %dma_wait3A_476 : memref<1x1x256xi32, #tpu.memory_space<vmem>> -> memref<256xi32, #tpu.memory_space<vmem>>
      %dma_wait3A_478 = arith.constant 0 : i32
      %dma_wait3A_479 = arith.constant 0 : i32
      %dma_wait3A_480 = tpu.memref_slice %arg2[%arg0, %dma_wait3A_478, %dma_wait3A_479] : memref<2x50000x32xf32, #tpu.memory_space<hbm>> -> memref<1x50000x32xf32, #tpu.memory_space<hbm>>
      %dma_wait3A_481 = tpu.memref_squeeze %dma_wait3A_480 : memref<1x50000x32xf32, #tpu.memory_space<hbm>> -> memref<50000x32xf32, #tpu.memory_space<hbm>>
      %dma_wait3A_482 = arith.constant 0 : i32
      %dma_wait3A_483 = arith.constant 0 : i32
      %dma_wait3A_484 = tpu.memref_slice %dma_wait3A_481[%dma_wait3A_482, %dma_wait3A_483] : memref<50000x32xf32, #tpu.memory_space<hbm>> -> memref<50000x32xf32, #tpu.memory_space<hbm>>
      tpu.wait_indirect_dma semaphore(%arg11 : memref<!tpu.dma_semaphore, #tpu.memory_space<semaphore_mem>>) src(%dma_wait3A_484 : memref<50000x32xf32, #tpu.memory_space<hbm>>) dst(%dma_wait3A_474 : memref<256x32xf32, #tpu.memory_space<vmem>>)
      %dma_start3A_485 = arith.constant 0 : i32
      %dma_start3A_486 = arith.constant 8 : i32
      %dma_start3A_487 = arith.constant 0 : i32
      %dma_start3A_488 = arith.constant 0 : i32
      %dma_start3A_489 = tpu.memref_slice %arg9[%dma_start3A_485, %dma_start3A_487, %dma_start3A_488] : memref<2x256x32xf32, #tpu.memory_space<vmem>> -> memref<1x128x32xf32, #tpu.memory_space<vmem>>
      %dma_start3A_490 = tpu.memref_squeeze %dma_start3A_489 : memref<1x128x32xf32, #tpu.memory_space<vmem>> -> memref<128x32xf32, #tpu.memory_space<vmem>>
      %dma_start3A_491 = arith.constant 0 : i32
      %dma_start3A_492 = tpu.memref_slice %arg8[%select_n3A_80, %dma_start3A_486, %dma_start3A_491] : memref<2x14x128xi32, #tpu.memory_space<vmem>> -> memref<1x1x128xi32, #tpu.memory_space<vmem>>
      %dma_start3A_493 = tpu.memref_squeeze %dma_start3A_492 : memref<1x1x128xi32, #tpu.memory_space<vmem>> -> memref<128xi32, #tpu.memory_space<vmem>>
      %dma_start3A_494 = arith.constant 0 : i32
      %dma_start3A_495 = arith.constant 0 : i32
      %dma_start3A_496 = tpu.memref_slice %arg6[%dma_start3A_494, %dma_start3A_495] : memref<50400x32xf32, #tpu.memory_space<vmem_shared>> -> memref<50400x32xf32, #tpu.memory_space<vmem_shared>>
      tpu.enqueue_indirect_dma source(%dma_start3A_490 : memref<128x32xf32, #tpu.memory_space<vmem>>) target(%dma_start3A_496 : memref<50400x32xf32, #tpu.memory_space<vmem_shared>>) offsets(%dma_start3A_493 : memref<128xi32, #tpu.memory_space<vmem>>) semaphore(%arg13 : memref<!tpu.dma_semaphore, #tpu.memory_space<semaphore_mem>>) {add = true}
      %dma_start3A_497 = arith.constant 0 : i32
      %dma_start3A_498 = arith.constant 9 : i32
      %dma_start3A_499 = arith.constant 128 : i32
      %dma_start3A_500 = arith.constant 0 : i32
      %dma_start3A_501 = tpu.memref_slice %arg9[%dma_start3A_497, %dma_start3A_499, %dma_start3A_500] : memref<2x256x32xf32, #tpu.memory_space<vmem>> -> memref<1x128x32xf32, #tpu.memory_space<vmem>>
      %dma_start3A_502 = tpu.memref_squeeze %dma_start3A_501 : memref<1x128x32xf32, #tpu.memory_space<vmem>> -> memref<128x32xf32, #tpu.memory_space<vmem>>
      %dma_start3A_503 = arith.constant 0 : i32
      %dma_start3A_504 = tpu.memref_slice %arg8[%select_n3A_80, %dma_start3A_498, %dma_start3A_503] : memref<2x14x128xi32, #tpu.memory_space<vmem>> -> memref<1x1x128xi32, #tpu.memory_space<vmem>>
      %dma_start3A_505 = tpu.memref_squeeze %dma_start3A_504 : memref<1x1x128xi32, #tpu.memory_space<vmem>> -> memref<128xi32, #tpu.memory_space<vmem>>
      %dma_start3A_506 = arith.constant 0 : i32
      %dma_start3A_507 = arith.constant 0 : i32
      %dma_start3A_508 = tpu.memref_slice %arg6[%dma_start3A_506, %dma_start3A_507] : memref<50400x32xf32, #tpu.memory_space<vmem_shared>> -> memref<50400x32xf32, #tpu.memory_space<vmem_shared>>
      tpu.enqueue_indirect_dma source(%dma_start3A_502 : memref<128x32xf32, #tpu.memory_space<vmem>>) target(%dma_start3A_508 : memref<50400x32xf32, #tpu.memory_space<vmem_shared>>) offsets(%dma_start3A_505 : memref<128xi32, #tpu.memory_space<vmem>>) semaphore(%arg13 : memref<!tpu.dma_semaphore, #tpu.memory_space<semaphore_mem>>) {add = true}
      %dma_wait3A_509 = arith.constant 0 : i32
      %dma_wait3A_510 = arith.constant 8 : i32
      %dma_wait3A_511 = arith.constant 0 : i32
      %dma_wait3A_512 = arith.constant 0 : i32
      %dma_wait3A_513 = tpu.memref_slice %arg9[%dma_wait3A_509, %dma_wait3A_511, %dma_wait3A_512] : memref<2x256x32xf32, #tpu.memory_space<vmem>> -> memref<1x128x32xf32, #tpu.memory_space<vmem>>
      %dma_wait3A_514 = tpu.memref_squeeze %dma_wait3A_513 : memref<1x128x32xf32, #tpu.memory_space<vmem>> -> memref<128x32xf32, #tpu.memory_space<vmem>>
      %dma_wait3A_515 = arith.constant 0 : i32
      %dma_wait3A_516 = tpu.memref_slice %arg8[%select_n3A_80, %dma_wait3A_510, %dma_wait3A_515] : memref<2x14x128xi32, #tpu.memory_space<vmem>> -> memref<1x1x128xi32, #tpu.memory_space<vmem>>
      %dma_wait3A_517 = tpu.memref_squeeze %dma_wait3A_516 : memref<1x1x128xi32, #tpu.memory_space<vmem>> -> memref<128xi32, #tpu.memory_space<vmem>>
      %dma_wait3A_518 = arith.constant 0 : i32
      %dma_wait3A_519 = arith.constant 0 : i32
      %dma_wait3A_520 = tpu.memref_slice %arg6[%dma_wait3A_518, %dma_wait3A_519] : memref<50400x32xf32, #tpu.memory_space<vmem_shared>> -> memref<50400x32xf32, #tpu.memory_space<vmem_shared>>
      tpu.wait_indirect_dma semaphore(%arg13 : memref<!tpu.dma_semaphore, #tpu.memory_space<semaphore_mem>>) src(%dma_wait3A_514 : memref<128x32xf32, #tpu.memory_space<vmem>>) dst(%dma_wait3A_520 : memref<50400x32xf32, #tpu.memory_space<vmem_shared>>)
      %dma_wait3A_521 = arith.constant 0 : i32
      %dma_wait3A_522 = arith.constant 9 : i32
      %dma_wait3A_523 = arith.constant 128 : i32
      %dma_wait3A_524 = arith.constant 0 : i32
      %dma_wait3A_525 = tpu.memref_slice %arg9[%dma_wait3A_521, %dma_wait3A_523, %dma_wait3A_524] : memref<2x256x32xf32, #tpu.memory_space<vmem>> -> memref<1x128x32xf32, #tpu.memory_space<vmem>>
      %dma_wait3A_526 = tpu.memref_squeeze %dma_wait3A_525 : memref<1x128x32xf32, #tpu.memory_space<vmem>> -> memref<128x32xf32, #tpu.memory_space<vmem>>
      %dma_wait3A_527 = arith.constant 0 : i32
      %dma_wait3A_528 = tpu.memref_slice %arg8[%select_n3A_80, %dma_wait3A_522, %dma_wait3A_527] : memref<2x14x128xi32, #tpu.memory_space<vmem>> -> memref<1x1x128xi32, #tpu.memory_space<vmem>>
      %dma_wait3A_529 = tpu.memref_squeeze %dma_wait3A_528 : memref<1x1x128xi32, #tpu.memory_space<vmem>> -> memref<128xi32, #tpu.memory_space<vmem>>
      %dma_wait3A_530 = arith.constant 0 : i32
      %dma_wait3A_531 = arith.constant 0 : i32
      %dma_wait3A_532 = tpu.memref_slice %arg6[%dma_wait3A_530, %dma_wait3A_531] : memref<50400x32xf32, #tpu.memory_space<vmem_shared>> -> memref<50400x32xf32, #tpu.memory_space<vmem_shared>>
      tpu.wait_indirect_dma semaphore(%arg13 : memref<!tpu.dma_semaphore, #tpu.memory_space<semaphore_mem>>) src(%dma_wait3A_526 : memref<128x32xf32, #tpu.memory_space<vmem>>) dst(%dma_wait3A_532 : memref<50400x32xf32, #tpu.memory_space<vmem_shared>>)
      %dma_start3A_533 = arith.constant 6 : i32
      %dma_start3A_534 = arith.constant 0 : i32
      %dma_start3A_535 = arith.constant 0 : i32
      %dma_start3A_536 = arith.constant 0 : i32
      %dma_start3A_537 = tpu.memref_slice %arg9[%dma_start3A_534, %dma_start3A_535, %dma_start3A_536] : memref<2x256x32xf32, #tpu.memory_space<vmem>> -> memref<1x256x32xf32, #tpu.memory_space<vmem>>
      %dma_start3A_538 = tpu.memref_squeeze %dma_start3A_537 : memref<1x256x32xf32, #tpu.memory_space<vmem>> -> memref<256x32xf32, #tpu.memory_space<vmem>>
      %dma_start3A_539 = arith.constant 0 : i32
      %dma_start3A_540 = tpu.memref_slice %arg7[%select_n3A_80, %dma_start3A_533, %dma_start3A_539] : memref<2x7x256xi32, #tpu.memory_space<vmem>> -> memref<1x1x256xi32, #tpu.memory_space<vmem>>
      %dma_start3A_541 = tpu.memref_squeeze %dma_start3A_540 : memref<1x1x256xi32, #tpu.memory_space<vmem>> -> memref<256xi32, #tpu.memory_space<vmem>>
      %dma_start3A_542 = arith.constant 0 : i32
      %dma_start3A_543 = arith.constant 0 : i32
      %dma_start3A_544 = tpu.memref_slice %arg2[%arg0, %dma_start3A_542, %dma_start3A_543] : memref<2x50000x32xf32, #tpu.memory_space<hbm>> -> memref<1x50000x32xf32, #tpu.memory_space<hbm>>
      %dma_start3A_545 = tpu.memref_squeeze %dma_start3A_544 : memref<1x50000x32xf32, #tpu.memory_space<hbm>> -> memref<50000x32xf32, #tpu.memory_space<hbm>>
      %dma_start3A_546 = arith.constant 0 : i32
      %dma_start3A_547 = arith.constant 0 : i32
      %dma_start3A_548 = tpu.memref_slice %dma_start3A_545[%dma_start3A_546, %dma_start3A_547] : memref<50000x32xf32, #tpu.memory_space<hbm>> -> memref<50000x32xf32, #tpu.memory_space<hbm>>
      tpu.enqueue_indirect_dma source(%dma_start3A_548 : memref<50000x32xf32, #tpu.memory_space<hbm>>) target(%dma_start3A_538 : memref<256x32xf32, #tpu.memory_space<vmem>>) offsets(%dma_start3A_541 : memref<256xi32, #tpu.memory_space<vmem>>) semaphore(%arg11 : memref<!tpu.dma_semaphore, #tpu.memory_space<semaphore_mem>>)
      %dma_wait3A_549 = arith.constant 5 : i32
      %dma_wait3A_550 = arith.constant 1 : i32
      %dma_wait3A_551 = arith.constant 0 : i32
      %dma_wait3A_552 = arith.constant 0 : i32
      %dma_wait3A_553 = tpu.memref_slice %arg9[%dma_wait3A_550, %dma_wait3A_551, %dma_wait3A_552] : memref<2x256x32xf32, #tpu.memory_space<vmem>> -> memref<1x256x32xf32, #tpu.memory_space<vmem>>
      %dma_wait3A_554 = tpu.memref_squeeze %dma_wait3A_553 : memref<1x256x32xf32, #tpu.memory_space<vmem>> -> memref<256x32xf32, #tpu.memory_space<vmem>>
      %dma_wait3A_555 = arith.constant 0 : i32
      %dma_wait3A_556 = tpu.memref_slice %arg7[%select_n3A_80, %dma_wait3A_549, %dma_wait3A_555] : memref<2x7x256xi32, #tpu.memory_space<vmem>> -> memref<1x1x256xi32, #tpu.memory_space<vmem>>
      %dma_wait3A_557 = tpu.memref_squeeze %dma_wait3A_556 : memref<1x1x256xi32, #tpu.memory_space<vmem>> -> memref<256xi32, #tpu.memory_space<vmem>>
      %dma_wait3A_558 = arith.constant 0 : i32
      %dma_wait3A_559 = arith.constant 0 : i32
      %dma_wait3A_560 = tpu.memref_slice %arg2[%arg0, %dma_wait3A_558, %dma_wait3A_559] : memref<2x50000x32xf32, #tpu.memory_space<hbm>> -> memref<1x50000x32xf32, #tpu.memory_space<hbm>>
      %dma_wait3A_561 = tpu.memref_squeeze %dma_wait3A_560 : memref<1x50000x32xf32, #tpu.memory_space<hbm>> -> memref<50000x32xf32, #tpu.memory_space<hbm>>
      %dma_wait3A_562 = arith.constant 0 : i32
      %dma_wait3A_563 = arith.constant 0 : i32
      %dma_wait3A_564 = tpu.memref_slice %dma_wait3A_561[%dma_wait3A_562, %dma_wait3A_563] : memref<50000x32xf32, #tpu.memory_space<hbm>> -> memref<50000x32xf32, #tpu.memory_space<hbm>>
      tpu.wait_indirect_dma semaphore(%arg12 : memref<!tpu.dma_semaphore, #tpu.memory_space<semaphore_mem>>) src(%dma_wait3A_564 : memref<50000x32xf32, #tpu.memory_space<hbm>>) dst(%dma_wait3A_554 : memref<256x32xf32, #tpu.memory_space<vmem>>)
      %dma_start3A_565 = arith.constant 1 : i32
      %dma_start3A_566 = arith.constant 10 : i32
      %dma_start3A_567 = arith.constant 0 : i32
      %dma_start3A_568 = arith.constant 0 : i32
      %dma_start3A_569 = tpu.memref_slice %arg9[%dma_start3A_565, %dma_start3A_567, %dma_start3A_568] : memref<2x256x32xf32, #tpu.memory_space<vmem>> -> memref<1x128x32xf32, #tpu.memory_space<vmem>>
      %dma_start3A_570 = tpu.memref_squeeze %dma_start3A_569 : memref<1x128x32xf32, #tpu.memory_space<vmem>> -> memref<128x32xf32, #tpu.memory_space<vmem>>
      %dma_start3A_571 = arith.constant 0 : i32
      %dma_start3A_572 = tpu.memref_slice %arg8[%select_n3A_80, %dma_start3A_566, %dma_start3A_571] : memref<2x14x128xi32, #tpu.memory_space<vmem>> -> memref<1x1x128xi32, #tpu.memory_space<vmem>>
      %dma_start3A_573 = tpu.memref_squeeze %dma_start3A_572 : memref<1x1x128xi32, #tpu.memory_space<vmem>> -> memref<128xi32, #tpu.memory_space<vmem>>
      %dma_start3A_574 = arith.constant 0 : i32
      %dma_start3A_575 = arith.constant 0 : i32
      %dma_start3A_576 = tpu.memref_slice %arg6[%dma_start3A_574, %dma_start3A_575] : memref<50400x32xf32, #tpu.memory_space<vmem_shared>> -> memref<50400x32xf32, #tpu.memory_space<vmem_shared>>
      tpu.enqueue_indirect_dma source(%dma_start3A_570 : memref<128x32xf32, #tpu.memory_space<vmem>>) target(%dma_start3A_576 : memref<50400x32xf32, #tpu.memory_space<vmem_shared>>) offsets(%dma_start3A_573 : memref<128xi32, #tpu.memory_space<vmem>>) semaphore(%arg14 : memref<!tpu.dma_semaphore, #tpu.memory_space<semaphore_mem>>) {add = true}
      %dma_start3A_577 = arith.constant 1 : i32
      %dma_start3A_578 = arith.constant 11 : i32
      %dma_start3A_579 = arith.constant 128 : i32
      %dma_start3A_580 = arith.constant 0 : i32
      %dma_start3A_581 = tpu.memref_slice %arg9[%dma_start3A_577, %dma_start3A_579, %dma_start3A_580] : memref<2x256x32xf32, #tpu.memory_space<vmem>> -> memref<1x128x32xf32, #tpu.memory_space<vmem>>
      %dma_start3A_582 = tpu.memref_squeeze %dma_start3A_581 : memref<1x128x32xf32, #tpu.memory_space<vmem>> -> memref<128x32xf32, #tpu.memory_space<vmem>>
      %dma_start3A_583 = arith.constant 0 : i32
      %dma_start3A_584 = tpu.memref_slice %arg8[%select_n3A_80, %dma_start3A_578, %dma_start3A_583] : memref<2x14x128xi32, #tpu.memory_space<vmem>> -> memref<1x1x128xi32, #tpu.memory_space<vmem>>
      %dma_start3A_585 = tpu.memref_squeeze %dma_start3A_584 : memref<1x1x128xi32, #tpu.memory_space<vmem>> -> memref<128xi32, #tpu.memory_space<vmem>>
      %dma_start3A_586 = arith.constant 0 : i32
      %dma_start3A_587 = arith.constant 0 : i32
      %dma_start3A_588 = tpu.memref_slice %arg6[%dma_start3A_586, %dma_start3A_587] : memref<50400x32xf32, #tpu.memory_space<vmem_shared>> -> memref<50400x32xf32, #tpu.memory_space<vmem_shared>>
      tpu.enqueue_indirect_dma source(%dma_start3A_582 : memref<128x32xf32, #tpu.memory_space<vmem>>) target(%dma_start3A_588 : memref<50400x32xf32, #tpu.memory_space<vmem_shared>>) offsets(%dma_start3A_585 : memref<128xi32, #tpu.memory_space<vmem>>) semaphore(%arg14 : memref<!tpu.dma_semaphore, #tpu.memory_space<semaphore_mem>>) {add = true}
      %dma_wait3A_589 = arith.constant 6 : i32
      %dma_wait3A_590 = arith.constant 0 : i32
      %dma_wait3A_591 = arith.constant 0 : i32
      %dma_wait3A_592 = arith.constant 0 : i32
      %dma_wait3A_593 = tpu.memref_slice %arg9[%dma_wait3A_590, %dma_wait3A_591, %dma_wait3A_592] : memref<2x256x32xf32, #tpu.memory_space<vmem>> -> memref<1x256x32xf32, #tpu.memory_space<vmem>>
      %dma_wait3A_594 = tpu.memref_squeeze %dma_wait3A_593 : memref<1x256x32xf32, #tpu.memory_space<vmem>> -> memref<256x32xf32, #tpu.memory_space<vmem>>
      %dma_wait3A_595 = arith.constant 0 : i32
      %dma_wait3A_596 = tpu.memref_slice %arg7[%select_n3A_80, %dma_wait3A_589, %dma_wait3A_595] : memref<2x7x256xi32, #tpu.memory_space<vmem>> -> memref<1x1x256xi32, #tpu.memory_space<vmem>>
      %dma_wait3A_597 = tpu.memref_squeeze %dma_wait3A_596 : memref<1x1x256xi32, #tpu.memory_space<vmem>> -> memref<256xi32, #tpu.memory_space<vmem>>
      %dma_wait3A_598 = arith.constant 0 : i32
      %dma_wait3A_599 = arith.constant 0 : i32
      %dma_wait3A_600 = tpu.memref_slice %arg2[%arg0, %dma_wait3A_598, %dma_wait3A_599] : memref<2x50000x32xf32, #tpu.memory_space<hbm>> -> memref<1x50000x32xf32, #tpu.memory_space<hbm>>
      %dma_wait3A_601 = tpu.memref_squeeze %dma_wait3A_600 : memref<1x50000x32xf32, #tpu.memory_space<hbm>> -> memref<50000x32xf32, #tpu.memory_space<hbm>>
      %dma_wait3A_602 = arith.constant 0 : i32
      %dma_wait3A_603 = arith.constant 0 : i32
      %dma_wait3A_604 = tpu.memref_slice %dma_wait3A_601[%dma_wait3A_602, %dma_wait3A_603] : memref<50000x32xf32, #tpu.memory_space<hbm>> -> memref<50000x32xf32, #tpu.memory_space<hbm>>
      tpu.wait_indirect_dma semaphore(%arg11 : memref<!tpu.dma_semaphore, #tpu.memory_space<semaphore_mem>>) src(%dma_wait3A_604 : memref<50000x32xf32, #tpu.memory_space<hbm>>) dst(%dma_wait3A_594 : memref<256x32xf32, #tpu.memory_space<vmem>>)
      %dma_start3A_605 = arith.constant 0 : i32
      %dma_start3A_606 = arith.constant 12 : i32
      %dma_start3A_607 = arith.constant 0 : i32
      %dma_start3A_608 = arith.constant 0 : i32
      %dma_start3A_609 = tpu.memref_slice %arg9[%dma_start3A_605, %dma_start3A_607, %dma_start3A_608] : memref<2x256x32xf32, #tpu.memory_space<vmem>> -> memref<1x128x32xf32, #tpu.memory_space<vmem>>
      %dma_start3A_610 = tpu.memref_squeeze %dma_start3A_609 : memref<1x128x32xf32, #tpu.memory_space<vmem>> -> memref<128x32xf32, #tpu.memory_space<vmem>>
      %dma_start3A_611 = arith.constant 0 : i32
      %dma_start3A_612 = tpu.memref_slice %arg8[%select_n3A_80, %dma_start3A_606, %dma_start3A_611] : memref<2x14x128xi32, #tpu.memory_space<vmem>> -> memref<1x1x128xi32, #tpu.memory_space<vmem>>
      %dma_start3A_613 = tpu.memref_squeeze %dma_start3A_612 : memref<1x1x128xi32, #tpu.memory_space<vmem>> -> memref<128xi32, #tpu.memory_space<vmem>>
      %dma_start3A_614 = arith.constant 0 : i32
      %dma_start3A_615 = arith.constant 0 : i32
      %dma_start3A_616 = tpu.memref_slice %arg6[%dma_start3A_614, %dma_start3A_615] : memref<50400x32xf32, #tpu.memory_space<vmem_shared>> -> memref<50400x32xf32, #tpu.memory_space<vmem_shared>>
      tpu.enqueue_indirect_dma source(%dma_start3A_610 : memref<128x32xf32, #tpu.memory_space<vmem>>) target(%dma_start3A_616 : memref<50400x32xf32, #tpu.memory_space<vmem_shared>>) offsets(%dma_start3A_613 : memref<128xi32, #tpu.memory_space<vmem>>) semaphore(%arg13 : memref<!tpu.dma_semaphore, #tpu.memory_space<semaphore_mem>>) {add = true}
      %dma_start3A_617 = arith.constant 0 : i32
      %dma_start3A_618 = arith.constant 13 : i32
      %dma_start3A_619 = arith.constant 128 : i32
      %dma_start3A_620 = arith.constant 0 : i32
      %dma_start3A_621 = tpu.memref_slice %arg9[%dma_start3A_617, %dma_start3A_619, %dma_start3A_620] : memref<2x256x32xf32, #tpu.memory_space<vmem>> -> memref<1x128x32xf32, #tpu.memory_space<vmem>>
      %dma_start3A_622 = tpu.memref_squeeze %dma_start3A_621 : memref<1x128x32xf32, #tpu.memory_space<vmem>> -> memref<128x32xf32, #tpu.memory_space<vmem>>
      %dma_start3A_623 = arith.constant 0 : i32
      %dma_start3A_624 = tpu.memref_slice %arg8[%select_n3A_80, %dma_start3A_618, %dma_start3A_623] : memref<2x14x128xi32, #tpu.memory_space<vmem>> -> memref<1x1x128xi32, #tpu.memory_space<vmem>>
      %dma_start3A_625 = tpu.memref_squeeze %dma_start3A_624 : memref<1x1x128xi32, #tpu.memory_space<vmem>> -> memref<128xi32, #tpu.memory_space<vmem>>
      %dma_start3A_626 = arith.constant 0 : i32
      %dma_start3A_627 = arith.constant 0 : i32
      %dma_start3A_628 = tpu.memref_slice %arg6[%dma_start3A_626, %dma_start3A_627] : memref<50400x32xf32, #tpu.memory_space<vmem_shared>> -> memref<50400x32xf32, #tpu.memory_space<vmem_shared>>
      tpu.enqueue_indirect_dma source(%dma_start3A_622 : memref<128x32xf32, #tpu.memory_space<vmem>>) target(%dma_start3A_628 : memref<50400x32xf32, #tpu.memory_space<vmem_shared>>) offsets(%dma_start3A_625 : memref<128xi32, #tpu.memory_space<vmem>>) semaphore(%arg13 : memref<!tpu.dma_semaphore, #tpu.memory_space<semaphore_mem>>) {add = true}
      %dma_wait3A_629 = arith.constant 1 : i32
      %dma_wait3A_630 = arith.constant 10 : i32
      %dma_wait3A_631 = arith.constant 0 : i32
      %dma_wait3A_632 = arith.constant 0 : i32
      %dma_wait3A_633 = tpu.memref_slice %arg9[%dma_wait3A_629, %dma_wait3A_631, %dma_wait3A_632] : memref<2x256x32xf32, #tpu.memory_space<vmem>> -> memref<1x128x32xf32, #tpu.memory_space<vmem>>
      %dma_wait3A_634 = tpu.memref_squeeze %dma_wait3A_633 : memref<1x128x32xf32, #tpu.memory_space<vmem>> -> memref<128x32xf32, #tpu.memory_space<vmem>>
      %dma_wait3A_635 = arith.constant 0 : i32
      %dma_wait3A_636 = tpu.memref_slice %arg8[%select_n3A_80, %dma_wait3A_630, %dma_wait3A_635] : memref<2x14x128xi32, #tpu.memory_space<vmem>> -> memref<1x1x128xi32, #tpu.memory_space<vmem>>
      %dma_wait3A_637 = tpu.memref_squeeze %dma_wait3A_636 : memref<1x1x128xi32, #tpu.memory_space<vmem>> -> memref<128xi32, #tpu.memory_space<vmem>>
      %dma_wait3A_638 = arith.constant 0 : i32
      %dma_wait3A_639 = arith.constant 0 : i32
      %dma_wait3A_640 = tpu.memref_slice %arg6[%dma_wait3A_638, %dma_wait3A_639] : memref<50400x32xf32, #tpu.memory_space<vmem_shared>> -> memref<50400x32xf32, #tpu.memory_space<vmem_shared>>
      tpu.wait_indirect_dma semaphore(%arg14 : memref<!tpu.dma_semaphore, #tpu.memory_space<semaphore_mem>>) src(%dma_wait3A_634 : memref<128x32xf32, #tpu.memory_space<vmem>>) dst(%dma_wait3A_640 : memref<50400x32xf32, #tpu.memory_space<vmem_shared>>)
      %dma_wait3A_641 = arith.constant 1 : i32
      %dma_wait3A_642 = arith.constant 11 : i32
      %dma_wait3A_643 = arith.constant 128 : i32
      %dma_wait3A_644 = arith.constant 0 : i32
      %dma_wait3A_645 = tpu.memref_slice %arg9[%dma_wait3A_641, %dma_wait3A_643, %dma_wait3A_644] : memref<2x256x32xf32, #tpu.memory_space<vmem>> -> memref<1x128x32xf32, #tpu.memory_space<vmem>>
      %dma_wait3A_646 = tpu.memref_squeeze %dma_wait3A_645 : memref<1x128x32xf32, #tpu.memory_space<vmem>> -> memref<128x32xf32, #tpu.memory_space<vmem>>
      %dma_wait3A_647 = arith.constant 0 : i32
      %dma_wait3A_648 = tpu.memref_slice %arg8[%select_n3A_80, %dma_wait3A_642, %dma_wait3A_647] : memref<2x14x128xi32, #tpu.memory_space<vmem>> -> memref<1x1x128xi32, #tpu.memory_space<vmem>>
      %dma_wait3A_649 = tpu.memref_squeeze %dma_wait3A_648 : memref<1x1x128xi32, #tpu.memory_space<vmem>> -> memref<128xi32, #tpu.memory_space<vmem>>
      %dma_wait3A_650 = arith.constant 0 : i32
      %dma_wait3A_651 = arith.constant 0 : i32
      %dma_wait3A_652 = tpu.memref_slice %arg6[%dma_wait3A_650, %dma_wait3A_651] : memref<50400x32xf32, #tpu.memory_space<vmem_shared>> -> memref<50400x32xf32, #tpu.memory_space<vmem_shared>>
      tpu.wait_indirect_dma semaphore(%arg14 : memref<!tpu.dma_semaphore, #tpu.memory_space<semaphore_mem>>) src(%dma_wait3A_646 : memref<128x32xf32, #tpu.memory_space<vmem>>) dst(%dma_wait3A_652 : memref<50400x32xf32, #tpu.memory_space<vmem_shared>>)
      %dma_wait3A_653 = arith.constant 0 : i32
      %dma_wait3A_654 = arith.constant 12 : i32
      %dma_wait3A_655 = arith.constant 0 : i32
      %dma_wait3A_656 = arith.constant 0 : i32
      %dma_wait3A_657 = tpu.memref_slice %arg9[%dma_wait3A_653, %dma_wait3A_655, %dma_wait3A_656] : memref<2x256x32xf32, #tpu.memory_space<vmem>> -> memref<1x128x32xf32, #tpu.memory_space<vmem>>
      %dma_wait3A_658 = tpu.memref_squeeze %dma_wait3A_657 : memref<1x128x32xf32, #tpu.memory_space<vmem>> -> memref<128x32xf32, #tpu.memory_space<vmem>>
      %dma_wait3A_659 = arith.constant 0 : i32
      %dma_wait3A_660 = tpu.memref_slice %arg8[%select_n3A_80, %dma_wait3A_654, %dma_wait3A_659] : memref<2x14x128xi32, #tpu.memory_space<vmem>> -> memref<1x1x128xi32, #tpu.memory_space<vmem>>
      %dma_wait3A_661 = tpu.memref_squeeze %dma_wait3A_660 : memref<1x1x128xi32, #tpu.memory_space<vmem>> -> memref<128xi32, #tpu.memory_space<vmem>>
      %dma_wait3A_662 = arith.constant 0 : i32
      %dma_wait3A_663 = arith.constant 0 : i32
      %dma_wait3A_664 = tpu.memref_slice %arg6[%dma_wait3A_662, %dma_wait3A_663] : memref<50400x32xf32, #tpu.memory_space<vmem_shared>> -> memref<50400x32xf32, #tpu.memory_space<vmem_shared>>
      tpu.wait_indirect_dma semaphore(%arg13 : memref<!tpu.dma_semaphore, #tpu.memory_space<semaphore_mem>>) src(%dma_wait3A_658 : memref<128x32xf32, #tpu.memory_space<vmem>>) dst(%dma_wait3A_664 : memref<50400x32xf32, #tpu.memory_space<vmem_shared>>)
      %dma_wait3A_665 = arith.constant 0 : i32
      %dma_wait3A_666 = arith.constant 13 : i32
      %dma_wait3A_667 = arith.constant 128 : i32
      %dma_wait3A_668 = arith.constant 0 : i32
      %dma_wait3A_669 = tpu.memref_slice %arg9[%dma_wait3A_665, %dma_wait3A_667, %dma_wait3A_668] : memref<2x256x32xf32, #tpu.memory_space<vmem>> -> memref<1x128x32xf32, #tpu.memory_space<vmem>>
      %dma_wait3A_670 = tpu.memref_squeeze %dma_wait3A_669 : memref<1x128x32xf32, #tpu.memory_space<vmem>> -> memref<128x32xf32, #tpu.memory_space<vmem>>
      %dma_wait3A_671 = arith.constant 0 : i32
      %dma_wait3A_672 = tpu.memref_slice %arg8[%select_n3A_80, %dma_wait3A_666, %dma_wait3A_671] : memref<2x14x128xi32, #tpu.memory_space<vmem>> -> memref<1x1x128xi32, #tpu.memory_space<vmem>>
      %dma_wait3A_673 = tpu.memref_squeeze %dma_wait3A_672 : memref<1x1x128xi32, #tpu.memory_space<vmem>> -> memref<128xi32, #tpu.memory_space<vmem>>
      %dma_wait3A_674 = arith.constant 0 : i32
      %dma_wait3A_675 = arith.constant 0 : i32
      %dma_wait3A_676 = tpu.memref_slice %arg6[%dma_wait3A_674, %dma_wait3A_675] : memref<50400x32xf32, #tpu.memory_space<vmem_shared>> -> memref<50400x32xf32, #tpu.memory_space<vmem_shared>>
      tpu.wait_indirect_dma semaphore(%arg13 : memref<!tpu.dma_semaphore, #tpu.memory_space<semaphore_mem>>) src(%dma_wait3A_670 : memref<128x32xf32, #tpu.memory_space<vmem>>) dst(%dma_wait3A_676 : memref<50400x32xf32, #tpu.memory_space<vmem_shared>>)
      %scan3A_677 = arith.constant 0 : i32
      scf.yield %scan3A_677 : i32
    }
    %scan3A_62 = arith.constant 28 : i32
    %barrier3A_63 = arith.constant 0 : index
    tpu.barrier barrier_id(%barrier3A_63)
    %scan3A_64 = arith.constant 0 : i32
    %scan3A_65 = arith.constant 0 : i32
    %scan3A_66 = arith.constant 5 : i32
    %scan3A_67 = arith.addi %scan3A_65, %scan3A_66 : i32
    %scan3A_68 = arith.constant 1 : i32
    %scan3A_69 = scf.for %scan3A_71 = %scan3A_65 to %scan3A_67 step %scan3A_68 iter_args(%scan3A_72 = %scan3A_64) -> (i32)  : i32 {
      %mul3A_73 = arith.constant 5 : i32
      %mul3A_74 = arith.muli %arg1, %mul3A_73 : i32
      %add3A = arith.addi %mul3A_74, %scan3A_71 : i32
      %mul3A_75 = arith.constant 625 : i32
      %mul3A_76 = arith.muli %add3A, %mul3A_75 : i32
      %mul3A_77 = arith.constant 5 : i32
      %mul3A_78 = arith.muli %arg1, %mul3A_77 : i32
      %add3A_79 = arith.addi %mul3A_78, %scan3A_71 : i32
      "tpu.region"() ({
        %run_scoped3A = tpu.sem_alloc : memref<!tpu.dma_semaphore, #tpu.memory_space<semaphore_mem>>
        %dma_start3A_81 = arith.constant 0 : i32
        %dma_start3A_82 = arith.constant 0 : i32
        %dma_start3A_83 = tpu.memref_slice %arg5[%arg0, %add3A_79, %dma_start3A_81, %dma_start3A_82] : memref<2x80x625x32xf32, #tpu.memory_space<hbm>> -> memref<1x1x625x32xf32, #tpu.memory_space<hbm>>
        %dma_start3A_84 = tpu.memref_squeeze %dma_start3A_83 : memref<1x1x625x32xf32, #tpu.memory_space<hbm>> -> memref<625x32xf32, #tpu.memory_space<hbm>>
        %dma_start3A_85 = arith.constant 0 : i32
        %dma_start3A_86 = tpu.memref_slice %arg6[%mul3A_76, %dma_start3A_85] : memref<50400x32xf32, #tpu.memory_space<vmem_shared>> -> memref<625x32xf32, #tpu.memory_space<vmem_shared>>
        tpu.enqueue_dma source(%dma_start3A_86 : memref<625x32xf32, #tpu.memory_space<vmem_shared>>) target(%dma_start3A_84 : memref<625x32xf32, #tpu.memory_space<hbm>>) target_semaphore(%run_scoped3A : memref<!tpu.dma_semaphore, #tpu.memory_space<semaphore_mem>>)
        %dma_wait3A = arith.constant 0 : i32
        %dma_wait3A_87 = arith.constant 0 : i32
        %dma_wait3A_88 = tpu.memref_slice %arg5[%arg0, %add3A_79, %dma_wait3A, %dma_wait3A_87] : memref<2x80x625x32xf32, #tpu.memory_space<hbm>> -> memref<1x1x625x32xf32, #tpu.memory_space<hbm>>
        %dma_wait3A_89 = tpu.memref_squeeze %dma_wait3A_88 : memref<1x1x625x32xf32, #tpu.memory_space<hbm>> -> memref<625x32xf32, #tpu.memory_space<hbm>>
        %dma_wait3A_90 = arith.constant 0 : i32
        %dma_wait3A_91 = tpu.memref_slice %arg6[%mul3A_76, %dma_wait3A_90] : memref<50400x32xf32, #tpu.memory_space<vmem_shared>> -> memref<625x32xf32, #tpu.memory_space<vmem_shared>>
        tpu.wait_dma2 semaphore(%run_scoped3A : memref<!tpu.dma_semaphore, #tpu.memory_space<semaphore_mem>>) src(%dma_wait3A_91 : memref<625x32xf32, #tpu.memory_space<vmem_shared>>) dst(%dma_wait3A_89 : memref<625x32xf32, #tpu.memory_space<hbm>>)
        tpu.yield
      }) : () -> ()
      %scan3A_80 = arith.constant 0 : i32
      scf.yield %scan3A_80 : i32
    }
    %scan3A_70 = arith.constant 5 : i32
    return
  }
}

#map = affine_map<(d0, d1) -> (0, 0, 0)>
#map1 = affine_map<(d0, d1) -> (0, 0, 0, 0)>
module attributes {stable_mosaic.version = 14 : i64} {
  func.func @body(%arg0: i32, %arg1: i32, %arg2: memref<1x50000x16xf32, #tpu.memory_space<hbm>>, %arg3: memref<32x14x7x256xi32, #tpu.memory_space<hbm>>, %arg4: memref<32x14x14x128xi32, #tpu.memory_space<hbm>>, %arg5: memref<2x80x625x16xf32, #tpu.memory_space<hbm>>, %arg6: memref<50400x16xf32, #tpu.memory_space<vmem_shared>>, %arg7: memref<2x7x256xi32, #tpu.memory_space<vmem>>, %arg8: memref<2x14x128xi32, #tpu.memory_space<vmem>>, %arg9: memref<2x256x16xf32, #tpu.memory_space<vmem>>, %arg10: memref<90x16xf32, #tpu.memory_space<vmem>>, %arg11: memref<!tpu.dma_semaphore, #tpu.memory_space<semaphore_mem>>, %arg12: memref<!tpu.dma_semaphore, #tpu.memory_space<semaphore_mem>>, %arg13: memref<!tpu.dma_semaphore, #tpu.memory_space<semaphore_mem>>, %arg14: memref<!tpu.dma_semaphore, #tpu.memory_space<semaphore_mem>>, %arg15: memref<!tpu.dma_semaphore, #tpu.memory_space<semaphore_mem>>) attributes {dimension_semantics = [#tpu.dimension_semantics<core_parallel>, #tpu.dimension_semantics<subcore_parallel>], iteration_bounds = array<i64: 2, 16>, scalar_prefetch = 0 : i64, scratch_operands = 10 : i64, tpu.core_type = #tpu.core_type<sc_vector_subcore>, window_params = [{transform_indices = #map}, {transform_indices = #map1}, {transform_indices = #map1}, {transform_indices = #map1}]} {
    %mul3A = arith.constant 16 : i32
    %mul3A_0 = arith.muli %arg0, %mul3A : i32
    %add3A = arith.addi %mul3A_0, %arg1 : i32
    %dma_start3A = arith.constant 0 : i32
    %dma_start3A_1 = arith.constant 0 : i32
    %dma_start3A_2 = arith.constant 0 : i32
    %dma_start3A_3 = arith.constant 0 : i32
    %dma_start3A_4 = tpu.memref_slice %arg7[%dma_start3A_1, %dma_start3A_2, %dma_start3A_3] : memref<2x7x256xi32, #tpu.memory_space<vmem>> -> memref<1x7x256xi32, #tpu.memory_space<vmem>>
    %dma_start3A_5 = tpu.memref_squeeze %dma_start3A_4 : memref<1x7x256xi32, #tpu.memory_space<vmem>> -> memref<7x256xi32, #tpu.memory_space<vmem>>
    %dma_start3A_6 = arith.constant 0 : i32
    %dma_start3A_7 = arith.constant 0 : i32
    %dma_start3A_8 = tpu.memref_slice %arg3[%add3A, %dma_start3A, %dma_start3A_6, %dma_start3A_7] : memref<32x14x7x256xi32, #tpu.memory_space<hbm>> -> memref<1x1x7x256xi32, #tpu.memory_space<hbm>>
    %dma_start3A_9 = tpu.memref_squeeze %dma_start3A_8 : memref<1x1x7x256xi32, #tpu.memory_space<hbm>> -> memref<7x256xi32, #tpu.memory_space<hbm>>
    %dma_start3A_10 = arith.constant 0 : i32
    %dma_start3A_11 = arith.constant 0 : i32
    %dma_start3A_12 = tpu.memref_slice %arg7[%dma_start3A_1, %dma_start3A_10, %dma_start3A_11] : memref<2x7x256xi32, #tpu.memory_space<vmem>> -> memref<1x7x256xi32, #tpu.memory_space<vmem>>
    %dma_start3A_13 = tpu.memref_squeeze %dma_start3A_12 : memref<1x7x256xi32, #tpu.memory_space<vmem>> -> memref<7x256xi32, #tpu.memory_space<vmem>>
    %dma_start3A_14 = arith.constant 0 : i32
    %dma_start3A_15 = arith.constant 0 : i32
    %dma_start3A_16 = tpu.memref_slice %arg3[%add3A, %dma_start3A, %dma_start3A_14, %dma_start3A_15] : memref<32x14x7x256xi32, #tpu.memory_space<hbm>> -> memref<1x1x7x256xi32, #tpu.memory_space<hbm>>
    %dma_start3A_17 = tpu.memref_squeeze %dma_start3A_16 : memref<1x1x7x256xi32, #tpu.memory_space<hbm>> -> memref<7x256xi32, #tpu.memory_space<hbm>>
    tpu.enqueue_dma source(%dma_start3A_17 : memref<7x256xi32, #tpu.memory_space<hbm>>) target(%dma_start3A_13 : memref<7x256xi32, #tpu.memory_space<vmem>>) target_semaphore(%arg15 : memref<!tpu.dma_semaphore, #tpu.memory_space<semaphore_mem>>)
    %dma_start3A_18 = arith.constant 0 : i32
    %dma_start3A_19 = arith.constant 0 : i32
    %dma_start3A_20 = arith.constant 0 : i32
    %dma_start3A_21 = arith.constant 0 : i32
    %dma_start3A_22 = tpu.memref_slice %arg8[%dma_start3A_19, %dma_start3A_20, %dma_start3A_21] : memref<2x14x128xi32, #tpu.memory_space<vmem>> -> memref<1x14x128xi32, #tpu.memory_space<vmem>>
    %dma_start3A_23 = tpu.memref_squeeze %dma_start3A_22 : memref<1x14x128xi32, #tpu.memory_space<vmem>> -> memref<14x128xi32, #tpu.memory_space<vmem>>
    %dma_start3A_24 = arith.constant 0 : i32
    %dma_start3A_25 = arith.constant 0 : i32
    %dma_start3A_26 = tpu.memref_slice %arg4[%add3A, %dma_start3A_18, %dma_start3A_24, %dma_start3A_25] : memref<32x14x14x128xi32, #tpu.memory_space<hbm>> -> memref<1x1x14x128xi32, #tpu.memory_space<hbm>>
    %dma_start3A_27 = tpu.memref_squeeze %dma_start3A_26 : memref<1x1x14x128xi32, #tpu.memory_space<hbm>> -> memref<14x128xi32, #tpu.memory_space<hbm>>
    %dma_start3A_28 = arith.constant 0 : i32
    %dma_start3A_29 = arith.constant 0 : i32
    %dma_start3A_30 = tpu.memref_slice %arg8[%dma_start3A_19, %dma_start3A_28, %dma_start3A_29] : memref<2x14x128xi32, #tpu.memory_space<vmem>> -> memref<1x14x128xi32, #tpu.memory_space<vmem>>
    %dma_start3A_31 = tpu.memref_squeeze %dma_start3A_30 : memref<1x14x128xi32, #tpu.memory_space<vmem>> -> memref<14x128xi32, #tpu.memory_space<vmem>>
    %dma_start3A_32 = arith.constant 0 : i32
    %dma_start3A_33 = arith.constant 0 : i32
    %dma_start3A_34 = tpu.memref_slice %arg4[%add3A, %dma_start3A_18, %dma_start3A_32, %dma_start3A_33] : memref<32x14x14x128xi32, #tpu.memory_space<hbm>> -> memref<1x1x14x128xi32, #tpu.memory_space<hbm>>
    %dma_start3A_35 = tpu.memref_squeeze %dma_start3A_34 : memref<1x1x14x128xi32, #tpu.memory_space<hbm>> -> memref<14x128xi32, #tpu.memory_space<hbm>>
    tpu.enqueue_dma source(%dma_start3A_35 : memref<14x128xi32, #tpu.memory_space<hbm>>) target(%dma_start3A_31 : memref<14x128xi32, #tpu.memory_space<vmem>>) target_semaphore(%arg15 : memref<!tpu.dma_semaphore, #tpu.memory_space<semaphore_mem>>)
    %scan3A = arith.constant 0 : i32
    %scan3A_36 = arith.constant 0 : i32
    %scan3A_37 = arith.constant 90 : i32
    %scan3A_38 = arith.addi %scan3A_36, %scan3A_37 : i32
    %scan3A_39 = arith.constant 1 : i32
    %scan3A_40 = scf.for %scan3A_74 = %scan3A_36 to %scan3A_38 step %scan3A_39 iter_args(%scan3A_75 = %scan3A) -> (i32)  : i32 {
      %broadcast_in_dim3A = arith.constant 0.000000e+00 : f32
      %broadcast_in_dim3A_76 = vector.broadcast %broadcast_in_dim3A : f32 to vector<16xf32>
      %swap3A = arith.index_cast %scan3A_74 : i32 to index
      %swap3A_77 = arith.constant 0 : index
      %swap3A_78 = tpu.vector_load %arg10[%swap3A, %swap3A_77] {strides = array<i32>} : memref<90x16xf32, #tpu.memory_space<vmem>>, vector<1x16xf32>,
      %swap3A_79 = vector.shape_cast %swap3A_78 : vector<1x16xf32> to vector<16xf32>
      %swap3A_80 = vector.shape_cast %broadcast_in_dim3A_76 : vector<16xf32> to vector<1x16xf32>
      tpu.vector_store %arg10[%swap3A, %swap3A_77], %swap3A_80 {strides = array<i32>} : memref<90x16xf32, #tpu.memory_space<vmem>>, vector<1x16xf32>,
      %scan3A_81 = arith.constant 0 : i32
      scf.yield %scan3A_81 : i32
    }
    %scan3A_41 = arith.constant 90 : i32
    %mul3A_42 = arith.constant 3150 : i32
    %mul3A_43 = arith.muli %arg1, %mul3A_42 : i32
    %scan3A_44 = arith.constant 0 : i32
    %scan3A_45 = arith.constant 0 : i32
    %scan3A_46 = arith.constant 35 : i32
    %scan3A_47 = arith.addi %scan3A_45, %scan3A_46 : i32
    %scan3A_48 = arith.constant 1 : i32
    %scan3A_49 = scf.for %scan3A_74 = %scan3A_45 to %scan3A_47 step %scan3A_48 iter_args(%scan3A_75 = %scan3A_44) -> (i32)  : i32 {
      %mul3A_76 = arith.constant 90 : i32
      %mul3A_77 = arith.muli %scan3A_74, %mul3A_76 : i32
      %add3A_78 = arith.addi %mul3A_43, %mul3A_77 : i32
      %dma_start3A_79 = arith.constant 0 : i32
      %dma_start3A_80 = tpu.memref_slice %arg6[%add3A_78, %dma_start3A_79] : memref<50400x16xf32, #tpu.memory_space<vmem_shared>> -> memref<90x16xf32, #tpu.memory_space<vmem_shared>>
      %dma_start3A_81 = arith.constant 0 : i32
      %dma_start3A_82 = tpu.memref_slice %arg6[%add3A_78, %dma_start3A_81] : memref<50400x16xf32, #tpu.memory_space<vmem_shared>> -> memref<90x16xf32, #tpu.memory_space<vmem_shared>>
      tpu.enqueue_dma source(%arg10 : memref<90x16xf32, #tpu.memory_space<vmem>>) target(%dma_start3A_82 : memref<90x16xf32, #tpu.memory_space<vmem_shared>>) target_semaphore(%arg13 : memref<!tpu.dma_semaphore, #tpu.memory_space<semaphore_mem>>)
      %scan3A_83 = arith.constant 0 : i32
      scf.yield %scan3A_83 : i32
    }
    %scan3A_50 = arith.constant 35 : i32
    %scan3A_51 = arith.constant 0 : i32
    %scan3A_52 = arith.constant 0 : i32
    %scan3A_53 = arith.constant 35 : i32
    %scan3A_54 = arith.addi %scan3A_52, %scan3A_53 : i32
    %scan3A_55 = arith.constant 1 : i32
    %scan3A_56 = scf.for %scan3A_74 = %scan3A_52 to %scan3A_54 step %scan3A_55 iter_args(%scan3A_75 = %scan3A_51) -> (i32)  : i32 {
      %mul3A_76 = arith.constant 90 : i32
      %mul3A_77 = arith.muli %scan3A_74, %mul3A_76 : i32
      %add3A_78 = arith.addi %mul3A_43, %mul3A_77 : i32
      %dma_wait3A = arith.constant 0 : i32
      %dma_wait3A_79 = tpu.memref_slice %arg6[%add3A_78, %dma_wait3A] : memref<50400x16xf32, #tpu.memory_space<vmem_shared>> -> memref<90x16xf32, #tpu.memory_space<vmem_shared>>
      %dma_wait3A_80 = arith.constant 0 : i32
      %dma_wait3A_81 = tpu.memref_slice %arg6[%add3A_78, %dma_wait3A_80] : memref<50400x16xf32, #tpu.memory_space<vmem_shared>> -> memref<90x16xf32, #tpu.memory_space<vmem_shared>>
      tpu.wait_dma2 semaphore(%arg13 : memref<!tpu.dma_semaphore, #tpu.memory_space<semaphore_mem>>) src(%arg10 : memref<90x16xf32, #tpu.memory_space<vmem>>) dst(%dma_wait3A_81 : memref<90x16xf32, #tpu.memory_space<vmem_shared>>)
      %scan3A_82 = arith.constant 0 : i32
      scf.yield %scan3A_82 : i32
    }
    %scan3A_57 = arith.constant 35 : i32
    %barrier3A = arith.constant 0 : index
    tpu.barrier barrier_id(%barrier3A)
    %scan3A_58 = arith.constant 0 : i32
    %scan3A_59 = arith.constant 0 : i32
    %scan3A_60 = arith.constant 0 : i32
    %scan3A_61 = arith.constant 14 : i32
    %scan3A_62 = arith.addi %scan3A_60, %scan3A_61 : i32
    %scan3A_63 = arith.constant 1 : i32
    %scan3A_64 = scf.for %scan3A_74 = %scan3A_60 to %scan3A_62 step %scan3A_63 iter_args(%scan3A_75 = %scan3A_59) -> (i32)  : i32 {
      %jit3A = arith.constant 2 : i32
      %eq3A = arith.constant 0 : i32
      %eq3A_76 = arith.cmpi eq, %jit3A, %eq3A : i32
      %jit3A_77 = arith.constant 1 : i32
      %select_n3A = arith.select %eq3A_76, %jit3A_77, %jit3A : i32
      %rem3A = arith.remsi %scan3A_74, %select_n3A : i32
      %ne3A = arith.constant 0 : i32
      %ne3A_78 = arith.cmpi ne, %rem3A, %ne3A : i32
      %lt3A = arith.constant 0 : i32
      %lt3A_79 = arith.cmpi slt, %rem3A, %lt3A : i32
      %lt3A_80 = arith.constant 0 : i32
      %lt3A_81 = arith.cmpi slt, %select_n3A, %lt3A_80 : i32
      %ne3A_82 = arith.xori %lt3A_79, %lt3A_81 : i1
      %and3A = arith.andi %ne3A_82, %ne3A_78 : i1
      %add3A_83 = arith.addi %rem3A, %select_n3A : i32
      %select_n3A_84 = arith.select %and3A, %add3A_83, %rem3A : i32
      %dma_wait3A = arith.constant 0 : i32
      %dma_wait3A_85 = arith.constant 0 : i32
      %dma_wait3A_86 = tpu.memref_slice %arg7[%select_n3A_84, %dma_wait3A, %dma_wait3A_85] : memref<2x7x256xi32, #tpu.memory_space<vmem>> -> memref<1x7x256xi32, #tpu.memory_space<vmem>>
      %dma_wait3A_87 = tpu.memref_squeeze %dma_wait3A_86 : memref<1x7x256xi32, #tpu.memory_space<vmem>> -> memref<7x256xi32, #tpu.memory_space<vmem>>
      %dma_wait3A_88 = arith.constant 0 : i32
      %dma_wait3A_89 = arith.constant 0 : i32
      %dma_wait3A_90 = tpu.memref_slice %arg3[%add3A, %scan3A_74, %dma_wait3A_88, %dma_wait3A_89] : memref<32x14x7x256xi32, #tpu.memory_space<hbm>> -> memref<1x1x7x256xi32, #tpu.memory_space<hbm>>
      %dma_wait3A_91 = tpu.memref_squeeze %dma_wait3A_90 : memref<1x1x7x256xi32, #tpu.memory_space<hbm>> -> memref<7x256xi32, #tpu.memory_space<hbm>>
      %dma_wait3A_92 = arith.constant 0 : i32
      %dma_wait3A_93 = arith.constant 0 : i32
      %dma_wait3A_94 = tpu.memref_slice %arg7[%select_n3A_84, %dma_wait3A_92, %dma_wait3A_93] : memref<2x7x256xi32, #tpu.memory_space<vmem>> -> memref<1x7x256xi32, #tpu.memory_space<vmem>>
      %dma_wait3A_95 = tpu.memref_squeeze %dma_wait3A_94 : memref<1x7x256xi32, #tpu.memory_space<vmem>> -> memref<7x256xi32, #tpu.memory_space<vmem>>
      %dma_wait3A_96 = arith.constant 0 : i32
      %dma_wait3A_97 = arith.constant 0 : i32
      %dma_wait3A_98 = tpu.memref_slice %arg3[%add3A, %scan3A_74, %dma_wait3A_96, %dma_wait3A_97] : memref<32x14x7x256xi32, #tpu.memory_space<hbm>> -> memref<1x1x7x256xi32, #tpu.memory_space<hbm>>
      %dma_wait3A_99 = tpu.memref_squeeze %dma_wait3A_98 : memref<1x1x7x256xi32, #tpu.memory_space<hbm>> -> memref<7x256xi32, #tpu.memory_space<hbm>>
      tpu.wait_dma2 semaphore(%arg15 : memref<!tpu.dma_semaphore, #tpu.memory_space<semaphore_mem>>) src(%dma_wait3A_99 : memref<7x256xi32, #tpu.memory_space<hbm>>) dst(%dma_wait3A_95 : memref<7x256xi32, #tpu.memory_space<vmem>>)
      %dma_wait3A_100 = arith.constant 0 : i32
      %dma_wait3A_101 = arith.constant 0 : i32
      %dma_wait3A_102 = tpu.memref_slice %arg8[%select_n3A_84, %dma_wait3A_100, %dma_wait3A_101] : memref<2x14x128xi32, #tpu.memory_space<vmem>> -> memref<1x14x128xi32, #tpu.memory_space<vmem>>
      %dma_wait3A_103 = tpu.memref_squeeze %dma_wait3A_102 : memref<1x14x128xi32, #tpu.memory_space<vmem>> -> memref<14x128xi32, #tpu.memory_space<vmem>>
      %dma_wait3A_104 = arith.constant 0 : i32
      %dma_wait3A_105 = arith.constant 0 : i32
      %dma_wait3A_106 = tpu.memref_slice %arg4[%add3A, %scan3A_74, %dma_wait3A_104, %dma_wait3A_105] : memref<32x14x14x128xi32, #tpu.memory_space<hbm>> -> memref<1x1x14x128xi32, #tpu.memory_space<hbm>>
      %dma_wait3A_107 = tpu.memref_squeeze %dma_wait3A_106 : memref<1x1x14x128xi32, #tpu.memory_space<hbm>> -> memref<14x128xi32, #tpu.memory_space<hbm>>
      %dma_wait3A_108 = arith.constant 0 : i32
      %dma_wait3A_109 = arith.constant 0 : i32
      %dma_wait3A_110 = tpu.memref_slice %arg8[%select_n3A_84, %dma_wait3A_108, %dma_wait3A_109] : memref<2x14x128xi32, #tpu.memory_space<vmem>> -> memref<1x14x128xi32, #tpu.memory_space<vmem>>
      %dma_wait3A_111 = tpu.memref_squeeze %dma_wait3A_110 : memref<1x14x128xi32, #tpu.memory_space<vmem>> -> memref<14x128xi32, #tpu.memory_space<vmem>>
      %dma_wait3A_112 = arith.constant 0 : i32
      %dma_wait3A_113 = arith.constant 0 : i32
      %dma_wait3A_114 = tpu.memref_slice %arg4[%add3A, %scan3A_74, %dma_wait3A_112, %dma_wait3A_113] : memref<32x14x14x128xi32, #tpu.memory_space<hbm>> -> memref<1x1x14x128xi32, #tpu.memory_space<hbm>>
      %dma_wait3A_115 = tpu.memref_squeeze %dma_wait3A_114 : memref<1x1x14x128xi32, #tpu.memory_space<hbm>> -> memref<14x128xi32, #tpu.memory_space<hbm>>
      tpu.wait_dma2 semaphore(%arg15 : memref<!tpu.dma_semaphore, #tpu.memory_space<semaphore_mem>>) src(%dma_wait3A_115 : memref<14x128xi32, #tpu.memory_space<hbm>>) dst(%dma_wait3A_111 : memref<14x128xi32, #tpu.memory_space<vmem>>)
      %add3A_116 = arith.constant 1 : i32
      %add3A_117 = arith.addi %scan3A_74, %add3A_116 : i32
      %lt3A_118 = arith.constant 14 : i32
      %lt3A_119 = arith.cmpi slt, %add3A_117, %lt3A_118 : i32
      %convert_element_type3A = arith.extui %lt3A_119 : i1 to i32
      %cond3A = arith.constant 0 : i32
      %cond3A_120 = arith.cmpi ne, %convert_element_type3A, %cond3A : i32
      scf.if %cond3A_120 {
        %add3A_682 = arith.constant 1 : i32
        %add3A_683 = arith.addi %scan3A_74, %add3A_682 : i32
        %sub3A = arith.constant 1 : i32
        %sub3A_684 = arith.subi %sub3A, %select_n3A_84 : i32
        %dma_start3A_685 = arith.constant 0 : i32
        %dma_start3A_686 = arith.constant 0 : i32
        %dma_start3A_687 = tpu.memref_slice %arg7[%sub3A_684, %dma_start3A_685, %dma_start3A_686] : memref<2x7x256xi32, #tpu.memory_space<vmem>> -> memref<1x7x256xi32, #tpu.memory_space<vmem>>
        %dma_start3A_688 = tpu.memref_squeeze %dma_start3A_687 : memref<1x7x256xi32, #tpu.memory_space<vmem>> -> memref<7x256xi32, #tpu.memory_space<vmem>>
        %dma_start3A_689 = arith.constant 0 : i32
        %dma_start3A_690 = arith.constant 0 : i32
        %dma_start3A_691 = tpu.memref_slice %arg3[%add3A, %add3A_683, %dma_start3A_689, %dma_start3A_690] : memref<32x14x7x256xi32, #tpu.memory_space<hbm>> -> memref<1x1x7x256xi32, #tpu.memory_space<hbm>>
        %dma_start3A_692 = tpu.memref_squeeze %dma_start3A_691 : memref<1x1x7x256xi32, #tpu.memory_space<hbm>> -> memref<7x256xi32, #tpu.memory_space<hbm>>
        %dma_start3A_693 = arith.constant 0 : i32
        %dma_start3A_694 = arith.constant 0 : i32
        %dma_start3A_695 = tpu.memref_slice %arg7[%sub3A_684, %dma_start3A_693, %dma_start3A_694] : memref<2x7x256xi32, #tpu.memory_space<vmem>> -> memref<1x7x256xi32, #tpu.memory_space<vmem>>
        %dma_start3A_696 = tpu.memref_squeeze %dma_start3A_695 : memref<1x7x256xi32, #tpu.memory_space<vmem>> -> memref<7x256xi32, #tpu.memory_space<vmem>>
        %dma_start3A_697 = arith.constant 0 : i32
        %dma_start3A_698 = arith.constant 0 : i32
        %dma_start3A_699 = tpu.memref_slice %arg3[%add3A, %add3A_683, %dma_start3A_697, %dma_start3A_698] : memref<32x14x7x256xi32, #tpu.memory_space<hbm>> -> memref<1x1x7x256xi32, #tpu.memory_space<hbm>>
        %dma_start3A_700 = tpu.memref_squeeze %dma_start3A_699 : memref<1x1x7x256xi32, #tpu.memory_space<hbm>> -> memref<7x256xi32, #tpu.memory_space<hbm>>
        tpu.enqueue_dma source(%dma_start3A_700 : memref<7x256xi32, #tpu.memory_space<hbm>>) target(%dma_start3A_696 : memref<7x256xi32, #tpu.memory_space<vmem>>) target_semaphore(%arg15 : memref<!tpu.dma_semaphore, #tpu.memory_space<semaphore_mem>>)
        %add3A_701 = arith.constant 1 : i32
        %add3A_702 = arith.addi %scan3A_74, %add3A_701 : i32
        %sub3A_703 = arith.constant 1 : i32
        %sub3A_704 = arith.subi %sub3A_703, %select_n3A_84 : i32
        %dma_start3A_705 = arith.constant 0 : i32
        %dma_start3A_706 = arith.constant 0 : i32
        %dma_start3A_707 = tpu.memref_slice %arg8[%sub3A_704, %dma_start3A_705, %dma_start3A_706] : memref<2x14x128xi32, #tpu.memory_space<vmem>> -> memref<1x14x128xi32, #tpu.memory_space<vmem>>
        %dma_start3A_708 = tpu.memref_squeeze %dma_start3A_707 : memref<1x14x128xi32, #tpu.memory_space<vmem>> -> memref<14x128xi32, #tpu.memory_space<vmem>>
        %dma_start3A_709 = arith.constant 0 : i32
        %dma_start3A_710 = arith.constant 0 : i32
        %dma_start3A_711 = tpu.memref_slice %arg4[%add3A, %add3A_702, %dma_start3A_709, %dma_start3A_710] : memref<32x14x14x128xi32, #tpu.memory_space<hbm>> -> memref<1x1x14x128xi32, #tpu.memory_space<hbm>>
        %dma_start3A_712 = tpu.memref_squeeze %dma_start3A_711 : memref<1x1x14x128xi32, #tpu.memory_space<hbm>> -> memref<14x128xi32, #tpu.memory_space<hbm>>
        %dma_start3A_713 = arith.constant 0 : i32
        %dma_start3A_714 = arith.constant 0 : i32
        %dma_start3A_715 = tpu.memref_slice %arg8[%sub3A_704, %dma_start3A_713, %dma_start3A_714] : memref<2x14x128xi32, #tpu.memory_space<vmem>> -> memref<1x14x128xi32, #tpu.memory_space<vmem>>
        %dma_start3A_716 = tpu.memref_squeeze %dma_start3A_715 : memref<1x14x128xi32, #tpu.memory_space<vmem>> -> memref<14x128xi32, #tpu.memory_space<vmem>>
        %dma_start3A_717 = arith.constant 0 : i32
        %dma_start3A_718 = arith.constant 0 : i32
        %dma_start3A_719 = tpu.memref_slice %arg4[%add3A, %add3A_702, %dma_start3A_717, %dma_start3A_718] : memref<32x14x14x128xi32, #tpu.memory_space<hbm>> -> memref<1x1x14x128xi32, #tpu.memory_space<hbm>>
        %dma_start3A_720 = tpu.memref_squeeze %dma_start3A_719 : memref<1x1x14x128xi32, #tpu.memory_space<hbm>> -> memref<14x128xi32, #tpu.memory_space<hbm>>
        tpu.enqueue_dma source(%dma_start3A_720 : memref<14x128xi32, #tpu.memory_space<hbm>>) target(%dma_start3A_716 : memref<14x128xi32, #tpu.memory_space<vmem>>) target_semaphore(%arg15 : memref<!tpu.dma_semaphore, #tpu.memory_space<semaphore_mem>>)
      } else {
      }
      %dma_start3A_121 = arith.constant 0 : i32
      %dma_start3A_122 = arith.constant 0 : i32
      %dma_start3A_123 = arith.constant 0 : i32
      %dma_start3A_124 = arith.constant 0 : i32
      %dma_start3A_125 = tpu.memref_slice %arg9[%dma_start3A_122, %dma_start3A_123, %dma_start3A_124] : memref<2x256x16xf32, #tpu.memory_space<vmem>> -> memref<1x256x16xf32, #tpu.memory_space<vmem>>
      %dma_start3A_126 = tpu.memref_squeeze %dma_start3A_125 : memref<1x256x16xf32, #tpu.memory_space<vmem>> -> memref<256x16xf32, #tpu.memory_space<vmem>>
      %dma_start3A_127 = arith.constant 0 : i32
      %dma_start3A_128 = tpu.memref_slice %arg7[%select_n3A_84, %dma_start3A_121, %dma_start3A_127] : memref<2x7x256xi32, #tpu.memory_space<vmem>> -> memref<1x1x256xi32, #tpu.memory_space<vmem>>
      %dma_start3A_129 = tpu.memref_squeeze %dma_start3A_128 : memref<1x1x256xi32, #tpu.memory_space<vmem>> -> memref<256xi32, #tpu.memory_space<vmem>>
      %dma_start3A_130 = arith.constant 0 : i32
      %dma_start3A_131 = arith.constant 0 : i32
      %dma_start3A_132 = tpu.memref_slice %arg2[%scan3A_58, %dma_start3A_130, %dma_start3A_131] : memref<1x50000x16xf32, #tpu.memory_space<hbm>> -> memref<1x50000x16xf32, #tpu.memory_space<hbm>>
      %dma_start3A_133 = tpu.memref_squeeze %dma_start3A_132 : memref<1x50000x16xf32, #tpu.memory_space<hbm>> -> memref<50000x16xf32, #tpu.memory_space<hbm>>
      %dma_start3A_134 = arith.constant 0 : i32
      %dma_start3A_135 = arith.constant 0 : i32
      %dma_start3A_136 = tpu.memref_slice %dma_start3A_133[%dma_start3A_134, %dma_start3A_135] : memref<50000x16xf32, #tpu.memory_space<hbm>> -> memref<50000x16xf32, #tpu.memory_space<hbm>>
      tpu.enqueue_indirect_dma source(%dma_start3A_136 : memref<50000x16xf32, #tpu.memory_space<hbm>>) target(%dma_start3A_126 : memref<256x16xf32, #tpu.memory_space<vmem>>) offsets(%dma_start3A_129 : memref<256xi32, #tpu.memory_space<vmem>>) semaphore(%arg11 : memref<!tpu.dma_semaphore, #tpu.memory_space<semaphore_mem>>)
      %dma_start3A_137 = arith.constant 1 : i32
      %dma_start3A_138 = arith.constant 1 : i32
      %dma_start3A_139 = arith.constant 0 : i32
      %dma_start3A_140 = arith.constant 0 : i32
      %dma_start3A_141 = tpu.memref_slice %arg9[%dma_start3A_138, %dma_start3A_139, %dma_start3A_140] : memref<2x256x16xf32, #tpu.memory_space<vmem>> -> memref<1x256x16xf32, #tpu.memory_space<vmem>>
      %dma_start3A_142 = tpu.memref_squeeze %dma_start3A_141 : memref<1x256x16xf32, #tpu.memory_space<vmem>> -> memref<256x16xf32, #tpu.memory_space<vmem>>
      %dma_start3A_143 = arith.constant 0 : i32
      %dma_start3A_144 = tpu.memref_slice %arg7[%select_n3A_84, %dma_start3A_137, %dma_start3A_143] : memref<2x7x256xi32, #tpu.memory_space<vmem>> -> memref<1x1x256xi32, #tpu.memory_space<vmem>>
      %dma_start3A_145 = tpu.memref_squeeze %dma_start3A_144 : memref<1x1x256xi32, #tpu.memory_space<vmem>> -> memref<256xi32, #tpu.memory_space<vmem>>
      %dma_start3A_146 = arith.constant 0 : i32
      %dma_start3A_147 = arith.constant 0 : i32
      %dma_start3A_148 = tpu.memref_slice %arg2[%scan3A_58, %dma_start3A_146, %dma_start3A_147] : memref<1x50000x16xf32, #tpu.memory_space<hbm>> -> memref<1x50000x16xf32, #tpu.memory_space<hbm>>
      %dma_start3A_149 = tpu.memref_squeeze %dma_start3A_148 : memref<1x50000x16xf32, #tpu.memory_space<hbm>> -> memref<50000x16xf32, #tpu.memory_space<hbm>>
      %dma_start3A_150 = arith.constant 0 : i32
      %dma_start3A_151 = arith.constant 0 : i32
      %dma_start3A_152 = tpu.memref_slice %dma_start3A_149[%dma_start3A_150, %dma_start3A_151] : memref<50000x16xf32, #tpu.memory_space<hbm>> -> memref<50000x16xf32, #tpu.memory_space<hbm>>
      tpu.enqueue_indirect_dma source(%dma_start3A_152 : memref<50000x16xf32, #tpu.memory_space<hbm>>) target(%dma_start3A_142 : memref<256x16xf32, #tpu.memory_space<vmem>>) offsets(%dma_start3A_145 : memref<256xi32, #tpu.memory_space<vmem>>) semaphore(%arg12 : memref<!tpu.dma_semaphore, #tpu.memory_space<semaphore_mem>>)
      %dma_wait3A_153 = arith.constant 0 : i32
      %dma_wait3A_154 = arith.constant 0 : i32
      %dma_wait3A_155 = arith.constant 0 : i32
      %dma_wait3A_156 = arith.constant 0 : i32
      %dma_wait3A_157 = tpu.memref_slice %arg9[%dma_wait3A_154, %dma_wait3A_155, %dma_wait3A_156] : memref<2x256x16xf32, #tpu.memory_space<vmem>> -> memref<1x256x16xf32, #tpu.memory_space<vmem>>
      %dma_wait3A_158 = tpu.memref_squeeze %dma_wait3A_157 : memref<1x256x16xf32, #tpu.memory_space<vmem>> -> memref<256x16xf32, #tpu.memory_space<vmem>>
      %dma_wait3A_159 = arith.constant 0 : i32
      %dma_wait3A_160 = tpu.memref_slice %arg7[%select_n3A_84, %dma_wait3A_153, %dma_wait3A_159] : memref<2x7x256xi32, #tpu.memory_space<vmem>> -> memref<1x1x256xi32, #tpu.memory_space<vmem>>
      %dma_wait3A_161 = tpu.memref_squeeze %dma_wait3A_160 : memref<1x1x256xi32, #tpu.memory_space<vmem>> -> memref<256xi32, #tpu.memory_space<vmem>>
      %dma_wait3A_162 = arith.constant 0 : i32
      %dma_wait3A_163 = arith.constant 0 : i32
      %dma_wait3A_164 = tpu.memref_slice %arg2[%scan3A_58, %dma_wait3A_162, %dma_wait3A_163] : memref<1x50000x16xf32, #tpu.memory_space<hbm>> -> memref<1x50000x16xf32, #tpu.memory_space<hbm>>
      %dma_wait3A_165 = tpu.memref_squeeze %dma_wait3A_164 : memref<1x50000x16xf32, #tpu.memory_space<hbm>> -> memref<50000x16xf32, #tpu.memory_space<hbm>>
      %dma_wait3A_166 = arith.constant 0 : i32
      %dma_wait3A_167 = arith.constant 0 : i32
      %dma_wait3A_168 = tpu.memref_slice %dma_wait3A_165[%dma_wait3A_166, %dma_wait3A_167] : memref<50000x16xf32, #tpu.memory_space<hbm>> -> memref<50000x16xf32, #tpu.memory_space<hbm>>
      tpu.wait_indirect_dma semaphore(%arg11 : memref<!tpu.dma_semaphore, #tpu.memory_space<semaphore_mem>>) src(%dma_wait3A_168 : memref<50000x16xf32, #tpu.memory_space<hbm>>) dst(%dma_wait3A_158 : memref<256x16xf32, #tpu.memory_space<vmem>>)
      %dma_start3A_169 = arith.constant 0 : i32
      %dma_start3A_170 = arith.constant 0 : i32
      %dma_start3A_171 = arith.constant 0 : i32
      %dma_start3A_172 = arith.constant 0 : i32
      %dma_start3A_173 = tpu.memref_slice %arg9[%dma_start3A_169, %dma_start3A_171, %dma_start3A_172] : memref<2x256x16xf32, #tpu.memory_space<vmem>> -> memref<1x128x16xf32, #tpu.memory_space<vmem>>
      %dma_start3A_174 = tpu.memref_squeeze %dma_start3A_173 : memref<1x128x16xf32, #tpu.memory_space<vmem>> -> memref<128x16xf32, #tpu.memory_space<vmem>>
      %dma_start3A_175 = arith.constant 0 : i32
      %dma_start3A_176 = tpu.memref_slice %arg8[%select_n3A_84, %dma_start3A_170, %dma_start3A_175] : memref<2x14x128xi32, #tpu.memory_space<vmem>> -> memref<1x1x128xi32, #tpu.memory_space<vmem>>
      %dma_start3A_177 = tpu.memref_squeeze %dma_start3A_176 : memref<1x1x128xi32, #tpu.memory_space<vmem>> -> memref<128xi32, #tpu.memory_space<vmem>>
      %dma_start3A_178 = arith.constant 0 : i32
      %dma_start3A_179 = arith.constant 0 : i32
      %dma_start3A_180 = tpu.memref_slice %arg6[%dma_start3A_178, %dma_start3A_179] : memref<50400x16xf32, #tpu.memory_space<vmem_shared>> -> memref<50400x16xf32, #tpu.memory_space<vmem_shared>>
      tpu.enqueue_indirect_dma source(%dma_start3A_174 : memref<128x16xf32, #tpu.memory_space<vmem>>) target(%dma_start3A_180 : memref<50400x16xf32, #tpu.memory_space<vmem_shared>>) offsets(%dma_start3A_177 : memref<128xi32, #tpu.memory_space<vmem>>) semaphore(%arg13 : memref<!tpu.dma_semaphore, #tpu.memory_space<semaphore_mem>>) {add = true}
      %dma_start3A_181 = arith.constant 0 : i32
      %dma_start3A_182 = arith.constant 1 : i32
      %dma_start3A_183 = arith.constant 128 : i32
      %dma_start3A_184 = arith.constant 0 : i32
      %dma_start3A_185 = tpu.memref_slice %arg9[%dma_start3A_181, %dma_start3A_183, %dma_start3A_184] : memref<2x256x16xf32, #tpu.memory_space<vmem>> -> memref<1x128x16xf32, #tpu.memory_space<vmem>>
      %dma_start3A_186 = tpu.memref_squeeze %dma_start3A_185 : memref<1x128x16xf32, #tpu.memory_space<vmem>> -> memref<128x16xf32, #tpu.memory_space<vmem>>
      %dma_start3A_187 = arith.constant 0 : i32
      %dma_start3A_188 = tpu.memref_slice %arg8[%select_n3A_84, %dma_start3A_182, %dma_start3A_187] : memref<2x14x128xi32, #tpu.memory_space<vmem>> -> memref<1x1x128xi32, #tpu.memory_space<vmem>>
      %dma_start3A_189 = tpu.memref_squeeze %dma_start3A_188 : memref<1x1x128xi32, #tpu.memory_space<vmem>> -> memref<128xi32, #tpu.memory_space<vmem>>
      %dma_start3A_190 = arith.constant 0 : i32
      %dma_start3A_191 = arith.constant 0 : i32
      %dma_start3A_192 = tpu.memref_slice %arg6[%dma_start3A_190, %dma_start3A_191] : memref<50400x16xf32, #tpu.memory_space<vmem_shared>> -> memref<50400x16xf32, #tpu.memory_space<vmem_shared>>
      tpu.enqueue_indirect_dma source(%dma_start3A_186 : memref<128x16xf32, #tpu.memory_space<vmem>>) target(%dma_start3A_192 : memref<50400x16xf32, #tpu.memory_space<vmem_shared>>) offsets(%dma_start3A_189 : memref<128xi32, #tpu.memory_space<vmem>>) semaphore(%arg13 : memref<!tpu.dma_semaphore, #tpu.memory_space<semaphore_mem>>) {add = true}
      %dma_wait3A_193 = arith.constant 0 : i32
      %dma_wait3A_194 = arith.constant 0 : i32
      %dma_wait3A_195 = arith.constant 0 : i32
      %dma_wait3A_196 = arith.constant 0 : i32
      %dma_wait3A_197 = tpu.memref_slice %arg9[%dma_wait3A_193, %dma_wait3A_195, %dma_wait3A_196] : memref<2x256x16xf32, #tpu.memory_space<vmem>> -> memref<1x128x16xf32, #tpu.memory_space<vmem>>
      %dma_wait3A_198 = tpu.memref_squeeze %dma_wait3A_197 : memref<1x128x16xf32, #tpu.memory_space<vmem>> -> memref<128x16xf32, #tpu.memory_space<vmem>>
      %dma_wait3A_199 = arith.constant 0 : i32
      %dma_wait3A_200 = tpu.memref_slice %arg8[%select_n3A_84, %dma_wait3A_194, %dma_wait3A_199] : memref<2x14x128xi32, #tpu.memory_space<vmem>> -> memref<1x1x128xi32, #tpu.memory_space<vmem>>
      %dma_wait3A_201 = tpu.memref_squeeze %dma_wait3A_200 : memref<1x1x128xi32, #tpu.memory_space<vmem>> -> memref<128xi32, #tpu.memory_space<vmem>>
      %dma_wait3A_202 = arith.constant 0 : i32
      %dma_wait3A_203 = arith.constant 0 : i32
      %dma_wait3A_204 = tpu.memref_slice %arg6[%dma_wait3A_202, %dma_wait3A_203] : memref<50400x16xf32, #tpu.memory_space<vmem_shared>> -> memref<50400x16xf32, #tpu.memory_space<vmem_shared>>
      tpu.wait_indirect_dma semaphore(%arg13 : memref<!tpu.dma_semaphore, #tpu.memory_space<semaphore_mem>>) src(%dma_wait3A_198 : memref<128x16xf32, #tpu.memory_space<vmem>>) dst(%dma_wait3A_204 : memref<50400x16xf32, #tpu.memory_space<vmem_shared>>)
      %dma_wait3A_205 = arith.constant 0 : i32
      %dma_wait3A_206 = arith.constant 1 : i32
      %dma_wait3A_207 = arith.constant 128 : i32
      %dma_wait3A_208 = arith.constant 0 : i32
      %dma_wait3A_209 = tpu.memref_slice %arg9[%dma_wait3A_205, %dma_wait3A_207, %dma_wait3A_208] : memref<2x256x16xf32, #tpu.memory_space<vmem>> -> memref<1x128x16xf32, #tpu.memory_space<vmem>>
      %dma_wait3A_210 = tpu.memref_squeeze %dma_wait3A_209 : memref<1x128x16xf32, #tpu.memory_space<vmem>> -> memref<128x16xf32, #tpu.memory_space<vmem>>
      %dma_wait3A_211 = arith.constant 0 : i32
      %dma_wait3A_212 = tpu.memref_slice %arg8[%select_n3A_84, %dma_wait3A_206, %dma_wait3A_211] : memref<2x14x128xi32, #tpu.memory_space<vmem>> -> memref<1x1x128xi32, #tpu.memory_space<vmem>>
      %dma_wait3A_213 = tpu.memref_squeeze %dma_wait3A_212 : memref<1x1x128xi32, #tpu.memory_space<vmem>> -> memref<128xi32, #tpu.memory_space<vmem>>
      %dma_wait3A_214 = arith.constant 0 : i32
      %dma_wait3A_215 = arith.constant 0 : i32
      %dma_wait3A_216 = tpu.memref_slice %arg6[%dma_wait3A_214, %dma_wait3A_215] : memref<50400x16xf32, #tpu.memory_space<vmem_shared>> -> memref<50400x16xf32, #tpu.memory_space<vmem_shared>>
      tpu.wait_indirect_dma semaphore(%arg13 : memref<!tpu.dma_semaphore, #tpu.memory_space<semaphore_mem>>) src(%dma_wait3A_210 : memref<128x16xf32, #tpu.memory_space<vmem>>) dst(%dma_wait3A_216 : memref<50400x16xf32, #tpu.memory_space<vmem_shared>>)
      %dma_start3A_217 = arith.constant 2 : i32
      %dma_start3A_218 = arith.constant 0 : i32
      %dma_start3A_219 = arith.constant 0 : i32
      %dma_start3A_220 = arith.constant 0 : i32
      %dma_start3A_221 = tpu.memref_slice %arg9[%dma_start3A_218, %dma_start3A_219, %dma_start3A_220] : memref<2x256x16xf32, #tpu.memory_space<vmem>> -> memref<1x256x16xf32, #tpu.memory_space<vmem>>
      %dma_start3A_222 = tpu.memref_squeeze %dma_start3A_221 : memref<1x256x16xf32, #tpu.memory_space<vmem>> -> memref<256x16xf32, #tpu.memory_space<vmem>>
      %dma_start3A_223 = arith.constant 0 : i32
      %dma_start3A_224 = tpu.memref_slice %arg7[%select_n3A_84, %dma_start3A_217, %dma_start3A_223] : memref<2x7x256xi32, #tpu.memory_space<vmem>> -> memref<1x1x256xi32, #tpu.memory_space<vmem>>
      %dma_start3A_225 = tpu.memref_squeeze %dma_start3A_224 : memref<1x1x256xi32, #tpu.memory_space<vmem>> -> memref<256xi32, #tpu.memory_space<vmem>>
      %dma_start3A_226 = arith.constant 0 : i32
      %dma_start3A_227 = arith.constant 0 : i32
      %dma_start3A_228 = tpu.memref_slice %arg2[%scan3A_58, %dma_start3A_226, %dma_start3A_227] : memref<1x50000x16xf32, #tpu.memory_space<hbm>> -> memref<1x50000x16xf32, #tpu.memory_space<hbm>>
      %dma_start3A_229 = tpu.memref_squeeze %dma_start3A_228 : memref<1x50000x16xf32, #tpu.memory_space<hbm>> -> memref<50000x16xf32, #tpu.memory_space<hbm>>
      %dma_start3A_230 = arith.constant 0 : i32
      %dma_start3A_231 = arith.constant 0 : i32
      %dma_start3A_232 = tpu.memref_slice %dma_start3A_229[%dma_start3A_230, %dma_start3A_231] : memref<50000x16xf32, #tpu.memory_space<hbm>> -> memref<50000x16xf32, #tpu.memory_space<hbm>>
      tpu.enqueue_indirect_dma source(%dma_start3A_232 : memref<50000x16xf32, #tpu.memory_space<hbm>>) target(%dma_start3A_222 : memref<256x16xf32, #tpu.memory_space<vmem>>) offsets(%dma_start3A_225 : memref<256xi32, #tpu.memory_space<vmem>>) semaphore(%arg11 : memref<!tpu.dma_semaphore, #tpu.memory_space<semaphore_mem>>)
      %dma_wait3A_233 = arith.constant 1 : i32
      %dma_wait3A_234 = arith.constant 1 : i32
      %dma_wait3A_235 = arith.constant 0 : i32
      %dma_wait3A_236 = arith.constant 0 : i32
      %dma_wait3A_237 = tpu.memref_slice %arg9[%dma_wait3A_234, %dma_wait3A_235, %dma_wait3A_236] : memref<2x256x16xf32, #tpu.memory_space<vmem>> -> memref<1x256x16xf32, #tpu.memory_space<vmem>>
      %dma_wait3A_238 = tpu.memref_squeeze %dma_wait3A_237 : memref<1x256x16xf32, #tpu.memory_space<vmem>> -> memref<256x16xf32, #tpu.memory_space<vmem>>
      %dma_wait3A_239 = arith.constant 0 : i32
      %dma_wait3A_240 = tpu.memref_slice %arg7[%select_n3A_84, %dma_wait3A_233, %dma_wait3A_239] : memref<2x7x256xi32, #tpu.memory_space<vmem>> -> memref<1x1x256xi32, #tpu.memory_space<vmem>>
      %dma_wait3A_241 = tpu.memref_squeeze %dma_wait3A_240 : memref<1x1x256xi32, #tpu.memory_space<vmem>> -> memref<256xi32, #tpu.memory_space<vmem>>
      %dma_wait3A_242 = arith.constant 0 : i32
      %dma_wait3A_243 = arith.constant 0 : i32
      %dma_wait3A_244 = tpu.memref_slice %arg2[%scan3A_58, %dma_wait3A_242, %dma_wait3A_243] : memref<1x50000x16xf32, #tpu.memory_space<hbm>> -> memref<1x50000x16xf32, #tpu.memory_space<hbm>>
      %dma_wait3A_245 = tpu.memref_squeeze %dma_wait3A_244 : memref<1x50000x16xf32, #tpu.memory_space<hbm>> -> memref<50000x16xf32, #tpu.memory_space<hbm>>
      %dma_wait3A_246 = arith.constant 0 : i32
      %dma_wait3A_247 = arith.constant 0 : i32
      %dma_wait3A_248 = tpu.memref_slice %dma_wait3A_245[%dma_wait3A_246, %dma_wait3A_247] : memref<50000x16xf32, #tpu.memory_space<hbm>> -> memref<50000x16xf32, #tpu.memory_space<hbm>>
      tpu.wait_indirect_dma semaphore(%arg12 : memref<!tpu.dma_semaphore, #tpu.memory_space<semaphore_mem>>) src(%dma_wait3A_248 : memref<50000x16xf32, #tpu.memory_space<hbm>>) dst(%dma_wait3A_238 : memref<256x16xf32, #tpu.memory_space<vmem>>)
      %dma_start3A_249 = arith.constant 1 : i32
      %dma_start3A_250 = arith.constant 2 : i32
      %dma_start3A_251 = arith.constant 0 : i32
      %dma_start3A_252 = arith.constant 0 : i32
      %dma_start3A_253 = tpu.memref_slice %arg9[%dma_start3A_249, %dma_start3A_251, %dma_start3A_252] : memref<2x256x16xf32, #tpu.memory_space<vmem>> -> memref<1x128x16xf32, #tpu.memory_space<vmem>>
      %dma_start3A_254 = tpu.memref_squeeze %dma_start3A_253 : memref<1x128x16xf32, #tpu.memory_space<vmem>> -> memref<128x16xf32, #tpu.memory_space<vmem>>
      %dma_start3A_255 = arith.constant 0 : i32
      %dma_start3A_256 = tpu.memref_slice %arg8[%select_n3A_84, %dma_start3A_250, %dma_start3A_255] : memref<2x14x128xi32, #tpu.memory_space<vmem>> -> memref<1x1x128xi32, #tpu.memory_space<vmem>>
      %dma_start3A_257 = tpu.memref_squeeze %dma_start3A_256 : memref<1x1x128xi32, #tpu.memory_space<vmem>> -> memref<128xi32, #tpu.memory_space<vmem>>
      %dma_start3A_258 = arith.constant 0 : i32
      %dma_start3A_259 = arith.constant 0 : i32
      %dma_start3A_260 = tpu.memref_slice %arg6[%dma_start3A_258, %dma_start3A_259] : memref<50400x16xf32, #tpu.memory_space<vmem_shared>> -> memref<50400x16xf32, #tpu.memory_space<vmem_shared>>
      tpu.enqueue_indirect_dma source(%dma_start3A_254 : memref<128x16xf32, #tpu.memory_space<vmem>>) target(%dma_start3A_260 : memref<50400x16xf32, #tpu.memory_space<vmem_shared>>) offsets(%dma_start3A_257 : memref<128xi32, #tpu.memory_space<vmem>>) semaphore(%arg14 : memref<!tpu.dma_semaphore, #tpu.memory_space<semaphore_mem>>) {add = true}
      %dma_start3A_261 = arith.constant 1 : i32
      %dma_start3A_262 = arith.constant 3 : i32
      %dma_start3A_263 = arith.constant 128 : i32
      %dma_start3A_264 = arith.constant 0 : i32
      %dma_start3A_265 = tpu.memref_slice %arg9[%dma_start3A_261, %dma_start3A_263, %dma_start3A_264] : memref<2x256x16xf32, #tpu.memory_space<vmem>> -> memref<1x128x16xf32, #tpu.memory_space<vmem>>
      %dma_start3A_266 = tpu.memref_squeeze %dma_start3A_265 : memref<1x128x16xf32, #tpu.memory_space<vmem>> -> memref<128x16xf32, #tpu.memory_space<vmem>>
      %dma_start3A_267 = arith.constant 0 : i32
      %dma_start3A_268 = tpu.memref_slice %arg8[%select_n3A_84, %dma_start3A_262, %dma_start3A_267] : memref<2x14x128xi32, #tpu.memory_space<vmem>> -> memref<1x1x128xi32, #tpu.memory_space<vmem>>
      %dma_start3A_269 = tpu.memref_squeeze %dma_start3A_268 : memref<1x1x128xi32, #tpu.memory_space<vmem>> -> memref<128xi32, #tpu.memory_space<vmem>>
      %dma_start3A_270 = arith.constant 0 : i32
      %dma_start3A_271 = arith.constant 0 : i32
      %dma_start3A_272 = tpu.memref_slice %arg6[%dma_start3A_270, %dma_start3A_271] : memref<50400x16xf32, #tpu.memory_space<vmem_shared>> -> memref<50400x16xf32, #tpu.memory_space<vmem_shared>>
      tpu.enqueue_indirect_dma source(%dma_start3A_266 : memref<128x16xf32, #tpu.memory_space<vmem>>) target(%dma_start3A_272 : memref<50400x16xf32, #tpu.memory_space<vmem_shared>>) offsets(%dma_start3A_269 : memref<128xi32, #tpu.memory_space<vmem>>) semaphore(%arg14 : memref<!tpu.dma_semaphore, #tpu.memory_space<semaphore_mem>>) {add = true}
      %dma_wait3A_273 = arith.constant 1 : i32
      %dma_wait3A_274 = arith.constant 2 : i32
      %dma_wait3A_275 = arith.constant 0 : i32
      %dma_wait3A_276 = arith.constant 0 : i32
      %dma_wait3A_277 = tpu.memref_slice %arg9[%dma_wait3A_273, %dma_wait3A_275, %dma_wait3A_276] : memref<2x256x16xf32, #tpu.memory_space<vmem>> -> memref<1x128x16xf32, #tpu.memory_space<vmem>>
      %dma_wait3A_278 = tpu.memref_squeeze %dma_wait3A_277 : memref<1x128x16xf32, #tpu.memory_space<vmem>> -> memref<128x16xf32, #tpu.memory_space<vmem>>
      %dma_wait3A_279 = arith.constant 0 : i32
      %dma_wait3A_280 = tpu.memref_slice %arg8[%select_n3A_84, %dma_wait3A_274, %dma_wait3A_279] : memref<2x14x128xi32, #tpu.memory_space<vmem>> -> memref<1x1x128xi32, #tpu.memory_space<vmem>>
      %dma_wait3A_281 = tpu.memref_squeeze %dma_wait3A_280 : memref<1x1x128xi32, #tpu.memory_space<vmem>> -> memref<128xi32, #tpu.memory_space<vmem>>
      %dma_wait3A_282 = arith.constant 0 : i32
      %dma_wait3A_283 = arith.constant 0 : i32
      %dma_wait3A_284 = tpu.memref_slice %arg6[%dma_wait3A_282, %dma_wait3A_283] : memref<50400x16xf32, #tpu.memory_space<vmem_shared>> -> memref<50400x16xf32, #tpu.memory_space<vmem_shared>>
      tpu.wait_indirect_dma semaphore(%arg14 : memref<!tpu.dma_semaphore, #tpu.memory_space<semaphore_mem>>) src(%dma_wait3A_278 : memref<128x16xf32, #tpu.memory_space<vmem>>) dst(%dma_wait3A_284 : memref<50400x16xf32, #tpu.memory_space<vmem_shared>>)
      %dma_wait3A_285 = arith.constant 1 : i32
      %dma_wait3A_286 = arith.constant 3 : i32
      %dma_wait3A_287 = arith.constant 128 : i32
      %dma_wait3A_288 = arith.constant 0 : i32
      %dma_wait3A_289 = tpu.memref_slice %arg9[%dma_wait3A_285, %dma_wait3A_287, %dma_wait3A_288] : memref<2x256x16xf32, #tpu.memory_space<vmem>> -> memref<1x128x16xf32, #tpu.memory_space<vmem>>
      %dma_wait3A_290 = tpu.memref_squeeze %dma_wait3A_289 : memref<1x128x16xf32, #tpu.memory_space<vmem>> -> memref<128x16xf32, #tpu.memory_space<vmem>>
      %dma_wait3A_291 = arith.constant 0 : i32
      %dma_wait3A_292 = tpu.memref_slice %arg8[%select_n3A_84, %dma_wait3A_286, %dma_wait3A_291] : memref<2x14x128xi32, #tpu.memory_space<vmem>> -> memref<1x1x128xi32, #tpu.memory_space<vmem>>
      %dma_wait3A_293 = tpu.memref_squeeze %dma_wait3A_292 : memref<1x1x128xi32, #tpu.memory_space<vmem>> -> memref<128xi32, #tpu.memory_space<vmem>>
      %dma_wait3A_294 = arith.constant 0 : i32
      %dma_wait3A_295 = arith.constant 0 : i32
      %dma_wait3A_296 = tpu.memref_slice %arg6[%dma_wait3A_294, %dma_wait3A_295] : memref<50400x16xf32, #tpu.memory_space<vmem_shared>> -> memref<50400x16xf32, #tpu.memory_space<vmem_shared>>
      tpu.wait_indirect_dma semaphore(%arg14 : memref<!tpu.dma_semaphore, #tpu.memory_space<semaphore_mem>>) src(%dma_wait3A_290 : memref<128x16xf32, #tpu.memory_space<vmem>>) dst(%dma_wait3A_296 : memref<50400x16xf32, #tpu.memory_space<vmem_shared>>)
      %dma_start3A_297 = arith.constant 3 : i32
      %dma_start3A_298 = arith.constant 1 : i32
      %dma_start3A_299 = arith.constant 0 : i32
      %dma_start3A_300 = arith.constant 0 : i32
      %dma_start3A_301 = tpu.memref_slice %arg9[%dma_start3A_298, %dma_start3A_299, %dma_start3A_300] : memref<2x256x16xf32, #tpu.memory_space<vmem>> -> memref<1x256x16xf32, #tpu.memory_space<vmem>>
      %dma_start3A_302 = tpu.memref_squeeze %dma_start3A_301 : memref<1x256x16xf32, #tpu.memory_space<vmem>> -> memref<256x16xf32, #tpu.memory_space<vmem>>
      %dma_start3A_303 = arith.constant 0 : i32
      %dma_start3A_304 = tpu.memref_slice %arg7[%select_n3A_84, %dma_start3A_297, %dma_start3A_303] : memref<2x7x256xi32, #tpu.memory_space<vmem>> -> memref<1x1x256xi32, #tpu.memory_space<vmem>>
      %dma_start3A_305 = tpu.memref_squeeze %dma_start3A_304 : memref<1x1x256xi32, #tpu.memory_space<vmem>> -> memref<256xi32, #tpu.memory_space<vmem>>
      %dma_start3A_306 = arith.constant 0 : i32
      %dma_start3A_307 = arith.constant 0 : i32
      %dma_start3A_308 = tpu.memref_slice %arg2[%scan3A_58, %dma_start3A_306, %dma_start3A_307] : memref<1x50000x16xf32, #tpu.memory_space<hbm>> -> memref<1x50000x16xf32, #tpu.memory_space<hbm>>
      %dma_start3A_309 = tpu.memref_squeeze %dma_start3A_308 : memref<1x50000x16xf32, #tpu.memory_space<hbm>> -> memref<50000x16xf32, #tpu.memory_space<hbm>>
      %dma_start3A_310 = arith.constant 0 : i32
      %dma_start3A_311 = arith.constant 0 : i32
      %dma_start3A_312 = tpu.memref_slice %dma_start3A_309[%dma_start3A_310, %dma_start3A_311] : memref<50000x16xf32, #tpu.memory_space<hbm>> -> memref<50000x16xf32, #tpu.memory_space<hbm>>
      tpu.enqueue_indirect_dma source(%dma_start3A_312 : memref<50000x16xf32, #tpu.memory_space<hbm>>) target(%dma_start3A_302 : memref<256x16xf32, #tpu.memory_space<vmem>>) offsets(%dma_start3A_305 : memref<256xi32, #tpu.memory_space<vmem>>) semaphore(%arg12 : memref<!tpu.dma_semaphore, #tpu.memory_space<semaphore_mem>>)
      %dma_wait3A_313 = arith.constant 2 : i32
      %dma_wait3A_314 = arith.constant 0 : i32
      %dma_wait3A_315 = arith.constant 0 : i32
      %dma_wait3A_316 = arith.constant 0 : i32
      %dma_wait3A_317 = tpu.memref_slice %arg9[%dma_wait3A_314, %dma_wait3A_315, %dma_wait3A_316] : memref<2x256x16xf32, #tpu.memory_space<vmem>> -> memref<1x256x16xf32, #tpu.memory_space<vmem>>
      %dma_wait3A_318 = tpu.memref_squeeze %dma_wait3A_317 : memref<1x256x16xf32, #tpu.memory_space<vmem>> -> memref<256x16xf32, #tpu.memory_space<vmem>>
      %dma_wait3A_319 = arith.constant 0 : i32
      %dma_wait3A_320 = tpu.memref_slice %arg7[%select_n3A_84, %dma_wait3A_313, %dma_wait3A_319] : memref<2x7x256xi32, #tpu.memory_space<vmem>> -> memref<1x1x256xi32, #tpu.memory_space<vmem>>
      %dma_wait3A_321 = tpu.memref_squeeze %dma_wait3A_320 : memref<1x1x256xi32, #tpu.memory_space<vmem>> -> memref<256xi32, #tpu.memory_space<vmem>>
      %dma_wait3A_322 = arith.constant 0 : i32
      %dma_wait3A_323 = arith.constant 0 : i32
      %dma_wait3A_324 = tpu.memref_slice %arg2[%scan3A_58, %dma_wait3A_322, %dma_wait3A_323] : memref<1x50000x16xf32, #tpu.memory_space<hbm>> -> memref<1x50000x16xf32, #tpu.memory_space<hbm>>
      %dma_wait3A_325 = tpu.memref_squeeze %dma_wait3A_324 : memref<1x50000x16xf32, #tpu.memory_space<hbm>> -> memref<50000x16xf32, #tpu.memory_space<hbm>>
      %dma_wait3A_326 = arith.constant 0 : i32
      %dma_wait3A_327 = arith.constant 0 : i32
      %dma_wait3A_328 = tpu.memref_slice %dma_wait3A_325[%dma_wait3A_326, %dma_wait3A_327] : memref<50000x16xf32, #tpu.memory_space<hbm>> -> memref<50000x16xf32, #tpu.memory_space<hbm>>
      tpu.wait_indirect_dma semaphore(%arg11 : memref<!tpu.dma_semaphore, #tpu.memory_space<semaphore_mem>>) src(%dma_wait3A_328 : memref<50000x16xf32, #tpu.memory_space<hbm>>) dst(%dma_wait3A_318 : memref<256x16xf32, #tpu.memory_space<vmem>>)
      %dma_start3A_329 = arith.constant 0 : i32
      %dma_start3A_330 = arith.constant 4 : i32
      %dma_start3A_331 = arith.constant 0 : i32
      %dma_start3A_332 = arith.constant 0 : i32
      %dma_start3A_333 = tpu.memref_slice %arg9[%dma_start3A_329, %dma_start3A_331, %dma_start3A_332] : memref<2x256x16xf32, #tpu.memory_space<vmem>> -> memref<1x128x16xf32, #tpu.memory_space<vmem>>
      %dma_start3A_334 = tpu.memref_squeeze %dma_start3A_333 : memref<1x128x16xf32, #tpu.memory_space<vmem>> -> memref<128x16xf32, #tpu.memory_space<vmem>>
      %dma_start3A_335 = arith.constant 0 : i32
      %dma_start3A_336 = tpu.memref_slice %arg8[%select_n3A_84, %dma_start3A_330, %dma_start3A_335] : memref<2x14x128xi32, #tpu.memory_space<vmem>> -> memref<1x1x128xi32, #tpu.memory_space<vmem>>
      %dma_start3A_337 = tpu.memref_squeeze %dma_start3A_336 : memref<1x1x128xi32, #tpu.memory_space<vmem>> -> memref<128xi32, #tpu.memory_space<vmem>>
      %dma_start3A_338 = arith.constant 0 : i32
      %dma_start3A_339 = arith.constant 0 : i32
      %dma_start3A_340 = tpu.memref_slice %arg6[%dma_start3A_338, %dma_start3A_339] : memref<50400x16xf32, #tpu.memory_space<vmem_shared>> -> memref<50400x16xf32, #tpu.memory_space<vmem_shared>>
      tpu.enqueue_indirect_dma source(%dma_start3A_334 : memref<128x16xf32, #tpu.memory_space<vmem>>) target(%dma_start3A_340 : memref<50400x16xf32, #tpu.memory_space<vmem_shared>>) offsets(%dma_start3A_337 : memref<128xi32, #tpu.memory_space<vmem>>) semaphore(%arg13 : memref<!tpu.dma_semaphore, #tpu.memory_space<semaphore_mem>>) {add = true}
      %dma_start3A_341 = arith.constant 0 : i32
      %dma_start3A_342 = arith.constant 5 : i32
      %dma_start3A_343 = arith.constant 128 : i32
      %dma_start3A_344 = arith.constant 0 : i32
      %dma_start3A_345 = tpu.memref_slice %arg9[%dma_start3A_341, %dma_start3A_343, %dma_start3A_344] : memref<2x256x16xf32, #tpu.memory_space<vmem>> -> memref<1x128x16xf32, #tpu.memory_space<vmem>>
      %dma_start3A_346 = tpu.memref_squeeze %dma_start3A_345 : memref<1x128x16xf32, #tpu.memory_space<vmem>> -> memref<128x16xf32, #tpu.memory_space<vmem>>
      %dma_start3A_347 = arith.constant 0 : i32
      %dma_start3A_348 = tpu.memref_slice %arg8[%select_n3A_84, %dma_start3A_342, %dma_start3A_347] : memref<2x14x128xi32, #tpu.memory_space<vmem>> -> memref<1x1x128xi32, #tpu.memory_space<vmem>>
      %dma_start3A_349 = tpu.memref_squeeze %dma_start3A_348 : memref<1x1x128xi32, #tpu.memory_space<vmem>> -> memref<128xi32, #tpu.memory_space<vmem>>
      %dma_start3A_350 = arith.constant 0 : i32
      %dma_start3A_351 = arith.constant 0 : i32
      %dma_start3A_352 = tpu.memref_slice %arg6[%dma_start3A_350, %dma_start3A_351] : memref<50400x16xf32, #tpu.memory_space<vmem_shared>> -> memref<50400x16xf32, #tpu.memory_space<vmem_shared>>
      tpu.enqueue_indirect_dma source(%dma_start3A_346 : memref<128x16xf32, #tpu.memory_space<vmem>>) target(%dma_start3A_352 : memref<50400x16xf32, #tpu.memory_space<vmem_shared>>) offsets(%dma_start3A_349 : memref<128xi32, #tpu.memory_space<vmem>>) semaphore(%arg13 : memref<!tpu.dma_semaphore, #tpu.memory_space<semaphore_mem>>) {add = true}
      %dma_wait3A_353 = arith.constant 0 : i32
      %dma_wait3A_354 = arith.constant 4 : i32
      %dma_wait3A_355 = arith.constant 0 : i32
      %dma_wait3A_356 = arith.constant 0 : i32
      %dma_wait3A_357 = tpu.memref_slice %arg9[%dma_wait3A_353, %dma_wait3A_355, %dma_wait3A_356] : memref<2x256x16xf32, #tpu.memory_space<vmem>> -> memref<1x128x16xf32, #tpu.memory_space<vmem>>
      %dma_wait3A_358 = tpu.memref_squeeze %dma_wait3A_357 : memref<1x128x16xf32, #tpu.memory_space<vmem>> -> memref<128x16xf32, #tpu.memory_space<vmem>>
      %dma_wait3A_359 = arith.constant 0 : i32
      %dma_wait3A_360 = tpu.memref_slice %arg8[%select_n3A_84, %dma_wait3A_354, %dma_wait3A_359] : memref<2x14x128xi32, #tpu.memory_space<vmem>> -> memref<1x1x128xi32, #tpu.memory_space<vmem>>
      %dma_wait3A_361 = tpu.memref_squeeze %dma_wait3A_360 : memref<1x1x128xi32, #tpu.memory_space<vmem>> -> memref<128xi32, #tpu.memory_space<vmem>>
      %dma_wait3A_362 = arith.constant 0 : i32
      %dma_wait3A_363 = arith.constant 0 : i32
      %dma_wait3A_364 = tpu.memref_slice %arg6[%dma_wait3A_362, %dma_wait3A_363] : memref<50400x16xf32, #tpu.memory_space<vmem_shared>> -> memref<50400x16xf32, #tpu.memory_space<vmem_shared>>
      tpu.wait_indirect_dma semaphore(%arg13 : memref<!tpu.dma_semaphore, #tpu.memory_space<semaphore_mem>>) src(%dma_wait3A_358 : memref<128x16xf32, #tpu.memory_space<vmem>>) dst(%dma_wait3A_364 : memref<50400x16xf32, #tpu.memory_space<vmem_shared>>)
      %dma_wait3A_365 = arith.constant 0 : i32
      %dma_wait3A_366 = arith.constant 5 : i32
      %dma_wait3A_367 = arith.constant 128 : i32
      %dma_wait3A_368 = arith.constant 0 : i32
      %dma_wait3A_369 = tpu.memref_slice %arg9[%dma_wait3A_365, %dma_wait3A_367, %dma_wait3A_368] : memref<2x256x16xf32, #tpu.memory_space<vmem>> -> memref<1x128x16xf32, #tpu.memory_space<vmem>>
      %dma_wait3A_370 = tpu.memref_squeeze %dma_wait3A_369 : memref<1x128x16xf32, #tpu.memory_space<vmem>> -> memref<128x16xf32, #tpu.memory_space<vmem>>
      %dma_wait3A_371 = arith.constant 0 : i32
      %dma_wait3A_372 = tpu.memref_slice %arg8[%select_n3A_84, %dma_wait3A_366, %dma_wait3A_371] : memref<2x14x128xi32, #tpu.memory_space<vmem>> -> memref<1x1x128xi32, #tpu.memory_space<vmem>>
      %dma_wait3A_373 = tpu.memref_squeeze %dma_wait3A_372 : memref<1x1x128xi32, #tpu.memory_space<vmem>> -> memref<128xi32, #tpu.memory_space<vmem>>
      %dma_wait3A_374 = arith.constant 0 : i32
      %dma_wait3A_375 = arith.constant 0 : i32
      %dma_wait3A_376 = tpu.memref_slice %arg6[%dma_wait3A_374, %dma_wait3A_375] : memref<50400x16xf32, #tpu.memory_space<vmem_shared>> -> memref<50400x16xf32, #tpu.memory_space<vmem_shared>>
      tpu.wait_indirect_dma semaphore(%arg13 : memref<!tpu.dma_semaphore, #tpu.memory_space<semaphore_mem>>) src(%dma_wait3A_370 : memref<128x16xf32, #tpu.memory_space<vmem>>) dst(%dma_wait3A_376 : memref<50400x16xf32, #tpu.memory_space<vmem_shared>>)
      %dma_start3A_377 = arith.constant 4 : i32
      %dma_start3A_378 = arith.constant 0 : i32
      %dma_start3A_379 = arith.constant 0 : i32
      %dma_start3A_380 = arith.constant 0 : i32
      %dma_start3A_381 = tpu.memref_slice %arg9[%dma_start3A_378, %dma_start3A_379, %dma_start3A_380] : memref<2x256x16xf32, #tpu.memory_space<vmem>> -> memref<1x256x16xf32, #tpu.memory_space<vmem>>
      %dma_start3A_382 = tpu.memref_squeeze %dma_start3A_381 : memref<1x256x16xf32, #tpu.memory_space<vmem>> -> memref<256x16xf32, #tpu.memory_space<vmem>>
      %dma_start3A_383 = arith.constant 0 : i32
      %dma_start3A_384 = tpu.memref_slice %arg7[%select_n3A_84, %dma_start3A_377, %dma_start3A_383] : memref<2x7x256xi32, #tpu.memory_space<vmem>> -> memref<1x1x256xi32, #tpu.memory_space<vmem>>
      %dma_start3A_385 = tpu.memref_squeeze %dma_start3A_384 : memref<1x1x256xi32, #tpu.memory_space<vmem>> -> memref<256xi32, #tpu.memory_space<vmem>>
      %dma_start3A_386 = arith.constant 0 : i32
      %dma_start3A_387 = arith.constant 0 : i32
      %dma_start3A_388 = tpu.memref_slice %arg2[%scan3A_58, %dma_start3A_386, %dma_start3A_387] : memref<1x50000x16xf32, #tpu.memory_space<hbm>> -> memref<1x50000x16xf32, #tpu.memory_space<hbm>>
      %dma_start3A_389 = tpu.memref_squeeze %dma_start3A_388 : memref<1x50000x16xf32, #tpu.memory_space<hbm>> -> memref<50000x16xf32, #tpu.memory_space<hbm>>
      %dma_start3A_390 = arith.constant 0 : i32
      %dma_start3A_391 = arith.constant 0 : i32
      %dma_start3A_392 = tpu.memref_slice %dma_start3A_389[%dma_start3A_390, %dma_start3A_391] : memref<50000x16xf32, #tpu.memory_space<hbm>> -> memref<50000x16xf32, #tpu.memory_space<hbm>>
      tpu.enqueue_indirect_dma source(%dma_start3A_392 : memref<50000x16xf32, #tpu.memory_space<hbm>>) target(%dma_start3A_382 : memref<256x16xf32, #tpu.memory_space<vmem>>) offsets(%dma_start3A_385 : memref<256xi32, #tpu.memory_space<vmem>>) semaphore(%arg11 : memref<!tpu.dma_semaphore, #tpu.memory_space<semaphore_mem>>)
      %dma_wait3A_393 = arith.constant 3 : i32
      %dma_wait3A_394 = arith.constant 1 : i32
      %dma_wait3A_395 = arith.constant 0 : i32
      %dma_wait3A_396 = arith.constant 0 : i32
      %dma_wait3A_397 = tpu.memref_slice %arg9[%dma_wait3A_394, %dma_wait3A_395, %dma_wait3A_396] : memref<2x256x16xf32, #tpu.memory_space<vmem>> -> memref<1x256x16xf32, #tpu.memory_space<vmem>>
      %dma_wait3A_398 = tpu.memref_squeeze %dma_wait3A_397 : memref<1x256x16xf32, #tpu.memory_space<vmem>> -> memref<256x16xf32, #tpu.memory_space<vmem>>
      %dma_wait3A_399 = arith.constant 0 : i32
      %dma_wait3A_400 = tpu.memref_slice %arg7[%select_n3A_84, %dma_wait3A_393, %dma_wait3A_399] : memref<2x7x256xi32, #tpu.memory_space<vmem>> -> memref<1x1x256xi32, #tpu.memory_space<vmem>>
      %dma_wait3A_401 = tpu.memref_squeeze %dma_wait3A_400 : memref<1x1x256xi32, #tpu.memory_space<vmem>> -> memref<256xi32, #tpu.memory_space<vmem>>
      %dma_wait3A_402 = arith.constant 0 : i32
      %dma_wait3A_403 = arith.constant 0 : i32
      %dma_wait3A_404 = tpu.memref_slice %arg2[%scan3A_58, %dma_wait3A_402, %dma_wait3A_403] : memref<1x50000x16xf32, #tpu.memory_space<hbm>> -> memref<1x50000x16xf32, #tpu.memory_space<hbm>>
      %dma_wait3A_405 = tpu.memref_squeeze %dma_wait3A_404 : memref<1x50000x16xf32, #tpu.memory_space<hbm>> -> memref<50000x16xf32, #tpu.memory_space<hbm>>
      %dma_wait3A_406 = arith.constant 0 : i32
      %dma_wait3A_407 = arith.constant 0 : i32
      %dma_wait3A_408 = tpu.memref_slice %dma_wait3A_405[%dma_wait3A_406, %dma_wait3A_407] : memref<50000x16xf32, #tpu.memory_space<hbm>> -> memref<50000x16xf32, #tpu.memory_space<hbm>>
      tpu.wait_indirect_dma semaphore(%arg12 : memref<!tpu.dma_semaphore, #tpu.memory_space<semaphore_mem>>) src(%dma_wait3A_408 : memref<50000x16xf32, #tpu.memory_space<hbm>>) dst(%dma_wait3A_398 : memref<256x16xf32, #tpu.memory_space<vmem>>)
      %dma_start3A_409 = arith.constant 1 : i32
      %dma_start3A_410 = arith.constant 6 : i32
      %dma_start3A_411 = arith.constant 0 : i32
      %dma_start3A_412 = arith.constant 0 : i32
      %dma_start3A_413 = tpu.memref_slice %arg9[%dma_start3A_409, %dma_start3A_411, %dma_start3A_412] : memref<2x256x16xf32, #tpu.memory_space<vmem>> -> memref<1x128x16xf32, #tpu.memory_space<vmem>>
      %dma_start3A_414 = tpu.memref_squeeze %dma_start3A_413 : memref<1x128x16xf32, #tpu.memory_space<vmem>> -> memref<128x16xf32, #tpu.memory_space<vmem>>
      %dma_start3A_415 = arith.constant 0 : i32
      %dma_start3A_416 = tpu.memref_slice %arg8[%select_n3A_84, %dma_start3A_410, %dma_start3A_415] : memref<2x14x128xi32, #tpu.memory_space<vmem>> -> memref<1x1x128xi32, #tpu.memory_space<vmem>>
      %dma_start3A_417 = tpu.memref_squeeze %dma_start3A_416 : memref<1x1x128xi32, #tpu.memory_space<vmem>> -> memref<128xi32, #tpu.memory_space<vmem>>
      %dma_start3A_418 = arith.constant 0 : i32
      %dma_start3A_419 = arith.constant 0 : i32
      %dma_start3A_420 = tpu.memref_slice %arg6[%dma_start3A_418, %dma_start3A_419] : memref<50400x16xf32, #tpu.memory_space<vmem_shared>> -> memref<50400x16xf32, #tpu.memory_space<vmem_shared>>
      tpu.enqueue_indirect_dma source(%dma_start3A_414 : memref<128x16xf32, #tpu.memory_space<vmem>>) target(%dma_start3A_420 : memref<50400x16xf32, #tpu.memory_space<vmem_shared>>) offsets(%dma_start3A_417 : memref<128xi32, #tpu.memory_space<vmem>>) semaphore(%arg14 : memref<!tpu.dma_semaphore, #tpu.memory_space<semaphore_mem>>) {add = true}
      %dma_start3A_421 = arith.constant 1 : i32
      %dma_start3A_422 = arith.constant 7 : i32
      %dma_start3A_423 = arith.constant 128 : i32
      %dma_start3A_424 = arith.constant 0 : i32
      %dma_start3A_425 = tpu.memref_slice %arg9[%dma_start3A_421, %dma_start3A_423, %dma_start3A_424] : memref<2x256x16xf32, #tpu.memory_space<vmem>> -> memref<1x128x16xf32, #tpu.memory_space<vmem>>
      %dma_start3A_426 = tpu.memref_squeeze %dma_start3A_425 : memref<1x128x16xf32, #tpu.memory_space<vmem>> -> memref<128x16xf32, #tpu.memory_space<vmem>>
      %dma_start3A_427 = arith.constant 0 : i32
      %dma_start3A_428 = tpu.memref_slice %arg8[%select_n3A_84, %dma_start3A_422, %dma_start3A_427] : memref<2x14x128xi32, #tpu.memory_space<vmem>> -> memref<1x1x128xi32, #tpu.memory_space<vmem>>
      %dma_start3A_429 = tpu.memref_squeeze %dma_start3A_428 : memref<1x1x128xi32, #tpu.memory_space<vmem>> -> memref<128xi32, #tpu.memory_space<vmem>>
      %dma_start3A_430 = arith.constant 0 : i32
      %dma_start3A_431 = arith.constant 0 : i32
      %dma_start3A_432 = tpu.memref_slice %arg6[%dma_start3A_430, %dma_start3A_431] : memref<50400x16xf32, #tpu.memory_space<vmem_shared>> -> memref<50400x16xf32, #tpu.memory_space<vmem_shared>>
      tpu.enqueue_indirect_dma source(%dma_start3A_426 : memref<128x16xf32, #tpu.memory_space<vmem>>) target(%dma_start3A_432 : memref<50400x16xf32, #tpu.memory_space<vmem_shared>>) offsets(%dma_start3A_429 : memref<128xi32, #tpu.memory_space<vmem>>) semaphore(%arg14 : memref<!tpu.dma_semaphore, #tpu.memory_space<semaphore_mem>>) {add = true}
      %dma_wait3A_433 = arith.constant 1 : i32
      %dma_wait3A_434 = arith.constant 6 : i32
      %dma_wait3A_435 = arith.constant 0 : i32
      %dma_wait3A_436 = arith.constant 0 : i32
      %dma_wait3A_437 = tpu.memref_slice %arg9[%dma_wait3A_433, %dma_wait3A_435, %dma_wait3A_436] : memref<2x256x16xf32, #tpu.memory_space<vmem>> -> memref<1x128x16xf32, #tpu.memory_space<vmem>>
      %dma_wait3A_438 = tpu.memref_squeeze %dma_wait3A_437 : memref<1x128x16xf32, #tpu.memory_space<vmem>> -> memref<128x16xf32, #tpu.memory_space<vmem>>
      %dma_wait3A_439 = arith.constant 0 : i32
      %dma_wait3A_440 = tpu.memref_slice %arg8[%select_n3A_84, %dma_wait3A_434, %dma_wait3A_439] : memref<2x14x128xi32, #tpu.memory_space<vmem>> -> memref<1x1x128xi32, #tpu.memory_space<vmem>>
      %dma_wait3A_441 = tpu.memref_squeeze %dma_wait3A_440 : memref<1x1x128xi32, #tpu.memory_space<vmem>> -> memref<128xi32, #tpu.memory_space<vmem>>
      %dma_wait3A_442 = arith.constant 0 : i32
      %dma_wait3A_443 = arith.constant 0 : i32
      %dma_wait3A_444 = tpu.memref_slice %arg6[%dma_wait3A_442, %dma_wait3A_443] : memref<50400x16xf32, #tpu.memory_space<vmem_shared>> -> memref<50400x16xf32, #tpu.memory_space<vmem_shared>>
      tpu.wait_indirect_dma semaphore(%arg14 : memref<!tpu.dma_semaphore, #tpu.memory_space<semaphore_mem>>) src(%dma_wait3A_438 : memref<128x16xf32, #tpu.memory_space<vmem>>) dst(%dma_wait3A_444 : memref<50400x16xf32, #tpu.memory_space<vmem_shared>>)
      %dma_wait3A_445 = arith.constant 1 : i32
      %dma_wait3A_446 = arith.constant 7 : i32
      %dma_wait3A_447 = arith.constant 128 : i32
      %dma_wait3A_448 = arith.constant 0 : i32
      %dma_wait3A_449 = tpu.memref_slice %arg9[%dma_wait3A_445, %dma_wait3A_447, %dma_wait3A_448] : memref<2x256x16xf32, #tpu.memory_space<vmem>> -> memref<1x128x16xf32, #tpu.memory_space<vmem>>
      %dma_wait3A_450 = tpu.memref_squeeze %dma_wait3A_449 : memref<1x128x16xf32, #tpu.memory_space<vmem>> -> memref<128x16xf32, #tpu.memory_space<vmem>>
      %dma_wait3A_451 = arith.constant 0 : i32
      %dma_wait3A_452 = tpu.memref_slice %arg8[%select_n3A_84, %dma_wait3A_446, %dma_wait3A_451] : memref<2x14x128xi32, #tpu.memory_space<vmem>> -> memref<1x1x128xi32, #tpu.memory_space<vmem>>
      %dma_wait3A_453 = tpu.memref_squeeze %dma_wait3A_452 : memref<1x1x128xi32, #tpu.memory_space<vmem>> -> memref<128xi32, #tpu.memory_space<vmem>>
      %dma_wait3A_454 = arith.constant 0 : i32
      %dma_wait3A_455 = arith.constant 0 : i32
      %dma_wait3A_456 = tpu.memref_slice %arg6[%dma_wait3A_454, %dma_wait3A_455] : memref<50400x16xf32, #tpu.memory_space<vmem_shared>> -> memref<50400x16xf32, #tpu.memory_space<vmem_shared>>
      tpu.wait_indirect_dma semaphore(%arg14 : memref<!tpu.dma_semaphore, #tpu.memory_space<semaphore_mem>>) src(%dma_wait3A_450 : memref<128x16xf32, #tpu.memory_space<vmem>>) dst(%dma_wait3A_456 : memref<50400x16xf32, #tpu.memory_space<vmem_shared>>)
      %dma_start3A_457 = arith.constant 5 : i32
      %dma_start3A_458 = arith.constant 1 : i32
      %dma_start3A_459 = arith.constant 0 : i32
      %dma_start3A_460 = arith.constant 0 : i32
      %dma_start3A_461 = tpu.memref_slice %arg9[%dma_start3A_458, %dma_start3A_459, %dma_start3A_460] : memref<2x256x16xf32, #tpu.memory_space<vmem>> -> memref<1x256x16xf32, #tpu.memory_space<vmem>>
      %dma_start3A_462 = tpu.memref_squeeze %dma_start3A_461 : memref<1x256x16xf32, #tpu.memory_space<vmem>> -> memref<256x16xf32, #tpu.memory_space<vmem>>
      %dma_start3A_463 = arith.constant 0 : i32
      %dma_start3A_464 = tpu.memref_slice %arg7[%select_n3A_84, %dma_start3A_457, %dma_start3A_463] : memref<2x7x256xi32, #tpu.memory_space<vmem>> -> memref<1x1x256xi32, #tpu.memory_space<vmem>>
      %dma_start3A_465 = tpu.memref_squeeze %dma_start3A_464 : memref<1x1x256xi32, #tpu.memory_space<vmem>> -> memref<256xi32, #tpu.memory_space<vmem>>
      %dma_start3A_466 = arith.constant 0 : i32
      %dma_start3A_467 = arith.constant 0 : i32
      %dma_start3A_468 = tpu.memref_slice %arg2[%scan3A_58, %dma_start3A_466, %dma_start3A_467] : memref<1x50000x16xf32, #tpu.memory_space<hbm>> -> memref<1x50000x16xf32, #tpu.memory_space<hbm>>
      %dma_start3A_469 = tpu.memref_squeeze %dma_start3A_468 : memref<1x50000x16xf32, #tpu.memory_space<hbm>> -> memref<50000x16xf32, #tpu.memory_space<hbm>>
      %dma_start3A_470 = arith.constant 0 : i32
      %dma_start3A_471 = arith.constant 0 : i32
      %dma_start3A_472 = tpu.memref_slice %dma_start3A_469[%dma_start3A_470, %dma_start3A_471] : memref<50000x16xf32, #tpu.memory_space<hbm>> -> memref<50000x16xf32, #tpu.memory_space<hbm>>
      tpu.enqueue_indirect_dma source(%dma_start3A_472 : memref<50000x16xf32, #tpu.memory_space<hbm>>) target(%dma_start3A_462 : memref<256x16xf32, #tpu.memory_space<vmem>>) offsets(%dma_start3A_465 : memref<256xi32, #tpu.memory_space<vmem>>) semaphore(%arg12 : memref<!tpu.dma_semaphore, #tpu.memory_space<semaphore_mem>>)
      %dma_wait3A_473 = arith.constant 4 : i32
      %dma_wait3A_474 = arith.constant 0 : i32
      %dma_wait3A_475 = arith.constant 0 : i32
      %dma_wait3A_476 = arith.constant 0 : i32
      %dma_wait3A_477 = tpu.memref_slice %arg9[%dma_wait3A_474, %dma_wait3A_475, %dma_wait3A_476] : memref<2x256x16xf32, #tpu.memory_space<vmem>> -> memref<1x256x16xf32, #tpu.memory_space<vmem>>
      %dma_wait3A_478 = tpu.memref_squeeze %dma_wait3A_477 : memref<1x256x16xf32, #tpu.memory_space<vmem>> -> memref<256x16xf32, #tpu.memory_space<vmem>>
      %dma_wait3A_479 = arith.constant 0 : i32
      %dma_wait3A_480 = tpu.memref_slice %arg7[%select_n3A_84, %dma_wait3A_473, %dma_wait3A_479] : memref<2x7x256xi32, #tpu.memory_space<vmem>> -> memref<1x1x256xi32, #tpu.memory_space<vmem>>
      %dma_wait3A_481 = tpu.memref_squeeze %dma_wait3A_480 : memref<1x1x256xi32, #tpu.memory_space<vmem>> -> memref<256xi32, #tpu.memory_space<vmem>>
      %dma_wait3A_482 = arith.constant 0 : i32
      %dma_wait3A_483 = arith.constant 0 : i32
      %dma_wait3A_484 = tpu.memref_slice %arg2[%scan3A_58, %dma_wait3A_482, %dma_wait3A_483] : memref<1x50000x16xf32, #tpu.memory_space<hbm>> -> memref<1x50000x16xf32, #tpu.memory_space<hbm>>
      %dma_wait3A_485 = tpu.memref_squeeze %dma_wait3A_484 : memref<1x50000x16xf32, #tpu.memory_space<hbm>> -> memref<50000x16xf32, #tpu.memory_space<hbm>>
      %dma_wait3A_486 = arith.constant 0 : i32
      %dma_wait3A_487 = arith.constant 0 : i32
      %dma_wait3A_488 = tpu.memref_slice %dma_wait3A_485[%dma_wait3A_486, %dma_wait3A_487] : memref<50000x16xf32, #tpu.memory_space<hbm>> -> memref<50000x16xf32, #tpu.memory_space<hbm>>
      tpu.wait_indirect_dma semaphore(%arg11 : memref<!tpu.dma_semaphore, #tpu.memory_space<semaphore_mem>>) src(%dma_wait3A_488 : memref<50000x16xf32, #tpu.memory_space<hbm>>) dst(%dma_wait3A_478 : memref<256x16xf32, #tpu.memory_space<vmem>>)
      %dma_start3A_489 = arith.constant 0 : i32
      %dma_start3A_490 = arith.constant 8 : i32
      %dma_start3A_491 = arith.constant 0 : i32
      %dma_start3A_492 = arith.constant 0 : i32
      %dma_start3A_493 = tpu.memref_slice %arg9[%dma_start3A_489, %dma_start3A_491, %dma_start3A_492] : memref<2x256x16xf32, #tpu.memory_space<vmem>> -> memref<1x128x16xf32, #tpu.memory_space<vmem>>
      %dma_start3A_494 = tpu.memref_squeeze %dma_start3A_493 : memref<1x128x16xf32, #tpu.memory_space<vmem>> -> memref<128x16xf32, #tpu.memory_space<vmem>>
      %dma_start3A_495 = arith.constant 0 : i32
      %dma_start3A_496 = tpu.memref_slice %arg8[%select_n3A_84, %dma_start3A_490, %dma_start3A_495] : memref<2x14x128xi32, #tpu.memory_space<vmem>> -> memref<1x1x128xi32, #tpu.memory_space<vmem>>
      %dma_start3A_497 = tpu.memref_squeeze %dma_start3A_496 : memref<1x1x128xi32, #tpu.memory_space<vmem>> -> memref<128xi32, #tpu.memory_space<vmem>>
      %dma_start3A_498 = arith.constant 0 : i32
      %dma_start3A_499 = arith.constant 0 : i32
      %dma_start3A_500 = tpu.memref_slice %arg6[%dma_start3A_498, %dma_start3A_499] : memref<50400x16xf32, #tpu.memory_space<vmem_shared>> -> memref<50400x16xf32, #tpu.memory_space<vmem_shared>>
      tpu.enqueue_indirect_dma source(%dma_start3A_494 : memref<128x16xf32, #tpu.memory_space<vmem>>) target(%dma_start3A_500 : memref<50400x16xf32, #tpu.memory_space<vmem_shared>>) offsets(%dma_start3A_497 : memref<128xi32, #tpu.memory_space<vmem>>) semaphore(%arg13 : memref<!tpu.dma_semaphore, #tpu.memory_space<semaphore_mem>>) {add = true}
      %dma_start3A_501 = arith.constant 0 : i32
      %dma_start3A_502 = arith.constant 9 : i32
      %dma_start3A_503 = arith.constant 128 : i32
      %dma_start3A_504 = arith.constant 0 : i32
      %dma_start3A_505 = tpu.memref_slice %arg9[%dma_start3A_501, %dma_start3A_503, %dma_start3A_504] : memref<2x256x16xf32, #tpu.memory_space<vmem>> -> memref<1x128x16xf32, #tpu.memory_space<vmem>>
      %dma_start3A_506 = tpu.memref_squeeze %dma_start3A_505 : memref<1x128x16xf32, #tpu.memory_space<vmem>> -> memref<128x16xf32, #tpu.memory_space<vmem>>
      %dma_start3A_507 = arith.constant 0 : i32
      %dma_start3A_508 = tpu.memref_slice %arg8[%select_n3A_84, %dma_start3A_502, %dma_start3A_507] : memref<2x14x128xi32, #tpu.memory_space<vmem>> -> memref<1x1x128xi32, #tpu.memory_space<vmem>>
      %dma_start3A_509 = tpu.memref_squeeze %dma_start3A_508 : memref<1x1x128xi32, #tpu.memory_space<vmem>> -> memref<128xi32, #tpu.memory_space<vmem>>
      %dma_start3A_510 = arith.constant 0 : i32
      %dma_start3A_511 = arith.constant 0 : i32
      %dma_start3A_512 = tpu.memref_slice %arg6[%dma_start3A_510, %dma_start3A_511] : memref<50400x16xf32, #tpu.memory_space<vmem_shared>> -> memref<50400x16xf32, #tpu.memory_space<vmem_shared>>
      tpu.enqueue_indirect_dma source(%dma_start3A_506 : memref<128x16xf32, #tpu.memory_space<vmem>>) target(%dma_start3A_512 : memref<50400x16xf32, #tpu.memory_space<vmem_shared>>) offsets(%dma_start3A_509 : memref<128xi32, #tpu.memory_space<vmem>>) semaphore(%arg13 : memref<!tpu.dma_semaphore, #tpu.memory_space<semaphore_mem>>) {add = true}
      %dma_wait3A_513 = arith.constant 0 : i32
      %dma_wait3A_514 = arith.constant 8 : i32
      %dma_wait3A_515 = arith.constant 0 : i32
      %dma_wait3A_516 = arith.constant 0 : i32
      %dma_wait3A_517 = tpu.memref_slice %arg9[%dma_wait3A_513, %dma_wait3A_515, %dma_wait3A_516] : memref<2x256x16xf32, #tpu.memory_space<vmem>> -> memref<1x128x16xf32, #tpu.memory_space<vmem>>
      %dma_wait3A_518 = tpu.memref_squeeze %dma_wait3A_517 : memref<1x128x16xf32, #tpu.memory_space<vmem>> -> memref<128x16xf32, #tpu.memory_space<vmem>>
      %dma_wait3A_519 = arith.constant 0 : i32
      %dma_wait3A_520 = tpu.memref_slice %arg8[%select_n3A_84, %dma_wait3A_514, %dma_wait3A_519] : memref<2x14x128xi32, #tpu.memory_space<vmem>> -> memref<1x1x128xi32, #tpu.memory_space<vmem>>
      %dma_wait3A_521 = tpu.memref_squeeze %dma_wait3A_520 : memref<1x1x128xi32, #tpu.memory_space<vmem>> -> memref<128xi32, #tpu.memory_space<vmem>>
      %dma_wait3A_522 = arith.constant 0 : i32
      %dma_wait3A_523 = arith.constant 0 : i32
      %dma_wait3A_524 = tpu.memref_slice %arg6[%dma_wait3A_522, %dma_wait3A_523] : memref<50400x16xf32, #tpu.memory_space<vmem_shared>> -> memref<50400x16xf32, #tpu.memory_space<vmem_shared>>
      tpu.wait_indirect_dma semaphore(%arg13 : memref<!tpu.dma_semaphore, #tpu.memory_space<semaphore_mem>>) src(%dma_wait3A_518 : memref<128x16xf32, #tpu.memory_space<vmem>>) dst(%dma_wait3A_524 : memref<50400x16xf32, #tpu.memory_space<vmem_shared>>)
      %dma_wait3A_525 = arith.constant 0 : i32
      %dma_wait3A_526 = arith.constant 9 : i32
      %dma_wait3A_527 = arith.constant 128 : i32
      %dma_wait3A_528 = arith.constant 0 : i32
      %dma_wait3A_529 = tpu.memref_slice %arg9[%dma_wait3A_525, %dma_wait3A_527, %dma_wait3A_528] : memref<2x256x16xf32, #tpu.memory_space<vmem>> -> memref<1x128x16xf32, #tpu.memory_space<vmem>>
      %dma_wait3A_530 = tpu.memref_squeeze %dma_wait3A_529 : memref<1x128x16xf32, #tpu.memory_space<vmem>> -> memref<128x16xf32, #tpu.memory_space<vmem>>
      %dma_wait3A_531 = arith.constant 0 : i32
      %dma_wait3A_532 = tpu.memref_slice %arg8[%select_n3A_84, %dma_wait3A_526, %dma_wait3A_531] : memref<2x14x128xi32, #tpu.memory_space<vmem>> -> memref<1x1x128xi32, #tpu.memory_space<vmem>>
      %dma_wait3A_533 = tpu.memref_squeeze %dma_wait3A_532 : memref<1x1x128xi32, #tpu.memory_space<vmem>> -> memref<128xi32, #tpu.memory_space<vmem>>
      %dma_wait3A_534 = arith.constant 0 : i32
      %dma_wait3A_535 = arith.constant 0 : i32
      %dma_wait3A_536 = tpu.memref_slice %arg6[%dma_wait3A_534, %dma_wait3A_535] : memref<50400x16xf32, #tpu.memory_space<vmem_shared>> -> memref<50400x16xf32, #tpu.memory_space<vmem_shared>>
      tpu.wait_indirect_dma semaphore(%arg13 : memref<!tpu.dma_semaphore, #tpu.memory_space<semaphore_mem>>) src(%dma_wait3A_530 : memref<128x16xf32, #tpu.memory_space<vmem>>) dst(%dma_wait3A_536 : memref<50400x16xf32, #tpu.memory_space<vmem_shared>>)
      %dma_start3A_537 = arith.constant 6 : i32
      %dma_start3A_538 = arith.constant 0 : i32
      %dma_start3A_539 = arith.constant 0 : i32
      %dma_start3A_540 = arith.constant 0 : i32
      %dma_start3A_541 = tpu.memref_slice %arg9[%dma_start3A_538, %dma_start3A_539, %dma_start3A_540] : memref<2x256x16xf32, #tpu.memory_space<vmem>> -> memref<1x256x16xf32, #tpu.memory_space<vmem>>
      %dma_start3A_542 = tpu.memref_squeeze %dma_start3A_541 : memref<1x256x16xf32, #tpu.memory_space<vmem>> -> memref<256x16xf32, #tpu.memory_space<vmem>>
      %dma_start3A_543 = arith.constant 0 : i32
      %dma_start3A_544 = tpu.memref_slice %arg7[%select_n3A_84, %dma_start3A_537, %dma_start3A_543] : memref<2x7x256xi32, #tpu.memory_space<vmem>> -> memref<1x1x256xi32, #tpu.memory_space<vmem>>
      %dma_start3A_545 = tpu.memref_squeeze %dma_start3A_544 : memref<1x1x256xi32, #tpu.memory_space<vmem>> -> memref<256xi32, #tpu.memory_space<vmem>>
      %dma_start3A_546 = arith.constant 0 : i32
      %dma_start3A_547 = arith.constant 0 : i32
      %dma_start3A_548 = tpu.memref_slice %arg2[%scan3A_58, %dma_start3A_546, %dma_start3A_547] : memref<1x50000x16xf32, #tpu.memory_space<hbm>> -> memref<1x50000x16xf32, #tpu.memory_space<hbm>>
      %dma_start3A_549 = tpu.memref_squeeze %dma_start3A_548 : memref<1x50000x16xf32, #tpu.memory_space<hbm>> -> memref<50000x16xf32, #tpu.memory_space<hbm>>
      %dma_start3A_550 = arith.constant 0 : i32
      %dma_start3A_551 = arith.constant 0 : i32
      %dma_start3A_552 = tpu.memref_slice %dma_start3A_549[%dma_start3A_550, %dma_start3A_551] : memref<50000x16xf32, #tpu.memory_space<hbm>> -> memref<50000x16xf32, #tpu.memory_space<hbm>>
      tpu.enqueue_indirect_dma source(%dma_start3A_552 : memref<50000x16xf32, #tpu.memory_space<hbm>>) target(%dma_start3A_542 : memref<256x16xf32, #tpu.memory_space<vmem>>) offsets(%dma_start3A_545 : memref<256xi32, #tpu.memory_space<vmem>>) semaphore(%arg11 : memref<!tpu.dma_semaphore, #tpu.memory_space<semaphore_mem>>)
      %dma_wait3A_553 = arith.constant 5 : i32
      %dma_wait3A_554 = arith.constant 1 : i32
      %dma_wait3A_555 = arith.constant 0 : i32
      %dma_wait3A_556 = arith.constant 0 : i32
      %dma_wait3A_557 = tpu.memref_slice %arg9[%dma_wait3A_554, %dma_wait3A_555, %dma_wait3A_556] : memref<2x256x16xf32, #tpu.memory_space<vmem>> -> memref<1x256x16xf32, #tpu.memory_space<vmem>>
      %dma_wait3A_558 = tpu.memref_squeeze %dma_wait3A_557 : memref<1x256x16xf32, #tpu.memory_space<vmem>> -> memref<256x16xf32, #tpu.memory_space<vmem>>
      %dma_wait3A_559 = arith.constant 0 : i32
      %dma_wait3A_560 = tpu.memref_slice %arg7[%select_n3A_84, %dma_wait3A_553, %dma_wait3A_559] : memref<2x7x256xi32, #tpu.memory_space<vmem>> -> memref<1x1x256xi32, #tpu.memory_space<vmem>>
      %dma_wait3A_561 = tpu.memref_squeeze %dma_wait3A_560 : memref<1x1x256xi32, #tpu.memory_space<vmem>> -> memref<256xi32, #tpu.memory_space<vmem>>
      %dma_wait3A_562 = arith.constant 0 : i32
      %dma_wait3A_563 = arith.constant 0 : i32
      %dma_wait3A_564 = tpu.memref_slice %arg2[%scan3A_58, %dma_wait3A_562, %dma_wait3A_563] : memref<1x50000x16xf32, #tpu.memory_space<hbm>> -> memref<1x50000x16xf32, #tpu.memory_space<hbm>>
      %dma_wait3A_565 = tpu.memref_squeeze %dma_wait3A_564 : memref<1x50000x16xf32, #tpu.memory_space<hbm>> -> memref<50000x16xf32, #tpu.memory_space<hbm>>
      %dma_wait3A_566 = arith.constant 0 : i32
      %dma_wait3A_567 = arith.constant 0 : i32
      %dma_wait3A_568 = tpu.memref_slice %dma_wait3A_565[%dma_wait3A_566, %dma_wait3A_567] : memref<50000x16xf32, #tpu.memory_space<hbm>> -> memref<50000x16xf32, #tpu.memory_space<hbm>>
      tpu.wait_indirect_dma semaphore(%arg12 : memref<!tpu.dma_semaphore, #tpu.memory_space<semaphore_mem>>) src(%dma_wait3A_568 : memref<50000x16xf32, #tpu.memory_space<hbm>>) dst(%dma_wait3A_558 : memref<256x16xf32, #tpu.memory_space<vmem>>)
      %dma_start3A_569 = arith.constant 1 : i32
      %dma_start3A_570 = arith.constant 10 : i32
      %dma_start3A_571 = arith.constant 0 : i32
      %dma_start3A_572 = arith.constant 0 : i32
      %dma_start3A_573 = tpu.memref_slice %arg9[%dma_start3A_569, %dma_start3A_571, %dma_start3A_572] : memref<2x256x16xf32, #tpu.memory_space<vmem>> -> memref<1x128x16xf32, #tpu.memory_space<vmem>>
      %dma_start3A_574 = tpu.memref_squeeze %dma_start3A_573 : memref<1x128x16xf32, #tpu.memory_space<vmem>> -> memref<128x16xf32, #tpu.memory_space<vmem>>
      %dma_start3A_575 = arith.constant 0 : i32
      %dma_start3A_576 = tpu.memref_slice %arg8[%select_n3A_84, %dma_start3A_570, %dma_start3A_575] : memref<2x14x128xi32, #tpu.memory_space<vmem>> -> memref<1x1x128xi32, #tpu.memory_space<vmem>>
      %dma_start3A_577 = tpu.memref_squeeze %dma_start3A_576 : memref<1x1x128xi32, #tpu.memory_space<vmem>> -> memref<128xi32, #tpu.memory_space<vmem>>
      %dma_start3A_578 = arith.constant 0 : i32
      %dma_start3A_579 = arith.constant 0 : i32
      %dma_start3A_580 = tpu.memref_slice %arg6[%dma_start3A_578, %dma_start3A_579] : memref<50400x16xf32, #tpu.memory_space<vmem_shared>> -> memref<50400x16xf32, #tpu.memory_space<vmem_shared>>
      tpu.enqueue_indirect_dma source(%dma_start3A_574 : memref<128x16xf32, #tpu.memory_space<vmem>>) target(%dma_start3A_580 : memref<50400x16xf32, #tpu.memory_space<vmem_shared>>) offsets(%dma_start3A_577 : memref<128xi32, #tpu.memory_space<vmem>>) semaphore(%arg14 : memref<!tpu.dma_semaphore, #tpu.memory_space<semaphore_mem>>) {add = true}
      %dma_start3A_581 = arith.constant 1 : i32
      %dma_start3A_582 = arith.constant 11 : i32
      %dma_start3A_583 = arith.constant 128 : i32
      %dma_start3A_584 = arith.constant 0 : i32
      %dma_start3A_585 = tpu.memref_slice %arg9[%dma_start3A_581, %dma_start3A_583, %dma_start3A_584] : memref<2x256x16xf32, #tpu.memory_space<vmem>> -> memref<1x128x16xf32, #tpu.memory_space<vmem>>
      %dma_start3A_586 = tpu.memref_squeeze %dma_start3A_585 : memref<1x128x16xf32, #tpu.memory_space<vmem>> -> memref<128x16xf32, #tpu.memory_space<vmem>>
      %dma_start3A_587 = arith.constant 0 : i32
      %dma_start3A_588 = tpu.memref_slice %arg8[%select_n3A_84, %dma_start3A_582, %dma_start3A_587] : memref<2x14x128xi32, #tpu.memory_space<vmem>> -> memref<1x1x128xi32, #tpu.memory_space<vmem>>
      %dma_start3A_589 = tpu.memref_squeeze %dma_start3A_588 : memref<1x1x128xi32, #tpu.memory_space<vmem>> -> memref<128xi32, #tpu.memory_space<vmem>>
      %dma_start3A_590 = arith.constant 0 : i32
      %dma_start3A_591 = arith.constant 0 : i32
      %dma_start3A_592 = tpu.memref_slice %arg6[%dma_start3A_590, %dma_start3A_591] : memref<50400x16xf32, #tpu.memory_space<vmem_shared>> -> memref<50400x16xf32, #tpu.memory_space<vmem_shared>>
      tpu.enqueue_indirect_dma source(%dma_start3A_586 : memref<128x16xf32, #tpu.memory_space<vmem>>) target(%dma_start3A_592 : memref<50400x16xf32, #tpu.memory_space<vmem_shared>>) offsets(%dma_start3A_589 : memref<128xi32, #tpu.memory_space<vmem>>) semaphore(%arg14 : memref<!tpu.dma_semaphore, #tpu.memory_space<semaphore_mem>>) {add = true}
      %dma_wait3A_593 = arith.constant 6 : i32
      %dma_wait3A_594 = arith.constant 0 : i32
      %dma_wait3A_595 = arith.constant 0 : i32
      %dma_wait3A_596 = arith.constant 0 : i32
      %dma_wait3A_597 = tpu.memref_slice %arg9[%dma_wait3A_594, %dma_wait3A_595, %dma_wait3A_596] : memref<2x256x16xf32, #tpu.memory_space<vmem>> -> memref<1x256x16xf32, #tpu.memory_space<vmem>>
      %dma_wait3A_598 = tpu.memref_squeeze %dma_wait3A_597 : memref<1x256x16xf32, #tpu.memory_space<vmem>> -> memref<256x16xf32, #tpu.memory_space<vmem>>
      %dma_wait3A_599 = arith.constant 0 : i32
      %dma_wait3A_600 = tpu.memref_slice %arg7[%select_n3A_84, %dma_wait3A_593, %dma_wait3A_599] : memref<2x7x256xi32, #tpu.memory_space<vmem>> -> memref<1x1x256xi32, #tpu.memory_space<vmem>>
      %dma_wait3A_601 = tpu.memref_squeeze %dma_wait3A_600 : memref<1x1x256xi32, #tpu.memory_space<vmem>> -> memref<256xi32, #tpu.memory_space<vmem>>
      %dma_wait3A_602 = arith.constant 0 : i32
      %dma_wait3A_603 = arith.constant 0 : i32
      %dma_wait3A_604 = tpu.memref_slice %arg2[%scan3A_58, %dma_wait3A_602, %dma_wait3A_603] : memref<1x50000x16xf32, #tpu.memory_space<hbm>> -> memref<1x50000x16xf32, #tpu.memory_space<hbm>>
      %dma_wait3A_605 = tpu.memref_squeeze %dma_wait3A_604 : memref<1x50000x16xf32, #tpu.memory_space<hbm>> -> memref<50000x16xf32, #tpu.memory_space<hbm>>
      %dma_wait3A_606 = arith.constant 0 : i32
      %dma_wait3A_607 = arith.constant 0 : i32
      %dma_wait3A_608 = tpu.memref_slice %dma_wait3A_605[%dma_wait3A_606, %dma_wait3A_607] : memref<50000x16xf32, #tpu.memory_space<hbm>> -> memref<50000x16xf32, #tpu.memory_space<hbm>>
      tpu.wait_indirect_dma semaphore(%arg11 : memref<!tpu.dma_semaphore, #tpu.memory_space<semaphore_mem>>) src(%dma_wait3A_608 : memref<50000x16xf32, #tpu.memory_space<hbm>>) dst(%dma_wait3A_598 : memref<256x16xf32, #tpu.memory_space<vmem>>)
      %dma_start3A_609 = arith.constant 0 : i32
      %dma_start3A_610 = arith.constant 12 : i32
      %dma_start3A_611 = arith.constant 0 : i32
      %dma_start3A_612 = arith.constant 0 : i32
      %dma_start3A_613 = tpu.memref_slice %arg9[%dma_start3A_609, %dma_start3A_611, %dma_start3A_612] : memref<2x256x16xf32, #tpu.memory_space<vmem>> -> memref<1x128x16xf32, #tpu.memory_space<vmem>>
      %dma_start3A_614 = tpu.memref_squeeze %dma_start3A_613 : memref<1x128x16xf32, #tpu.memory_space<vmem>> -> memref<128x16xf32, #tpu.memory_space<vmem>>
      %dma_start3A_615 = arith.constant 0 : i32
      %dma_start3A_616 = tpu.memref_slice %arg8[%select_n3A_84, %dma_start3A_610, %dma_start3A_615] : memref<2x14x128xi32, #tpu.memory_space<vmem>> -> memref<1x1x128xi32, #tpu.memory_space<vmem>>
      %dma_start3A_617 = tpu.memref_squeeze %dma_start3A_616 : memref<1x1x128xi32, #tpu.memory_space<vmem>> -> memref<128xi32, #tpu.memory_space<vmem>>
      %dma_start3A_618 = arith.constant 0 : i32
      %dma_start3A_619 = arith.constant 0 : i32
      %dma_start3A_620 = tpu.memref_slice %arg6[%dma_start3A_618, %dma_start3A_619] : memref<50400x16xf32, #tpu.memory_space<vmem_shared>> -> memref<50400x16xf32, #tpu.memory_space<vmem_shared>>
      tpu.enqueue_indirect_dma source(%dma_start3A_614 : memref<128x16xf32, #tpu.memory_space<vmem>>) target(%dma_start3A_620 : memref<50400x16xf32, #tpu.memory_space<vmem_shared>>) offsets(%dma_start3A_617 : memref<128xi32, #tpu.memory_space<vmem>>) semaphore(%arg13 : memref<!tpu.dma_semaphore, #tpu.memory_space<semaphore_mem>>) {add = true}
      %dma_start3A_621 = arith.constant 0 : i32
      %dma_start3A_622 = arith.constant 13 : i32
      %dma_start3A_623 = arith.constant 128 : i32
      %dma_start3A_624 = arith.constant 0 : i32
      %dma_start3A_625 = tpu.memref_slice %arg9[%dma_start3A_621, %dma_start3A_623, %dma_start3A_624] : memref<2x256x16xf32, #tpu.memory_space<vmem>> -> memref<1x128x16xf32, #tpu.memory_space<vmem>>
      %dma_start3A_626 = tpu.memref_squeeze %dma_start3A_625 : memref<1x128x16xf32, #tpu.memory_space<vmem>> -> memref<128x16xf32, #tpu.memory_space<vmem>>
      %dma_start3A_627 = arith.constant 0 : i32
      %dma_start3A_628 = tpu.memref_slice %arg8[%select_n3A_84, %dma_start3A_622, %dma_start3A_627] : memref<2x14x128xi32, #tpu.memory_space<vmem>> -> memref<1x1x128xi32, #tpu.memory_space<vmem>>
      %dma_start3A_629 = tpu.memref_squeeze %dma_start3A_628 : memref<1x1x128xi32, #tpu.memory_space<vmem>> -> memref<128xi32, #tpu.memory_space<vmem>>
      %dma_start3A_630 = arith.constant 0 : i32
      %dma_start3A_631 = arith.constant 0 : i32
      %dma_start3A_632 = tpu.memref_slice %arg6[%dma_start3A_630, %dma_start3A_631] : memref<50400x16xf32, #tpu.memory_space<vmem_shared>> -> memref<50400x16xf32, #tpu.memory_space<vmem_shared>>
      tpu.enqueue_indirect_dma source(%dma_start3A_626 : memref<128x16xf32, #tpu.memory_space<vmem>>) target(%dma_start3A_632 : memref<50400x16xf32, #tpu.memory_space<vmem_shared>>) offsets(%dma_start3A_629 : memref<128xi32, #tpu.memory_space<vmem>>) semaphore(%arg13 : memref<!tpu.dma_semaphore, #tpu.memory_space<semaphore_mem>>) {add = true}
      %dma_wait3A_633 = arith.constant 1 : i32
      %dma_wait3A_634 = arith.constant 10 : i32
      %dma_wait3A_635 = arith.constant 0 : i32
      %dma_wait3A_636 = arith.constant 0 : i32
      %dma_wait3A_637 = tpu.memref_slice %arg9[%dma_wait3A_633, %dma_wait3A_635, %dma_wait3A_636] : memref<2x256x16xf32, #tpu.memory_space<vmem>> -> memref<1x128x16xf32, #tpu.memory_space<vmem>>
      %dma_wait3A_638 = tpu.memref_squeeze %dma_wait3A_637 : memref<1x128x16xf32, #tpu.memory_space<vmem>> -> memref<128x16xf32, #tpu.memory_space<vmem>>
      %dma_wait3A_639 = arith.constant 0 : i32
      %dma_wait3A_640 = tpu.memref_slice %arg8[%select_n3A_84, %dma_wait3A_634, %dma_wait3A_639] : memref<2x14x128xi32, #tpu.memory_space<vmem>> -> memref<1x1x128xi32, #tpu.memory_space<vmem>>
      %dma_wait3A_641 = tpu.memref_squeeze %dma_wait3A_640 : memref<1x1x128xi32, #tpu.memory_space<vmem>> -> memref<128xi32, #tpu.memory_space<vmem>>
      %dma_wait3A_642 = arith.constant 0 : i32
      %dma_wait3A_643 = arith.constant 0 : i32
      %dma_wait3A_644 = tpu.memref_slice %arg6[%dma_wait3A_642, %dma_wait3A_643] : memref<50400x16xf32, #tpu.memory_space<vmem_shared>> -> memref<50400x16xf32, #tpu.memory_space<vmem_shared>>
      tpu.wait_indirect_dma semaphore(%arg14 : memref<!tpu.dma_semaphore, #tpu.memory_space<semaphore_mem>>) src(%dma_wait3A_638 : memref<128x16xf32, #tpu.memory_space<vmem>>) dst(%dma_wait3A_644 : memref<50400x16xf32, #tpu.memory_space<vmem_shared>>)
      %dma_wait3A_645 = arith.constant 1 : i32
      %dma_wait3A_646 = arith.constant 11 : i32
      %dma_wait3A_647 = arith.constant 128 : i32
      %dma_wait3A_648 = arith.constant 0 : i32
      %dma_wait3A_649 = tpu.memref_slice %arg9[%dma_wait3A_645, %dma_wait3A_647, %dma_wait3A_648] : memref<2x256x16xf32, #tpu.memory_space<vmem>> -> memref<1x128x16xf32, #tpu.memory_space<vmem>>
      %dma_wait3A_650 = tpu.memref_squeeze %dma_wait3A_649 : memref<1x128x16xf32, #tpu.memory_space<vmem>> -> memref<128x16xf32, #tpu.memory_space<vmem>>
      %dma_wait3A_651 = arith.constant 0 : i32
      %dma_wait3A_652 = tpu.memref_slice %arg8[%select_n3A_84, %dma_wait3A_646, %dma_wait3A_651] : memref<2x14x128xi32, #tpu.memory_space<vmem>> -> memref<1x1x128xi32, #tpu.memory_space<vmem>>
      %dma_wait3A_653 = tpu.memref_squeeze %dma_wait3A_652 : memref<1x1x128xi32, #tpu.memory_space<vmem>> -> memref<128xi32, #tpu.memory_space<vmem>>
      %dma_wait3A_654 = arith.constant 0 : i32
      %dma_wait3A_655 = arith.constant 0 : i32
      %dma_wait3A_656 = tpu.memref_slice %arg6[%dma_wait3A_654, %dma_wait3A_655] : memref<50400x16xf32, #tpu.memory_space<vmem_shared>> -> memref<50400x16xf32, #tpu.memory_space<vmem_shared>>
      tpu.wait_indirect_dma semaphore(%arg14 : memref<!tpu.dma_semaphore, #tpu.memory_space<semaphore_mem>>) src(%dma_wait3A_650 : memref<128x16xf32, #tpu.memory_space<vmem>>) dst(%dma_wait3A_656 : memref<50400x16xf32, #tpu.memory_space<vmem_shared>>)
      %dma_wait3A_657 = arith.constant 0 : i32
      %dma_wait3A_658 = arith.constant 12 : i32
      %dma_wait3A_659 = arith.constant 0 : i32
      %dma_wait3A_660 = arith.constant 0 : i32
      %dma_wait3A_661 = tpu.memref_slice %arg9[%dma_wait3A_657, %dma_wait3A_659, %dma_wait3A_660] : memref<2x256x16xf32, #tpu.memory_space<vmem>> -> memref<1x128x16xf32, #tpu.memory_space<vmem>>
      %dma_wait3A_662 = tpu.memref_squeeze %dma_wait3A_661 : memref<1x128x16xf32, #tpu.memory_space<vmem>> -> memref<128x16xf32, #tpu.memory_space<vmem>>
      %dma_wait3A_663 = arith.constant 0 : i32
      %dma_wait3A_664 = tpu.memref_slice %arg8[%select_n3A_84, %dma_wait3A_658, %dma_wait3A_663] : memref<2x14x128xi32, #tpu.memory_space<vmem>> -> memref<1x1x128xi32, #tpu.memory_space<vmem>>
      %dma_wait3A_665 = tpu.memref_squeeze %dma_wait3A_664 : memref<1x1x128xi32, #tpu.memory_space<vmem>> -> memref<128xi32, #tpu.memory_space<vmem>>
      %dma_wait3A_666 = arith.constant 0 : i32
      %dma_wait3A_667 = arith.constant 0 : i32
      %dma_wait3A_668 = tpu.memref_slice %arg6[%dma_wait3A_666, %dma_wait3A_667] : memref<50400x16xf32, #tpu.memory_space<vmem_shared>> -> memref<50400x16xf32, #tpu.memory_space<vmem_shared>>
      tpu.wait_indirect_dma semaphore(%arg13 : memref<!tpu.dma_semaphore, #tpu.memory_space<semaphore_mem>>) src(%dma_wait3A_662 : memref<128x16xf32, #tpu.memory_space<vmem>>) dst(%dma_wait3A_668 : memref<50400x16xf32, #tpu.memory_space<vmem_shared>>)
      %dma_wait3A_669 = arith.constant 0 : i32
      %dma_wait3A_670 = arith.constant 13 : i32
      %dma_wait3A_671 = arith.constant 128 : i32
      %dma_wait3A_672 = arith.constant 0 : i32
      %dma_wait3A_673 = tpu.memref_slice %arg9[%dma_wait3A_669, %dma_wait3A_671, %dma_wait3A_672] : memref<2x256x16xf32, #tpu.memory_space<vmem>> -> memref<1x128x16xf32, #tpu.memory_space<vmem>>
      %dma_wait3A_674 = tpu.memref_squeeze %dma_wait3A_673 : memref<1x128x16xf32, #tpu.memory_space<vmem>> -> memref<128x16xf32, #tpu.memory_space<vmem>>
      %dma_wait3A_675 = arith.constant 0 : i32
      %dma_wait3A_676 = tpu.memref_slice %arg8[%select_n3A_84, %dma_wait3A_670, %dma_wait3A_675] : memref<2x14x128xi32, #tpu.memory_space<vmem>> -> memref<1x1x128xi32, #tpu.memory_space<vmem>>
      %dma_wait3A_677 = tpu.memref_squeeze %dma_wait3A_676 : memref<1x1x128xi32, #tpu.memory_space<vmem>> -> memref<128xi32, #tpu.memory_space<vmem>>
      %dma_wait3A_678 = arith.constant 0 : i32
      %dma_wait3A_679 = arith.constant 0 : i32
      %dma_wait3A_680 = tpu.memref_slice %arg6[%dma_wait3A_678, %dma_wait3A_679] : memref<50400x16xf32, #tpu.memory_space<vmem_shared>> -> memref<50400x16xf32, #tpu.memory_space<vmem_shared>>
      tpu.wait_indirect_dma semaphore(%arg13 : memref<!tpu.dma_semaphore, #tpu.memory_space<semaphore_mem>>) src(%dma_wait3A_674 : memref<128x16xf32, #tpu.memory_space<vmem>>) dst(%dma_wait3A_680 : memref<50400x16xf32, #tpu.memory_space<vmem_shared>>)
      %scan3A_681 = arith.constant 0 : i32
      scf.yield %scan3A_681 : i32
    }
    %scan3A_65 = arith.constant 14 : i32
    %barrier3A_66 = arith.constant 0 : index
    tpu.barrier barrier_id(%barrier3A_66)
    %scan3A_67 = arith.constant 0 : i32
    %scan3A_68 = arith.constant 0 : i32
    %scan3A_69 = arith.constant 5 : i32
    %scan3A_70 = arith.addi %scan3A_68, %scan3A_69 : i32
    %scan3A_71 = arith.constant 1 : i32
    %scan3A_72 = scf.for %scan3A_74 = %scan3A_68 to %scan3A_70 step %scan3A_71 iter_args(%scan3A_75 = %scan3A_67) -> (i32)  : i32 {
      %mul3A_76 = arith.constant 5 : i32
      %mul3A_77 = arith.muli %arg1, %mul3A_76 : i32
      %add3A_78 = arith.addi %mul3A_77, %scan3A_74 : i32
      %mul3A_79 = arith.constant 625 : i32
      %mul3A_80 = arith.muli %add3A_78, %mul3A_79 : i32
      %mul3A_81 = arith.constant 5 : i32
      %mul3A_82 = arith.muli %arg1, %mul3A_81 : i32
      %add3A_83 = arith.addi %mul3A_82, %scan3A_74 : i32
      "tpu.region"() ({
        %run_scoped3A = tpu.sem_alloc : memref<!tpu.dma_semaphore, #tpu.memory_space<semaphore_mem>>
        %dma_start3A_85 = arith.constant 0 : i32
        %dma_start3A_86 = arith.constant 0 : i32
        %dma_start3A_87 = tpu.memref_slice %arg5[%arg0, %add3A_83, %dma_start3A_85, %dma_start3A_86] : memref<2x80x625x16xf32, #tpu.memory_space<hbm>> -> memref<1x1x625x16xf32, #tpu.memory_space<hbm>>
        %dma_start3A_88 = tpu.memref_squeeze %dma_start3A_87 : memref<1x1x625x16xf32, #tpu.memory_space<hbm>> -> memref<625x16xf32, #tpu.memory_space<hbm>>
        %dma_start3A_89 = arith.constant 0 : i32
        %dma_start3A_90 = tpu.memref_slice %arg6[%mul3A_80, %dma_start3A_89] : memref<50400x16xf32, #tpu.memory_space<vmem_shared>> -> memref<625x16xf32, #tpu.memory_space<vmem_shared>>
        tpu.enqueue_dma source(%dma_start3A_90 : memref<625x16xf32, #tpu.memory_space<vmem_shared>>) target(%dma_start3A_88 : memref<625x16xf32, #tpu.memory_space<hbm>>) target_semaphore(%run_scoped3A : memref<!tpu.dma_semaphore, #tpu.memory_space<semaphore_mem>>)
        %dma_wait3A = arith.constant 0 : i32
        %dma_wait3A_91 = arith.constant 0 : i32
        %dma_wait3A_92 = tpu.memref_slice %arg5[%arg0, %add3A_83, %dma_wait3A, %dma_wait3A_91] : memref<2x80x625x16xf32, #tpu.memory_space<hbm>> -> memref<1x1x625x16xf32, #tpu.memory_space<hbm>>
        %dma_wait3A_93 = tpu.memref_squeeze %dma_wait3A_92 : memref<1x1x625x16xf32, #tpu.memory_space<hbm>> -> memref<625x16xf32, #tpu.memory_space<hbm>>
        %dma_wait3A_94 = arith.constant 0 : i32
        %dma_wait3A_95 = tpu.memref_slice %arg6[%mul3A_80, %dma_wait3A_94] : memref<50400x16xf32, #tpu.memory_space<vmem_shared>> -> memref<625x16xf32, #tpu.memory_space<vmem_shared>>
        tpu.wait_dma2 semaphore(%run_scoped3A : memref<!tpu.dma_semaphore, #tpu.memory_space<semaphore_mem>>) src(%dma_wait3A_95 : memref<625x16xf32, #tpu.memory_space<vmem_shared>>) dst(%dma_wait3A_93 : memref<625x16xf32, #tpu.memory_space<hbm>>)
        tpu.yield
      }) : () -> ()
      %scan3A_84 = arith.constant 0 : i32
      scf.yield %scan3A_84 : i32
    }
    %scan3A_73 = arith.constant 5 : i32
    return
  }
}

#map = affine_map<(d0, d1) -> (0, 0, 0)>
#map1 = affine_map<(d0, d1) -> (0, 0, 0, 0)>
module attributes {stable_mosaic.version = 14 : i64} {
  func.func @body(%arg0: i32, %arg1: i32, %arg2: memref<2x50000x32xf32, #tpu.memory_space<hbm>>, %arg3: memref<16x28x7x256xi32, #tpu.memory_space<hbm>>, %arg4: memref<16x28x14x128xi32, #tpu.memory_space<hbm>>, %arg5: memref<2x80x625x32xf32, #tpu.memory_space<hbm>>, %arg6: memref<50400x32xf32, #tpu.memory_space<vmem_shared>>, %arg7: memref<2x7x256xi32, #tpu.memory_space<vmem>>, %arg8: memref<2x14x128xi32, #tpu.memory_space<vmem>>, %arg9: memref<2x256x32xf32, #tpu.memory_space<vmem>>, %arg10: memref<90x32xf32, #tpu.memory_space<vmem>>, %arg11: memref<!tpu.dma_semaphore, #tpu.memory_space<semaphore_mem>>, %arg12: memref<!tpu.dma_semaphore, #tpu.memory_space<semaphore_mem>>, %arg13: memref<!tpu.dma_semaphore, #tpu.memory_space<semaphore_mem>>, %arg14: memref<!tpu.dma_semaphore, #tpu.memory_space<semaphore_mem>>, %arg15: memref<!tpu.dma_semaphore, #tpu.memory_space<semaphore_mem>>) attributes {dimension_semantics = [#tpu.dimension_semantics<core_parallel>, #tpu.dimension_semantics<subcore_parallel>], iteration_bounds = array<i64: 2, 16>, scalar_prefetch = 0 : i64, scratch_operands = 10 : i64, tpu.core_type = #tpu.core_type<sc_vector_subcore>, window_params = [{transform_indices = #map}, {transform_indices = #map1}, {transform_indices = #map1}, {transform_indices = #map1}]} {
    %dma_start3A = arith.constant 0 : i32
    %dma_start3A_0 = arith.constant 0 : i32
    %dma_start3A_1 = arith.constant 0 : i32
    %dma_start3A_2 = arith.constant 0 : i32
    %dma_start3A_3 = tpu.memref_slice %arg7[%dma_start3A_0, %dma_start3A_1, %dma_start3A_2] : memref<2x7x256xi32, #tpu.memory_space<vmem>> -> memref<1x7x256xi32, #tpu.memory_space<vmem>>
    %dma_start3A_4 = tpu.memref_squeeze %dma_start3A_3 : memref<1x7x256xi32, #tpu.memory_space<vmem>> -> memref<7x256xi32, #tpu.memory_space<vmem>>
    %dma_start3A_5 = arith.constant 0 : i32
    %dma_start3A_6 = arith.constant 0 : i32
    %dma_start3A_7 = tpu.memref_slice %arg3[%arg1, %dma_start3A, %dma_start3A_5, %dma_start3A_6] : memref<16x28x7x256xi32, #tpu.memory_space<hbm>> -> memref<1x1x7x256xi32, #tpu.memory_space<hbm>>
    %dma_start3A_8 = tpu.memref_squeeze %dma_start3A_7 : memref<1x1x7x256xi32, #tpu.memory_space<hbm>> -> memref<7x256xi32, #tpu.memory_space<hbm>>
    %dma_start3A_9 = arith.constant 0 : i32
    %dma_start3A_10 = arith.constant 0 : i32
    %dma_start3A_11 = tpu.memref_slice %arg7[%dma_start3A_0, %dma_start3A_9, %dma_start3A_10] : memref<2x7x256xi32, #tpu.memory_space<vmem>> -> memref<1x7x256xi32, #tpu.memory_space<vmem>>
    %dma_start3A_12 = tpu.memref_squeeze %dma_start3A_11 : memref<1x7x256xi32, #tpu.memory_space<vmem>> -> memref<7x256xi32, #tpu.memory_space<vmem>>
    %dma_start3A_13 = arith.constant 0 : i32
    %dma_start3A_14 = arith.constant 0 : i32
    %dma_start3A_15 = tpu.memref_slice %arg3[%arg1, %dma_start3A, %dma_start3A_13, %dma_start3A_14] : memref<16x28x7x256xi32, #tpu.memory_space<hbm>> -> memref<1x1x7x256xi32, #tpu.memory_space<hbm>>
    %dma_start3A_16 = tpu.memref_squeeze %dma_start3A_15 : memref<1x1x7x256xi32, #tpu.memory_space<hbm>> -> memref<7x256xi32, #tpu.memory_space<hbm>>
    tpu.enqueue_dma source(%dma_start3A_16 : memref<7x256xi32, #tpu.memory_space<hbm>>) target(%dma_start3A_12 : memref<7x256xi32, #tpu.memory_space<vmem>>) target_semaphore(%arg15 : memref<!tpu.dma_semaphore, #tpu.memory_space<semaphore_mem>>)
    %dma_start3A_17 = arith.constant 0 : i32
    %dma_start3A_18 = arith.constant 0 : i32
    %dma_start3A_19 = arith.constant 0 : i32
    %dma_start3A_20 = arith.constant 0 : i32
    %dma_start3A_21 = tpu.memref_slice %arg8[%dma_start3A_18, %dma_start3A_19, %dma_start3A_20] : memref<2x14x128xi32, #tpu.memory_space<vmem>> -> memref<1x14x128xi32, #tpu.memory_space<vmem>>
    %dma_start3A_22 = tpu.memref_squeeze %dma_start3A_21 : memref<1x14x128xi32, #tpu.memory_space<vmem>> -> memref<14x128xi32, #tpu.memory_space<vmem>>
    %dma_start3A_23 = arith.constant 0 : i32
    %dma_start3A_24 = arith.constant 0 : i32
    %dma_start3A_25 = tpu.memref_slice %arg4[%arg1, %dma_start3A_17, %dma_start3A_23, %dma_start3A_24] : memref<16x28x14x128xi32, #tpu.memory_space<hbm>> -> memref<1x1x14x128xi32, #tpu.memory_space<hbm>>
    %dma_start3A_26 = tpu.memref_squeeze %dma_start3A_25 : memref<1x1x14x128xi32, #tpu.memory_space<hbm>> -> memref<14x128xi32, #tpu.memory_space<hbm>>
    %dma_start3A_27 = arith.constant 0 : i32
    %dma_start3A_28 = arith.constant 0 : i32
    %dma_start3A_29 = tpu.memref_slice %arg8[%dma_start3A_18, %dma_start3A_27, %dma_start3A_28] : memref<2x14x128xi32, #tpu.memory_space<vmem>> -> memref<1x14x128xi32, #tpu.memory_space<vmem>>
    %dma_start3A_30 = tpu.memref_squeeze %dma_start3A_29 : memref<1x14x128xi32, #tpu.memory_space<vmem>> -> memref<14x128xi32, #tpu.memory_space<vmem>>
    %dma_start3A_31 = arith.constant 0 : i32
    %dma_start3A_32 = arith.constant 0 : i32
    %dma_start3A_33 = tpu.memref_slice %arg4[%arg1, %dma_start3A_17, %dma_start3A_31, %dma_start3A_32] : memref<16x28x14x128xi32, #tpu.memory_space<hbm>> -> memref<1x1x14x128xi32, #tpu.memory_space<hbm>>
    %dma_start3A_34 = tpu.memref_squeeze %dma_start3A_33 : memref<1x1x14x128xi32, #tpu.memory_space<hbm>> -> memref<14x128xi32, #tpu.memory_space<hbm>>
    tpu.enqueue_dma source(%dma_start3A_34 : memref<14x128xi32, #tpu.memory_space<hbm>>) target(%dma_start3A_30 : memref<14x128xi32, #tpu.memory_space<vmem>>) target_semaphore(%arg15 : memref<!tpu.dma_semaphore, #tpu.memory_space<semaphore_mem>>)
    %scan3A = arith.constant 0 : i32
    %scan3A_35 = arith.constant 0 : i32
    %scan3A_36 = arith.constant 90 : i32
    %scan3A_37 = arith.addi %scan3A_35, %scan3A_36 : i32
    %scan3A_38 = arith.constant 1 : i32
    %scan3A_39 = scf.for %scan3A_71 = %scan3A_35 to %scan3A_37 step %scan3A_38 iter_args(%scan3A_72 = %scan3A) -> (i32)  : i32 {
      %broadcast_in_dim3A = arith.constant 0.000000e+00 : f32
      %broadcast_in_dim3A_73 = vector.broadcast %broadcast_in_dim3A : f32 to vector<16xf32>
      %swap3A = arith.index_cast %scan3A_71 : i32 to index
      %swap3A_74 = arith.constant 0 : index
      %swap3A_75 = tpu.vector_load %arg10[%swap3A, %swap3A_74] {strides = array<i32>} : memref<90x32xf32, #tpu.memory_space<vmem>>, vector<1x16xf32>,
      %swap3A_76 = vector.shape_cast %swap3A_75 : vector<1x16xf32> to vector<16xf32>
      %swap3A_77 = vector.shape_cast %broadcast_in_dim3A_73 : vector<16xf32> to vector<1x16xf32>
      tpu.vector_store %arg10[%swap3A, %swap3A_74], %swap3A_77 {strides = array<i32>} : memref<90x32xf32, #tpu.memory_space<vmem>>, vector<1x16xf32>,
      %broadcast_in_dim3A_78 = arith.constant 0.000000e+00 : f32
      %broadcast_in_dim3A_79 = vector.broadcast %broadcast_in_dim3A_78 : f32 to vector<16xf32>
      %swap3A_80 = arith.index_cast %scan3A_71 : i32 to index
      %swap3A_81 = arith.constant 16 : index
      %swap3A_82 = tpu.vector_load %arg10[%swap3A_80, %swap3A_81] {strides = array<i32>} : memref<90x32xf32, #tpu.memory_space<vmem>>, vector<1x16xf32>,
      %swap3A_83 = vector.shape_cast %swap3A_82 : vector<1x16xf32> to vector<16xf32>
      %swap3A_84 = vector.shape_cast %broadcast_in_dim3A_79 : vector<16xf32> to vector<1x16xf32>
      tpu.vector_store %arg10[%swap3A_80, %swap3A_81], %swap3A_84 {strides = array<i32>} : memref<90x32xf32, #tpu.memory_space<vmem>>, vector<1x16xf32>,
      %scan3A_85 = arith.constant 0 : i32
      scf.yield %scan3A_85 : i32
    }
    %scan3A_40 = arith.constant 90 : i32
    %mul3A = arith.constant 3150 : i32
    %mul3A_41 = arith.muli %arg1, %mul3A : i32
    %scan3A_42 = arith.constant 0 : i32
    %scan3A_43 = arith.constant 0 : i32
    %scan3A_44 = arith.constant 35 : i32
    %scan3A_45 = arith.addi %scan3A_43, %scan3A_44 : i32
    %scan3A_46 = arith.constant 1 : i32
    %scan3A_47 = scf.for %scan3A_71 = %scan3A_43 to %scan3A_45 step %scan3A_46 iter_args(%scan3A_72 = %scan3A_42) -> (i32)  : i32 {
      %mul3A_73 = arith.constant 90 : i32
      %mul3A_74 = arith.muli %scan3A_71, %mul3A_73 : i32
      %add3A = arith.addi %mul3A_41, %mul3A_74 : i32
      %dma_start3A_75 = arith.constant 0 : i32
      %dma_start3A_76 = tpu.memref_slice %arg6[%add3A, %dma_start3A_75] : memref<50400x32xf32, #tpu.memory_space<vmem_shared>> -> memref<90x32xf32, #tpu.memory_space<vmem_shared>>
      %dma_start3A_77 = arith.constant 0 : i32
      %dma_start3A_78 = tpu.memref_slice %arg6[%add3A, %dma_start3A_77] : memref<50400x32xf32, #tpu.memory_space<vmem_shared>> -> memref<90x32xf32, #tpu.memory_space<vmem_shared>>
      tpu.enqueue_dma source(%arg10 : memref<90x32xf32, #tpu.memory_space<vmem>>) target(%dma_start3A_78 : memref<90x32xf32, #tpu.memory_space<vmem_shared>>) target_semaphore(%arg13 : memref<!tpu.dma_semaphore, #tpu.memory_space<semaphore_mem>>)
      %scan3A_79 = arith.constant 0 : i32
      scf.yield %scan3A_79 : i32
    }
    %scan3A_48 = arith.constant 35 : i32
    %scan3A_49 = arith.constant 0 : i32
    %scan3A_50 = arith.constant 0 : i32
    %scan3A_51 = arith.constant 35 : i32
    %scan3A_52 = arith.addi %scan3A_50, %scan3A_51 : i32
    %scan3A_53 = arith.constant 1 : i32
    %scan3A_54 = scf.for %scan3A_71 = %scan3A_50 to %scan3A_52 step %scan3A_53 iter_args(%scan3A_72 = %scan3A_49) -> (i32)  : i32 {
      %mul3A_73 = arith.constant 90 : i32
      %mul3A_74 = arith.muli %scan3A_71, %mul3A_73 : i32
      %add3A = arith.addi %mul3A_41, %mul3A_74 : i32
      %dma_wait3A = arith.constant 0 : i32
      %dma_wait3A_75 = tpu.memref_slice %arg6[%add3A, %dma_wait3A] : memref<50400x32xf32, #tpu.memory_space<vmem_shared>> -> memref<90x32xf32, #tpu.memory_space<vmem_shared>>
      %dma_wait3A_76 = arith.constant 0 : i32
      %dma_wait3A_77 = tpu.memref_slice %arg6[%add3A, %dma_wait3A_76] : memref<50400x32xf32, #tpu.memory_space<vmem_shared>> -> memref<90x32xf32, #tpu.memory_space<vmem_shared>>
      tpu.wait_dma2 semaphore(%arg13 : memref<!tpu.dma_semaphore, #tpu.memory_space<semaphore_mem>>) src(%arg10 : memref<90x32xf32, #tpu.memory_space<vmem>>) dst(%dma_wait3A_77 : memref<90x32xf32, #tpu.memory_space<vmem_shared>>)
      %scan3A_78 = arith.constant 0 : i32
      scf.yield %scan3A_78 : i32
    }
    %scan3A_55 = arith.constant 35 : i32
    %barrier3A = arith.constant 0 : index
    tpu.barrier barrier_id(%barrier3A)
    %scan3A_56 = arith.constant 0 : i32
    %scan3A_57 = arith.constant 0 : i32
    %scan3A_58 = arith.constant 28 : i32
    %scan3A_59 = arith.addi %scan3A_57, %scan3A_58 : i32
    %scan3A_60 = arith.constant 1 : i32
    %scan3A_61 = scf.for %scan3A_71 = %scan3A_57 to %scan3A_59 step %scan3A_60 iter_args(%scan3A_72 = %scan3A_56) -> (i32)  : i32 {
      %jit3A = arith.constant 2 : i32
      %eq3A = arith.constant 0 : i32
      %eq3A_73 = arith.cmpi eq, %jit3A, %eq3A : i32
      %jit3A_74 = arith.constant 1 : i32
      %select_n3A = arith.select %eq3A_73, %jit3A_74, %jit3A : i32
      %rem3A = arith.remsi %scan3A_71, %select_n3A : i32
      %ne3A = arith.constant 0 : i32
      %ne3A_75 = arith.cmpi ne, %rem3A, %ne3A : i32
      %lt3A = arith.constant 0 : i32
      %lt3A_76 = arith.cmpi slt, %rem3A, %lt3A : i32
      %lt3A_77 = arith.constant 0 : i32
      %lt3A_78 = arith.cmpi slt, %select_n3A, %lt3A_77 : i32
      %ne3A_79 = arith.xori %lt3A_76, %lt3A_78 : i1
      %and3A = arith.andi %ne3A_79, %ne3A_75 : i1
      %add3A = arith.addi %rem3A, %select_n3A : i32
      %select_n3A_80 = arith.select %and3A, %add3A, %rem3A : i32
      %dma_wait3A = arith.constant 0 : i32
      %dma_wait3A_81 = arith.constant 0 : i32
      %dma_wait3A_82 = tpu.memref_slice %arg7[%select_n3A_80, %dma_wait3A, %dma_wait3A_81] : memref<2x7x256xi32, #tpu.memory_space<vmem>> -> memref<1x7x256xi32, #tpu.memory_space<vmem>>
      %dma_wait3A_83 = tpu.memref_squeeze %dma_wait3A_82 : memref<1x7x256xi32, #tpu.memory_space<vmem>> -> memref<7x256xi32, #tpu.memory_space<vmem>>
      %dma_wait3A_84 = arith.constant 0 : i32
      %dma_wait3A_85 = arith.constant 0 : i32
      %dma_wait3A_86 = tpu.memref_slice %arg3[%arg1, %scan3A_71, %dma_wait3A_84, %dma_wait3A_85] : memref<16x28x7x256xi32, #tpu.memory_space<hbm>> -> memref<1x1x7x256xi32, #tpu.memory_space<hbm>>
      %dma_wait3A_87 = tpu.memref_squeeze %dma_wait3A_86 : memref<1x1x7x256xi32, #tpu.memory_space<hbm>> -> memref<7x256xi32, #tpu.memory_space<hbm>>
      %dma_wait3A_88 = arith.constant 0 : i32
      %dma_wait3A_89 = arith.constant 0 : i32
      %dma_wait3A_90 = tpu.memref_slice %arg7[%select_n3A_80, %dma_wait3A_88, %dma_wait3A_89] : memref<2x7x256xi32, #tpu.memory_space<vmem>> -> memref<1x7x256xi32, #tpu.memory_space<vmem>>
      %dma_wait3A_91 = tpu.memref_squeeze %dma_wait3A_90 : memref<1x7x256xi32, #tpu.memory_space<vmem>> -> memref<7x256xi32, #tpu.memory_space<vmem>>
      %dma_wait3A_92 = arith.constant 0 : i32
      %dma_wait3A_93 = arith.constant 0 : i32
      %dma_wait3A_94 = tpu.memref_slice %arg3[%arg1, %scan3A_71, %dma_wait3A_92, %dma_wait3A_93] : memref<16x28x7x256xi32, #tpu.memory_space<hbm>> -> memref<1x1x7x256xi32, #tpu.memory_space<hbm>>
      %dma_wait3A_95 = tpu.memref_squeeze %dma_wait3A_94 : memref<1x1x7x256xi32, #tpu.memory_space<hbm>> -> memref<7x256xi32, #tpu.memory_space<hbm>>
      tpu.wait_dma2 semaphore(%arg15 : memref<!tpu.dma_semaphore, #tpu.memory_space<semaphore_mem>>) src(%dma_wait3A_95 : memref<7x256xi32, #tpu.memory_space<hbm>>) dst(%dma_wait3A_91 : memref<7x256xi32, #tpu.memory_space<vmem>>)
      %dma_wait3A_96 = arith.constant 0 : i32
      %dma_wait3A_97 = arith.constant 0 : i32
      %dma_wait3A_98 = tpu.memref_slice %arg8[%select_n3A_80, %dma_wait3A_96, %dma_wait3A_97] : memref<2x14x128xi32, #tpu.memory_space<vmem>> -> memref<1x14x128xi32, #tpu.memory_space<vmem>>
      %dma_wait3A_99 = tpu.memref_squeeze %dma_wait3A_98 : memref<1x14x128xi32, #tpu.memory_space<vmem>> -> memref<14x128xi32, #tpu.memory_space<vmem>>
      %dma_wait3A_100 = arith.constant 0 : i32
      %dma_wait3A_101 = arith.constant 0 : i32
      %dma_wait3A_102 = tpu.memref_slice %arg4[%arg1, %scan3A_71, %dma_wait3A_100, %dma_wait3A_101] : memref<16x28x14x128xi32, #tpu.memory_space<hbm>> -> memref<1x1x14x128xi32, #tpu.memory_space<hbm>>
      %dma_wait3A_103 = tpu.memref_squeeze %dma_wait3A_102 : memref<1x1x14x128xi32, #tpu.memory_space<hbm>> -> memref<14x128xi32, #tpu.memory_space<hbm>>
      %dma_wait3A_104 = arith.constant 0 : i32
      %dma_wait3A_105 = arith.constant 0 : i32
      %dma_wait3A_106 = tpu.memref_slice %arg8[%select_n3A_80, %dma_wait3A_104, %dma_wait3A_105] : memref<2x14x128xi32, #tpu.memory_space<vmem>> -> memref<1x14x128xi32, #tpu.memory_space<vmem>>
      %dma_wait3A_107 = tpu.memref_squeeze %dma_wait3A_106 : memref<1x14x128xi32, #tpu.memory_space<vmem>> -> memref<14x128xi32, #tpu.memory_space<vmem>>
      %dma_wait3A_108 = arith.constant 0 : i32
      %dma_wait3A_109 = arith.constant 0 : i32
      %dma_wait3A_110 = tpu.memref_slice %arg4[%arg1, %scan3A_71, %dma_wait3A_108, %dma_wait3A_109] : memref<16x28x14x128xi32, #tpu.memory_space<hbm>> -> memref<1x1x14x128xi32, #tpu.memory_space<hbm>>
      %dma_wait3A_111 = tpu.memref_squeeze %dma_wait3A_110 : memref<1x1x14x128xi32, #tpu.memory_space<hbm>> -> memref<14x128xi32, #tpu.memory_space<hbm>>
      tpu.wait_dma2 semaphore(%arg15 : memref<!tpu.dma_semaphore, #tpu.memory_space<semaphore_mem>>) src(%dma_wait3A_111 : memref<14x128xi32, #tpu.memory_space<hbm>>) dst(%dma_wait3A_107 : memref<14x128xi32, #tpu.memory_space<vmem>>)
      %add3A_112 = arith.constant 1 : i32
      %add3A_113 = arith.addi %scan3A_71, %add3A_112 : i32
      %lt3A_114 = arith.constant 28 : i32
      %lt3A_115 = arith.cmpi slt, %add3A_113, %lt3A_114 : i32
      %convert_element_type3A = arith.extui %lt3A_115 : i1 to i32
      %cond3A = arith.constant 0 : i32
      %cond3A_116 = arith.cmpi ne, %convert_element_type3A, %cond3A : i32
      scf.if %cond3A_116 {
        %add3A_678 = arith.constant 1 : i32
        %add3A_679 = arith.addi %scan3A_71, %add3A_678 : i32
        %sub3A = arith.constant 1 : i32
        %sub3A_680 = arith.subi %sub3A, %select_n3A_80 : i32
        %dma_start3A_681 = arith.constant 0 : i32
        %dma_start3A_682 = arith.constant 0 : i32
        %dma_start3A_683 = tpu.memref_slice %arg7[%sub3A_680, %dma_start3A_681, %dma_start3A_682] : memref<2x7x256xi32, #tpu.memory_space<vmem>> -> memref<1x7x256xi32, #tpu.memory_space<vmem>>
        %dma_start3A_684 = tpu.memref_squeeze %dma_start3A_683 : memref<1x7x256xi32, #tpu.memory_space<vmem>> -> memref<7x256xi32, #tpu.memory_space<vmem>>
        %dma_start3A_685 = arith.constant 0 : i32
        %dma_start3A_686 = arith.constant 0 : i32
        %dma_start3A_687 = tpu.memref_slice %arg3[%arg1, %add3A_679, %dma_start3A_685, %dma_start3A_686] : memref<16x28x7x256xi32, #tpu.memory_space<hbm>> -> memref<1x1x7x256xi32, #tpu.memory_space<hbm>>
        %dma_start3A_688 = tpu.memref_squeeze %dma_start3A_687 : memref<1x1x7x256xi32, #tpu.memory_space<hbm>> -> memref<7x256xi32, #tpu.memory_space<hbm>>
        %dma_start3A_689 = arith.constant 0 : i32
        %dma_start3A_690 = arith.constant 0 : i32
        %dma_start3A_691 = tpu.memref_slice %arg7[%sub3A_680, %dma_start3A_689, %dma_start3A_690] : memref<2x7x256xi32, #tpu.memory_space<vmem>> -> memref<1x7x256xi32, #tpu.memory_space<vmem>>
        %dma_start3A_692 = tpu.memref_squeeze %dma_start3A_691 : memref<1x7x256xi32, #tpu.memory_space<vmem>> -> memref<7x256xi32, #tpu.memory_space<vmem>>
        %dma_start3A_693 = arith.constant 0 : i32
        %dma_start3A_694 = arith.constant 0 : i32
        %dma_start3A_695 = tpu.memref_slice %arg3[%arg1, %add3A_679, %dma_start3A_693, %dma_start3A_694] : memref<16x28x7x256xi32, #tpu.memory_space<hbm>> -> memref<1x1x7x256xi32, #tpu.memory_space<hbm>>
        %dma_start3A_696 = tpu.memref_squeeze %dma_start3A_695 : memref<1x1x7x256xi32, #tpu.memory_space<hbm>> -> memref<7x256xi32, #tpu.memory_space<hbm>>
        tpu.enqueue_dma source(%dma_start3A_696 : memref<7x256xi32, #tpu.memory_space<hbm>>) target(%dma_start3A_692 : memref<7x256xi32, #tpu.memory_space<vmem>>) target_semaphore(%arg15 : memref<!tpu.dma_semaphore, #tpu.memory_space<semaphore_mem>>)
        %add3A_697 = arith.constant 1 : i32
        %add3A_698 = arith.addi %scan3A_71, %add3A_697 : i32
        %sub3A_699 = arith.constant 1 : i32
        %sub3A_700 = arith.subi %sub3A_699, %select_n3A_80 : i32
        %dma_start3A_701 = arith.constant 0 : i32
        %dma_start3A_702 = arith.constant 0 : i32
        %dma_start3A_703 = tpu.memref_slice %arg8[%sub3A_700, %dma_start3A_701, %dma_start3A_702] : memref<2x14x128xi32, #tpu.memory_space<vmem>> -> memref<1x14x128xi32, #tpu.memory_space<vmem>>
        %dma_start3A_704 = tpu.memref_squeeze %dma_start3A_703 : memref<1x14x128xi32, #tpu.memory_space<vmem>> -> memref<14x128xi32, #tpu.memory_space<vmem>>
        %dma_start3A_705 = arith.constant 0 : i32
        %dma_start3A_706 = arith.constant 0 : i32
        %dma_start3A_707 = tpu.memref_slice %arg4[%arg1, %add3A_698, %dma_start3A_705, %dma_start3A_706] : memref<16x28x14x128xi32, #tpu.memory_space<hbm>> -> memref<1x1x14x128xi32, #tpu.memory_space<hbm>>
        %dma_start3A_708 = tpu.memref_squeeze %dma_start3A_707 : memref<1x1x14x128xi32, #tpu.memory_space<hbm>> -> memref<14x128xi32, #tpu.memory_space<hbm>>
        %dma_start3A_709 = arith.constant 0 : i32
        %dma_start3A_710 = arith.constant 0 : i32
        %dma_start3A_711 = tpu.memref_slice %arg8[%sub3A_700, %dma_start3A_709, %dma_start3A_710] : memref<2x14x128xi32, #tpu.memory_space<vmem>> -> memref<1x14x128xi32, #tpu.memory_space<vmem>>
        %dma_start3A_712 = tpu.memref_squeeze %dma_start3A_711 : memref<1x14x128xi32, #tpu.memory_space<vmem>> -> memref<14x128xi32, #tpu.memory_space<vmem>>
        %dma_start3A_713 = arith.constant 0 : i32
        %dma_start3A_714 = arith.constant 0 : i32
        %dma_start3A_715 = tpu.memref_slice %arg4[%arg1, %add3A_698, %dma_start3A_713, %dma_start3A_714] : memref<16x28x14x128xi32, #tpu.memory_space<hbm>> -> memref<1x1x14x128xi32, #tpu.memory_space<hbm>>
        %dma_start3A_716 = tpu.memref_squeeze %dma_start3A_715 : memref<1x1x14x128xi32, #tpu.memory_space<hbm>> -> memref<14x128xi32, #tpu.memory_space<hbm>>
        tpu.enqueue_dma source(%dma_start3A_716 : memref<14x128xi32, #tpu.memory_space<hbm>>) target(%dma_start3A_712 : memref<14x128xi32, #tpu.memory_space<vmem>>) target_semaphore(%arg15 : memref<!tpu.dma_semaphore, #tpu.memory_space<semaphore_mem>>)
      } else {
      }
      %dma_start3A_117 = arith.constant 0 : i32
      %dma_start3A_118 = arith.constant 0 : i32
      %dma_start3A_119 = arith.constant 0 : i32
      %dma_start3A_120 = arith.constant 0 : i32
      %dma_start3A_121 = tpu.memref_slice %arg9[%dma_start3A_118, %dma_start3A_119, %dma_start3A_120] : memref<2x256x32xf32, #tpu.memory_space<vmem>> -> memref<1x256x32xf32, #tpu.memory_space<vmem>>
      %dma_start3A_122 = tpu.memref_squeeze %dma_start3A_121 : memref<1x256x32xf32, #tpu.memory_space<vmem>> -> memref<256x32xf32, #tpu.memory_space<vmem>>
      %dma_start3A_123 = arith.constant 0 : i32
      %dma_start3A_124 = tpu.memref_slice %arg7[%select_n3A_80, %dma_start3A_117, %dma_start3A_123] : memref<2x7x256xi32, #tpu.memory_space<vmem>> -> memref<1x1x256xi32, #tpu.memory_space<vmem>>
      %dma_start3A_125 = tpu.memref_squeeze %dma_start3A_124 : memref<1x1x256xi32, #tpu.memory_space<vmem>> -> memref<256xi32, #tpu.memory_space<vmem>>
      %dma_start3A_126 = arith.constant 0 : i32
      %dma_start3A_127 = arith.constant 0 : i32
      %dma_start3A_128 = tpu.memref_slice %arg2[%arg0, %dma_start3A_126, %dma_start3A_127] : memref<2x50000x32xf32, #tpu.memory_space<hbm>> -> memref<1x50000x32xf32, #tpu.memory_space<hbm>>
      %dma_start3A_129 = tpu.memref_squeeze %dma_start3A_128 : memref<1x50000x32xf32, #tpu.memory_space<hbm>> -> memref<50000x32xf32, #tpu.memory_space<hbm>>
      %dma_start3A_130 = arith.constant 0 : i32
      %dma_start3A_131 = arith.constant 0 : i32
      %dma_start3A_132 = tpu.memref_slice %dma_start3A_129[%dma_start3A_130, %dma_start3A_131] : memref<50000x32xf32, #tpu.memory_space<hbm>> -> memref<50000x32xf32, #tpu.memory_space<hbm>>
      tpu.enqueue_indirect_dma source(%dma_start3A_132 : memref<50000x32xf32, #tpu.memory_space<hbm>>) target(%dma_start3A_122 : memref<256x32xf32, #tpu.memory_space<vmem>>) offsets(%dma_start3A_125 : memref<256xi32, #tpu.memory_space<vmem>>) semaphore(%arg11 : memref<!tpu.dma_semaphore, #tpu.memory_space<semaphore_mem>>)
      %dma_start3A_133 = arith.constant 1 : i32
      %dma_start3A_134 = arith.constant 1 : i32
      %dma_start3A_135 = arith.constant 0 : i32
      %dma_start3A_136 = arith.constant 0 : i32
      %dma_start3A_137 = tpu.memref_slice %arg9[%dma_start3A_134, %dma_start3A_135, %dma_start3A_136] : memref<2x256x32xf32, #tpu.memory_space<vmem>> -> memref<1x256x32xf32, #tpu.memory_space<vmem>>
      %dma_start3A_138 = tpu.memref_squeeze %dma_start3A_137 : memref<1x256x32xf32, #tpu.memory_space<vmem>> -> memref<256x32xf32, #tpu.memory_space<vmem>>
      %dma_start3A_139 = arith.constant 0 : i32
      %dma_start3A_140 = tpu.memref_slice %arg7[%select_n3A_80, %dma_start3A_133, %dma_start3A_139] : memref<2x7x256xi32, #tpu.memory_space<vmem>> -> memref<1x1x256xi32, #tpu.memory_space<vmem>>
      %dma_start3A_141 = tpu.memref_squeeze %dma_start3A_140 : memref<1x1x256xi32, #tpu.memory_space<vmem>> -> memref<256xi32, #tpu.memory_space<vmem>>
      %dma_start3A_142 = arith.constant 0 : i32
      %dma_start3A_143 = arith.constant 0 : i32
      %dma_start3A_144 = tpu.memref_slice %arg2[%arg0, %dma_start3A_142, %dma_start3A_143] : memref<2x50000x32xf32, #tpu.memory_space<hbm>> -> memref<1x50000x32xf32, #tpu.memory_space<hbm>>
      %dma_start3A_145 = tpu.memref_squeeze %dma_start3A_144 : memref<1x50000x32xf32, #tpu.memory_space<hbm>> -> memref<50000x32xf32, #tpu.memory_space<hbm>>
      %dma_start3A_146 = arith.constant 0 : i32
      %dma_start3A_147 = arith.constant 0 : i32
      %dma_start3A_148 = tpu.memref_slice %dma_start3A_145[%dma_start3A_146, %dma_start3A_147] : memref<50000x32xf32, #tpu.memory_space<hbm>> -> memref<50000x32xf32, #tpu.memory_space<hbm>>
      tpu.enqueue_indirect_dma source(%dma_start3A_148 : memref<50000x32xf32, #tpu.memory_space<hbm>>) target(%dma_start3A_138 : memref<256x32xf32, #tpu.memory_space<vmem>>) offsets(%dma_start3A_141 : memref<256xi32, #tpu.memory_space<vmem>>) semaphore(%arg12 : memref<!tpu.dma_semaphore, #tpu.memory_space<semaphore_mem>>)
      %dma_wait3A_149 = arith.constant 0 : i32
      %dma_wait3A_150 = arith.constant 0 : i32
      %dma_wait3A_151 = arith.constant 0 : i32
      %dma_wait3A_152 = arith.constant 0 : i32
      %dma_wait3A_153 = tpu.memref_slice %arg9[%dma_wait3A_150, %dma_wait3A_151, %dma_wait3A_152] : memref<2x256x32xf32, #tpu.memory_space<vmem>> -> memref<1x256x32xf32, #tpu.memory_space<vmem>>
      %dma_wait3A_154 = tpu.memref_squeeze %dma_wait3A_153 : memref<1x256x32xf32, #tpu.memory_space<vmem>> -> memref<256x32xf32, #tpu.memory_space<vmem>>
      %dma_wait3A_155 = arith.constant 0 : i32
      %dma_wait3A_156 = tpu.memref_slice %arg7[%select_n3A_80, %dma_wait3A_149, %dma_wait3A_155] : memref<2x7x256xi32, #tpu.memory_space<vmem>> -> memref<1x1x256xi32, #tpu.memory_space<vmem>>
      %dma_wait3A_157 = tpu.memref_squeeze %dma_wait3A_156 : memref<1x1x256xi32, #tpu.memory_space<vmem>> -> memref<256xi32, #tpu.memory_space<vmem>>
      %dma_wait3A_158 = arith.constant 0 : i32
      %dma_wait3A_159 = arith.constant 0 : i32
      %dma_wait3A_160 = tpu.memref_slice %arg2[%arg0, %dma_wait3A_158, %dma_wait3A_159] : memref<2x50000x32xf32, #tpu.memory_space<hbm>> -> memref<1x50000x32xf32, #tpu.memory_space<hbm>>
      %dma_wait3A_161 = tpu.memref_squeeze %dma_wait3A_160 : memref<1x50000x32xf32, #tpu.memory_space<hbm>> -> memref<50000x32xf32, #tpu.memory_space<hbm>>
      %dma_wait3A_162 = arith.constant 0 : i32
      %dma_wait3A_163 = arith.constant 0 : i32
      %dma_wait3A_164 = tpu.memref_slice %dma_wait3A_161[%dma_wait3A_162, %dma_wait3A_163] : memref<50000x32xf32, #tpu.memory_space<hbm>> -> memref<50000x32xf32, #tpu.memory_space<hbm>>
      tpu.wait_indirect_dma semaphore(%arg11 : memref<!tpu.dma_semaphore, #tpu.memory_space<semaphore_mem>>) src(%dma_wait3A_164 : memref<50000x32xf32, #tpu.memory_space<hbm>>) dst(%dma_wait3A_154 : memref<256x32xf32, #tpu.memory_space<vmem>>)
      %dma_start3A_165 = arith.constant 0 : i32
      %dma_start3A_166 = arith.constant 0 : i32
      %dma_start3A_167 = arith.constant 0 : i32
      %dma_start3A_168 = arith.constant 0 : i32
      %dma_start3A_169 = tpu.memref_slice %arg9[%dma_start3A_165, %dma_start3A_167, %dma_start3A_168] : memref<2x256x32xf32, #tpu.memory_space<vmem>> -> memref<1x128x32xf32, #tpu.memory_space<vmem>>
      %dma_start3A_170 = tpu.memref_squeeze %dma_start3A_169 : memref<1x128x32xf32, #tpu.memory_space<vmem>> -> memref<128x32xf32, #tpu.memory_space<vmem>>
      %dma_start3A_171 = arith.constant 0 : i32
      %dma_start3A_172 = tpu.memref_slice %arg8[%select_n3A_80, %dma_start3A_166, %dma_start3A_171] : memref<2x14x128xi32, #tpu.memory_space<vmem>> -> memref<1x1x128xi32, #tpu.memory_space<vmem>>
      %dma_start3A_173 = tpu.memref_squeeze %dma_start3A_172 : memref<1x1x128xi32, #tpu.memory_space<vmem>> -> memref<128xi32, #tpu.memory_space<vmem>>
      %dma_start3A_174 = arith.constant 0 : i32
      %dma_start3A_175 = arith.constant 0 : i32
      %dma_start3A_176 = tpu.memref_slice %arg6[%dma_start3A_174, %dma_start3A_175] : memref<50400x32xf32, #tpu.memory_space<vmem_shared>> -> memref<50400x32xf32, #tpu.memory_space<vmem_shared>>
      tpu.enqueue_indirect_dma source(%dma_start3A_170 : memref<128x32xf32, #tpu.memory_space<vmem>>) target(%dma_start3A_176 : memref<50400x32xf32, #tpu.memory_space<vmem_shared>>) offsets(%dma_start3A_173 : memref<128xi32, #tpu.memory_space<vmem>>) semaphore(%arg13 : memref<!tpu.dma_semaphore, #tpu.memory_space<semaphore_mem>>) {add = true}
      %dma_start3A_177 = arith.constant 0 : i32
      %dma_start3A_178 = arith.constant 1 : i32
      %dma_start3A_179 = arith.constant 128 : i32
      %dma_start3A_180 = arith.constant 0 : i32
      %dma_start3A_181 = tpu.memref_slice %arg9[%dma_start3A_177, %dma_start3A_179, %dma_start3A_180] : memref<2x256x32xf32, #tpu.memory_space<vmem>> -> memref<1x128x32xf32, #tpu.memory_space<vmem>>
      %dma_start3A_182 = tpu.memref_squeeze %dma_start3A_181 : memref<1x128x32xf32, #tpu.memory_space<vmem>> -> memref<128x32xf32, #tpu.memory_space<vmem>>
      %dma_start3A_183 = arith.constant 0 : i32
      %dma_start3A_184 = tpu.memref_slice %arg8[%select_n3A_80, %dma_start3A_178, %dma_start3A_183] : memref<2x14x128xi32, #tpu.memory_space<vmem>> -> memref<1x1x128xi32, #tpu.memory_space<vmem>>
      %dma_start3A_185 = tpu.memref_squeeze %dma_start3A_184 : memref<1x1x128xi32, #tpu.memory_space<vmem>> -> memref<128xi32, #tpu.memory_space<vmem>>
      %dma_start3A_186 = arith.constant 0 : i32
      %dma_start3A_187 = arith.constant 0 : i32
      %dma_start3A_188 = tpu.memref_slice %arg6[%dma_start3A_186, %dma_start3A_187] : memref<50400x32xf32, #tpu.memory_space<vmem_shared>> -> memref<50400x32xf32, #tpu.memory_space<vmem_shared>>
      tpu.enqueue_indirect_dma source(%dma_start3A_182 : memref<128x32xf32, #tpu.memory_space<vmem>>) target(%dma_start3A_188 : memref<50400x32xf32, #tpu.memory_space<vmem_shared>>) offsets(%dma_start3A_185 : memref<128xi32, #tpu.memory_space<vmem>>) semaphore(%arg13 : memref<!tpu.dma_semaphore, #tpu.memory_space<semaphore_mem>>) {add = true}
      %dma_wait3A_189 = arith.constant 0 : i32
      %dma_wait3A_190 = arith.constant 0 : i32
      %dma_wait3A_191 = arith.constant 0 : i32
      %dma_wait3A_192 = arith.constant 0 : i32
      %dma_wait3A_193 = tpu.memref_slice %arg9[%dma_wait3A_189, %dma_wait3A_191, %dma_wait3A_192] : memref<2x256x32xf32, #tpu.memory_space<vmem>> -> memref<1x128x32xf32, #tpu.memory_space<vmem>>
      %dma_wait3A_194 = tpu.memref_squeeze %dma_wait3A_193 : memref<1x128x32xf32, #tpu.memory_space<vmem>> -> memref<128x32xf32, #tpu.memory_space<vmem>>
      %dma_wait3A_195 = arith.constant 0 : i32
      %dma_wait3A_196 = tpu.memref_slice %arg8[%select_n3A_80, %dma_wait3A_190, %dma_wait3A_195] : memref<2x14x128xi32, #tpu.memory_space<vmem>> -> memref<1x1x128xi32, #tpu.memory_space<vmem>>
      %dma_wait3A_197 = tpu.memref_squeeze %dma_wait3A_196 : memref<1x1x128xi32, #tpu.memory_space<vmem>> -> memref<128xi32, #tpu.memory_space<vmem>>
      %dma_wait3A_198 = arith.constant 0 : i32
      %dma_wait3A_199 = arith.constant 0 : i32
      %dma_wait3A_200 = tpu.memref_slice %arg6[%dma_wait3A_198, %dma_wait3A_199] : memref<50400x32xf32, #tpu.memory_space<vmem_shared>> -> memref<50400x32xf32, #tpu.memory_space<vmem_shared>>
      tpu.wait_indirect_dma semaphore(%arg13 : memref<!tpu.dma_semaphore, #tpu.memory_space<semaphore_mem>>) src(%dma_wait3A_194 : memref<128x32xf32, #tpu.memory_space<vmem>>) dst(%dma_wait3A_200 : memref<50400x32xf32, #tpu.memory_space<vmem_shared>>)
      %dma_wait3A_201 = arith.constant 0 : i32
      %dma_wait3A_202 = arith.constant 1 : i32
      %dma_wait3A_203 = arith.constant 128 : i32
      %dma_wait3A_204 = arith.constant 0 : i32
      %dma_wait3A_205 = tpu.memref_slice %arg9[%dma_wait3A_201, %dma_wait3A_203, %dma_wait3A_204] : memref<2x256x32xf32, #tpu.memory_space<vmem>> -> memref<1x128x32xf32, #tpu.memory_space<vmem>>
      %dma_wait3A_206 = tpu.memref_squeeze %dma_wait3A_205 : memref<1x128x32xf32, #tpu.memory_space<vmem>> -> memref<128x32xf32, #tpu.memory_space<vmem>>
      %dma_wait3A_207 = arith.constant 0 : i32
      %dma_wait3A_208 = tpu.memref_slice %arg8[%select_n3A_80, %dma_wait3A_202, %dma_wait3A_207] : memref<2x14x128xi32, #tpu.memory_space<vmem>> -> memref<1x1x128xi32, #tpu.memory_space<vmem>>
      %dma_wait3A_209 = tpu.memref_squeeze %dma_wait3A_208 : memref<1x1x128xi32, #tpu.memory_space<vmem>> -> memref<128xi32, #tpu.memory_space<vmem>>
      %dma_wait3A_210 = arith.constant 0 : i32
      %dma_wait3A_211 = arith.constant 0 : i32
      %dma_wait3A_212 = tpu.memref_slice %arg6[%dma_wait3A_210, %dma_wait3A_211] : memref<50400x32xf32, #tpu.memory_space<vmem_shared>> -> memref<50400x32xf32, #tpu.memory_space<vmem_shared>>
      tpu.wait_indirect_dma semaphore(%arg13 : memref<!tpu.dma_semaphore, #tpu.memory_space<semaphore_mem>>) src(%dma_wait3A_206 : memref<128x32xf32, #tpu.memory_space<vmem>>) dst(%dma_wait3A_212 : memref<50400x32xf32, #tpu.memory_space<vmem_shared>>)
      %dma_start3A_213 = arith.constant 2 : i32
      %dma_start3A_214 = arith.constant 0 : i32
      %dma_start3A_215 = arith.constant 0 : i32
      %dma_start3A_216 = arith.constant 0 : i32
      %dma_start3A_217 = tpu.memref_slice %arg9[%dma_start3A_214, %dma_start3A_215, %dma_start3A_216] : memref<2x256x32xf32, #tpu.memory_space<vmem>> -> memref<1x256x32xf32, #tpu.memory_space<vmem>>
      %dma_start3A_218 = tpu.memref_squeeze %dma_start3A_217 : memref<1x256x32xf32, #tpu.memory_space<vmem>> -> memref<256x32xf32, #tpu.memory_space<vmem>>
      %dma_start3A_219 = arith.constant 0 : i32
      %dma_start3A_220 = tpu.memref_slice %arg7[%select_n3A_80, %dma_start3A_213, %dma_start3A_219] : memref<2x7x256xi32, #tpu.memory_space<vmem>> -> memref<1x1x256xi32, #tpu.memory_space<vmem>>
      %dma_start3A_221 = tpu.memref_squeeze %dma_start3A_220 : memref<1x1x256xi32, #tpu.memory_space<vmem>> -> memref<256xi32, #tpu.memory_space<vmem>>
      %dma_start3A_222 = arith.constant 0 : i32
      %dma_start3A_223 = arith.constant 0 : i32
      %dma_start3A_224 = tpu.memref_slice %arg2[%arg0, %dma_start3A_222, %dma_start3A_223] : memref<2x50000x32xf32, #tpu.memory_space<hbm>> -> memref<1x50000x32xf32, #tpu.memory_space<hbm>>
      %dma_start3A_225 = tpu.memref_squeeze %dma_start3A_224 : memref<1x50000x32xf32, #tpu.memory_space<hbm>> -> memref<50000x32xf32, #tpu.memory_space<hbm>>
      %dma_start3A_226 = arith.constant 0 : i32
      %dma_start3A_227 = arith.constant 0 : i32
      %dma_start3A_228 = tpu.memref_slice %dma_start3A_225[%dma_start3A_226, %dma_start3A_227] : memref<50000x32xf32, #tpu.memory_space<hbm>> -> memref<50000x32xf32, #tpu.memory_space<hbm>>
      tpu.enqueue_indirect_dma source(%dma_start3A_228 : memref<50000x32xf32, #tpu.memory_space<hbm>>) target(%dma_start3A_218 : memref<256x32xf32, #tpu.memory_space<vmem>>) offsets(%dma_start3A_221 : memref<256xi32, #tpu.memory_space<vmem>>) semaphore(%arg11 : memref<!tpu.dma_semaphore, #tpu.memory_space<semaphore_mem>>)
      %dma_wait3A_229 = arith.constant 1 : i32
      %dma_wait3A_230 = arith.constant 1 : i32
      %dma_wait3A_231 = arith.constant 0 : i32
      %dma_wait3A_232 = arith.constant 0 : i32
      %dma_wait3A_233 = tpu.memref_slice %arg9[%dma_wait3A_230, %dma_wait3A_231, %dma_wait3A_232] : memref<2x256x32xf32, #tpu.memory_space<vmem>> -> memref<1x256x32xf32, #tpu.memory_space<vmem>>
      %dma_wait3A_234 = tpu.memref_squeeze %dma_wait3A_233 : memref<1x256x32xf32, #tpu.memory_space<vmem>> -> memref<256x32xf32, #tpu.memory_space<vmem>>
      %dma_wait3A_235 = arith.constant 0 : i32
      %dma_wait3A_236 = tpu.memref_slice %arg7[%select_n3A_80, %dma_wait3A_229, %dma_wait3A_235] : memref<2x7x256xi32, #tpu.memory_space<vmem>> -> memref<1x1x256xi32, #tpu.memory_space<vmem>>
      %dma_wait3A_237 = tpu.memref_squeeze %dma_wait3A_236 : memref<1x1x256xi32, #tpu.memory_space<vmem>> -> memref<256xi32, #tpu.memory_space<vmem>>
      %dma_wait3A_238 = arith.constant 0 : i32
      %dma_wait3A_239 = arith.constant 0 : i32
      %dma_wait3A_240 = tpu.memref_slice %arg2[%arg0, %dma_wait3A_238, %dma_wait3A_239] : memref<2x50000x32xf32, #tpu.memory_space<hbm>> -> memref<1x50000x32xf32, #tpu.memory_space<hbm>>
      %dma_wait3A_241 = tpu.memref_squeeze %dma_wait3A_240 : memref<1x50000x32xf32, #tpu.memory_space<hbm>> -> memref<50000x32xf32, #tpu.memory_space<hbm>>
      %dma_wait3A_242 = arith.constant 0 : i32
      %dma_wait3A_243 = arith.constant 0 : i32
      %dma_wait3A_244 = tpu.memref_slice %dma_wait3A_241[%dma_wait3A_242, %dma_wait3A_243] : memref<50000x32xf32, #tpu.memory_space<hbm>> -> memref<50000x32xf32, #tpu.memory_space<hbm>>
      tpu.wait_indirect_dma semaphore(%arg12 : memref<!tpu.dma_semaphore, #tpu.memory_space<semaphore_mem>>) src(%dma_wait3A_244 : memref<50000x32xf32, #tpu.memory_space<hbm>>) dst(%dma_wait3A_234 : memref<256x32xf32, #tpu.memory_space<vmem>>)
      %dma_start3A_245 = arith.constant 1 : i32
      %dma_start3A_246 = arith.constant 2 : i32
      %dma_start3A_247 = arith.constant 0 : i32
      %dma_start3A_248 = arith.constant 0 : i32
      %dma_start3A_249 = tpu.memref_slice %arg9[%dma_start3A_245, %dma_start3A_247, %dma_start3A_248] : memref<2x256x32xf32, #tpu.memory_space<vmem>> -> memref<1x128x32xf32, #tpu.memory_space<vmem>>
      %dma_start3A_250 = tpu.memref_squeeze %dma_start3A_249 : memref<1x128x32xf32, #tpu.memory_space<vmem>> -> memref<128x32xf32, #tpu.memory_space<vmem>>
      %dma_start3A_251 = arith.constant 0 : i32
      %dma_start3A_252 = tpu.memref_slice %arg8[%select_n3A_80, %dma_start3A_246, %dma_start3A_251] : memref<2x14x128xi32, #tpu.memory_space<vmem>> -> memref<1x1x128xi32, #tpu.memory_space<vmem>>
      %dma_start3A_253 = tpu.memref_squeeze %dma_start3A_252 : memref<1x1x128xi32, #tpu.memory_space<vmem>> -> memref<128xi32, #tpu.memory_space<vmem>>
      %dma_start3A_254 = arith.constant 0 : i32
      %dma_start3A_255 = arith.constant 0 : i32
      %dma_start3A_256 = tpu.memref_slice %arg6[%dma_start3A_254, %dma_start3A_255] : memref<50400x32xf32, #tpu.memory_space<vmem_shared>> -> memref<50400x32xf32, #tpu.memory_space<vmem_shared>>
      tpu.enqueue_indirect_dma source(%dma_start3A_250 : memref<128x32xf32, #tpu.memory_space<vmem>>) target(%dma_start3A_256 : memref<50400x32xf32, #tpu.memory_space<vmem_shared>>) offsets(%dma_start3A_253 : memref<128xi32, #tpu.memory_space<vmem>>) semaphore(%arg14 : memref<!tpu.dma_semaphore, #tpu.memory_space<semaphore_mem>>) {add = true}
      %dma_start3A_257 = arith.constant 1 : i32
      %dma_start3A_258 = arith.constant 3 : i32
      %dma_start3A_259 = arith.constant 128 : i32
      %dma_start3A_260 = arith.constant 0 : i32
      %dma_start3A_261 = tpu.memref_slice %arg9[%dma_start3A_257, %dma_start3A_259, %dma_start3A_260] : memref<2x256x32xf32, #tpu.memory_space<vmem>> -> memref<1x128x32xf32, #tpu.memory_space<vmem>>
      %dma_start3A_262 = tpu.memref_squeeze %dma_start3A_261 : memref<1x128x32xf32, #tpu.memory_space<vmem>> -> memref<128x32xf32, #tpu.memory_space<vmem>>
      %dma_start3A_263 = arith.constant 0 : i32
      %dma_start3A_264 = tpu.memref_slice %arg8[%select_n3A_80, %dma_start3A_258, %dma_start3A_263] : memref<2x14x128xi32, #tpu.memory_space<vmem>> -> memref<1x1x128xi32, #tpu.memory_space<vmem>>
      %dma_start3A_265 = tpu.memref_squeeze %dma_start3A_264 : memref<1x1x128xi32, #tpu.memory_space<vmem>> -> memref<128xi32, #tpu.memory_space<vmem>>
      %dma_start3A_266 = arith.constant 0 : i32
      %dma_start3A_267 = arith.constant 0 : i32
      %dma_start3A_268 = tpu.memref_slice %arg6[%dma_start3A_266, %dma_start3A_267] : memref<50400x32xf32, #tpu.memory_space<vmem_shared>> -> memref<50400x32xf32, #tpu.memory_space<vmem_shared>>
      tpu.enqueue_indirect_dma source(%dma_start3A_262 : memref<128x32xf32, #tpu.memory_space<vmem>>) target(%dma_start3A_268 : memref<50400x32xf32, #tpu.memory_space<vmem_shared>>) offsets(%dma_start3A_265 : memref<128xi32, #tpu.memory_space<vmem>>) semaphore(%arg14 : memref<!tpu.dma_semaphore, #tpu.memory_space<semaphore_mem>>) {add = true}
      %dma_wait3A_269 = arith.constant 1 : i32
      %dma_wait3A_270 = arith.constant 2 : i32
      %dma_wait3A_271 = arith.constant 0 : i32
      %dma_wait3A_272 = arith.constant 0 : i32
      %dma_wait3A_273 = tpu.memref_slice %arg9[%dma_wait3A_269, %dma_wait3A_271, %dma_wait3A_272] : memref<2x256x32xf32, #tpu.memory_space<vmem>> -> memref<1x128x32xf32, #tpu.memory_space<vmem>>
      %dma_wait3A_274 = tpu.memref_squeeze %dma_wait3A_273 : memref<1x128x32xf32, #tpu.memory_space<vmem>> -> memref<128x32xf32, #tpu.memory_space<vmem>>
      %dma_wait3A_275 = arith.constant 0 : i32
      %dma_wait3A_276 = tpu.memref_slice %arg8[%select_n3A_80, %dma_wait3A_270, %dma_wait3A_275] : memref<2x14x128xi32, #tpu.memory_space<vmem>> -> memref<1x1x128xi32, #tpu.memory_space<vmem>>
      %dma_wait3A_277 = tpu.memref_squeeze %dma_wait3A_276 : memref<1x1x128xi32, #tpu.memory_space<vmem>> -> memref<128xi32, #tpu.memory_space<vmem>>
      %dma_wait3A_278 = arith.constant 0 : i32
      %dma_wait3A_279 = arith.constant 0 : i32
      %dma_wait3A_280 = tpu.memref_slice %arg6[%dma_wait3A_278, %dma_wait3A_279] : memref<50400x32xf32, #tpu.memory_space<vmem_shared>> -> memref<50400x32xf32, #tpu.memory_space<vmem_shared>>
      tpu.wait_indirect_dma semaphore(%arg14 : memref<!tpu.dma_semaphore, #tpu.memory_space<semaphore_mem>>) src(%dma_wait3A_274 : memref<128x32xf32, #tpu.memory_space<vmem>>) dst(%dma_wait3A_280 : memref<50400x32xf32, #tpu.memory_space<vmem_shared>>)
      %dma_wait3A_281 = arith.constant 1 : i32
      %dma_wait3A_282 = arith.constant 3 : i32
      %dma_wait3A_283 = arith.constant 128 : i32
      %dma_wait3A_284 = arith.constant 0 : i32
      %dma_wait3A_285 = tpu.memref_slice %arg9[%dma_wait3A_281, %dma_wait3A_283, %dma_wait3A_284] : memref<2x256x32xf32, #tpu.memory_space<vmem>> -> memref<1x128x32xf32, #tpu.memory_space<vmem>>
      %dma_wait3A_286 = tpu.memref_squeeze %dma_wait3A_285 : memref<1x128x32xf32, #tpu.memory_space<vmem>> -> memref<128x32xf32, #tpu.memory_space<vmem>>
      %dma_wait3A_287 = arith.constant 0 : i32
      %dma_wait3A_288 = tpu.memref_slice %arg8[%select_n3A_80, %dma_wait3A_282, %dma_wait3A_287] : memref<2x14x128xi32, #tpu.memory_space<vmem>> -> memref<1x1x128xi32, #tpu.memory_space<vmem>>
      %dma_wait3A_289 = tpu.memref_squeeze %dma_wait3A_288 : memref<1x1x128xi32, #tpu.memory_space<vmem>> -> memref<128xi32, #tpu.memory_space<vmem>>
      %dma_wait3A_290 = arith.constant 0 : i32
      %dma_wait3A_291 = arith.constant 0 : i32
      %dma_wait3A_292 = tpu.memref_slice %arg6[%dma_wait3A_290, %dma_wait3A_291] : memref<50400x32xf32, #tpu.memory_space<vmem_shared>> -> memref<50400x32xf32, #tpu.memory_space<vmem_shared>>
      tpu.wait_indirect_dma semaphore(%arg14 : memref<!tpu.dma_semaphore, #tpu.memory_space<semaphore_mem>>) src(%dma_wait3A_286 : memref<128x32xf32, #tpu.memory_space<vmem>>) dst(%dma_wait3A_292 : memref<50400x32xf32, #tpu.memory_space<vmem_shared>>)
      %dma_start3A_293 = arith.constant 3 : i32
      %dma_start3A_294 = arith.constant 1 : i32
      %dma_start3A_295 = arith.constant 0 : i32
      %dma_start3A_296 = arith.constant 0 : i32
      %dma_start3A_297 = tpu.memref_slice %arg9[%dma_start3A_294, %dma_start3A_295, %dma_start3A_296] : memref<2x256x32xf32, #tpu.memory_space<vmem>> -> memref<1x256x32xf32, #tpu.memory_space<vmem>>
      %dma_start3A_298 = tpu.memref_squeeze %dma_start3A_297 : memref<1x256x32xf32, #tpu.memory_space<vmem>> -> memref<256x32xf32, #tpu.memory_space<vmem>>
      %dma_start3A_299 = arith.constant 0 : i32
      %dma_start3A_300 = tpu.memref_slice %arg7[%select_n3A_80, %dma_start3A_293, %dma_start3A_299] : memref<2x7x256xi32, #tpu.memory_space<vmem>> -> memref<1x1x256xi32, #tpu.memory_space<vmem>>
      %dma_start3A_301 = tpu.memref_squeeze %dma_start3A_300 : memref<1x1x256xi32, #tpu.memory_space<vmem>> -> memref<256xi32, #tpu.memory_space<vmem>>
      %dma_start3A_302 = arith.constant 0 : i32
      %dma_start3A_303 = arith.constant 0 : i32
      %dma_start3A_304 = tpu.memref_slice %arg2[%arg0, %dma_start3A_302, %dma_start3A_303] : memref<2x50000x32xf32, #tpu.memory_space<hbm>> -> memref<1x50000x32xf32, #tpu.memory_space<hbm>>
      %dma_start3A_305 = tpu.memref_squeeze %dma_start3A_304 : memref<1x50000x32xf32, #tpu.memory_space<hbm>> -> memref<50000x32xf32, #tpu.memory_space<hbm>>
      %dma_start3A_306 = arith.constant 0 : i32
      %dma_start3A_307 = arith.constant 0 : i32
      %dma_start3A_308 = tpu.memref_slice %dma_start3A_305[%dma_start3A_306, %dma_start3A_307] : memref<50000x32xf32, #tpu.memory_space<hbm>> -> memref<50000x32xf32, #tpu.memory_space<hbm>>
      tpu.enqueue_indirect_dma source(%dma_start3A_308 : memref<50000x32xf32, #tpu.memory_space<hbm>>) target(%dma_start3A_298 : memref<256x32xf32, #tpu.memory_space<vmem>>) offsets(%dma_start3A_301 : memref<256xi32, #tpu.memory_space<vmem>>) semaphore(%arg12 : memref<!tpu.dma_semaphore, #tpu.memory_space<semaphore_mem>>)
      %dma_wait3A_309 = arith.constant 2 : i32
      %dma_wait3A_310 = arith.constant 0 : i32
      %dma_wait3A_311 = arith.constant 0 : i32
      %dma_wait3A_312 = arith.constant 0 : i32
      %dma_wait3A_313 = tpu.memref_slice %arg9[%dma_wait3A_310, %dma_wait3A_311, %dma_wait3A_312] : memref<2x256x32xf32, #tpu.memory_space<vmem>> -> memref<1x256x32xf32, #tpu.memory_space<vmem>>
      %dma_wait3A_314 = tpu.memref_squeeze %dma_wait3A_313 : memref<1x256x32xf32, #tpu.memory_space<vmem>> -> memref<256x32xf32, #tpu.memory_space<vmem>>
      %dma_wait3A_315 = arith.constant 0 : i32
      %dma_wait3A_316 = tpu.memref_slice %arg7[%select_n3A_80, %dma_wait3A_309, %dma_wait3A_315] : memref<2x7x256xi32, #tpu.memory_space<vmem>> -> memref<1x1x256xi32, #tpu.memory_space<vmem>>
      %dma_wait3A_317 = tpu.memref_squeeze %dma_wait3A_316 : memref<1x1x256xi32, #tpu.memory_space<vmem>> -> memref<256xi32, #tpu.memory_space<vmem>>
      %dma_wait3A_318 = arith.constant 0 : i32
      %dma_wait3A_319 = arith.constant 0 : i32
      %dma_wait3A_320 = tpu.memref_slice %arg2[%arg0, %dma_wait3A_318, %dma_wait3A_319] : memref<2x50000x32xf32, #tpu.memory_space<hbm>> -> memref<1x50000x32xf32, #tpu.memory_space<hbm>>
      %dma_wait3A_321 = tpu.memref_squeeze %dma_wait3A_320 : memref<1x50000x32xf32, #tpu.memory_space<hbm>> -> memref<50000x32xf32, #tpu.memory_space<hbm>>
      %dma_wait3A_322 = arith.constant 0 : i32
      %dma_wait3A_323 = arith.constant 0 : i32
      %dma_wait3A_324 = tpu.memref_slice %dma_wait3A_321[%dma_wait3A_322, %dma_wait3A_323] : memref<50000x32xf32, #tpu.memory_space<hbm>> -> memref<50000x32xf32, #tpu.memory_space<hbm>>
      tpu.wait_indirect_dma semaphore(%arg11 : memref<!tpu.dma_semaphore, #tpu.memory_space<semaphore_mem>>) src(%dma_wait3A_324 : memref<50000x32xf32, #tpu.memory_space<hbm>>) dst(%dma_wait3A_314 : memref<256x32xf32, #tpu.memory_space<vmem>>)
      %dma_start3A_325 = arith.constant 0 : i32
      %dma_start3A_326 = arith.constant 4 : i32
      %dma_start3A_327 = arith.constant 0 : i32
      %dma_start3A_328 = arith.constant 0 : i32
      %dma_start3A_329 = tpu.memref_slice %arg9[%dma_start3A_325, %dma_start3A_327, %dma_start3A_328] : memref<2x256x32xf32, #tpu.memory_space<vmem>> -> memref<1x128x32xf32, #tpu.memory_space<vmem>>
      %dma_start3A_330 = tpu.memref_squeeze %dma_start3A_329 : memref<1x128x32xf32, #tpu.memory_space<vmem>> -> memref<128x32xf32, #tpu.memory_space<vmem>>
      %dma_start3A_331 = arith.constant 0 : i32
      %dma_start3A_332 = tpu.memref_slice %arg8[%select_n3A_80, %dma_start3A_326, %dma_start3A_331] : memref<2x14x128xi32, #tpu.memory_space<vmem>> -> memref<1x1x128xi32, #tpu.memory_space<vmem>>
      %dma_start3A_333 = tpu.memref_squeeze %dma_start3A_332 : memref<1x1x128xi32, #tpu.memory_space<vmem>> -> memref<128xi32, #tpu.memory_space<vmem>>
      %dma_start3A_334 = arith.constant 0 : i32
      %dma_start3A_335 = arith.constant 0 : i32
      %dma_start3A_336 = tpu.memref_slice %arg6[%dma_start3A_334, %dma_start3A_335] : memref<50400x32xf32, #tpu.memory_space<vmem_shared>> -> memref<50400x32xf32, #tpu.memory_space<vmem_shared>>
      tpu.enqueue_indirect_dma source(%dma_start3A_330 : memref<128x32xf32, #tpu.memory_space<vmem>>) target(%dma_start3A_336 : memref<50400x32xf32, #tpu.memory_space<vmem_shared>>) offsets(%dma_start3A_333 : memref<128xi32, #tpu.memory_space<vmem>>) semaphore(%arg13 : memref<!tpu.dma_semaphore, #tpu.memory_space<semaphore_mem>>) {add = true}
      %dma_start3A_337 = arith.constant 0 : i32
      %dma_start3A_338 = arith.constant 5 : i32
      %dma_start3A_339 = arith.constant 128 : i32
      %dma_start3A_340 = arith.constant 0 : i32
      %dma_start3A_341 = tpu.memref_slice %arg9[%dma_start3A_337, %dma_start3A_339, %dma_start3A_340] : memref<2x256x32xf32, #tpu.memory_space<vmem>> -> memref<1x128x32xf32, #tpu.memory_space<vmem>>
      %dma_start3A_342 = tpu.memref_squeeze %dma_start3A_341 : memref<1x128x32xf32, #tpu.memory_space<vmem>> -> memref<128x32xf32, #tpu.memory_space<vmem>>
      %dma_start3A_343 = arith.constant 0 : i32
      %dma_start3A_344 = tpu.memref_slice %arg8[%select_n3A_80, %dma_start3A_338, %dma_start3A_343] : memref<2x14x128xi32, #tpu.memory_space<vmem>> -> memref<1x1x128xi32, #tpu.memory_space<vmem>>
      %dma_start3A_345 = tpu.memref_squeeze %dma_start3A_344 : memref<1x1x128xi32, #tpu.memory_space<vmem>> -> memref<128xi32, #tpu.memory_space<vmem>>
      %dma_start3A_346 = arith.constant 0 : i32
      %dma_start3A_347 = arith.constant 0 : i32
      %dma_start3A_348 = tpu.memref_slice %arg6[%dma_start3A_346, %dma_start3A_347] : memref<50400x32xf32, #tpu.memory_space<vmem_shared>> -> memref<50400x32xf32, #tpu.memory_space<vmem_shared>>
      tpu.enqueue_indirect_dma source(%dma_start3A_342 : memref<128x32xf32, #tpu.memory_space<vmem>>) target(%dma_start3A_348 : memref<50400x32xf32, #tpu.memory_space<vmem_shared>>) offsets(%dma_start3A_345 : memref<128xi32, #tpu.memory_space<vmem>>) semaphore(%arg13 : memref<!tpu.dma_semaphore, #tpu.memory_space<semaphore_mem>>) {add = true}
      %dma_wait3A_349 = arith.constant 0 : i32
      %dma_wait3A_350 = arith.constant 4 : i32
      %dma_wait3A_351 = arith.constant 0 : i32
      %dma_wait3A_352 = arith.constant 0 : i32
      %dma_wait3A_353 = tpu.memref_slice %arg9[%dma_wait3A_349, %dma_wait3A_351, %dma_wait3A_352] : memref<2x256x32xf32, #tpu.memory_space<vmem>> -> memref<1x128x32xf32, #tpu.memory_space<vmem>>
      %dma_wait3A_354 = tpu.memref_squeeze %dma_wait3A_353 : memref<1x128x32xf32, #tpu.memory_space<vmem>> -> memref<128x32xf32, #tpu.memory_space<vmem>>
      %dma_wait3A_355 = arith.constant 0 : i32
      %dma_wait3A_356 = tpu.memref_slice %arg8[%select_n3A_80, %dma_wait3A_350, %dma_wait3A_355] : memref<2x14x128xi32, #tpu.memory_space<vmem>> -> memref<1x1x128xi32, #tpu.memory_space<vmem>>
      %dma_wait3A_357 = tpu.memref_squeeze %dma_wait3A_356 : memref<1x1x128xi32, #tpu.memory_space<vmem>> -> memref<128xi32, #tpu.memory_space<vmem>>
      %dma_wait3A_358 = arith.constant 0 : i32
      %dma_wait3A_359 = arith.constant 0 : i32
      %dma_wait3A_360 = tpu.memref_slice %arg6[%dma_wait3A_358, %dma_wait3A_359] : memref<50400x32xf32, #tpu.memory_space<vmem_shared>> -> memref<50400x32xf32, #tpu.memory_space<vmem_shared>>
      tpu.wait_indirect_dma semaphore(%arg13 : memref<!tpu.dma_semaphore, #tpu.memory_space<semaphore_mem>>) src(%dma_wait3A_354 : memref<128x32xf32, #tpu.memory_space<vmem>>) dst(%dma_wait3A_360 : memref<50400x32xf32, #tpu.memory_space<vmem_shared>>)
      %dma_wait3A_361 = arith.constant 0 : i32
      %dma_wait3A_362 = arith.constant 5 : i32
      %dma_wait3A_363 = arith.constant 128 : i32
      %dma_wait3A_364 = arith.constant 0 : i32
      %dma_wait3A_365 = tpu.memref_slice %arg9[%dma_wait3A_361, %dma_wait3A_363, %dma_wait3A_364] : memref<2x256x32xf32, #tpu.memory_space<vmem>> -> memref<1x128x32xf32, #tpu.memory_space<vmem>>
      %dma_wait3A_366 = tpu.memref_squeeze %dma_wait3A_365 : memref<1x128x32xf32, #tpu.memory_space<vmem>> -> memref<128x32xf32, #tpu.memory_space<vmem>>
      %dma_wait3A_367 = arith.constant 0 : i32
      %dma_wait3A_368 = tpu.memref_slice %arg8[%select_n3A_80, %dma_wait3A_362, %dma_wait3A_367] : memref<2x14x128xi32, #tpu.memory_space<vmem>> -> memref<1x1x128xi32, #tpu.memory_space<vmem>>
      %dma_wait3A_369 = tpu.memref_squeeze %dma_wait3A_368 : memref<1x1x128xi32, #tpu.memory_space<vmem>> -> memref<128xi32, #tpu.memory_space<vmem>>
      %dma_wait3A_370 = arith.constant 0 : i32
      %dma_wait3A_371 = arith.constant 0 : i32
      %dma_wait3A_372 = tpu.memref_slice %arg6[%dma_wait3A_370, %dma_wait3A_371] : memref<50400x32xf32, #tpu.memory_space<vmem_shared>> -> memref<50400x32xf32, #tpu.memory_space<vmem_shared>>
      tpu.wait_indirect_dma semaphore(%arg13 : memref<!tpu.dma_semaphore, #tpu.memory_space<semaphore_mem>>) src(%dma_wait3A_366 : memref<128x32xf32, #tpu.memory_space<vmem>>) dst(%dma_wait3A_372 : memref<50400x32xf32, #tpu.memory_space<vmem_shared>>)
      %dma_start3A_373 = arith.constant 4 : i32
      %dma_start3A_374 = arith.constant 0 : i32
      %dma_start3A_375 = arith.constant 0 : i32
      %dma_start3A_376 = arith.constant 0 : i32
      %dma_start3A_377 = tpu.memref_slice %arg9[%dma_start3A_374, %dma_start3A_375, %dma_start3A_376] : memref<2x256x32xf32, #tpu.memory_space<vmem>> -> memref<1x256x32xf32, #tpu.memory_space<vmem>>
      %dma_start3A_378 = tpu.memref_squeeze %dma_start3A_377 : memref<1x256x32xf32, #tpu.memory_space<vmem>> -> memref<256x32xf32, #tpu.memory_space<vmem>>
      %dma_start3A_379 = arith.constant 0 : i32
      %dma_start3A_380 = tpu.memref_slice %arg7[%select_n3A_80, %dma_start3A_373, %dma_start3A_379] : memref<2x7x256xi32, #tpu.memory_space<vmem>> -> memref<1x1x256xi32, #tpu.memory_space<vmem>>
      %dma_start3A_381 = tpu.memref_squeeze %dma_start3A_380 : memref<1x1x256xi32, #tpu.memory_space<vmem>> -> memref<256xi32, #tpu.memory_space<vmem>>
      %dma_start3A_382 = arith.constant 0 : i32
      %dma_start3A_383 = arith.constant 0 : i32
      %dma_start3A_384 = tpu.memref_slice %arg2[%arg0, %dma_start3A_382, %dma_start3A_383] : memref<2x50000x32xf32, #tpu.memory_space<hbm>> -> memref<1x50000x32xf32, #tpu.memory_space<hbm>>
      %dma_start3A_385 = tpu.memref_squeeze %dma_start3A_384 : memref<1x50000x32xf32, #tpu.memory_space<hbm>> -> memref<50000x32xf32, #tpu.memory_space<hbm>>
      %dma_start3A_386 = arith.constant 0 : i32
      %dma_start3A_387 = arith.constant 0 : i32
      %dma_start3A_388 = tpu.memref_slice %dma_start3A_385[%dma_start3A_386, %dma_start3A_387] : memref<50000x32xf32, #tpu.memory_space<hbm>> -> memref<50000x32xf32, #tpu.memory_space<hbm>>
      tpu.enqueue_indirect_dma source(%dma_start3A_388 : memref<50000x32xf32, #tpu.memory_space<hbm>>) target(%dma_start3A_378 : memref<256x32xf32, #tpu.memory_space<vmem>>) offsets(%dma_start3A_381 : memref<256xi32, #tpu.memory_space<vmem>>) semaphore(%arg11 : memref<!tpu.dma_semaphore, #tpu.memory_space<semaphore_mem>>)
      %dma_wait3A_389 = arith.constant 3 : i32
      %dma_wait3A_390 = arith.constant 1 : i32
      %dma_wait3A_391 = arith.constant 0 : i32
      %dma_wait3A_392 = arith.constant 0 : i32
      %dma_wait3A_393 = tpu.memref_slice %arg9[%dma_wait3A_390, %dma_wait3A_391, %dma_wait3A_392] : memref<2x256x32xf32, #tpu.memory_space<vmem>> -> memref<1x256x32xf32, #tpu.memory_space<vmem>>
      %dma_wait3A_394 = tpu.memref_squeeze %dma_wait3A_393 : memref<1x256x32xf32, #tpu.memory_space<vmem>> -> memref<256x32xf32, #tpu.memory_space<vmem>>
      %dma_wait3A_395 = arith.constant 0 : i32
      %dma_wait3A_396 = tpu.memref_slice %arg7[%select_n3A_80, %dma_wait3A_389, %dma_wait3A_395] : memref<2x7x256xi32, #tpu.memory_space<vmem>> -> memref<1x1x256xi32, #tpu.memory_space<vmem>>
      %dma_wait3A_397 = tpu.memref_squeeze %dma_wait3A_396 : memref<1x1x256xi32, #tpu.memory_space<vmem>> -> memref<256xi32, #tpu.memory_space<vmem>>
      %dma_wait3A_398 = arith.constant 0 : i32
      %dma_wait3A_399 = arith.constant 0 : i32
      %dma_wait3A_400 = tpu.memref_slice %arg2[%arg0, %dma_wait3A_398, %dma_wait3A_399] : memref<2x50000x32xf32, #tpu.memory_space<hbm>> -> memref<1x50000x32xf32, #tpu.memory_space<hbm>>
      %dma_wait3A_401 = tpu.memref_squeeze %dma_wait3A_400 : memref<1x50000x32xf32, #tpu.memory_space<hbm>> -> memref<50000x32xf32, #tpu.memory_space<hbm>>
      %dma_wait3A_402 = arith.constant 0 : i32
      %dma_wait3A_403 = arith.constant 0 : i32
      %dma_wait3A_404 = tpu.memref_slice %dma_wait3A_401[%dma_wait3A_402, %dma_wait3A_403] : memref<50000x32xf32, #tpu.memory_space<hbm>> -> memref<50000x32xf32, #tpu.memory_space<hbm>>
      tpu.wait_indirect_dma semaphore(%arg12 : memref<!tpu.dma_semaphore, #tpu.memory_space<semaphore_mem>>) src(%dma_wait3A_404 : memref<50000x32xf32, #tpu.memory_space<hbm>>) dst(%dma_wait3A_394 : memref<256x32xf32, #tpu.memory_space<vmem>>)
      %dma_start3A_405 = arith.constant 1 : i32
      %dma_start3A_406 = arith.constant 6 : i32
      %dma_start3A_407 = arith.constant 0 : i32
      %dma_start3A_408 = arith.constant 0 : i32
      %dma_start3A_409 = tpu.memref_slice %arg9[%dma_start3A_405, %dma_start3A_407, %dma_start3A_408] : memref<2x256x32xf32, #tpu.memory_space<vmem>> -> memref<1x128x32xf32, #tpu.memory_space<vmem>>
      %dma_start3A_410 = tpu.memref_squeeze %dma_start3A_409 : memref<1x128x32xf32, #tpu.memory_space<vmem>> -> memref<128x32xf32, #tpu.memory_space<vmem>>
      %dma_start3A_411 = arith.constant 0 : i32
      %dma_start3A_412 = tpu.memref_slice %arg8[%select_n3A_80, %dma_start3A_406, %dma_start3A_411] : memref<2x14x128xi32, #tpu.memory_space<vmem>> -> memref<1x1x128xi32, #tpu.memory_space<vmem>>
      %dma_start3A_413 = tpu.memref_squeeze %dma_start3A_412 : memref<1x1x128xi32, #tpu.memory_space<vmem>> -> memref<128xi32, #tpu.memory_space<vmem>>
      %dma_start3A_414 = arith.constant 0 : i32
      %dma_start3A_415 = arith.constant 0 : i32
      %dma_start3A_416 = tpu.memref_slice %arg6[%dma_start3A_414, %dma_start3A_415] : memref<50400x32xf32, #tpu.memory_space<vmem_shared>> -> memref<50400x32xf32, #tpu.memory_space<vmem_shared>>
      tpu.enqueue_indirect_dma source(%dma_start3A_410 : memref<128x32xf32, #tpu.memory_space<vmem>>) target(%dma_start3A_416 : memref<50400x32xf32, #tpu.memory_space<vmem_shared>>) offsets(%dma_start3A_413 : memref<128xi32, #tpu.memory_space<vmem>>) semaphore(%arg14 : memref<!tpu.dma_semaphore, #tpu.memory_space<semaphore_mem>>) {add = true}
      %dma_start3A_417 = arith.constant 1 : i32
      %dma_start3A_418 = arith.constant 7 : i32
      %dma_start3A_419 = arith.constant 128 : i32
      %dma_start3A_420 = arith.constant 0 : i32
      %dma_start3A_421 = tpu.memref_slice %arg9[%dma_start3A_417, %dma_start3A_419, %dma_start3A_420] : memref<2x256x32xf32, #tpu.memory_space<vmem>> -> memref<1x128x32xf32, #tpu.memory_space<vmem>>
      %dma_start3A_422 = tpu.memref_squeeze %dma_start3A_421 : memref<1x128x32xf32, #tpu.memory_space<vmem>> -> memref<128x32xf32, #tpu.memory_space<vmem>>
      %dma_start3A_423 = arith.constant 0 : i32
      %dma_start3A_424 = tpu.memref_slice %arg8[%select_n3A_80, %dma_start3A_418, %dma_start3A_423] : memref<2x14x128xi32, #tpu.memory_space<vmem>> -> memref<1x1x128xi32, #tpu.memory_space<vmem>>
      %dma_start3A_425 = tpu.memref_squeeze %dma_start3A_424 : memref<1x1x128xi32, #tpu.memory_space<vmem>> -> memref<128xi32, #tpu.memory_space<vmem>>
      %dma_start3A_426 = arith.constant 0 : i32
      %dma_start3A_427 = arith.constant 0 : i32
      %dma_start3A_428 = tpu.memref_slice %arg6[%dma_start3A_426, %dma_start3A_427] : memref<50400x32xf32, #tpu.memory_space<vmem_shared>> -> memref<50400x32xf32, #tpu.memory_space<vmem_shared>>
      tpu.enqueue_indirect_dma source(%dma_start3A_422 : memref<128x32xf32, #tpu.memory_space<vmem>>) target(%dma_start3A_428 : memref<50400x32xf32, #tpu.memory_space<vmem_shared>>) offsets(%dma_start3A_425 : memref<128xi32, #tpu.memory_space<vmem>>) semaphore(%arg14 : memref<!tpu.dma_semaphore, #tpu.memory_space<semaphore_mem>>) {add = true}
      %dma_wait3A_429 = arith.constant 1 : i32
      %dma_wait3A_430 = arith.constant 6 : i32
      %dma_wait3A_431 = arith.constant 0 : i32
      %dma_wait3A_432 = arith.constant 0 : i32
      %dma_wait3A_433 = tpu.memref_slice %arg9[%dma_wait3A_429, %dma_wait3A_431, %dma_wait3A_432] : memref<2x256x32xf32, #tpu.memory_space<vmem>> -> memref<1x128x32xf32, #tpu.memory_space<vmem>>
      %dma_wait3A_434 = tpu.memref_squeeze %dma_wait3A_433 : memref<1x128x32xf32, #tpu.memory_space<vmem>> -> memref<128x32xf32, #tpu.memory_space<vmem>>
      %dma_wait3A_435 = arith.constant 0 : i32
      %dma_wait3A_436 = tpu.memref_slice %arg8[%select_n3A_80, %dma_wait3A_430, %dma_wait3A_435] : memref<2x14x128xi32, #tpu.memory_space<vmem>> -> memref<1x1x128xi32, #tpu.memory_space<vmem>>
      %dma_wait3A_437 = tpu.memref_squeeze %dma_wait3A_436 : memref<1x1x128xi32, #tpu.memory_space<vmem>> -> memref<128xi32, #tpu.memory_space<vmem>>
      %dma_wait3A_438 = arith.constant 0 : i32
      %dma_wait3A_439 = arith.constant 0 : i32
      %dma_wait3A_440 = tpu.memref_slice %arg6[%dma_wait3A_438, %dma_wait3A_439] : memref<50400x32xf32, #tpu.memory_space<vmem_shared>> -> memref<50400x32xf32, #tpu.memory_space<vmem_shared>>
      tpu.wait_indirect_dma semaphore(%arg14 : memref<!tpu.dma_semaphore, #tpu.memory_space<semaphore_mem>>) src(%dma_wait3A_434 : memref<128x32xf32, #tpu.memory_space<vmem>>) dst(%dma_wait3A_440 : memref<50400x32xf32, #tpu.memory_space<vmem_shared>>)
      %dma_wait3A_441 = arith.constant 1 : i32
      %dma_wait3A_442 = arith.constant 7 : i32
      %dma_wait3A_443 = arith.constant 128 : i32
      %dma_wait3A_444 = arith.constant 0 : i32
      %dma_wait3A_445 = tpu.memref_slice %arg9[%dma_wait3A_441, %dma_wait3A_443, %dma_wait3A_444] : memref<2x256x32xf32, #tpu.memory_space<vmem>> -> memref<1x128x32xf32, #tpu.memory_space<vmem>>
      %dma_wait3A_446 = tpu.memref_squeeze %dma_wait3A_445 : memref<1x128x32xf32, #tpu.memory_space<vmem>> -> memref<128x32xf32, #tpu.memory_space<vmem>>
      %dma_wait3A_447 = arith.constant 0 : i32
      %dma_wait3A_448 = tpu.memref_slice %arg8[%select_n3A_80, %dma_wait3A_442, %dma_wait3A_447] : memref<2x14x128xi32, #tpu.memory_space<vmem>> -> memref<1x1x128xi32, #tpu.memory_space<vmem>>
      %dma_wait3A_449 = tpu.memref_squeeze %dma_wait3A_448 : memref<1x1x128xi32, #tpu.memory_space<vmem>> -> memref<128xi32, #tpu.memory_space<vmem>>
      %dma_wait3A_450 = arith.constant 0 : i32
      %dma_wait3A_451 = arith.constant 0 : i32
      %dma_wait3A_452 = tpu.memref_slice %arg6[%dma_wait3A_450, %dma_wait3A_451] : memref<50400x32xf32, #tpu.memory_space<vmem_shared>> -> memref<50400x32xf32, #tpu.memory_space<vmem_shared>>
      tpu.wait_indirect_dma semaphore(%arg14 : memref<!tpu.dma_semaphore, #tpu.memory_space<semaphore_mem>>) src(%dma_wait3A_446 : memref<128x32xf32, #tpu.memory_space<vmem>>) dst(%dma_wait3A_452 : memref<50400x32xf32, #tpu.memory_space<vmem_shared>>)
      %dma_start3A_453 = arith.constant 5 : i32
      %dma_start3A_454 = arith.constant 1 : i32
      %dma_start3A_455 = arith.constant 0 : i32
      %dma_start3A_456 = arith.constant 0 : i32
      %dma_start3A_457 = tpu.memref_slice %arg9[%dma_start3A_454, %dma_start3A_455, %dma_start3A_456] : memref<2x256x32xf32, #tpu.memory_space<vmem>> -> memref<1x256x32xf32, #tpu.memory_space<vmem>>
      %dma_start3A_458 = tpu.memref_squeeze %dma_start3A_457 : memref<1x256x32xf32, #tpu.memory_space<vmem>> -> memref<256x32xf32, #tpu.memory_space<vmem>>
      %dma_start3A_459 = arith.constant 0 : i32
      %dma_start3A_460 = tpu.memref_slice %arg7[%select_n3A_80, %dma_start3A_453, %dma_start3A_459] : memref<2x7x256xi32, #tpu.memory_space<vmem>> -> memref<1x1x256xi32, #tpu.memory_space<vmem>>
      %dma_start3A_461 = tpu.memref_squeeze %dma_start3A_460 : memref<1x1x256xi32, #tpu.memory_space<vmem>> -> memref<256xi32, #tpu.memory_space<vmem>>
      %dma_start3A_462 = arith.constant 0 : i32
      %dma_start3A_463 = arith.constant 0 : i32
      %dma_start3A_464 = tpu.memref_slice %arg2[%arg0, %dma_start3A_462, %dma_start3A_463] : memref<2x50000x32xf32, #tpu.memory_space<hbm>> -> memref<1x50000x32xf32, #tpu.memory_space<hbm>>
      %dma_start3A_465 = tpu.memref_squeeze %dma_start3A_464 : memref<1x50000x32xf32, #tpu.memory_space<hbm>> -> memref<50000x32xf32, #tpu.memory_space<hbm>>
      %dma_start3A_466 = arith.constant 0 : i32
      %dma_start3A_467 = arith.constant 0 : i32
      %dma_start3A_468 = tpu.memref_slice %dma_start3A_465[%dma_start3A_466, %dma_start3A_467] : memref<50000x32xf32, #tpu.memory_space<hbm>> -> memref<50000x32xf32, #tpu.memory_space<hbm>>
      tpu.enqueue_indirect_dma source(%dma_start3A_468 : memref<50000x32xf32, #tpu.memory_space<hbm>>) target(%dma_start3A_458 : memref<256x32xf32, #tpu.memory_space<vmem>>) offsets(%dma_start3A_461 : memref<256xi32, #tpu.memory_space<vmem>>) semaphore(%arg12 : memref<!tpu.dma_semaphore, #tpu.memory_space<semaphore_mem>>)
      %dma_wait3A_469 = arith.constant 4 : i32
      %dma_wait3A_470 = arith.constant 0 : i32
      %dma_wait3A_471 = arith.constant 0 : i32
      %dma_wait3A_472 = arith.constant 0 : i32
      %dma_wait3A_473 = tpu.memref_slice %arg9[%dma_wait3A_470, %dma_wait3A_471, %dma_wait3A_472] : memref<2x256x32xf32, #tpu.memory_space<vmem>> -> memref<1x256x32xf32, #tpu.memory_space<vmem>>
      %dma_wait3A_474 = tpu.memref_squeeze %dma_wait3A_473 : memref<1x256x32xf32, #tpu.memory_space<vmem>> -> memref<256x32xf32, #tpu.memory_space<vmem>>
      %dma_wait3A_475 = arith.constant 0 : i32
      %dma_wait3A_476 = tpu.memref_slice %arg7[%select_n3A_80, %dma_wait3A_469, %dma_wait3A_475] : memref<2x7x256xi32, #tpu.memory_space<vmem>> -> memref<1x1x256xi32, #tpu.memory_space<vmem>>
      %dma_wait3A_477 = tpu.memref_squeeze %dma_wait3A_476 : memref<1x1x256xi32, #tpu.memory_space<vmem>> -> memref<256xi32, #tpu.memory_space<vmem>>
      %dma_wait3A_478 = arith.constant 0 : i32
      %dma_wait3A_479 = arith.constant 0 : i32
      %dma_wait3A_480 = tpu.memref_slice %arg2[%arg0, %dma_wait3A_478, %dma_wait3A_479] : memref<2x50000x32xf32, #tpu.memory_space<hbm>> -> memref<1x50000x32xf32, #tpu.memory_space<hbm>>
      %dma_wait3A_481 = tpu.memref_squeeze %dma_wait3A_480 : memref<1x50000x32xf32, #tpu.memory_space<hbm>> -> memref<50000x32xf32, #tpu.memory_space<hbm>>
      %dma_wait3A_482 = arith.constant 0 : i32
      %dma_wait3A_483 = arith.constant 0 : i32
      %dma_wait3A_484 = tpu.memref_slice %dma_wait3A_481[%dma_wait3A_482, %dma_wait3A_483] : memref<50000x32xf32, #tpu.memory_space<hbm>> -> memref<50000x32xf32, #tpu.memory_space<hbm>>
      tpu.wait_indirect_dma semaphore(%arg11 : memref<!tpu.dma_semaphore, #tpu.memory_space<semaphore_mem>>) src(%dma_wait3A_484 : memref<50000x32xf32, #tpu.memory_space<hbm>>) dst(%dma_wait3A_474 : memref<256x32xf32, #tpu.memory_space<vmem>>)
      %dma_start3A_485 = arith.constant 0 : i32
      %dma_start3A_486 = arith.constant 8 : i32
      %dma_start3A_487 = arith.constant 0 : i32
      %dma_start3A_488 = arith.constant 0 : i32
      %dma_start3A_489 = tpu.memref_slice %arg9[%dma_start3A_485, %dma_start3A_487, %dma_start3A_488] : memref<2x256x32xf32, #tpu.memory_space<vmem>> -> memref<1x128x32xf32, #tpu.memory_space<vmem>>
      %dma_start3A_490 = tpu.memref_squeeze %dma_start3A_489 : memref<1x128x32xf32, #tpu.memory_space<vmem>> -> memref<128x32xf32, #tpu.memory_space<vmem>>
      %dma_start3A_491 = arith.constant 0 : i32
      %dma_start3A_492 = tpu.memref_slice %arg8[%select_n3A_80, %dma_start3A_486, %dma_start3A_491] : memref<2x14x128xi32, #tpu.memory_space<vmem>> -> memref<1x1x128xi32, #tpu.memory_space<vmem>>
      %dma_start3A_493 = tpu.memref_squeeze %dma_start3A_492 : memref<1x1x128xi32, #tpu.memory_space<vmem>> -> memref<128xi32, #tpu.memory_space<vmem>>
      %dma_start3A_494 = arith.constant 0 : i32
      %dma_start3A_495 = arith.constant 0 : i32
      %dma_start3A_496 = tpu.memref_slice %arg6[%dma_start3A_494, %dma_start3A_495] : memref<50400x32xf32, #tpu.memory_space<vmem_shared>> -> memref<50400x32xf32, #tpu.memory_space<vmem_shared>>
      tpu.enqueue_indirect_dma source(%dma_start3A_490 : memref<128x32xf32, #tpu.memory_space<vmem>>) target(%dma_start3A_496 : memref<50400x32xf32, #tpu.memory_space<vmem_shared>>) offsets(%dma_start3A_493 : memref<128xi32, #tpu.memory_space<vmem>>) semaphore(%arg13 : memref<!tpu.dma_semaphore, #tpu.memory_space<semaphore_mem>>) {add = true}
      %dma_start3A_497 = arith.constant 0 : i32
      %dma_start3A_498 = arith.constant 9 : i32
      %dma_start3A_499 = arith.constant 128 : i32
      %dma_start3A_500 = arith.constant 0 : i32
      %dma_start3A_501 = tpu.memref_slice %arg9[%dma_start3A_497, %dma_start3A_499, %dma_start3A_500] : memref<2x256x32xf32, #tpu.memory_space<vmem>> -> memref<1x128x32xf32, #tpu.memory_space<vmem>>
      %dma_start3A_502 = tpu.memref_squeeze %dma_start3A_501 : memref<1x128x32xf32, #tpu.memory_space<vmem>> -> memref<128x32xf32, #tpu.memory_space<vmem>>
      %dma_start3A_503 = arith.constant 0 : i32
      %dma_start3A_504 = tpu.memref_slice %arg8[%select_n3A_80, %dma_start3A_498, %dma_start3A_503] : memref<2x14x128xi32, #tpu.memory_space<vmem>> -> memref<1x1x128xi32, #tpu.memory_space<vmem>>
      %dma_start3A_505 = tpu.memref_squeeze %dma_start3A_504 : memref<1x1x128xi32, #tpu.memory_space<vmem>> -> memref<128xi32, #tpu.memory_space<vmem>>
      %dma_start3A_506 = arith.constant 0 : i32
      %dma_start3A_507 = arith.constant 0 : i32
      %dma_start3A_508 = tpu.memref_slice %arg6[%dma_start3A_506, %dma_start3A_507] : memref<50400x32xf32, #tpu.memory_space<vmem_shared>> -> memref<50400x32xf32, #tpu.memory_space<vmem_shared>>
      tpu.enqueue_indirect_dma source(%dma_start3A_502 : memref<128x32xf32, #tpu.memory_space<vmem>>) target(%dma_start3A_508 : memref<50400x32xf32, #tpu.memory_space<vmem_shared>>) offsets(%dma_start3A_505 : memref<128xi32, #tpu.memory_space<vmem>>) semaphore(%arg13 : memref<!tpu.dma_semaphore, #tpu.memory_space<semaphore_mem>>) {add = true}
      %dma_wait3A_509 = arith.constant 0 : i32
      %dma_wait3A_510 = arith.constant 8 : i32
      %dma_wait3A_511 = arith.constant 0 : i32
      %dma_wait3A_512 = arith.constant 0 : i32
      %dma_wait3A_513 = tpu.memref_slice %arg9[%dma_wait3A_509, %dma_wait3A_511, %dma_wait3A_512] : memref<2x256x32xf32, #tpu.memory_space<vmem>> -> memref<1x128x32xf32, #tpu.memory_space<vmem>>
      %dma_wait3A_514 = tpu.memref_squeeze %dma_wait3A_513 : memref<1x128x32xf32, #tpu.memory_space<vmem>> -> memref<128x32xf32, #tpu.memory_space<vmem>>
      %dma_wait3A_515 = arith.constant 0 : i32
      %dma_wait3A_516 = tpu.memref_slice %arg8[%select_n3A_80, %dma_wait3A_510, %dma_wait3A_515] : memref<2x14x128xi32, #tpu.memory_space<vmem>> -> memref<1x1x128xi32, #tpu.memory_space<vmem>>
      %dma_wait3A_517 = tpu.memref_squeeze %dma_wait3A_516 : memref<1x1x128xi32, #tpu.memory_space<vmem>> -> memref<128xi32, #tpu.memory_space<vmem>>
      %dma_wait3A_518 = arith.constant 0 : i32
      %dma_wait3A_519 = arith.constant 0 : i32
      %dma_wait3A_520 = tpu.memref_slice %arg6[%dma_wait3A_518, %dma_wait3A_519] : memref<50400x32xf32, #tpu.memory_space<vmem_shared>> -> memref<50400x32xf32, #tpu.memory_space<vmem_shared>>
      tpu.wait_indirect_dma semaphore(%arg13 : memref<!tpu.dma_semaphore, #tpu.memory_space<semaphore_mem>>) src(%dma_wait3A_514 : memref<128x32xf32, #tpu.memory_space<vmem>>) dst(%dma_wait3A_520 : memref<50400x32xf32, #tpu.memory_space<vmem_shared>>)
      %dma_wait3A_521 = arith.constant 0 : i32
      %dma_wait3A_522 = arith.constant 9 : i32
      %dma_wait3A_523 = arith.constant 128 : i32
      %dma_wait3A_524 = arith.constant 0 : i32
      %dma_wait3A_525 = tpu.memref_slice %arg9[%dma_wait3A_521, %dma_wait3A_523, %dma_wait3A_524] : memref<2x256x32xf32, #tpu.memory_space<vmem>> -> memref<1x128x32xf32, #tpu.memory_space<vmem>>
      %dma_wait3A_526 = tpu.memref_squeeze %dma_wait3A_525 : memref<1x128x32xf32, #tpu.memory_space<vmem>> -> memref<128x32xf32, #tpu.memory_space<vmem>>
      %dma_wait3A_527 = arith.constant 0 : i32
      %dma_wait3A_528 = tpu.memref_slice %arg8[%select_n3A_80, %dma_wait3A_522, %dma_wait3A_527] : memref<2x14x128xi32, #tpu.memory_space<vmem>> -> memref<1x1x128xi32, #tpu.memory_space<vmem>>
      %dma_wait3A_529 = tpu.memref_squeeze %dma_wait3A_528 : memref<1x1x128xi32, #tpu.memory_space<vmem>> -> memref<128xi32, #tpu.memory_space<vmem>>
      %dma_wait3A_530 = arith.constant 0 : i32
      %dma_wait3A_531 = arith.constant 0 : i32
      %dma_wait3A_532 = tpu.memref_slice %arg6[%dma_wait3A_530, %dma_wait3A_531] : memref<50400x32xf32, #tpu.memory_space<vmem_shared>> -> memref<50400x32xf32, #tpu.memory_space<vmem_shared>>
      tpu.wait_indirect_dma semaphore(%arg13 : memref<!tpu.dma_semaphore, #tpu.memory_space<semaphore_mem>>) src(%dma_wait3A_526 : memref<128x32xf32, #tpu.memory_space<vmem>>) dst(%dma_wait3A_532 : memref<50400x32xf32, #tpu.memory_space<vmem_shared>>)
      %dma_start3A_533 = arith.constant 6 : i32
      %dma_start3A_534 = arith.constant 0 : i32
      %dma_start3A_535 = arith.constant 0 : i32
      %dma_start3A_536 = arith.constant 0 : i32
      %dma_start3A_537 = tpu.memref_slice %arg9[%dma_start3A_534, %dma_start3A_535, %dma_start3A_536] : memref<2x256x32xf32, #tpu.memory_space<vmem>> -> memref<1x256x32xf32, #tpu.memory_space<vmem>>
      %dma_start3A_538 = tpu.memref_squeeze %dma_start3A_537 : memref<1x256x32xf32, #tpu.memory_space<vmem>> -> memref<256x32xf32, #tpu.memory_space<vmem>>
      %dma_start3A_539 = arith.constant 0 : i32
      %dma_start3A_540 = tpu.memref_slice %arg7[%select_n3A_80, %dma_start3A_533, %dma_start3A_539] : memref<2x7x256xi32, #tpu.memory_space<vmem>> -> memref<1x1x256xi32, #tpu.memory_space<vmem>>
      %dma_start3A_541 = tpu.memref_squeeze %dma_start3A_540 : memref<1x1x256xi32, #tpu.memory_space<vmem>> -> memref<256xi32, #tpu.memory_space<vmem>>
      %dma_start3A_542 = arith.constant 0 : i32
      %dma_start3A_543 = arith.constant 0 : i32
      %dma_start3A_544 = tpu.memref_slice %arg2[%arg0, %dma_start3A_542, %dma_start3A_543] : memref<2x50000x32xf32, #tpu.memory_space<hbm>> -> memref<1x50000x32xf32, #tpu.memory_space<hbm>>
      %dma_start3A_545 = tpu.memref_squeeze %dma_start3A_544 : memref<1x50000x32xf32, #tpu.memory_space<hbm>> -> memref<50000x32xf32, #tpu.memory_space<hbm>>
      %dma_start3A_546 = arith.constant 0 : i32
      %dma_start3A_547 = arith.constant 0 : i32
      %dma_start3A_548 = tpu.memref_slice %dma_start3A_545[%dma_start3A_546, %dma_start3A_547] : memref<50000x32xf32, #tpu.memory_space<hbm>> -> memref<50000x32xf32, #tpu.memory_space<hbm>>
      tpu.enqueue_indirect_dma source(%dma_start3A_548 : memref<50000x32xf32, #tpu.memory_space<hbm>>) target(%dma_start3A_538 : memref<256x32xf32, #tpu.memory_space<vmem>>) offsets(%dma_start3A_541 : memref<256xi32, #tpu.memory_space<vmem>>) semaphore(%arg11 : memref<!tpu.dma_semaphore, #tpu.memory_space<semaphore_mem>>)
      %dma_wait3A_549 = arith.constant 5 : i32
      %dma_wait3A_550 = arith.constant 1 : i32
      %dma_wait3A_551 = arith.constant 0 : i32
      %dma_wait3A_552 = arith.constant 0 : i32
      %dma_wait3A_553 = tpu.memref_slice %arg9[%dma_wait3A_550, %dma_wait3A_551, %dma_wait3A_552] : memref<2x256x32xf32, #tpu.memory_space<vmem>> -> memref<1x256x32xf32, #tpu.memory_space<vmem>>
      %dma_wait3A_554 = tpu.memref_squeeze %dma_wait3A_553 : memref<1x256x32xf32, #tpu.memory_space<vmem>> -> memref<256x32xf32, #tpu.memory_space<vmem>>
      %dma_wait3A_555 = arith.constant 0 : i32
      %dma_wait3A_556 = tpu.memref_slice %arg7[%select_n3A_80, %dma_wait3A_549, %dma_wait3A_555] : memref<2x7x256xi32, #tpu.memory_space<vmem>> -> memref<1x1x256xi32, #tpu.memory_space<vmem>>
      %dma_wait3A_557 = tpu.memref_squeeze %dma_wait3A_556 : memref<1x1x256xi32, #tpu.memory_space<vmem>> -> memref<256xi32, #tpu.memory_space<vmem>>
      %dma_wait3A_558 = arith.constant 0 : i32
      %dma_wait3A_559 = arith.constant 0 : i32
      %dma_wait3A_560 = tpu.memref_slice %arg2[%arg0, %dma_wait3A_558, %dma_wait3A_559] : memref<2x50000x32xf32, #tpu.memory_space<hbm>> -> memref<1x50000x32xf32, #tpu.memory_space<hbm>>
      %dma_wait3A_561 = tpu.memref_squeeze %dma_wait3A_560 : memref<1x50000x32xf32, #tpu.memory_space<hbm>> -> memref<50000x32xf32, #tpu.memory_space<hbm>>
      %dma_wait3A_562 = arith.constant 0 : i32
      %dma_wait3A_563 = arith.constant 0 : i32
      %dma_wait3A_564 = tpu.memref_slice %dma_wait3A_561[%dma_wait3A_562, %dma_wait3A_563] : memref<50000x32xf32, #tpu.memory_space<hbm>> -> memref<50000x32xf32, #tpu.memory_space<hbm>>
      tpu.wait_indirect_dma semaphore(%arg12 : memref<!tpu.dma_semaphore, #tpu.memory_space<semaphore_mem>>) src(%dma_wait3A_564 : memref<50000x32xf32, #tpu.memory_space<hbm>>) dst(%dma_wait3A_554 : memref<256x32xf32, #tpu.memory_space<vmem>>)
      %dma_start3A_565 = arith.constant 1 : i32
      %dma_start3A_566 = arith.constant 10 : i32
      %dma_start3A_567 = arith.constant 0 : i32
      %dma_start3A_568 = arith.constant 0 : i32
      %dma_start3A_569 = tpu.memref_slice %arg9[%dma_start3A_565, %dma_start3A_567, %dma_start3A_568] : memref<2x256x32xf32, #tpu.memory_space<vmem>> -> memref<1x128x32xf32, #tpu.memory_space<vmem>>
      %dma_start3A_570 = tpu.memref_squeeze %dma_start3A_569 : memref<1x128x32xf32, #tpu.memory_space<vmem>> -> memref<128x32xf32, #tpu.memory_space<vmem>>
      %dma_start3A_571 = arith.constant 0 : i32
      %dma_start3A_572 = tpu.memref_slice %arg8[%select_n3A_80, %dma_start3A_566, %dma_start3A_571] : memref<2x14x128xi32, #tpu.memory_space<vmem>> -> memref<1x1x128xi32, #tpu.memory_space<vmem>>
      %dma_start3A_573 = tpu.memref_squeeze %dma_start3A_572 : memref<1x1x128xi32, #tpu.memory_space<vmem>> -> memref<128xi32, #tpu.memory_space<vmem>>
      %dma_start3A_574 = arith.constant 0 : i32
      %dma_start3A_575 = arith.constant 0 : i32
      %dma_start3A_576 = tpu.memref_slice %arg6[%dma_start3A_574, %dma_start3A_575] : memref<50400x32xf32, #tpu.memory_space<vmem_shared>> -> memref<50400x32xf32, #tpu.memory_space<vmem_shared>>
      tpu.enqueue_indirect_dma source(%dma_start3A_570 : memref<128x32xf32, #tpu.memory_space<vmem>>) target(%dma_start3A_576 : memref<50400x32xf32, #tpu.memory_space<vmem_shared>>) offsets(%dma_start3A_573 : memref<128xi32, #tpu.memory_space<vmem>>) semaphore(%arg14 : memref<!tpu.dma_semaphore, #tpu.memory_space<semaphore_mem>>) {add = true}
      %dma_start3A_577 = arith.constant 1 : i32
      %dma_start3A_578 = arith.constant 11 : i32
      %dma_start3A_579 = arith.constant 128 : i32
      %dma_start3A_580 = arith.constant 0 : i32
      %dma_start3A_581 = tpu.memref_slice %arg9[%dma_start3A_577, %dma_start3A_579, %dma_start3A_580] : memref<2x256x32xf32, #tpu.memory_space<vmem>> -> memref<1x128x32xf32, #tpu.memory_space<vmem>>
      %dma_start3A_582 = tpu.memref_squeeze %dma_start3A_581 : memref<1x128x32xf32, #tpu.memory_space<vmem>> -> memref<128x32xf32, #tpu.memory_space<vmem>>
      %dma_start3A_583 = arith.constant 0 : i32
      %dma_start3A_584 = tpu.memref_slice %arg8[%select_n3A_80, %dma_start3A_578, %dma_start3A_583] : memref<2x14x128xi32, #tpu.memory_space<vmem>> -> memref<1x1x128xi32, #tpu.memory_space<vmem>>
      %dma_start3A_585 = tpu.memref_squeeze %dma_start3A_584 : memref<1x1x128xi32, #tpu.memory_space<vmem>> -> memref<128xi32, #tpu.memory_space<vmem>>
      %dma_start3A_586 = arith.constant 0 : i32
      %dma_start3A_587 = arith.constant 0 : i32
      %dma_start3A_588 = tpu.memref_slice %arg6[%dma_start3A_586, %dma_start3A_587] : memref<50400x32xf32, #tpu.memory_space<vmem_shared>> -> memref<50400x32xf32, #tpu.memory_space<vmem_shared>>
      tpu.enqueue_indirect_dma source(%dma_start3A_582 : memref<128x32xf32, #tpu.memory_space<vmem>>) target(%dma_start3A_588 : memref<50400x32xf32, #tpu.memory_space<vmem_shared>>) offsets(%dma_start3A_585 : memref<128xi32, #tpu.memory_space<vmem>>) semaphore(%arg14 : memref<!tpu.dma_semaphore, #tpu.memory_space<semaphore_mem>>) {add = true}
      %dma_wait3A_589 = arith.constant 6 : i32
      %dma_wait3A_590 = arith.constant 0 : i32
      %dma_wait3A_591 = arith.constant 0 : i32
      %dma_wait3A_592 = arith.constant 0 : i32
      %dma_wait3A_593 = tpu.memref_slice %arg9[%dma_wait3A_590, %dma_wait3A_591, %dma_wait3A_592] : memref<2x256x32xf32, #tpu.memory_space<vmem>> -> memref<1x256x32xf32, #tpu.memory_space<vmem>>
      %dma_wait3A_594 = tpu.memref_squeeze %dma_wait3A_593 : memref<1x256x32xf32, #tpu.memory_space<vmem>> -> memref<256x32xf32, #tpu.memory_space<vmem>>
      %dma_wait3A_595 = arith.constant 0 : i32
      %dma_wait3A_596 = tpu.memref_slice %arg7[%select_n3A_80, %dma_wait3A_589, %dma_wait3A_595] : memref<2x7x256xi32, #tpu.memory_space<vmem>> -> memref<1x1x256xi32, #tpu.memory_space<vmem>>
      %dma_wait3A_597 = tpu.memref_squeeze %dma_wait3A_596 : memref<1x1x256xi32, #tpu.memory_space<vmem>> -> memref<256xi32, #tpu.memory_space<vmem>>
      %dma_wait3A_598 = arith.constant 0 : i32
      %dma_wait3A_599 = arith.constant 0 : i32
      %dma_wait3A_600 = tpu.memref_slice %arg2[%arg0, %dma_wait3A_598, %dma_wait3A_599] : memref<2x50000x32xf32, #tpu.memory_space<hbm>> -> memref<1x50000x32xf32, #tpu.memory_space<hbm>>
      %dma_wait3A_601 = tpu.memref_squeeze %dma_wait3A_600 : memref<1x50000x32xf32, #tpu.memory_space<hbm>> -> memref<50000x32xf32, #tpu.memory_space<hbm>>
      %dma_wait3A_602 = arith.constant 0 : i32
      %dma_wait3A_603 = arith.constant 0 : i32
      %dma_wait3A_604 = tpu.memref_slice %dma_wait3A_601[%dma_wait3A_602, %dma_wait3A_603] : memref<50000x32xf32, #tpu.memory_space<hbm>> -> memref<50000x32xf32, #tpu.memory_space<hbm>>
      tpu.wait_indirect_dma semaphore(%arg11 : memref<!tpu.dma_semaphore, #tpu.memory_space<semaphore_mem>>) src(%dma_wait3A_604 : memref<50000x32xf32, #tpu.memory_space<hbm>>) dst(%dma_wait3A_594 : memref<256x32xf32, #tpu.memory_space<vmem>>)
      %dma_start3A_605 = arith.constant 0 : i32
      %dma_start3A_606 = arith.constant 12 : i32
      %dma_start3A_607 = arith.constant 0 : i32
      %dma_start3A_608 = arith.constant 0 : i32
      %dma_start3A_609 = tpu.memref_slice %arg9[%dma_start3A_605, %dma_start3A_607, %dma_start3A_608] : memref<2x256x32xf32, #tpu.memory_space<vmem>> -> memref<1x128x32xf32, #tpu.memory_space<vmem>>
      %dma_start3A_610 = tpu.memref_squeeze %dma_start3A_609 : memref<1x128x32xf32, #tpu.memory_space<vmem>> -> memref<128x32xf32, #tpu.memory_space<vmem>>
      %dma_start3A_611 = arith.constant 0 : i32
      %dma_start3A_612 = tpu.memref_slice %arg8[%select_n3A_80, %dma_start3A_606, %dma_start3A_611] : memref<2x14x128xi32, #tpu.memory_space<vmem>> -> memref<1x1x128xi32, #tpu.memory_space<vmem>>
      %dma_start3A_613 = tpu.memref_squeeze %dma_start3A_612 : memref<1x1x128xi32, #tpu.memory_space<vmem>> -> memref<128xi32, #tpu.memory_space<vmem>>
      %dma_start3A_614 = arith.constant 0 : i32
      %dma_start3A_615 = arith.constant 0 : i32
      %dma_start3A_616 = tpu.memref_slice %arg6[%dma_start3A_614, %dma_start3A_615] : memref<50400x32xf32, #tpu.memory_space<vmem_shared>> -> memref<50400x32xf32, #tpu.memory_space<vmem_shared>>
      tpu.enqueue_indirect_dma source(%dma_start3A_610 : memref<128x32xf32, #tpu.memory_space<vmem>>) target(%dma_start3A_616 : memref<50400x32xf32, #tpu.memory_space<vmem_shared>>) offsets(%dma_start3A_613 : memref<128xi32, #tpu.memory_space<vmem>>) semaphore(%arg13 : memref<!tpu.dma_semaphore, #tpu.memory_space<semaphore_mem>>) {add = true}
      %dma_start3A_617 = arith.constant 0 : i32
      %dma_start3A_618 = arith.constant 13 : i32
      %dma_start3A_619 = arith.constant 128 : i32
      %dma_start3A_620 = arith.constant 0 : i32
      %dma_start3A_621 = tpu.memref_slice %arg9[%dma_start3A_617, %dma_start3A_619, %dma_start3A_620] : memref<2x256x32xf32, #tpu.memory_space<vmem>> -> memref<1x128x32xf32, #tpu.memory_space<vmem>>
      %dma_start3A_622 = tpu.memref_squeeze %dma_start3A_621 : memref<1x128x32xf32, #tpu.memory_space<vmem>> -> memref<128x32xf32, #tpu.memory_space<vmem>>
      %dma_start3A_623 = arith.constant 0 : i32
      %dma_start3A_624 = tpu.memref_slice %arg8[%select_n3A_80, %dma_start3A_618, %dma_start3A_623] : memref<2x14x128xi32, #tpu.memory_space<vmem>> -> memref<1x1x128xi32, #tpu.memory_space<vmem>>
      %dma_start3A_625 = tpu.memref_squeeze %dma_start3A_624 : memref<1x1x128xi32, #tpu.memory_space<vmem>> -> memref<128xi32, #tpu.memory_space<vmem>>
      %dma_start3A_626 = arith.constant 0 : i32
      %dma_start3A_627 = arith.constant 0 : i32
      %dma_start3A_628 = tpu.memref_slice %arg6[%dma_start3A_626, %dma_start3A_627] : memref<50400x32xf32, #tpu.memory_space<vmem_shared>> -> memref<50400x32xf32, #tpu.memory_space<vmem_shared>>
      tpu.enqueue_indirect_dma source(%dma_start3A_622 : memref<128x32xf32, #tpu.memory_space<vmem>>) target(%dma_start3A_628 : memref<50400x32xf32, #tpu.memory_space<vmem_shared>>) offsets(%dma_start3A_625 : memref<128xi32, #tpu.memory_space<vmem>>) semaphore(%arg13 : memref<!tpu.dma_semaphore, #tpu.memory_space<semaphore_mem>>) {add = true}
      %dma_wait3A_629 = arith.constant 1 : i32
      %dma_wait3A_630 = arith.constant 10 : i32
      %dma_wait3A_631 = arith.constant 0 : i32
      %dma_wait3A_632 = arith.constant 0 : i32
      %dma_wait3A_633 = tpu.memref_slice %arg9[%dma_wait3A_629, %dma_wait3A_631, %dma_wait3A_632] : memref<2x256x32xf32, #tpu.memory_space<vmem>> -> memref<1x128x32xf32, #tpu.memory_space<vmem>>
      %dma_wait3A_634 = tpu.memref_squeeze %dma_wait3A_633 : memref<1x128x32xf32, #tpu.memory_space<vmem>> -> memref<128x32xf32, #tpu.memory_space<vmem>>
      %dma_wait3A_635 = arith.constant 0 : i32
      %dma_wait3A_636 = tpu.memref_slice %arg8[%select_n3A_80, %dma_wait3A_630, %dma_wait3A_635] : memref<2x14x128xi32, #tpu.memory_space<vmem>> -> memref<1x1x128xi32, #tpu.memory_space<vmem>>
      %dma_wait3A_637 = tpu.memref_squeeze %dma_wait3A_636 : memref<1x1x128xi32, #tpu.memory_space<vmem>> -> memref<128xi32, #tpu.memory_space<vmem>>
      %dma_wait3A_638 = arith.constant 0 : i32
      %dma_wait3A_639 = arith.constant 0 : i32
      %dma_wait3A_640 = tpu.memref_slice %arg6[%dma_wait3A_638, %dma_wait3A_639] : memref<50400x32xf32, #tpu.memory_space<vmem_shared>> -> memref<50400x32xf32, #tpu.memory_space<vmem_shared>>
      tpu.wait_indirect_dma semaphore(%arg14 : memref<!tpu.dma_semaphore, #tpu.memory_space<semaphore_mem>>) src(%dma_wait3A_634 : memref<128x32xf32, #tpu.memory_space<vmem>>) dst(%dma_wait3A_640 : memref<50400x32xf32, #tpu.memory_space<vmem_shared>>)
      %dma_wait3A_641 = arith.constant 1 : i32
      %dma_wait3A_642 = arith.constant 11 : i32
      %dma_wait3A_643 = arith.constant 128 : i32
      %dma_wait3A_644 = arith.constant 0 : i32
      %dma_wait3A_645 = tpu.memref_slice %arg9[%dma_wait3A_641, %dma_wait3A_643, %dma_wait3A_644] : memref<2x256x32xf32, #tpu.memory_space<vmem>> -> memref<1x128x32xf32, #tpu.memory_space<vmem>>
      %dma_wait3A_646 = tpu.memref_squeeze %dma_wait3A_645 : memref<1x128x32xf32, #tpu.memory_space<vmem>> -> memref<128x32xf32, #tpu.memory_space<vmem>>
      %dma_wait3A_647 = arith.constant 0 : i32
      %dma_wait3A_648 = tpu.memref_slice %arg8[%select_n3A_80, %dma_wait3A_642, %dma_wait3A_647] : memref<2x14x128xi32, #tpu.memory_space<vmem>> -> memref<1x1x128xi32, #tpu.memory_space<vmem>>
      %dma_wait3A_649 = tpu.memref_squeeze %dma_wait3A_648 : memref<1x1x128xi32, #tpu.memory_space<vmem>> -> memref<128xi32, #tpu.memory_space<vmem>>
      %dma_wait3A_650 = arith.constant 0 : i32
      %dma_wait3A_651 = arith.constant 0 : i32
      %dma_wait3A_652 = tpu.memref_slice %arg6[%dma_wait3A_650, %dma_wait3A_651] : memref<50400x32xf32, #tpu.memory_space<vmem_shared>> -> memref<50400x32xf32, #tpu.memory_space<vmem_shared>>
      tpu.wait_indirect_dma semaphore(%arg14 : memref<!tpu.dma_semaphore, #tpu.memory_space<semaphore_mem>>) src(%dma_wait3A_646 : memref<128x32xf32, #tpu.memory_space<vmem>>) dst(%dma_wait3A_652 : memref<50400x32xf32, #tpu.memory_space<vmem_shared>>)
      %dma_wait3A_653 = arith.constant 0 : i32
      %dma_wait3A_654 = arith.constant 12 : i32
      %dma_wait3A_655 = arith.constant 0 : i32
      %dma_wait3A_656 = arith.constant 0 : i32
      %dma_wait3A_657 = tpu.memref_slice %arg9[%dma_wait3A_653, %dma_wait3A_655, %dma_wait3A_656] : memref<2x256x32xf32, #tpu.memory_space<vmem>> -> memref<1x128x32xf32, #tpu.memory_space<vmem>>
      %dma_wait3A_658 = tpu.memref_squeeze %dma_wait3A_657 : memref<1x128x32xf32, #tpu.memory_space<vmem>> -> memref<128x32xf32, #tpu.memory_space<vmem>>
      %dma_wait3A_659 = arith.constant 0 : i32
      %dma_wait3A_660 = tpu.memref_slice %arg8[%select_n3A_80, %dma_wait3A_654, %dma_wait3A_659] : memref<2x14x128xi32, #tpu.memory_space<vmem>> -> memref<1x1x128xi32, #tpu.memory_space<vmem>>
      %dma_wait3A_661 = tpu.memref_squeeze %dma_wait3A_660 : memref<1x1x128xi32, #tpu.memory_space<vmem>> -> memref<128xi32, #tpu.memory_space<vmem>>
      %dma_wait3A_662 = arith.constant 0 : i32
      %dma_wait3A_663 = arith.constant 0 : i32
      %dma_wait3A_664 = tpu.memref_slice %arg6[%dma_wait3A_662, %dma_wait3A_663] : memref<50400x32xf32, #tpu.memory_space<vmem_shared>> -> memref<50400x32xf32, #tpu.memory_space<vmem_shared>>
      tpu.wait_indirect_dma semaphore(%arg13 : memref<!tpu.dma_semaphore, #tpu.memory_space<semaphore_mem>>) src(%dma_wait3A_658 : memref<128x32xf32, #tpu.memory_space<vmem>>) dst(%dma_wait3A_664 : memref<50400x32xf32, #tpu.memory_space<vmem_shared>>)
      %dma_wait3A_665 = arith.constant 0 : i32
      %dma_wait3A_666 = arith.constant 13 : i32
      %dma_wait3A_667 = arith.constant 128 : i32
      %dma_wait3A_668 = arith.constant 0 : i32
      %dma_wait3A_669 = tpu.memref_slice %arg9[%dma_wait3A_665, %dma_wait3A_667, %dma_wait3A_668] : memref<2x256x32xf32, #tpu.memory_space<vmem>> -> memref<1x128x32xf32, #tpu.memory_space<vmem>>
      %dma_wait3A_670 = tpu.memref_squeeze %dma_wait3A_669 : memref<1x128x32xf32, #tpu.memory_space<vmem>> -> memref<128x32xf32, #tpu.memory_space<vmem>>
      %dma_wait3A_671 = arith.constant 0 : i32
      %dma_wait3A_672 = tpu.memref_slice %arg8[%select_n3A_80, %dma_wait3A_666, %dma_wait3A_671] : memref<2x14x128xi32, #tpu.memory_space<vmem>> -> memref<1x1x128xi32, #tpu.memory_space<vmem>>
      %dma_wait3A_673 = tpu.memref_squeeze %dma_wait3A_672 : memref<1x1x128xi32, #tpu.memory_space<vmem>> -> memref<128xi32, #tpu.memory_space<vmem>>
      %dma_wait3A_674 = arith.constant 0 : i32
      %dma_wait3A_675 = arith.constant 0 : i32
      %dma_wait3A_676 = tpu.memref_slice %arg6[%dma_wait3A_674, %dma_wait3A_675] : memref<50400x32xf32, #tpu.memory_space<vmem_shared>> -> memref<50400x32xf32, #tpu.memory_space<vmem_shared>>
      tpu.wait_indirect_dma semaphore(%arg13 : memref<!tpu.dma_semaphore, #tpu.memory_space<semaphore_mem>>) src(%dma_wait3A_670 : memref<128x32xf32, #tpu.memory_space<vmem>>) dst(%dma_wait3A_676 : memref<50400x32xf32, #tpu.memory_space<vmem_shared>>)
      %scan3A_677 = arith.constant 0 : i32
      scf.yield %scan3A_677 : i32
    }
    %scan3A_62 = arith.constant 28 : i32
    %barrier3A_63 = arith.constant 0 : index
    tpu.barrier barrier_id(%barrier3A_63)
    %scan3A_64 = arith.constant 0 : i32
    %scan3A_65 = arith.constant 0 : i32
    %scan3A_66 = arith.constant 5 : i32
    %scan3A_67 = arith.addi %scan3A_65, %scan3A_66 : i32
    %scan3A_68 = arith.constant 1 : i32
    %scan3A_69 = scf.for %scan3A_71 = %scan3A_65 to %scan3A_67 step %scan3A_68 iter_args(%scan3A_72 = %scan3A_64) -> (i32)  : i32 {
      %mul3A_73 = arith.constant 5 : i32
      %mul3A_74 = arith.muli %arg1, %mul3A_73 : i32
      %add3A = arith.addi %mul3A_74, %scan3A_71 : i32
      %mul3A_75 = arith.constant 625 : i32
      %mul3A_76 = arith.muli %add3A, %mul3A_75 : i32
      %mul3A_77 = arith.constant 5 : i32
      %mul3A_78 = arith.muli %arg1, %mul3A_77 : i32
      %add3A_79 = arith.addi %mul3A_78, %scan3A_71 : i32
      "tpu.region"() ({
        %run_scoped3A = tpu.sem_alloc : memref<!tpu.dma_semaphore, #tpu.memory_space<semaphore_mem>>
        %dma_start3A_81 = arith.constant 0 : i32
        %dma_start3A_82 = arith.constant 0 : i32
        %dma_start3A_83 = tpu.memref_slice %arg5[%arg0, %add3A_79, %dma_start3A_81, %dma_start3A_82] : memref<2x80x625x32xf32, #tpu.memory_space<hbm>> -> memref<1x1x625x32xf32, #tpu.memory_space<hbm>>
        %dma_start3A_84 = tpu.memref_squeeze %dma_start3A_83 : memref<1x1x625x32xf32, #tpu.memory_space<hbm>> -> memref<625x32xf32, #tpu.memory_space<hbm>>
        %dma_start3A_85 = arith.constant 0 : i32
        %dma_start3A_86 = tpu.memref_slice %arg6[%mul3A_76, %dma_start3A_85] : memref<50400x32xf32, #tpu.memory_space<vmem_shared>> -> memref<625x32xf32, #tpu.memory_space<vmem_shared>>
        tpu.enqueue_dma source(%dma_start3A_86 : memref<625x32xf32, #tpu.memory_space<vmem_shared>>) target(%dma_start3A_84 : memref<625x32xf32, #tpu.memory_space<hbm>>) target_semaphore(%run_scoped3A : memref<!tpu.dma_semaphore, #tpu.memory_space<semaphore_mem>>)
        %dma_wait3A = arith.constant 0 : i32
        %dma_wait3A_87 = arith.constant 0 : i32
        %dma_wait3A_88 = tpu.memref_slice %arg5[%arg0, %add3A_79, %dma_wait3A, %dma_wait3A_87] : memref<2x80x625x32xf32, #tpu.memory_space<hbm>> -> memref<1x1x625x32xf32, #tpu.memory_space<hbm>>
        %dma_wait3A_89 = tpu.memref_squeeze %dma_wait3A_88 : memref<1x1x625x32xf32, #tpu.memory_space<hbm>> -> memref<625x32xf32, #tpu.memory_space<hbm>>
        %dma_wait3A_90 = arith.constant 0 : i32
        %dma_wait3A_91 = tpu.memref_slice %arg6[%mul3A_76, %dma_wait3A_90] : memref<50400x32xf32, #tpu.memory_space<vmem_shared>> -> memref<625x32xf32, #tpu.memory_space<vmem_shared>>
        tpu.wait_dma2 semaphore(%run_scoped3A : memref<!tpu.dma_semaphore, #tpu.memory_space<semaphore_mem>>) src(%dma_wait3A_91 : memref<625x32xf32, #tpu.memory_space<vmem_shared>>) dst(%dma_wait3A_89 : memref<625x32xf32, #tpu.memory_space<hbm>>)
        tpu.yield
      }) : () -> ()
      %scan3A_80 = arith.constant 0 : i32
      scf.yield %scan3A_80 : i32
    }
    %scan3A_70 = arith.constant 5 : i32
    return
  }
}

module attributes {stable_mosaic.version = 14 : i64} {
  func.func @_layer1_body(%arg0: i32, %arg1: memref<2x2000x16xf32, #tpu.memory_space<vmem>>, %arg2: memref<2000x3xf32, #tpu.memory_space<vmem>>, %arg3: memref<4x64xf32, #tpu.memory_space<vmem>>, %arg4: memref<1x64xf32, #tpu.memory_space<vmem>>, %arg5: memref<2x2000x32xf32, #tpu.memory_space<vmem>>, %arg6: memref<2000x1xf32, #tpu.memory_space<vmem>>) attributes {dimension_semantics = [#tpu.dimension_semantics<arbitrary>], iteration_bounds = array<i64: 25>, scalar_prefetch = 0 : i64, scratch_operands = 0 : i64, tpu.core_type = #tpu.core_type<tc>, window_params = [{transform_indices = @transform_0, window_bounds = array<i64: 2, 2000, 16>}, {transform_indices = @transform_1, window_bounds = array<i64: 2000, 3>}, {pipeline_mode = #tpu.pipeline_mode<synchronous>, transform_indices = @transform_2, window_bounds = array<i64: 4, 64>}, {pipeline_mode = #tpu.pipeline_mode<synchronous>, transform_indices = @transform_3, window_bounds = array<i64: 1, 64>}, {transform_indices = @transform_4, window_bounds = array<i64: 2, 2000, 32>}, {transform_indices = @transform_5, window_bounds = array<i64: 2000, 1>}]} {
    %get3A = arith.constant 0 : index
    %get3A_0 = arith.constant 0 : index
    %get3A_1 = arith.constant 0 : index
    %get3A_2 = vector.load %arg1[%get3A, %get3A_0, %get3A_1] : memref<2x2000x16xf32, #tpu.memory_space<vmem>>, vector<1x2000x16xf32>
    %get3A_3 = vector.shape_cast %get3A_2 : vector<1x2000x16xf32> to vector<2000x16xf32>
    %get3A_4 = arith.constant 1 : index
    %get3A_5 = arith.constant 0 : index
    %get3A_6 = arith.constant 0 : index
    %get3A_7 = vector.load %arg1[%get3A_4, %get3A_5, %get3A_6] : memref<2x2000x16xf32, #tpu.memory_space<vmem>>, vector<1x2000x16xf32>
    %get3A_8 = vector.shape_cast %get3A_7 : vector<1x2000x16xf32> to vector<2000x16xf32>
    %add3A = arith.addf %get3A_3, %get3A_8 : vector<2000x16xf32>
    %slice3A = vector.extract_strided_slice %add3A {offsets = [0, 2], sizes = [2000, 1], strides = [1, 1]} : vector<2000x16xf32> to vector<2000x1xf32>
    %max3A = arith.constant 1.000000e+00 : f32
    %max3A_9 = vector.broadcast %max3A : f32 to vector<2000x1xf32>
    %max3A_10 = arith.maximumf %slice3A, %max3A_9 : vector<2000x1xf32>
    %div3A = arith.constant 1.000000e+00 : f32
    %div3A_11 = vector.broadcast %div3A : f32 to vector<2000x1xf32>
    %div3A_12 = arith.divf %div3A_11, %max3A_10 : vector<2000x1xf32>
    %get3A_13 = arith.constant 0 : index
    %get3A_14 = arith.constant 0 : index
    %get3A_15 = vector.load %arg2[%get3A_13, %get3A_14] : memref<2000x3xf32, #tpu.memory_space<vmem>>, vector<2000x2xf32>
    %slice3A_16 = vector.extract_strided_slice %add3A {offsets = [0, 0], sizes = [2000, 2], strides = [1, 1]} : vector<2000x16xf32> to vector<2000x2xf32>
    %mul3A = vector.broadcast %div3A_12 : vector<2000x1xf32> to vector<2000x2xf32>
    %mul3A_17 = arith.mulf %slice3A_16, %mul3A : vector<2000x2xf32>
    %concatenate3A = tpu.concatenate %get3A_15, %mul3A_17 in 1 : vector<2000x2xf32>, vector<2000x2xf32> -> vector<2000x4xf32>
    %get3A_18 = arith.constant 0 : index
    %get3A_19 = arith.constant 0 : index
    %get3A_20 = vector.load %arg3[%get3A_18, %get3A_19] : memref<4x64xf32, #tpu.memory_space<vmem>>, vector<4x64xf32>
    %dot_general3A = arith.constant dense<0.000000e+00> : vector<2000x64xf32>
    %dot_general3A_21 = tpu.matmul %concatenate3A, %get3A_20, %dot_general3A {dimension_numbers = #tpu.dot_dimension_numbers<[1], [0], [0], [1], [0, 0, 1, 1], [], []>, transpose_lhs_hint = false} : vector<2000x4xf32>, vector<4x64xf32>, vector<2000x64xf32> -> vector<2000x64xf32>
    %get3A_22 = arith.constant 0 : index
    %get3A_23 = arith.constant 0 : index
    %get3A_24 = vector.load %arg4[%get3A_22, %get3A_23] : memref<1x64xf32, #tpu.memory_space<vmem>>, vector<1x64xf32>
    %add3A_25 = vector.broadcast %get3A_24 : vector<1x64xf32> to vector<2000x64xf32>
    %add3A_26 = arith.addf %dot_general3A_21, %add3A_25 : vector<2000x64xf32>
    %max3A_27 = arith.constant 0.000000e+00 : f32
    %max3A_28 = vector.broadcast %max3A_27 : f32 to vector<2000x64xf32>
    %max3A_29 = arith.maximumf %add3A_26, %max3A_28 : vector<2000x64xf32>
    %slice3A_30 = vector.extract_strided_slice %max3A_29 {offsets = [0, 0], sizes = [2000, 32], strides = [1, 1]} : vector<2000x64xf32> to vector<2000x32xf32>
    %swap3A = arith.constant 0 : index
    %swap3A_31 = arith.constant 0 : index
    %swap3A_32 = arith.constant 0 : index
    %swap3A_33 = vector.load %arg5[%swap3A, %swap3A_31, %swap3A_32] : memref<2x2000x32xf32, #tpu.memory_space<vmem>>, vector<1x2000x32xf32>
    %swap3A_34 = vector.shape_cast %swap3A_33 : vector<1x2000x32xf32> to vector<2000x32xf32>
    %swap3A_35 = vector.shape_cast %slice3A_30 : vector<2000x32xf32> to vector<1x2000x32xf32>
    tpu.vector_store %arg5[%swap3A, %swap3A_31, %swap3A_32], %swap3A_35 {strides = array<i32>} : memref<2x2000x32xf32, #tpu.memory_space<vmem>>, vector<1x2000x32xf32>,
    %slice3A_36 = vector.extract_strided_slice %max3A_29 {offsets = [0, 32], sizes = [2000, 32], strides = [1, 1]} : vector<2000x64xf32> to vector<2000x32xf32>
    %swap3A_37 = arith.constant 1 : index
    %swap3A_38 = arith.constant 0 : index
    %swap3A_39 = arith.constant 0 : index
    %swap3A_40 = vector.load %arg5[%swap3A_37, %swap3A_38, %swap3A_39] : memref<2x2000x32xf32, #tpu.memory_space<vmem>>, vector<1x2000x32xf32>
    %swap3A_41 = vector.shape_cast %swap3A_40 : vector<1x2000x32xf32> to vector<2000x32xf32>
    %swap3A_42 = vector.shape_cast %slice3A_36 : vector<2000x32xf32> to vector<1x2000x32xf32>
    tpu.vector_store %arg5[%swap3A_37, %swap3A_38, %swap3A_39], %swap3A_42 {strides = array<i32>} : memref<2x2000x32xf32, #tpu.memory_space<vmem>>, vector<1x2000x32xf32>,
    %swap3A_43 = arith.constant 0 : index
    %swap3A_44 = arith.constant 0 : index
    %swap3A_45 = vector.load %arg6[%swap3A_43, %swap3A_44] : memref<2000x1xf32, #tpu.memory_space<vmem>>, vector<2000x1xf32>
    tpu.vector_store %arg6[%swap3A_43, %swap3A_44], %div3A_12 {strides = array<i32>} : memref<2000x1xf32, #tpu.memory_space<vmem>>, vector<2000x1xf32>,
    return
  }
  func.func @transform_0(%arg0: i32) -> (i32, i32, i32) {
    %c0_i32 = arith.constant 0 : i32
    %c0_i32_0 = arith.constant 0 : i32
    %c0_i32_1 = arith.constant 0 : i32
    return %c0_i32, %arg0, %c0_i32_0 : i32, i32, i32
  }
  func.func @transform_1(%arg0: i32) -> (i32, i32) {
    %c0_i32 = arith.constant 0 : i32
    %c0_i32_0 = arith.constant 0 : i32
    return %arg0, %c0_i32 : i32, i32
  }
  func.func @transform_2(%arg0: i32) -> (i32, i32) {
    %c0_i32 = arith.constant 0 : i32
    %c0_i32_0 = arith.constant 0 : i32
    %c0_i32_1 = arith.constant 0 : i32
    return %c0_i32, %c0_i32_0 : i32, i32
  }
  func.func @transform_3(%arg0: i32) -> (i32, i32) {
    %c0_i32 = arith.constant 0 : i32
    %c0_i32_0 = arith.constant 0 : i32
    %c0_i32_1 = arith.constant 0 : i32
    return %c0_i32, %c0_i32_0 : i32, i32
  }
  func.func @transform_4(%arg0: i32) -> (i32, i32, i32) {
    %c0_i32 = arith.constant 0 : i32
    %c0_i32_0 = arith.constant 0 : i32
    %c0_i32_1 = arith.constant 0 : i32
    return %c0_i32, %arg0, %c0_i32_0 : i32, i32, i32
  }
  func.func @transform_5(%arg0: i32) -> (i32, i32) {
    %c0_i32 = arith.constant 0 : i32
    %c0_i32_0 = arith.constant 0 : i32
    return %arg0, %c0_i32 : i32, i32
  }
}

module attributes {stable_mosaic.version = 14 : i64} {
  func.func @_layer_body(%arg0: i32, %arg1: memref<2x2000x32xf32, #tpu.memory_space<vmem>>, %arg2: memref<2x2000x32xf32, #tpu.memory_space<vmem>>, %arg3: memref<2000x1xf32, #tpu.memory_space<vmem>>, %arg4: memref<128x64xf32, #tpu.memory_space<vmem>>, %arg5: memref<1x64xf32, #tpu.memory_space<vmem>>, %arg6: memref<2x2000x32xf32, #tpu.memory_space<vmem>>) attributes {dimension_semantics = [#tpu.dimension_semantics<arbitrary>], iteration_bounds = array<i64: 25>, scalar_prefetch = 0 : i64, scratch_operands = 0 : i64, tpu.core_type = #tpu.core_type<tc>, window_params = [{transform_indices = @transform_0, window_bounds = array<i64: 2, 2000, 32>}, {transform_indices = @transform_1, window_bounds = array<i64: 2, 2000, 32>}, {transform_indices = @transform_2, window_bounds = array<i64: 2000, 1>}, {pipeline_mode = #tpu.pipeline_mode<synchronous>, transform_indices = @transform_3, window_bounds = array<i64: 128, 64>}, {pipeline_mode = #tpu.pipeline_mode<synchronous>, transform_indices = @transform_4, window_bounds = array<i64: 1, 64>}, {transform_indices = @transform_5, window_bounds = array<i64: 2, 2000, 32>}]} {
    %get3A = arith.constant 0 : index
    %get3A_0 = arith.constant 0 : index
    %get3A_1 = arith.constant 0 : index
    %get3A_2 = vector.load %arg1[%get3A, %get3A_0, %get3A_1] : memref<2x2000x32xf32, #tpu.memory_space<vmem>>, vector<1x2000x32xf32>
    %get3A_3 = vector.shape_cast %get3A_2 : vector<1x2000x32xf32> to vector<2000x32xf32>
    %get3A_4 = arith.constant 1 : index
    %get3A_5 = arith.constant 0 : index
    %get3A_6 = arith.constant 0 : index
    %get3A_7 = vector.load %arg1[%get3A_4, %get3A_5, %get3A_6] : memref<2x2000x32xf32, #tpu.memory_space<vmem>>, vector<1x2000x32xf32>
    %get3A_8 = vector.shape_cast %get3A_7 : vector<1x2000x32xf32> to vector<2000x32xf32>
    %concatenate3A = tpu.concatenate %get3A_3, %get3A_8 in 1 : vector<2000x32xf32>, vector<2000x32xf32> -> vector<2000x64xf32>
    %get3A_9 = arith.constant 0 : index
    %get3A_10 = arith.constant 0 : index
    %get3A_11 = arith.constant 0 : index
    %get3A_12 = vector.load %arg2[%get3A_9, %get3A_10, %get3A_11] : memref<2x2000x32xf32, #tpu.memory_space<vmem>>, vector<1x2000x32xf32>
    %get3A_13 = vector.shape_cast %get3A_12 : vector<1x2000x32xf32> to vector<2000x32xf32>
    %get3A_14 = arith.constant 1 : index
    %get3A_15 = arith.constant 0 : index
    %get3A_16 = arith.constant 0 : index
    %get3A_17 = vector.load %arg2[%get3A_14, %get3A_15, %get3A_16] : memref<2x2000x32xf32, #tpu.memory_space<vmem>>, vector<1x2000x32xf32>
    %get3A_18 = vector.shape_cast %get3A_17 : vector<1x2000x32xf32> to vector<2000x32xf32>
    %concatenate3A_19 = tpu.concatenate %get3A_13, %get3A_18 in 1 : vector<2000x32xf32>, vector<2000x32xf32> -> vector<2000x64xf32>
    %get3A_20 = arith.constant 0 : index
    %get3A_21 = arith.constant 0 : index
    %get3A_22 = vector.load %arg3[%get3A_20, %get3A_21] : memref<2000x1xf32, #tpu.memory_space<vmem>>, vector<2000x1xf32>
    %mul3A = vector.broadcast %get3A_22 : vector<2000x1xf32> to vector<2000x64xf32>
    %mul3A_23 = arith.mulf %concatenate3A_19, %mul3A : vector<2000x64xf32>
    %concatenate3A_24 = tpu.concatenate %concatenate3A, %mul3A_23 in 1 : vector<2000x64xf32>, vector<2000x64xf32> -> vector<2000x128xf32>
    %get3A_25 = arith.constant 0 : index
    %get3A_26 = arith.constant 0 : index
    %get3A_27 = vector.load %arg4[%get3A_25, %get3A_26] : memref<128x64xf32, #tpu.memory_space<vmem>>, vector<128x64xf32>
    %dot_general3A = arith.constant dense<0.000000e+00> : vector<2000x64xf32>
    %dot_general3A_28 = tpu.matmul %concatenate3A_24, %get3A_27, %dot_general3A {dimension_numbers = #tpu.dot_dimension_numbers<[1], [0], [0], [1], [0, 0, 1, 1], [], []>, transpose_lhs_hint = false} : vector<2000x128xf32>, vector<128x64xf32>, vector<2000x64xf32> -> vector<2000x64xf32>
    %get3A_29 = arith.constant 0 : index
    %get3A_30 = arith.constant 0 : index
    %get3A_31 = vector.load %arg5[%get3A_29, %get3A_30] : memref<1x64xf32, #tpu.memory_space<vmem>>, vector<1x64xf32>
    %add3A = vector.broadcast %get3A_31 : vector<1x64xf32> to vector<2000x64xf32>
    %add3A_32 = arith.addf %dot_general3A_28, %add3A : vector<2000x64xf32>
    %max3A = arith.constant 0.000000e+00 : f32
    %max3A_33 = vector.broadcast %max3A : f32 to vector<2000x64xf32>
    %max3A_34 = arith.maximumf %add3A_32, %max3A_33 : vector<2000x64xf32>
    %slice3A = vector.extract_strided_slice %max3A_34 {offsets = [0, 0], sizes = [2000, 32], strides = [1, 1]} : vector<2000x64xf32> to vector<2000x32xf32>
    %swap3A = arith.constant 0 : index
    %swap3A_35 = arith.constant 0 : index
    %swap3A_36 = arith.constant 0 : index
    %swap3A_37 = vector.load %arg6[%swap3A, %swap3A_35, %swap3A_36] : memref<2x2000x32xf32, #tpu.memory_space<vmem>>, vector<1x2000x32xf32>
    %swap3A_38 = vector.shape_cast %swap3A_37 : vector<1x2000x32xf32> to vector<2000x32xf32>
    %swap3A_39 = vector.shape_cast %slice3A : vector<2000x32xf32> to vector<1x2000x32xf32>
    tpu.vector_store %arg6[%swap3A, %swap3A_35, %swap3A_36], %swap3A_39 {strides = array<i32>} : memref<2x2000x32xf32, #tpu.memory_space<vmem>>, vector<1x2000x32xf32>,
    %slice3A_40 = vector.extract_strided_slice %max3A_34 {offsets = [0, 32], sizes = [2000, 32], strides = [1, 1]} : vector<2000x64xf32> to vector<2000x32xf32>
    %swap3A_41 = arith.constant 1 : index
    %swap3A_42 = arith.constant 0 : index
    %swap3A_43 = arith.constant 0 : index
    %swap3A_44 = vector.load %arg6[%swap3A_41, %swap3A_42, %swap3A_43] : memref<2x2000x32xf32, #tpu.memory_space<vmem>>, vector<1x2000x32xf32>
    %swap3A_45 = vector.shape_cast %swap3A_44 : vector<1x2000x32xf32> to vector<2000x32xf32>
    %swap3A_46 = vector.shape_cast %slice3A_40 : vector<2000x32xf32> to vector<1x2000x32xf32>
    tpu.vector_store %arg6[%swap3A_41, %swap3A_42, %swap3A_43], %swap3A_46 {strides = array<i32>} : memref<2x2000x32xf32, #tpu.memory_space<vmem>>, vector<1x2000x32xf32>,
    return
  }
  func.func @transform_0(%arg0: i32) -> (i32, i32, i32) {
    %c0_i32 = arith.constant 0 : i32
    %c0_i32_0 = arith.constant 0 : i32
    %c0_i32_1 = arith.constant 0 : i32
    return %c0_i32, %arg0, %c0_i32_0 : i32, i32, i32
  }
  func.func @transform_1(%arg0: i32) -> (i32, i32, i32) {
    %c0_i32 = arith.constant 0 : i32
    %c0_i32_0 = arith.constant 0 : i32
    %c0_i32_1 = arith.constant 0 : i32
    return %c0_i32, %arg0, %c0_i32_0 : i32, i32, i32
  }
  func.func @transform_2(%arg0: i32) -> (i32, i32) {
    %c0_i32 = arith.constant 0 : i32
    %c0_i32_0 = arith.constant 0 : i32
    return %arg0, %c0_i32 : i32, i32
  }
  func.func @transform_3(%arg0: i32) -> (i32, i32) {
    %c0_i32 = arith.constant 0 : i32
    %c0_i32_0 = arith.constant 0 : i32
    %c0_i32_1 = arith.constant 0 : i32
    return %c0_i32, %c0_i32_0 : i32, i32
  }
  func.func @transform_4(%arg0: i32) -> (i32, i32) {
    %c0_i32 = arith.constant 0 : i32
    %c0_i32_0 = arith.constant 0 : i32
    %c0_i32_1 = arith.constant 0 : i32
    return %c0_i32, %c0_i32_0 : i32, i32
  }
  func.func @transform_5(%arg0: i32) -> (i32, i32, i32) {
    %c0_i32 = arith.constant 0 : i32
    %c0_i32_0 = arith.constant 0 : i32
    %c0_i32_1 = arith.constant 0 : i32
    return %c0_i32, %arg0, %c0_i32_0 : i32, i32, i32
  }
}

module attributes {stable_mosaic.version = 14 : i64} {
  func.func @_head_body(%arg0: i32, %arg1: memref<2x2000x32xf32, #tpu.memory_space<vmem>>, %arg2: memref<2x2000x32xf32, #tpu.memory_space<vmem>>, %arg3: memref<2000x1xf32, #tpu.memory_space<vmem>>, %arg4: memref<128x64xf32, #tpu.memory_space<vmem>>, %arg5: memref<1x64xf32, #tpu.memory_space<vmem>>, %arg6: memref<64x1xf32, #tpu.memory_space<vmem>>, %arg7: memref<1x1xf32, #tpu.memory_space<vmem>>, %arg8: memref<2000x1xi32, #tpu.memory_space<vmem>>, %arg9: memref<2000x1xf32, #tpu.memory_space<vmem>>, %arg10: memref<256x64xf32, #tpu.memory_space<vmem>>, %arg11: memref<256x1xf32, #tpu.memory_space<vmem>>, %arg12: memref<256x1xf32, #tpu.memory_space<vmem>>) attributes {dimension_semantics = [#tpu.dimension_semantics<arbitrary>], iteration_bounds = array<i64: 25>, scalar_prefetch = 0 : i64, scratch_operands = 0 : i64, tpu.core_type = #tpu.core_type<tc>, window_params = [{transform_indices = @transform_0, window_bounds = array<i64: 2, 2000, 32>}, {transform_indices = @transform_1, window_bounds = array<i64: 2, 2000, 32>}, {transform_indices = @transform_2, window_bounds = array<i64: 2000, 1>}, {pipeline_mode = #tpu.pipeline_mode<synchronous>, transform_indices = @transform_3, window_bounds = array<i64: 128, 64>}, {pipeline_mode = #tpu.pipeline_mode<synchronous>, transform_indices = @transform_4, window_bounds = array<i64: 1, 64>}, {pipeline_mode = #tpu.pipeline_mode<synchronous>, transform_indices = @transform_5, window_bounds = array<i64: 64, 1>}, {pipeline_mode = #tpu.pipeline_mode<synchronous>, transform_indices = @transform_6, window_bounds = array<i64: 1, 1>}, {transform_indices = @transform_7, window_bounds = array<i64: 2000, 1>}, {transform_indices = @transform_8, window_bounds = array<i64: 2000, 1>}, {pipeline_mode = #tpu.pipeline_mode<synchronous>, transform_indices = @transform_9, window_bounds = array<i64: 256, 64>}, {pipeline_mode = #tpu.pipeline_mode<synchronous>, transform_indices = @transform_10, window_bounds = array<i64: 256, 1>}, {pipeline_mode = #tpu.pipeline_mode<synchronous>, transform_indices = @transform_11, window_bounds = array<i64: 256, 1>}]} {
    %get3A = arith.constant 0 : index
    %get3A_0 = arith.constant 0 : index
    %get3A_1 = arith.constant 0 : index
    %get3A_2 = vector.load %arg1[%get3A, %get3A_0, %get3A_1] : memref<2x2000x32xf32, #tpu.memory_space<vmem>>, vector<1x2000x32xf32>
    %get3A_3 = vector.shape_cast %get3A_2 : vector<1x2000x32xf32> to vector<2000x32xf32>
    %get3A_4 = arith.constant 1 : index
    %get3A_5 = arith.constant 0 : index
    %get3A_6 = arith.constant 0 : index
    %get3A_7 = vector.load %arg1[%get3A_4, %get3A_5, %get3A_6] : memref<2x2000x32xf32, #tpu.memory_space<vmem>>, vector<1x2000x32xf32>
    %get3A_8 = vector.shape_cast %get3A_7 : vector<1x2000x32xf32> to vector<2000x32xf32>
    %concatenate3A = tpu.concatenate %get3A_3, %get3A_8 in 1 : vector<2000x32xf32>, vector<2000x32xf32> -> vector<2000x64xf32>
    %get3A_9 = arith.constant 0 : index
    %get3A_10 = arith.constant 0 : index
    %get3A_11 = arith.constant 0 : index
    %get3A_12 = vector.load %arg2[%get3A_9, %get3A_10, %get3A_11] : memref<2x2000x32xf32, #tpu.memory_space<vmem>>, vector<1x2000x32xf32>
    %get3A_13 = vector.shape_cast %get3A_12 : vector<1x2000x32xf32> to vector<2000x32xf32>
    %get3A_14 = arith.constant 1 : index
    %get3A_15 = arith.constant 0 : index
    %get3A_16 = arith.constant 0 : index
    %get3A_17 = vector.load %arg2[%get3A_14, %get3A_15, %get3A_16] : memref<2x2000x32xf32, #tpu.memory_space<vmem>>, vector<1x2000x32xf32>
    %get3A_18 = vector.shape_cast %get3A_17 : vector<1x2000x32xf32> to vector<2000x32xf32>
    %concatenate3A_19 = tpu.concatenate %get3A_13, %get3A_18 in 1 : vector<2000x32xf32>, vector<2000x32xf32> -> vector<2000x64xf32>
    %get3A_20 = arith.constant 0 : index
    %get3A_21 = arith.constant 0 : index
    %get3A_22 = vector.load %arg3[%get3A_20, %get3A_21] : memref<2000x1xf32, #tpu.memory_space<vmem>>, vector<2000x1xf32>
    %mul3A = vector.broadcast %get3A_22 : vector<2000x1xf32> to vector<2000x64xf32>
    %mul3A_23 = arith.mulf %concatenate3A_19, %mul3A : vector<2000x64xf32>
    %concatenate3A_24 = tpu.concatenate %concatenate3A, %mul3A_23 in 1 : vector<2000x64xf32>, vector<2000x64xf32> -> vector<2000x128xf32>
    %get3A_25 = arith.constant 0 : index
    %get3A_26 = arith.constant 0 : index
    %get3A_27 = vector.load %arg4[%get3A_25, %get3A_26] : memref<128x64xf32, #tpu.memory_space<vmem>>, vector<128x64xf32>
    %dot_general3A = arith.constant dense<0.000000e+00> : vector<2000x64xf32>
    %dot_general3A_28 = tpu.matmul %concatenate3A_24, %get3A_27, %dot_general3A {dimension_numbers = #tpu.dot_dimension_numbers<[1], [0], [0], [1], [0, 0, 1, 1], [], []>, transpose_lhs_hint = false} : vector<2000x128xf32>, vector<128x64xf32>, vector<2000x64xf32> -> vector<2000x64xf32>
    %get3A_29 = arith.constant 0 : index
    %get3A_30 = arith.constant 0 : index
    %get3A_31 = vector.load %arg5[%get3A_29, %get3A_30] : memref<1x64xf32, #tpu.memory_space<vmem>>, vector<1x64xf32>
    %add3A = vector.broadcast %get3A_31 : vector<1x64xf32> to vector<2000x64xf32>
    %add3A_32 = arith.addf %dot_general3A_28, %add3A : vector<2000x64xf32>
    %max3A = arith.constant 0.000000e+00 : f32
    %max3A_33 = vector.broadcast %max3A : f32 to vector<2000x64xf32>
    %max3A_34 = arith.maximumf %add3A_32, %max3A_33 : vector<2000x64xf32>
    %get3A_35 = arith.constant 0 : index
    %get3A_36 = arith.constant 0 : index
    %get3A_37 = vector.load %arg6[%get3A_35, %get3A_36] : memref<64x1xf32, #tpu.memory_space<vmem>>, vector<64x1xf32>
    %dot_general3A_38 = arith.constant dense<0.000000e+00> : vector<2000x1xf32>
    %dot_general3A_39 = tpu.matmul %max3A_34, %get3A_37, %dot_general3A_38 {dimension_numbers = #tpu.dot_dimension_numbers<[1], [0], [0], [1], [0, 0, 1, 1], [], []>, transpose_lhs_hint = false} : vector<2000x64xf32>, vector<64x1xf32>, vector<2000x1xf32> -> vector<2000x1xf32>
    %get3A_40 = arith.constant 0 : index
    %get3A_41 = arith.constant 0 : index
    %get3A_42 = vector.load %arg7[%get3A_40, %get3A_41] : memref<1x1xf32, #tpu.memory_space<vmem>>, vector<1x1xf32>
    %add3A_43 = vector.broadcast %get3A_42 : vector<1x1xf32> to vector<2000x1xf32>
    %add3A_44 = arith.addf %dot_general3A_39, %add3A_43 : vector<2000x1xf32>
    %tanh3A = math.tanh %add3A_44 : vector<2000x1xf32>
    %mul3A_45 = arith.constant 2.000000e+00 : f32
    %mul3A_46 = vector.broadcast %mul3A_45 : f32 to vector<2000x1xf32>
    %mul3A_47 = arith.mulf %mul3A_46, %tanh3A : vector<2000x1xf32>
    %swap3A = arith.constant 0 : index
    %swap3A_48 = arith.constant 0 : index
    %swap3A_49 = vector.load %arg9[%swap3A, %swap3A_48] : memref<2000x1xf32, #tpu.memory_space<vmem>>, vector<2000x1xf32>
    tpu.vector_store %arg9[%swap3A, %swap3A_48], %mul3A_47 {strides = array<i32>} : memref<2000x1xf32, #tpu.memory_space<vmem>>, vector<2000x1xf32>,
    %iota3A = tpu.iota {dimensions = array<i32: 1>} : vector<1x256xi32>
    %get3A_50 = arith.constant 0 : index
    %get3A_51 = arith.constant 0 : index
    %get3A_52 = vector.load %arg8[%get3A_50, %get3A_51] : memref<2000x1xi32, #tpu.memory_space<vmem>>, vector<2000x1xi32>
    %eq3A = vector.broadcast %get3A_52 : vector<2000x1xi32> to vector<2000x256xi32>
    %eq3A_53 = vector.broadcast %iota3A : vector<1x256xi32> to vector<2000x256xi32>
    %eq3A_54 = arith.cmpi eq, %eq3A, %eq3A_53 : vector<2000x256xi32>
    %convert_element_type3A = arith.extui %eq3A_54 : vector<2000x256xi1> to vector<2000x256xi32>
    %convert_element_type3A_55 = arith.sitofp %convert_element_type3A : vector<2000x256xi32> to vector<2000x256xf32>
    %eq3A_56 = arith.constant 0 : i32
    %eq3A_57 = arith.cmpi eq, %arg0, %eq3A_56 : i32
    %convert_element_type3A_58 = arith.extui %eq3A_57 : i1 to i32
    %cond3A = arith.constant 0 : i32
    %cond3A_59 = arith.cmpi ne, %convert_element_type3A_58, %cond3A : i32
    scf.if %cond3A_59 {
      %broadcast_in_dim3A_88 = arith.constant 0.000000e+00 : f32
      %broadcast_in_dim3A_89 = vector.broadcast %broadcast_in_dim3A_88 : f32 to vector<256x64xf32>
      %swap3A_90 = arith.constant 0 : index
      %swap3A_91 = arith.constant 0 : index
      %swap3A_92 = vector.load %arg10[%swap3A_90, %swap3A_91] : memref<256x64xf32, #tpu.memory_space<vmem>>, vector<256x64xf32>
      tpu.vector_store %arg10[%swap3A_90, %swap3A_91], %broadcast_in_dim3A_89 {strides = array<i32>} : memref<256x64xf32, #tpu.memory_space<vmem>>, vector<256x64xf32>,
      %broadcast_in_dim3A_93 = arith.constant 0.000000e+00 : f32
      %broadcast_in_dim3A_94 = vector.broadcast %broadcast_in_dim3A_93 : f32 to vector<256x1xf32>
      %swap3A_95 = arith.constant 0 : index
      %swap3A_96 = arith.constant 0 : index
      %swap3A_97 = vector.load %arg11[%swap3A_95, %swap3A_96] : memref<256x1xf32, #tpu.memory_space<vmem>>, vector<256x1xf32>
      tpu.vector_store %arg11[%swap3A_95, %swap3A_96], %broadcast_in_dim3A_94 {strides = array<i32>} : memref<256x1xf32, #tpu.memory_space<vmem>>, vector<256x1xf32>,
      %broadcast_in_dim3A_98 = arith.constant 0.000000e+00 : f32
      %broadcast_in_dim3A_99 = vector.broadcast %broadcast_in_dim3A_98 : f32 to vector<256x1xf32>
      %swap3A_100 = arith.constant 0 : index
      %swap3A_101 = arith.constant 0 : index
      %swap3A_102 = vector.load %arg12[%swap3A_100, %swap3A_101] : memref<256x1xf32, #tpu.memory_space<vmem>>, vector<256x1xf32>
      tpu.vector_store %arg12[%swap3A_100, %swap3A_101], %broadcast_in_dim3A_99 {strides = array<i32>} : memref<256x1xf32, #tpu.memory_space<vmem>>, vector<256x1xf32>,
    } else {
    }
    %get3A_60 = arith.constant 0 : index
    %get3A_61 = arith.constant 0 : index
    %get3A_62 = vector.load %arg10[%get3A_60, %get3A_61] : memref<256x64xf32, #tpu.memory_space<vmem>>, vector<256x64xf32>
    %dot_general3A_63 = arith.constant dense<0.000000e+00> : vector<256x64xf32>
    %dot_general3A_64 = tpu.matmul %convert_element_type3A_55, %max3A_34, %dot_general3A_63 {dimension_numbers = #tpu.dot_dimension_numbers<[0], [0], [1], [1], [0, 1, 1, 1], [], []>, transpose_lhs_hint = false} : vector<2000x256xf32>, vector<2000x64xf32>, vector<256x64xf32> -> vector<256x64xf32>
    %add3A_65 = arith.addf %get3A_62, %dot_general3A_64 : vector<256x64xf32>
    %swap3A_66 = arith.constant 0 : index
    %swap3A_67 = arith.constant 0 : index
    %swap3A_68 = vector.load %arg10[%swap3A_66, %swap3A_67] : memref<256x64xf32, #tpu.memory_space<vmem>>, vector<256x64xf32>
    tpu.vector_store %arg10[%swap3A_66, %swap3A_67], %add3A_65 {strides = array<i32>} : memref<256x64xf32, #tpu.memory_space<vmem>>, vector<256x64xf32>,
    %get3A_69 = arith.constant 0 : index
    %get3A_70 = arith.constant 0 : index
    %get3A_71 = vector.load %arg11[%get3A_69, %get3A_70] : memref<256x1xf32, #tpu.memory_space<vmem>>, vector<256x1xf32>
    %dot_general3A_72 = arith.constant dense<0.000000e+00> : vector<256x1xf32>
    %dot_general3A_73 = tpu.matmul %convert_element_type3A_55, %mul3A_47, %dot_general3A_72 {dimension_numbers = #tpu.dot_dimension_numbers<[0], [0], [1], [1], [0, 1, 1, 1], [], []>, transpose_lhs_hint = false} : vector<2000x256xf32>, vector<2000x1xf32>, vector<256x1xf32> -> vector<256x1xf32>
    %add3A_74 = arith.addf %get3A_71, %dot_general3A_73 : vector<256x1xf32>
    %swap3A_75 = arith.constant 0 : index
    %swap3A_76 = arith.constant 0 : index
    %swap3A_77 = vector.load %arg11[%swap3A_75, %swap3A_76] : memref<256x1xf32, #tpu.memory_space<vmem>>, vector<256x1xf32>
    tpu.vector_store %arg11[%swap3A_75, %swap3A_76], %add3A_74 {strides = array<i32>} : memref<256x1xf32, #tpu.memory_space<vmem>>, vector<256x1xf32>,
    %get3A_78 = arith.constant 0 : index
    %get3A_79 = arith.constant 0 : index
    %get3A_80 = vector.load %arg12[%get3A_78, %get3A_79] : memref<256x1xf32, #tpu.memory_space<vmem>>, vector<256x1xf32>
    %broadcast_in_dim3A = arith.constant 1.000000e+00 : f32
    %broadcast_in_dim3A_81 = vector.broadcast %broadcast_in_dim3A : f32 to vector<2000x1xf32>
    %dot_general3A_82 = arith.constant dense<0.000000e+00> : vector<256x1xf32>
    %dot_general3A_83 = tpu.matmul %convert_element_type3A_55, %broadcast_in_dim3A_81, %dot_general3A_82 {dimension_numbers = #tpu.dot_dimension_numbers<[0], [0], [1], [1], [0, 1, 1, 1], [], []>, transpose_lhs_hint = false} : vector<2000x256xf32>, vector<2000x1xf32>, vector<256x1xf32> -> vector<256x1xf32>
    %add3A_84 = arith.addf %get3A_80, %dot_general3A_83 : vector<256x1xf32>
    %swap3A_85 = arith.constant 0 : index
    %swap3A_86 = arith.constant 0 : index
    %swap3A_87 = vector.load %arg12[%swap3A_85, %swap3A_86] : memref<256x1xf32, #tpu.memory_space<vmem>>, vector<256x1xf32>
    tpu.vector_store %arg12[%swap3A_85, %swap3A_86], %add3A_84 {strides = array<i32>} : memref<256x1xf32, #tpu.memory_space<vmem>>, vector<256x1xf32>,
    return
  }
  func.func @transform_0(%arg0: i32) -> (i32, i32, i32) {
    %c0_i32 = arith.constant 0 : i32
    %c0_i32_0 = arith.constant 0 : i32
    %c0_i32_1 = arith.constant 0 : i32
    return %c0_i32, %arg0, %c0_i32_0 : i32, i32, i32
  }
  func.func @transform_1(%arg0: i32) -> (i32, i32, i32) {
    %c0_i32 = arith.constant 0 : i32
    %c0_i32_0 = arith.constant 0 : i32
    %c0_i32_1 = arith.constant 0 : i32
    return %c0_i32, %arg0, %c0_i32_0 : i32, i32, i32
  }
  func.func @transform_2(%arg0: i32) -> (i32, i32) {
    %c0_i32 = arith.constant 0 : i32
    %c0_i32_0 = arith.constant 0 : i32
    return %arg0, %c0_i32 : i32, i32
  }
  func.func @transform_3(%arg0: i32) -> (i32, i32) {
    %c0_i32 = arith.constant 0 : i32
    %c0_i32_0 = arith.constant 0 : i32
    %c0_i32_1 = arith.constant 0 : i32
    return %c0_i32, %c0_i32_0 : i32, i32
  }
  func.func @transform_4(%arg0: i32) -> (i32, i32) {
    %c0_i32 = arith.constant 0 : i32
    %c0_i32_0 = arith.constant 0 : i32
    %c0_i32_1 = arith.constant 0 : i32
    return %c0_i32, %c0_i32_0 : i32, i32
  }
  func.func @transform_5(%arg0: i32) -> (i32, i32) {
    %c0_i32 = arith.constant 0 : i32
    %c0_i32_0 = arith.constant 0 : i32
    %c0_i32_1 = arith.constant 0 : i32
    return %c0_i32, %c0_i32_0 : i32, i32
  }
  func.func @transform_6(%arg0: i32) -> (i32, i32) {
    %c0_i32 = arith.constant 0 : i32
    %c0_i32_0 = arith.constant 0 : i32
    %c0_i32_1 = arith.constant 0 : i32
    return %c0_i32, %c0_i32_0 : i32, i32
  }
  func.func @transform_7(%arg0: i32) -> (i32, i32) {
    %c0_i32 = arith.constant 0 : i32
    %c0_i32_0 = arith.constant 0 : i32
    return %arg0, %c0_i32 : i32, i32
  }
  func.func @transform_8(%arg0: i32) -> (i32, i32) {
    %c0_i32 = arith.constant 0 : i32
    %c0_i32_0 = arith.constant 0 : i32
    return %arg0, %c0_i32 : i32, i32
  }
  func.func @transform_9(%arg0: i32) -> (i32, i32) {
    %c0_i32 = arith.constant 0 : i32
    %c0_i32_0 = arith.constant 0 : i32
    %c0_i32_1 = arith.constant 0 : i32
    return %c0_i32, %c0_i32_0 : i32, i32
  }
  func.func @transform_10(%arg0: i32) -> (i32, i32) {
    %c0_i32 = arith.constant 0 : i32
    %c0_i32_0 = arith.constant 0 : i32
    %c0_i32_1 = arith.constant 0 : i32
    return %c0_i32, %c0_i32_0 : i32, i32
  }
  func.func @transform_11(%arg0: i32) -> (i32, i32) {
    %c0_i32 = arith.constant 0 : i32
    %c0_i32_0 = arith.constant 0 : i32
    %c0_i32_1 = arith.constant 0 : i32
    return %c0_i32, %c0_i32_0 : i32, i32
  }
}

module attributes {stable_mosaic.version = 14 : i64} {
  func.func @_combine_body(%arg0: i32, %arg1: memref<256x64xf32, #tpu.memory_space<vmem>>, %arg2: memref<256x1xf32, #tpu.memory_space<vmem>>, %arg3: memref<256x1xf32, #tpu.memory_space<vmem>>, %arg4: memref<64x1xf32, #tpu.memory_space<vmem>>, %arg5: memref<1x1xf32, #tpu.memory_space<vmem>>, %arg6: memref<2000x1xf32, #tpu.memory_space<vmem>>, %arg7: memref<2000x1xi32, #tpu.memory_space<vmem>>, %arg8: memref<2000x1xf32, #tpu.memory_space<vmem>>) attributes {dimension_semantics = [#tpu.dimension_semantics<arbitrary>], iteration_bounds = array<i64: 25>, scalar_prefetch = 0 : i64, scratch_operands = 0 : i64, tpu.core_type = #tpu.core_type<tc>, window_params = [{pipeline_mode = #tpu.pipeline_mode<synchronous>, transform_indices = @transform_0, window_bounds = array<i64: 256, 64>}, {pipeline_mode = #tpu.pipeline_mode<synchronous>, transform_indices = @transform_1, window_bounds = array<i64: 256, 1>}, {pipeline_mode = #tpu.pipeline_mode<synchronous>, transform_indices = @transform_2, window_bounds = array<i64: 256, 1>}, {pipeline_mode = #tpu.pipeline_mode<synchronous>, transform_indices = @transform_3, window_bounds = array<i64: 64, 1>}, {pipeline_mode = #tpu.pipeline_mode<synchronous>, transform_indices = @transform_4, window_bounds = array<i64: 1, 1>}, {transform_indices = @transform_5, window_bounds = array<i64: 2000, 1>}, {transform_indices = @transform_6, window_bounds = array<i64: 2000, 1>}, {transform_indices = @transform_7, window_bounds = array<i64: 2000, 1>}]} {
    %get3A = arith.constant 0 : index
    %get3A_0 = arith.constant 0 : index
    %get3A_1 = vector.load %arg2[%get3A, %get3A_0] : memref<256x1xf32, #tpu.memory_space<vmem>>, vector<256x1xf32>
    %max3A = arith.constant 1.000000e+00 : f32
    %max3A_2 = vector.broadcast %max3A : f32 to vector<256x1xf32>
    %max3A_3 = arith.maximumf %get3A_1, %max3A_2 : vector<256x1xf32>
    %get3A_4 = arith.constant 0 : index
    %get3A_5 = arith.constant 0 : index
    %get3A_6 = vector.load %arg1[%get3A_4, %get3A_5] : memref<256x64xf32, #tpu.memory_space<vmem>>, vector<256x64xf32>
    %div3A = vector.broadcast %max3A_3 : vector<256x1xf32> to vector<256x64xf32>
    %div3A_7 = arith.divf %get3A_6, %div3A : vector<256x64xf32>
    %get3A_8 = arith.constant 0 : index
    %get3A_9 = arith.constant 0 : index
    %get3A_10 = vector.load %arg4[%get3A_8, %get3A_9] : memref<64x1xf32, #tpu.memory_space<vmem>>, vector<64x1xf32>
    %dot_general3A = arith.constant dense<0.000000e+00> : vector<256x1xf32>
    %dot_general3A_11 = tpu.matmul %div3A_7, %get3A_10, %dot_general3A {dimension_numbers = #tpu.dot_dimension_numbers<[1], [0], [0], [1], [0, 0, 1, 1], [], []>, transpose_lhs_hint = false} : vector<256x64xf32>, vector<64x1xf32>, vector<256x1xf32> -> vector<256x1xf32>
    %get3A_12 = arith.constant 0 : index
    %get3A_13 = arith.constant 0 : index
    %get3A_14 = vector.load %arg5[%get3A_12, %get3A_13] : memref<1x1xf32, #tpu.memory_space<vmem>>, vector<1x1xf32>
    %add3A = vector.broadcast %get3A_14 : vector<1x1xf32> to vector<256x1xf32>
    %add3A_15 = arith.addf %dot_general3A_11, %add3A : vector<256x1xf32>
    %tanh3A = math.tanh %add3A_15 : vector<256x1xf32>
    %get3A_16 = arith.constant 0 : index
    %get3A_17 = arith.constant 0 : index
    %get3A_18 = vector.load %arg3[%get3A_16, %get3A_17] : memref<256x1xf32, #tpu.memory_space<vmem>>, vector<256x1xf32>
    %div3A_19 = arith.divf %get3A_18, %max3A_3 : vector<256x1xf32>
    %sub3A = arith.subf %tanh3A, %div3A_19 : vector<256x1xf32>
    %iota3A = tpu.iota {dimensions = array<i32: 1>} : vector<1x256xi32>
    %get3A_20 = arith.constant 0 : index
    %get3A_21 = arith.constant 0 : index
    %get3A_22 = vector.load %arg7[%get3A_20, %get3A_21] : memref<2000x1xi32, #tpu.memory_space<vmem>>, vector<2000x1xi32>
    %eq3A = vector.broadcast %get3A_22 : vector<2000x1xi32> to vector<2000x256xi32>
    %eq3A_23 = vector.broadcast %iota3A : vector<1x256xi32> to vector<2000x256xi32>
    %eq3A_24 = arith.cmpi eq, %eq3A, %eq3A_23 : vector<2000x256xi32>
    %convert_element_type3A = arith.extui %eq3A_24 : vector<2000x256xi1> to vector<2000x256xi32>
    %convert_element_type3A_25 = arith.sitofp %convert_element_type3A : vector<2000x256xi32> to vector<2000x256xf32>
    %dot_general3A_26 = arith.constant dense<0.000000e+00> : vector<2000x1xf32>
    %dot_general3A_27 = tpu.matmul %convert_element_type3A_25, %sub3A, %dot_general3A_26 {dimension_numbers = #tpu.dot_dimension_numbers<[1], [0], [0], [1], [0, 0, 1, 1], [], []>, transpose_lhs_hint = false} : vector<2000x256xf32>, vector<256x1xf32>, vector<2000x1xf32> -> vector<2000x1xf32>
    %get3A_28 = arith.constant 0 : index
    %get3A_29 = arith.constant 0 : index
    %get3A_30 = vector.load %arg6[%get3A_28, %get3A_29] : memref<2000x1xf32, #tpu.memory_space<vmem>>, vector<2000x1xf32>
    %add3A_31 = arith.addf %dot_general3A_27, %get3A_30 : vector<2000x1xf32>
    %swap3A = arith.constant 0 : index
    %swap3A_32 = arith.constant 0 : index
    %swap3A_33 = vector.load %arg8[%swap3A, %swap3A_32] : memref<2000x1xf32, #tpu.memory_space<vmem>>, vector<2000x1xf32>
    tpu.vector_store %arg8[%swap3A, %swap3A_32], %add3A_31 {strides = array<i32>} : memref<2000x1xf32, #tpu.memory_space<vmem>>, vector<2000x1xf32>,
    return
  }
  func.func @transform_0(%arg0: i32) -> (i32, i32) {
    %c0_i32 = arith.constant 0 : i32
    %c0_i32_0 = arith.constant 0 : i32
    %c0_i32_1 = arith.constant 0 : i32
    return %c0_i32, %c0_i32_0 : i32, i32
  }
  func.func @transform_1(%arg0: i32) -> (i32, i32) {
    %c0_i32 = arith.constant 0 : i32
    %c0_i32_0 = arith.constant 0 : i32
    %c0_i32_1 = arith.constant 0 : i32
    return %c0_i32, %c0_i32_0 : i32, i32
  }
  func.func @transform_2(%arg0: i32) -> (i32, i32) {
    %c0_i32 = arith.constant 0 : i32
    %c0_i32_0 = arith.constant 0 : i32
    %c0_i32_1 = arith.constant 0 : i32
    return %c0_i32, %c0_i32_0 : i32, i32
  }
  func.func @transform_3(%arg0: i32) -> (i32, i32) {
    %c0_i32 = arith.constant 0 : i32
    %c0_i32_0 = arith.constant 0 : i32
    %c0_i32_1 = arith.constant 0 : i32
    return %c0_i32, %c0_i32_0 : i32, i32
  }
  func.func @transform_4(%arg0: i32) -> (i32, i32) {
    %c0_i32 = arith.constant 0 : i32
    %c0_i32_0 = arith.constant 0 : i32
    %c0_i32_1 = arith.constant 0 : i32
    return %c0_i32, %c0_i32_0 : i32, i32
  }
  func.func @transform_5(%arg0: i32) -> (i32, i32) {
    %c0_i32 = arith.constant 0 : i32
    %c0_i32_0 = arith.constant 0 : i32
    return %arg0, %c0_i32 : i32, i32
  }
  func.func @transform_6(%arg0: i32) -> (i32, i32) {
    %c0_i32 = arith.constant 0 : i32
    %c0_i32_0 = arith.constant 0 : i32
    return %arg0, %c0_i32 : i32, i32
  }
  func.func @transform_7(%arg0: i32) -> (i32, i32) {
    %c0_i32 = arith.constant 0 : i32
    %c0_i32_0 = arith.constant 0 : i32
    return %arg0, %c0_i32 : i32, i32
  }
}

</mosaic_0001>

<sc_bundles>
// kernel: kernel.12.cloned.1.call-start
scs
__scs_entry_jumppad:
0x0: {  	(pc) =	sbr.rel $0x88, $3  }
0x1: {  	(tag) =	ssettag $0x0;
	lr =	simm.s32 $0x1  }
0x2: {  	[smem:$0x3F8A] =	sst lr;
	_ =	strace $0xD0000000  }
0x3: {  	_ = 	snop  }
0x4: {  	_ = 	snop  }
0x5: {  	_ = 	snop  }
0x6: {  	_ = 	snop  }
0x7: {  	_ = 	snop  }
__scs_overlays_trampoline_lowered:
0x8: {  	[smem:$0x3F99] =	sst s0  }
0x9: {  	[smem:$0x3F9A] =	sst s1  }
0xa: {  	[smem:$0x3F9B] =	sst s2  }
0xb: {  	[smem:$0x3F9C] =	sst s3  }
0xc: {  	[smem:$0x3F9D] =	sst s4  }
0xd: {  	[smem:$0x3F9E] =	sst s5  }
0xe: {  	[smem:$0x3F9F] =	sst s6  }
0xf: {  	[smem:$0x3FA0] =	sst s7  }
0x10: {  	[smem:$0x3FA1] =	sst s8  }
0x11: {  	[smem:$0x3FA2] =	sst s9;
	s0 =	simm.s32 @!p0 $0x0  }
0x12: {  	s1 =	sld [smem:$0x3F88];
	s0 =	simm.s32 @p0 $0x1  }
0x13: {  	[smem:$0x3FA3] =	sst s0;
	s0 =	simm.s32 @!p1 $0x0  }
0x14: {  	s2 =	sld [smem:$0x3F87];
	s0 =	simm.s32 @p1 $0x1  }
0x15: {  	[smem:$0x3FA4] =	sst s0;
	s0 =	simm.s32 @!p2 $0x0  }
0x16: {  	s3 =	sld [smem:$0x3FDB];
	s0 =	simm.s32 @p2 $0x1  }
0x17: {  	s4 =	simm.s32 $0x1BF5;
	[smem:$0x3FA6] =	sst s0  }
0x18: {  	s0 =	sld [smem:$0x3F89];
	_ =	swait.ge [sflag:s4], $0x0  }
0x19: {  	s7 =	sld [smem:$0x3F8A]  }
0x1a: {  	s8 =	sadd.s32 $0xFFFFE003, lr  }
0x1b: {  	s9 =	sadd.s32 $0xFFFFFEF7, lr;
	s5 =	simm.s32 $0xFFFFFFFF;
	p2 =	slt.u32 s8, $0xFFFFF086  }
0x1c: {  	p1 =	slt.u32 s9, $0xF7A;
	s5 =	simm.s32 @!p2 $0x0  }
0x1d: {  	s5 =	simm.s32 @p1 $0x1;
	p0 =	seq.s32 s7, s2  }
0x1e: {  	s7 =	smul.u32 @!p0 $0xF7A, s2;
	p2 =	seq.s32 @!p0 s5, $0x0  }
0x1f: {  	s9 =	smul.u32 $0xF7A, s1;
	s8 =	simm.s32 @!p0 $0x1BF5;
	p2 =	por !p2, p0  }
0x20: {  	[sflag:s8] =	ssyncset.s32 @!p0 $0xFFFFF086;
	s6 =	sadd.s32 @!p0 s3, s7;
	s7 =	simm.s32 @!p0 $0x108  }
0x21: {  	s3 =	sadd.s32 s3, s9;
	s6 =	sadd.s32 @!p0 $0x88, s6;
	s7 =	simm.s32 @p2 $0x1082  }
0x22: {  	[simem:s7], [sflag:s8] =	dma.local @!p0 [hbm:s6], $0xF7A  }
0x23: {  	s9 =	sor.u32 $0xD0000000, s2;
	s6 =	simm.s32 $0x108;
	_ =	swait.ge @!p0 [sflag:s8], $0x0  }
0x24: {  	s3 =	sadd.s32 $0x88, s3;
	s6 =	simm.s32 @!p1 $0x1082;
	[sflag:s4] =	ssyncset.s32 $0xFFFFF086  }
0x25: {  	[simem:s6], [sflag:s4] =	dma.local [hbm:s3], $0xF7A  }
0x26: {  	[smem:$0x3F8A] =	sst s1;
	(tag) =	ssettag s2;
	_ =	strace s9  }
0x27: {  	s1 =	sld [smem:$0x3F9A]  }
0x28: {  	s2 =	sld [smem:$0x3F9B]  }
0x29: {  	s4 =	sld [smem:$0x3F9D]  }
0x2a: {  	p0 =	seq.s32 s5, $0x0;
	s5 =	sld [smem:$0x3F9E]  }
0x2b: {  	s6 =	sld [smem:$0x3F9F]  }
0x2c: {  	s7 =	sld [smem:$0x3FA0]  }
0x2d: {  	s3 =	simm.s32 $0x108;
	s8 =	sld [smem:$0x3FA1]  }
0x2e: {  	s3 =	simm.s32 @!p0 $0x1082;
	s9 =	sld [smem:$0x3FA2]  }
0x2f: {  	lr =	sadd.s32 s0, s3;
	s0 =	sld [smem:$0x3F99]  }
0x30: {  	s3 =	sld [smem:$0x3F9C]  }
0x31: {  	[smem:$0x3FA5] =	sst s10  }
0x32: {  	s10 =	sld [smem:$0x3FA3];
	_ =	sdelay $0x3  }
0x33: {  	p0 =	seq.s32 s10, $0x1;
	s10 =	sld [smem:$0x3FA5];
	_ =	sdelay $0x3  }
0x34: {  	[smem:$0x3FA5] =	sst s10  }
0x35: {  	s10 =	sld [smem:$0x3FA4];
	_ =	sdelay $0x3  }
0x36: {  	p1 =	seq.s32 s10, $0x1;
	s10 =	sld [smem:$0x3FA5];
	_ =	sdelay $0x3  }
0x37: {  	[smem:$0x3FA5] =	sst s10  }
0x38: {  	s10 =	sld [smem:$0x3FA6]  }
0x39: {  	_ = 	snop;
	(pc) =	sbr.ind lr, $3  }
0x3a: {  	_ = 	snop  }
0x3b: {  	_ = 	snop  }
0x3c: {  	p2 =	seq.s32 s10, $0x1;
	s10 =	sld [smem:$0x3FA5]  }
0x3d: {  	_ =	shalt  }
0x3e: {  	_ =	shalt  }
0x3f: {  	_ =	shalt  }
0x40: {  	_ =	shalt  }
0x41: {  	_ =	shalt  }
0x42: {  	_ =	shalt  }
0x43: {  	_ =	shalt  }
0x44: {  	_ =	shalt  }
0x45: {  	_ =	shalt  }
0x46: {  	_ =	shalt  }
0x47: {  	_ =	shalt  }
0x48: {  	_ =	shalt  }
0x49: {  	_ =	shalt  }
0x4a: {  	_ =	shalt  }
0x4b: {  	_ =	shalt  }
0x4c: {  	_ =	shalt  }
0x4d: {  	_ =	shalt  }
0x4e: {  	_ =	shalt  }
0x4f: {  	_ =	shalt  }
0x50: {  	_ =	shalt  }
0x51: {  	_ =	shalt  }
0x52: {  	_ =	shalt  }
0x53: {  	_ =	shalt  }
0x54: {  	_ =	shalt  }
0x55: {  	_ =	shalt  }
0x56: {  	_ =	shalt  }
0x57: {  	_ =	shalt  }
0x58: {  	_ =	shalt  }
0x59: {  	_ =	shalt  }
0x5a: {  	_ =	shalt  }
0x5b: {  	_ =	shalt  }
0x5c: {  	_ =	shalt  }
0x5d: {  	_ =	shalt  }
0x5e: {  	_ =	shalt  }
0x5f: {  	_ =	shalt  }
0x60: {  	_ =	shalt  }
0x61: {  	_ =	shalt  }
0x62: {  	_ =	shalt  }
0x63: {  	_ =	shalt  }
0x64: {  	_ =	shalt  }
0x65: {  	_ =	shalt  }
0x66: {  	_ =	shalt  }
0x67: {  	_ =	shalt  }
0x68: {  	_ =	shalt  }
0x69: {  	_ =	shalt  }
0x6a: {  	_ =	shalt  }
0x6b: {  	_ =	shalt  }
0x6c: {  	_ =	shalt  }
0x6d: {  	_ =	shalt  }
0x6e: {  	_ =	shalt  }
0x6f: {  	_ =	shalt  }
0x70: {  	_ =	shalt  }
0x71: {  	_ =	shalt  }
0x72: {  	_ =	shalt  }
0x73: {  	_ =	shalt  }
0x74: {  	_ =	shalt  }
0x75: {  	_ =	shalt  }
0x76: {  	_ =	shalt  }
0x77: {  	_ =	shalt  }
0x78: {  	_ =	shalt  }
0x79: {  	_ =	shalt  }
0x7a: {  	_ =	shalt  }
0x7b: {  	_ =	shalt  }
0x7c: {  	_ =	shalt  }
0x7d: {  	_ =	shalt  }
0x7e: {  	_ =	shalt  }
0x7f: {  	_ =	shalt  }
0x80: {  	_ =	shalt  }
0x81: {  	_ =	shalt  }
0x82: {  	_ =	shalt  }
0x83: {  	_ =	shalt  }
0x84: {  	_ =	shalt  }
0x85: {  	_ =	shalt  }
0x86: {  	_ =	shalt  }
0x87: {  	_ =	shalt  }
.Lfunc_end0:
.L_simem_size_0:
called_computation.1_lowered:
.L_overlay_start_0:
0x88: {  	s2 =	sld [smem:$0x3FD9]  }
0x89: {  	s3 =	sld [smem:$0x3FFE];
	_ =	sdelay $0x1  }
0x8a: {  	s1 =	srdreg.scid  }
0x8b: {  	s0 =	sand.u32 $0x1, s1  }
0x8c: {  	s16 =	sshll.u32 s0, $0xA;
	s2 =	sadd.s32 s3, s2  }
0x8d: {  	s2 =	sadd.s32 s2, s16  }
0x8e: {  	[smem:$0x3FB1] =	sst s2  }
0x8f: {  	_ = 	snop  }
0x90: {  	(tm) =	ssettm $0x1  }
0x91: {  	s17 =	sld [smem:$0x3FFB];
	_ =	sdelay $0x3  }
0x92: {  	_ =	strace s17  }
0x93: {  	s2 =	sld [smem:$0x3FFC];
	_ =	sdelay $0x3  }
0x94: {  	_ =	strace s2  }
0x95: {  	s2 =	sld [smem:$0x3FFD];
	_ =	sdelay $0x3  }
0x96: {  	_ =	strace s2  }
0x97: {  	_ =	strace $0x8FFFFFFF  }
0x98: {  	s18 =	sld [smem:$0x3FDB];
	_ =	sdelay $0x1  }
0x99: {  	s19 =	simm.s32 $_scs_section_size  }
0x9a: {  	s4 =	simm.s32 $_size__tile_overlayer_lowered;
	s5 =	simm.s32 $_tile_overlayer_lowered  }
0x9b: {  	s22 =	simm.s32 $0x1BFF;
	s21 =	sshll.u32 s5, $0x1;
	s2 =	sadd.s32 s19, s18  }
0x9c: {  	s6 =	simm.s32 $0x0;
	s20 =	sshll.u32 s4, $0x1;
	s4 =	sadd.s32 s21, s2  }
0x9d: {  	[timem:s6], [sflag:s22] =	dma.local [hbm:s4], s20  }
0x9e: {  	_ =	swait.ge [sflag:s22], s20  }
0x9f: {  	s3 =	ssub.s32 $0x0, s20;
	[sflag:s22] =	ssyncset.done $0x0  }
0xa0: {  	[sflag:s22] =	ssyncadd.s32 s3;
	_ =	sdelay $0x1  }
0xa1: {  	s23 =	simm.s32 $0x1B8B  }
0xa2: {  	_ =	swait.ge [sflag:s23], $0x1  }
0xa3: {  	[sflag:s23] =	ssyncset.done $0x0  }
0xa4: {  	s25 =	simm.s32 $0x1B8E;
	s24 =	sld [smem:$0x3FFE];
	[sflag:s23] =	ssyncadd.s32 $0xFFFFFFFF  }
0xa5: {  	s26 =	simm.s32 $execute0_lowered;
	[smem:$0x3FD2] =	sst s25  }
0xa6: {  	s4 =	sshll.u32 s26, $0x1;
	_ =	strace $0x80000049;
	[dreg:$0x1] =	wrdreg $0xFFFFFFFF  }
0xa7: {  	s28 =	simm.s32 $_size_execute0_lowered;
	s2 =	sadd.s32 s2, s4;
	[dreg:$0x0] =	wrdreg $0x0  }
0xa8: {  	s4 =	sshll.u32 s28, $0x1;
	[dreg:$0x2] =	wrdreg s2  }
0xa9: {  	[dreg:$0x3] =	wrdreg s4  }
0xaa: {  	[dreg:$0x4] =	wrdreg $0xC0  }
0xab: {  	_ =	task [dreg:s6], $0x5FFFF  }
0xac: {  	[dreg:$0x1] =	wrdreg $0xFFFFFFFF  }
0xad: {  	[dreg:$0x0] =	wrdreg $0x60  }
0xae: {  	[dreg:$0x2] =	wrdreg s24  }
0xaf: {  	[dreg:$0x3] =	wrdreg $0x0  }
0xb0: {  	[dreg:$0x4] =	wrdreg $0x9  }
0xb1: {  	_ =	task.clear_ibuf [dreg:s6], $0x5FFFF;
	_ =	strace $0x90000049  }
0xb2: {  	s29 =	simm.s32 $0x9;
	_ =	strace $0x8000004B  }
0xb3: {  	_ =	swait.ge [sflag:s29], $0x1  }
0xb4: {  	[sflag:s29] =	ssyncadd.s32 $0xFFFFFFFF  }
0xb5: {  	_ =	strace $0x9000004B  }
0xb6: {  	_ =	sfence  }
0xb7: {  	s30 =	sld [smem:$0x0];
	_ =	sdelay $0x2  }
0xb8: {  	s31 =	sshll.u32 s1, $0xD;
	s1 =	sshrl.u32 s1, $0x2  }
0xb9: {  	s3 =	sand.u32 $0x4000, s31;
	s1 =	sadd.s32 s1, s30  }
0xba: {  	s0 =	sor.u32 s3, s0;
	s1 =	sshll.u32 s1, $0x11  }
0xbb: {  	s0 =	sor.u32 s1, s0  }
0xbc: {  	s0 =	sadd.s32 $0x8F2B, s0  }
0xbd: {  	[sflag:s0] =	ssyncadd.remote.s32 $0x1  }
0xbe: {  	_ =	sfence.sel $0xFFFF  }
0xbf: {  	[dreg:$0x0] =	wrdreg $0xFFFFFFFF;
	(pc) =	sbr.abs _section_cstart, $3  }
0xc0: {  	[dreg:$0x1] =	wrdreg $0xFFFFFFFF  }
0xc1: {  	_ =	task.clear_ibuf [dreg:s6], $0x2FFFF;
	_ =	strace $0x9FFFFFFF  }
0xc2: {  	(tm) =	ssettm $0x7FFFFFFF  }
0xc3: {  	_ =	shalt  }
tec
execute0_lowered:
.L_overlay_start_1:
0x0: {  	(tag) =	ssettag $0x1  }
0x1: {  	s0 =	rddreg [dreg:$0x0]  }
0x2: {  	s2 =	srdreg.scid;
	s15 =	stileid.u32  }
0x3: {  	s1 =	rddreg [dreg:$0x1];
	s16 =	smul.u32 $0xC400, s15  }
0x4: {  	s4 =	simm.s32 $0x0;
	s28 =	simm.s32 $0x1A5C0;
	s6 =	smul.u32 $0x5, s15  }
0x5: {  	s29 =	simm.s32 $0x1C5C0;
	s30 =	simm.s32 $0x1;
	s10 =	smul.u32 $0x186A0, s15  }
0x6: {  	s31 =	simm.s32 $0x80;
	s2 =	sand.u32 $0x1, s2;
	s19 =	smul.u32 $0x61A80, s15  }
0x7: {  	[smem:$0x7FF] =	sst s4;
	s5 =	sadd.s32 $0x34000, s0;
	s3 =	smul.u32 $0x30D40, s2  }
0x8: {  	s7 =	sadd.s32 $0x1B800, s0;
	s8 =	smul.u32 $0x186A00, s2;
	s2 =	ssub.s32 $0x2, s2  }
0x9: {  	_ =	strace $0x8000004A;
	s9 =	sshrl.u32 s2, $0x1;
	s4 =	sshrl.u32 s16, $0x3  }
0xa: {  	s25 =	sadd.s32 $0x1, s6;
	s12 =	sshrl.u32 s19, $0x2;
	s21 =	sadd.s32 $0x27100, s19  }
0xb: {  	s3 =	sadd.s32 s3, s0;
	s0 =	sadd.s32 $0xAE400, s0;
	s2 =	ssub.s32 s2, s9  }
0xc: {  	s17 =	sadd.s32 s5, s4;
	s4 =	sadd.s32 s7, s4;
	s11 =	smul.u32 $0x4E20, s25  }
0xd: {  	s18 =	sadd.s32 s8, s10;
	s10 =	smul.u32 $0x13880, s25;
	[dreg:$0x3] =	wrdreg s17  }
0xe: {  	s9 =	sadd.s32 $0x4E200, s19;
	[dreg:$0x4] =	wrdreg s4;
	s6 =	sadd.s32 $0x4C800, s3  }
0xf: {  	s26 =	sshrl.u32 s18, $0x3;
	s2 =	smax.u32 s2, $0x1;
	s16 =	sadd.s32 $0x9C40, s18  }
0x10: {  	s22 =	sadd.s32 $0xEA60, s18;
	s4 =	sadd.s32 $0x13880, s18;
	s9 =	sshrl.u32 s9, $0x2  }
0x11: {  	s18 =	simm.s32 $0x1E5C0;
	s3 =	sadd.s32 s0, s26;
	[dreg:$0x6] =	wrdreg s2  }
0x12: {  	s2 =	sadd.s32 s12, s1;
	s13 =	sadd.s32 s8, s11;
	s14 =	sshrl.u32 s10, $0x2  }
0x13: {  	s20 =	sshrl.u32 s16, $0x3;
	s11 =	sshrl.u32 s22, $0x3;
	s12 =	sadd.s32 $0x3A980, s19  }
0x14: {  	s4 =	sshrl.u32 s4, $0x3;
	s25 =	sadd.s32 s9, s1;
	s19 =	simm.s32 $0x3  }
0x15: {  	[dreg:$0x5] =	wrdreg s3;
	s3 =	sshrl.u32 s13, $0x3;
	s17 =	sadd.s32 s14, s1  }
0x16: {  	s8 =	sadd.s32 s0, s20;
	s23 =	sadd.s32 s0, s11;
	s13 =	smul.u32 $0x62700, s15  }
0x17: {  	s24 =	sshrl.u32 s12, $0x2;
	s15 =	smul.u32 $0x1880, s15;
	s20 =	simm.s32 $0x5  }
0x18: {  	s25 =	sshrl.u32 s25, $0x3;
	s3 =	sadd.s32 s0, s3;
	[dreg:$0x8] =	wrdreg s8  }
0x19: {  	s8 =	sshrl.u32 s21, $0x2;
	[dreg:$0x9] =	wrdreg s23;
	s16 =	sadd.s32 s24, s1  }
0x1a: {  	s0 =	sadd.s32 s0, s4;
	s21 =	sshrl.u32 s2, $0x3;
	s22 =	sshrl.u32 s17, $0x3  }
0x1b: {  	s17 =	simm.s32 $0x1D5C0;
	s2 =	simm.s32 $0x4;
	[dreg:$0x7] =	wrdreg s3  }
0x1c: {  	s4 =	simm.s32 $0x0;
	s14 =	sadd.s32 s8, s1;
	[dreg:$0xa] =	wrdreg s0  }
0x1d: {  	s26 =	sshrl.u32 s13, $0x2;
	s7 =	sadd.s32 s15, s7;
	s5 =	sadd.s32 s15, s5  }
0x1e: {  	s24 =	sshrl.u32 s16, $0x3;
	s0 =	simm.s32 $0x1B5C0;
	s16 =	simm.s32 $0x2  }
0x1f: {  	s3 =	simm.s32 $0x6;
	s13 =	sadd.s32 s26, s1;
	s8 =	sadd.s32 $0xE0, s7  }
0x20: {  	v0 =	vimm.f32 $0.0e+00;
	s15 =	sadd.s32 $0xE0, s5;
	s23 =	sshrl.u32 s14, $0x3;
	s26 =	simm.s32 $0x100  }
.LBB2_1:
0x21: {  	s5 =	simm.s32 $0x0;
	s7 =	rddreg [dreg:$0x3];
	s9 =	simm.s32 $0x189C0  }
0x22: {  	[tilespmem:s9], [sflag:$0x5] =	stream.linear.gather [hbm4b:s7+s5], $0x700, $0x38;
	[tilespmem:$0x1F100] =	vst v63  }
0x23: {  	s12 =	rddreg [dreg:$0x4];
	s14 =	simm.s32 $0x197C0  }
0x24: {  	[tilespmem:s14], [sflag:$0x5] =	stream.linear.gather [hbm4b:s12+s5], $0x700, $0x38;
	[tilespmem:$0x1F100] =	vst v63  }
0x25: {  	s5 =	simm.s32 $0x0  }
.LBB2_2:
0x26: {  	p0 =	sne.s32 s5, $0x2C80  }
.Ltmp0:
0x27: {  	_ = 	snop;
	(pc) =	sbr.rel @p0 .LBB2_2-.Ltmp0, $4  }
0x28: {  	_ = 	snop  }
0x29: {  	s7 =	sshra.s32 s5, $0x2  }
0x2a: {  	[tilespmem:s7+$0x1E5C0] =	vst v0  }
0x2b: {  	s5 =	sadd.s32 $0x80, s5;
	[tilespmem:s7+$0x1E5D0] =	vst v0  }
0x2c: {  	s5 =	simm.s32 $0x2D00;
	s7 =	sadd.s32 $0x0, s13  }
.LBB2_4:
0x2d: {  	[spmem:s7] =	stream.linear.scatter [tilespmem:s18], [sflag:$0x3], $0xB40, $0x38;
	[tilespmem:$0x1F100] =	vst v63  }
0x2e: {  	s7 =	smov.u32 s5;
	p0 =	sne.s32 s5, $0x5FA00  }
.Ltmp1:
0x2f: {  	s5 =	sadd.s32 $0x2D00, s5;
	(pc) =	sbr.rel @p0 .LBB2_4-.Ltmp1, $3  }
0x30: {  	_ =	sdelay $0x1  }
0x31: {  	s7 =	sshra.s32 s7, $0x2  }
0x32: {  	s7 =	sadd.s32 s7, s13  }
0x33: {  	[spmem:s7] =	stream.linear.scatter [tilespmem:s18], [sflag:$0x3], $0xB40, $0x38;
	[tilespmem:$0x1F100] =	vst v63  }
0x34: {  	_ =	swait.ge [sflag:s19], $0xB40  }
0x35: {  	[sflag:s19] =	ssyncset.done $0x0  }
0x36: {  	[sflag:s19] =	ssyncadd.s32 $0xFFFFF4C0  }
0x37: {  	_ =	swait.ge [sflag:s19], $0xB40  }
0x38: {  	[sflag:s19] =	ssyncset.done $0x0  }
0x39: {  	[sflag:s19] =	ssyncadd.s32 $0xFFFFF4C0  }
0x3a: {  	_ =	swait.ge [sflag:s19], $0xB40  }
0x3b: {  	[sflag:s19] =	ssyncset.done $0x0  }
0x3c: {  	[sflag:s19] =	ssyncadd.s32 $0xFFFFF4C0  }
0x3d: {  	_ =	swait.ge [sflag:s19], $0xB40  }
0x3e: {  	[sflag:s19] =	ssyncset.done $0x0  }
0x3f: {  	[sflag:s19] =	ssyncadd.s32 $0xFFFFF4C0  }
0x40: {  	_ =	swait.ge [sflag:s19], $0xB40  }
0x41: {  	[sflag:s19] =	ssyncset.done $0x0  }
0x42: {  	[sflag:s19] =	ssyncadd.s32 $0xFFFFF4C0  }
0x43: {  	_ =	swait.ge [sflag:s19], $0xB40  }
0x44: {  	[sflag:s19] =	ssyncset.done $0x0  }
0x45: {  	[sflag:s19] =	ssyncadd.s32 $0xFFFFF4C0  }
0x46: {  	_ =	swait.ge [sflag:s19], $0xB40  }
0x47: {  	[sflag:s19] =	ssyncset.done $0x0  }
0x48: {  	[sflag:s19] =	ssyncadd.s32 $0xFFFFF4C0  }
0x49: {  	_ =	swait.ge [sflag:s19], $0xB40  }
0x4a: {  	[sflag:s19] =	ssyncset.done $0x0  }
0x4b: {  	[sflag:s19] =	ssyncadd.s32 $0xFFFFF4C0  }
0x4c: {  	_ =	swait.ge [sflag:s19], $0xB40  }
0x4d: {  	[sflag:s19] =	ssyncset.done $0x0  }
0x4e: {  	[sflag:s19] =	ssyncadd.s32 $0xFFFFF4C0  }
0x4f: {  	_ =	swait.ge [sflag:s19], $0xB40  }
0x50: {  	[sflag:s19] =	ssyncset.done $0x0  }
0x51: {  	[sflag:s19] =	ssyncadd.s32 $0xFFFFF4C0  }
0x52: {  	_ =	swait.ge [sflag:s19], $0xB40  }
0x53: {  	[sflag:s19] =	ssyncset.done $0x0  }
0x54: {  	[sflag:s19] =	ssyncadd.s32 $0xFFFFF4C0  }
0x55: {  	_ =	swait.ge [sflag:s19], $0xB40  }
0x56: {  	[sflag:s19] =	ssyncset.done $0x0  }
0x57: {  	[sflag:s19] =	ssyncadd.s32 $0xFFFFF4C0  }
0x58: {  	_ =	swait.ge [sflag:s19], $0xB40  }
0x59: {  	[sflag:s19] =	ssyncset.done $0x0  }
0x5a: {  	[sflag:s19] =	ssyncadd.s32 $0xFFFFF4C0  }
0x5b: {  	_ =	swait.ge [sflag:s19], $0xB40  }
0x5c: {  	[sflag:s19] =	ssyncset.done $0x0  }
0x5d: {  	[sflag:s19] =	ssyncadd.s32 $0xFFFFF4C0  }
0x5e: {  	_ =	swait.ge [sflag:s19], $0xB40  }
0x5f: {  	[sflag:s19] =	ssyncset.done $0x0  }
0x60: {  	[sflag:s19] =	ssyncadd.s32 $0xFFFFF4C0  }
0x61: {  	_ =	swait.ge [sflag:s19], $0xB40  }
0x62: {  	[sflag:s19] =	ssyncset.done $0x0  }
0x63: {  	[sflag:s19] =	ssyncadd.s32 $0xFFFFF4C0  }
0x64: {  	_ =	swait.ge [sflag:s19], $0xB40  }
0x65: {  	[sflag:s19] =	ssyncset.done $0x0  }
0x66: {  	[sflag:s19] =	ssyncadd.s32 $0xFFFFF4C0  }
0x67: {  	_ =	swait.ge [sflag:s19], $0xB40  }
0x68: {  	[sflag:s19] =	ssyncset.done $0x0  }
0x69: {  	[sflag:s19] =	ssyncadd.s32 $0xFFFFF4C0  }
0x6a: {  	_ =	swait.ge [sflag:s19], $0xB40  }
0x6b: {  	[sflag:s19] =	ssyncset.done $0x0  }
0x6c: {  	[sflag:s19] =	ssyncadd.s32 $0xFFFFF4C0  }
0x6d: {  	_ =	swait.ge [sflag:s19], $0xB40  }
0x6e: {  	[sflag:s19] =	ssyncset.done $0x0  }
0x6f: {  	[sflag:s19] =	ssyncadd.s32 $0xFFFFF4C0  }
0x70: {  	_ =	swait.ge [sflag:s19], $0xB40  }
0x71: {  	[sflag:s19] =	ssyncset.done $0x0  }
0x72: {  	[sflag:s19] =	ssyncadd.s32 $0xFFFFF4C0  }
0x73: {  	_ =	swait.ge [sflag:s19], $0xB40  }
0x74: {  	[sflag:s19] =	ssyncset.done $0x0  }
0x75: {  	[sflag:s19] =	ssyncadd.s32 $0xFFFFF4C0  }
0x76: {  	_ =	swait.ge [sflag:s19], $0xB40  }
0x77: {  	[sflag:s19] =	ssyncset.done $0x0  }
0x78: {  	[sflag:s19] =	ssyncadd.s32 $0xFFFFF4C0  }
0x79: {  	_ =	swait.ge [sflag:s19], $0xB40  }
0x7a: {  	[sflag:s19] =	ssyncset.done $0x0  }
0x7b: {  	[sflag:s19] =	ssyncadd.s32 $0xFFFFF4C0  }
0x7c: {  	_ =	swait.ge [sflag:s19], $0xB40  }
0x7d: {  	[sflag:s19] =	ssyncset.done $0x0  }
0x7e: {  	[sflag:s19] =	ssyncadd.s32 $0xFFFFF4C0  }
0x7f: {  	_ =	swait.ge [sflag:s19], $0xB40  }
0x80: {  	[sflag:s19] =	ssyncset.done $0x0  }
0x81: {  	[sflag:s19] =	ssyncadd.s32 $0xFFFFF4C0  }
0x82: {  	_ =	swait.ge [sflag:s19], $0xB40  }
0x83: {  	[sflag:s19] =	ssyncset.done $0x0  }
0x84: {  	[sflag:s19] =	ssyncadd.s32 $0xFFFFF4C0  }
0x85: {  	_ =	swait.ge [sflag:s19], $0xB40  }
0x86: {  	[sflag:s19] =	ssyncset.done $0x0  }
0x87: {  	[sflag:s19] =	ssyncadd.s32 $0xFFFFF4C0  }
0x88: {  	_ =	swait.ge [sflag:s19], $0xB40  }
0x89: {  	[sflag:s19] =	ssyncset.done $0x0  }
0x8a: {  	[sflag:s19] =	ssyncadd.s32 $0xFFFFF4C0  }
0x8b: {  	_ =	swait.ge [sflag:s19], $0xB40  }
0x8c: {  	[sflag:s19] =	ssyncset.done $0x0  }
0x8d: {  	[sflag:s19] =	ssyncadd.s32 $0xFFFFF4C0  }
0x8e: {  	_ =	swait.ge [sflag:s19], $0xB40  }
0x8f: {  	[sflag:s19] =	ssyncset.done $0x0  }
0x90: {  	[sflag:s19] =	ssyncadd.s32 $0xFFFFF4C0  }
0x91: {  	_ =	swait.ge [sflag:s19], $0xB40  }
0x92: {  	[sflag:s19] =	ssyncset.done $0x0  }
0x93: {  	[sflag:s19] =	ssyncadd.s32 $0xFFFFF4C0  }
0x94: {  	_ =	swait.ge [sflag:s19], $0xB40  }
0x95: {  	[sflag:s19] =	ssyncset.done $0x0  }
0x96: {  	[sflag:s19] =	ssyncadd.s32 $0xFFFFF4C0  }
0x97: {  	_ =	swait.ge [sflag:s19], $0xB40  }
0x98: {  	[sflag:s19] =	ssyncset.done $0x0  }
0x99: {  	[sflag:s19] =	ssyncadd.s32 $0xFFFFF4C0  }
0x9a: {  	_ =	swait.ge [sflag:s19], $0xB40  }
0x9b: {  	[sflag:s19] =	ssyncset.done $0x0  }
0x9c: {  	[sflag:s19] =	ssyncadd.s32 $0xFFFFF4C0  }
0x9d: {  	[bflag:$0x0] =	sbarrier.arrive $0xFFFF  }
0x9e: {  	s5 =	simm.s32 $0x0;
	_ =	swait.ge [sflag:s20], $0x700  }
0x9f: {  	p0 =	por $0x0, $0x0;
	s5 =	sand.u32 $0x1, s5;
	[sflag:s20] =	ssyncset.done $0x0  }
0xa0: {  	s7 =	sxor.u32 @!p0 $0x1, s5;
	[sflag:s20] =	ssyncadd.s32 $0xFFFFF900  }
0xa1: {  	s7 =	smul.u32 @!p0 $0x700, s7;
	_ =	swait.ge [sflag:s20], $0x700  }
0xa2: {  	[sflag:s20] =	ssyncset.done $0x0  }
0xa3: {  	s14 =	simm.s32 @!p0 $0x0;
	s9 =	sadd.s32 @!p0 $0x189C0, s7;
	[sflag:s20] =	ssyncadd.s32 $0xFFFFF900  }
0xa4: {  	[tilespmem:s9], [sflag:$0x5] =	stream.linear.gather @!p0 [hbm4b:s15+s14], $0x700, $0x38;
	[tilespmem:$0x1F100] =	vst v63  }
0xa5: {  	s5 =	smul.u32 $0x700, s5;
	s7 =	sadd.s32 @!p0 $0x197C0, s7  }
0xa6: {  	[tilespmem:s7], [sflag:$0x5] =	stream.linear.gather @!p0 [hbm4b:s8+s14], $0x700, $0x38;
	[tilespmem:$0x1F100] =	vst v63  }
0xa7: {  	s9 =	sadd.s32 $0x189C0, s5  }
0xa8: {  	[tilespmem:s28], [sflag:$0x1] =	stream.indirect.gather [hbm4b:s6+s26], $0x20, s9, s26, $0xb8;
	[tilespmem:$0x1F100] =	vst v63  }
0xa9: {  	s10 =	sadd.s32 $0x18AC0, s5  }
0xaa: {  	[tilespmem:s29], [sflag:$0x2] =	stream.indirect.gather [hbm4b:s6+s26], $0x20, s10, s26, $0xb8;
	[tilespmem:$0x1F100] =	vst v63  }
0xab: {  	_ =	swait.ge [sflag:s30], $0x2000  }
0xac: {  	[sflag:s30] =	ssyncset.done $0x0  }
0xad: {  	s11 =	sadd.s32 $0x197C0, s5;
	[sflag:s30] =	ssyncadd.s32 $0xFFFFE000  }
0xae: {  	[spmem:s1] =	stream.indirect.scatter.add.f32 [tilespmem:s28], [sflag:$0x3], $0x20, s11, s31, $0xb8;
	[tilespmem:$0x1F100] =	vst v63  }
0xaf: {  	s12 =	sor.u32 $0x19840, s5  }
0xb0: {  	[spmem:s1] =	stream.indirect.scatter.add.f32 [tilespmem:s0], [sflag:$0x3], $0x20, s12, s31, $0xb8;
	[tilespmem:$0x1F100] =	vst v63  }
0xb1: {  	_ =	swait.ge [sflag:s19], $0x1000  }
0xb2: {  	[sflag:s19] =	ssyncset.done $0x0  }
0xb3: {  	[sflag:s19] =	ssyncadd.s32 $0xFFFFF000  }
0xb4: {  	_ =	swait.ge [sflag:s19], $0x1000  }
0xb5: {  	[sflag:s19] =	ssyncset.done $0x0  }
0xb6: {  	s14 =	sadd.s32 $0x18BC0, s5;
	[sflag:s19] =	ssyncadd.s32 $0xFFFFF000  }
0xb7: {  	[tilespmem:s28], [sflag:$0x1] =	stream.indirect.gather [hbm4b:s6+s26], $0x20, s14, s26, $0xb8;
	[tilespmem:$0x1F100] =	vst v63  }
0xb8: {  	_ =	swait.ge [sflag:s16], $0x2000  }
0xb9: {  	[sflag:s16] =	ssyncset.done $0x0  }
0xba: {  	s9 =	sor.u32 $0x198C0, s5;
	[sflag:s16] =	ssyncadd.s32 $0xFFFFE000  }
0xbb: {  	[spmem:s1] =	stream.indirect.scatter.add.f32 [tilespmem:s29], [sflag:$0x4], $0x20, s9, s31, $0xb8;
	[tilespmem:$0x1F100] =	vst v63  }
0xbc: {  	s10 =	sadd.s32 $0x19940, s5  }
0xbd: {  	[spmem:s1] =	stream.indirect.scatter.add.f32 [tilespmem:s17], [sflag:$0x4], $0x20, s10, s31, $0xb8;
	[tilespmem:$0x1F100] =	vst v63  }
0xbe: {  	_ =	swait.ge [sflag:s2], $0x1000  }
0xbf: {  	[sflag:s2] =	ssyncset.done $0x0  }
0xc0: {  	[sflag:s2] =	ssyncadd.s32 $0xFFFFF000  }
0xc1: {  	_ =	swait.ge [sflag:s2], $0x1000  }
0xc2: {  	[sflag:s2] =	ssyncset.done $0x0  }
0xc3: {  	s11 =	sadd.s32 $0x18CC0, s5;
	[sflag:s2] =	ssyncadd.s32 $0xFFFFF000  }
0xc4: {  	[tilespmem:s29], [sflag:$0x2] =	stream.indirect.gather [hbm4b:s6+s26], $0x20, s11, s26, $0xb8;
	[tilespmem:$0x1F100] =	vst v63  }
0xc5: {  	_ =	swait.ge [sflag:s30], $0x2000  }
0xc6: {  	[sflag:s30] =	ssyncset.done $0x0  }
0xc7: {  	s12 =	sadd.s32 $0x199C0, s5;
	[sflag:s30] =	ssyncadd.s32 $0xFFFFE000  }
0xc8: {  	[spmem:s1] =	stream.indirect.scatter.add.f32 [tilespmem:s28], [sflag:$0x3], $0x20, s12, s31, $0xb8;
	[tilespmem:$0x1F100] =	vst v63  }
0xc9: {  	s14 =	sadd.s32 $0x19A40, s5  }
0xca: {  	[spmem:s1] =	stream.indirect.scatter.add.f32 [tilespmem:s0], [sflag:$0x3], $0x20, s14, s31, $0xb8;
	[tilespmem:$0x1F100] =	vst v63  }
0xcb: {  	_ =	swait.ge [sflag:s19], $0x1000  }
0xcc: {  	[sflag:s19] =	ssyncset.done $0x0  }
0xcd: {  	[sflag:s19] =	ssyncadd.s32 $0xFFFFF000  }
0xce: {  	_ =	swait.ge [sflag:s19], $0x1000  }
0xcf: {  	[sflag:s19] =	ssyncset.done $0x0  }
0xd0: {  	s9 =	sadd.s32 $0x18DC0, s5;
	[sflag:s19] =	ssyncadd.s32 $0xFFFFF000  }
0xd1: {  	[tilespmem:s28], [sflag:$0x1] =	stream.indirect.gather [hbm4b:s6+s26], $0x20, s9, s26, $0xb8;
	[tilespmem:$0x1F100] =	vst v63  }
0xd2: {  	_ =	swait.ge [sflag:s16], $0x2000  }
0xd3: {  	[sflag:s16] =	ssyncset.done $0x0  }
0xd4: {  	s10 =	sadd.s32 $0x19AC0, s5;
	[sflag:s16] =	ssyncadd.s32 $0xFFFFE000  }
0xd5: {  	[spmem:s1] =	stream.indirect.scatter.add.f32 [tilespmem:s29], [sflag:$0x4], $0x20, s10, s31, $0xb8;
	[tilespmem:$0x1F100] =	vst v63  }
0xd6: {  	s11 =	sadd.s32 $0x19B40, s5  }
0xd7: {  	[spmem:s1] =	stream.indirect.scatter.add.f32 [tilespmem:s17], [sflag:$0x4], $0x20, s11, s31, $0xb8;
	[tilespmem:$0x1F100] =	vst v63  }
0xd8: {  	_ =	swait.ge [sflag:s2], $0x1000  }
0xd9: {  	[sflag:s2] =	ssyncset.done $0x0  }
0xda: {  	[sflag:s2] =	ssyncadd.s32 $0xFFFFF000  }
0xdb: {  	_ =	swait.ge [sflag:s2], $0x1000  }
0xdc: {  	[sflag:s2] =	ssyncset.done $0x0  }
0xdd: {  	s12 =	sadd.s32 $0x18EC0, s5;
	[sflag:s2] =	ssyncadd.s32 $0xFFFFF000  }
0xde: {  	[tilespmem:s29], [sflag:$0x2] =	stream.indirect.gather [hbm4b:s6+s26], $0x20, s12, s26, $0xb8;
	[tilespmem:$0x1F100] =	vst v63  }
0xdf: {  	_ =	swait.ge [sflag:s30], $0x2000  }
0xe0: {  	[sflag:s30] =	ssyncset.done $0x0  }
0xe1: {  	s14 =	sadd.s32 $0x19BC0, s5;
	[sflag:s30] =	ssyncadd.s32 $0xFFFFE000  }
0xe2: {  	[spmem:s1] =	stream.indirect.scatter.add.f32 [tilespmem:s28], [sflag:$0x3], $0x20, s14, s31, $0xb8;
	[tilespmem:$0x1F100] =	vst v63  }
0xe3: {  	s9 =	sadd.s32 $0x19C40, s5  }
0xe4: {  	[spmem:s1] =	stream.indirect.scatter.add.f32 [tilespmem:s0], [sflag:$0x3], $0x20, s9, s31, $0xb8;
	[tilespmem:$0x1F100] =	vst v63  }
0xe5: {  	_ =	swait.ge [sflag:s19], $0x1000  }
0xe6: {  	[sflag:s19] =	ssyncset.done $0x0  }
0xe7: {  	[sflag:s19] =	ssyncadd.s32 $0xFFFFF000  }
0xe8: {  	_ =	swait.ge [sflag:s19], $0x1000  }
0xe9: {  	[sflag:s19] =	ssyncset.done $0x0  }
0xea: {  	s10 =	sadd.s32 $0x18FC0, s5;
	[sflag:s19] =	ssyncadd.s32 $0xFFFFF000  }
0xeb: {  	[tilespmem:s28], [sflag:$0x1] =	stream.indirect.gather [hbm4b:s6+s26], $0x20, s10, s26, $0xb8;
	[tilespmem:$0x1F100] =	vst v63  }
0xec: {  	_ =	swait.ge [sflag:s16], $0x2000  }
0xed: {  	[sflag:s16] =	ssyncset.done $0x0  }
0xee: {  	s11 =	sadd.s32 $0x19CC0, s5;
	[sflag:s16] =	ssyncadd.s32 $0xFFFFE000  }
0xef: {  	[spmem:s1] =	stream.indirect.scatter.add.f32 [tilespmem:s29], [sflag:$0x4], $0x20, s11, s31, $0xb8;
	[tilespmem:$0x1F100] =	vst v63  }
0xf0: {  	s12 =	sadd.s32 $0x19D40, s5  }
0xf1: {  	[spmem:s1] =	stream.indirect.scatter.add.f32 [tilespmem:s17], [sflag:$0x4], $0x20, s12, s31, $0xb8;
	[tilespmem:$0x1F100] =	vst v63  }
0xf2: {  	_ =	swait.ge [sflag:s30], $0x2000  }
0xf3: {  	[sflag:s30] =	ssyncset.done $0x0  }
0xf4: {  	s14 =	sadd.s32 $0x19DC0, s5;
	[sflag:s30] =	ssyncadd.s32 $0xFFFFE000  }
0xf5: {  	[spmem:s1] =	stream.indirect.scatter.add.f32 [tilespmem:s28], [sflag:$0x3], $0x20, s14, s31, $0xb8;
	[tilespmem:$0x1F100] =	vst v63  }
0xf6: {  	s5 =	sadd.s32 $0x19E40, s5  }
0xf7: {  	[spmem:s1] =	stream.indirect.scatter.add.f32 [tilespmem:s0], [sflag:$0x3], $0x20, s5, s31, $0xb8;
	[tilespmem:$0x1F100] =	vst v63  }
0xf8: {  	_ =	swait.ge [sflag:s2], $0x1000  }
0xf9: {  	[sflag:s2] =	ssyncset.done $0x0  }
0xfa: {  	[sflag:s2] =	ssyncadd.s32 $0xFFFFF000  }
0xfb: {  	_ =	swait.ge [sflag:s2], $0x1000  }
0xfc: {  	[sflag:s2] =	ssyncset.done $0x0  }
0xfd: {  	[sflag:s2] =	ssyncadd.s32 $0xFFFFF000  }
0xfe: {  	_ =	swait.ge [sflag:s19], $0x1000  }
0xff: {  	[sflag:s19] =	ssyncset.done $0x0  }
0x100: {  	[sflag:s19] =	ssyncadd.s32 $0xFFFFF000  }
0x101: {  	s7 =	sadd.s32 $0xE0, s15;
	_ =	swait.ge [sflag:s19], $0x1000  }
0x102: {  	s14 =	smov.u32 s8;
	s5 =	simm.s32 $0x1;
	[sflag:s19] =	ssyncset.done $0x0  }
.LBB2_6:
0x103: {  	[sflag:s19] =	ssyncadd.s32 $0xFFFFF000  }
0x104: {  	s14 =	sadd.s32 $0xE0, s14;
	s9 =	smov.u32 s5;
	s5 =	sadd.s32 $0x1, s5  }
0x105: {  	_ =	swait.ge [sflag:s20], $0x700;
	p0 =	sne.s32 s5, $0x1C  }
0x106: {  	s10 =	sand.u32 $0x1, s9;
	p1 =	seq.s32 s9, $0x1B;
	[sflag:s20] =	ssyncset.done $0x0  }
0x107: {  	s9 =	sxor.u32 @!p1 $0x1, s10;
	[sflag:s20] =	ssyncadd.s32 $0xFFFFF900  }
0x108: {  	s9 =	smul.u32 @!p1 $0x700, s9;
	_ =	swait.ge [sflag:s20], $0x700  }
0x109: {  	[sflag:s20] =	ssyncset.done $0x0  }
0x10a: {  	s12 =	simm.s32 @!p1 $0x0;
	s11 =	sadd.s32 @!p1 $0x189C0, s9;
	[sflag:s20] =	ssyncadd.s32 $0xFFFFF900  }
0x10b: {  	[tilespmem:s11], [sflag:$0x5] =	stream.linear.gather @!p1 [hbm4b:s7+s12], $0x700, $0x38;
	[tilespmem:$0x1F100] =	vst v63  }
0x10c: {  	s11 =	sadd.s32 @!p1 $0x197C0, s9;
	s9 =	smul.u32 $0x700, s10  }
0x10d: {  	[tilespmem:s11], [sflag:$0x5] =	stream.linear.gather @!p1 [hbm4b:s14+s12], $0x700, $0x38;
	[tilespmem:$0x1F100] =	vst v63  }
0x10e: {  	s10 =	sadd.s32 $0x189C0, s9  }
0x10f: {  	[tilespmem:s28], [sflag:$0x1] =	stream.indirect.gather [hbm4b:s6+s26], $0x20, s10, s26, $0xb8;
	[tilespmem:$0x1F100] =	vst v63  }
0x110: {  	s10 =	sadd.s32 $0x18AC0, s9  }
0x111: {  	[tilespmem:s29], [sflag:$0x2] =	stream.indirect.gather [hbm4b:s6+s26], $0x20, s10, s26, $0xb8;
	[tilespmem:$0x1F100] =	vst v63  }
0x112: {  	_ =	swait.ge [sflag:s30], $0x2000  }
0x113: {  	[sflag:s30] =	ssyncset.done $0x0  }
0x114: {  	s10 =	sadd.s32 $0x197C0, s9;
	[sflag:s30] =	ssyncadd.s32 $0xFFFFE000  }
0x115: {  	[spmem:s1] =	stream.indirect.scatter.add.f32 [tilespmem:s28], [sflag:$0x3], $0x20, s10, s31, $0xb8;
	[tilespmem:$0x1F100] =	vst v63  }
0x116: {  	s10 =	sor.u32 $0x19840, s9  }
0x117: {  	[spmem:s1] =	stream.indirect.scatter.add.f32 [tilespmem:s0], [sflag:$0x3], $0x20, s10, s31, $0xb8;
	[tilespmem:$0x1F100] =	vst v63  }
0x118: {  	_ =	swait.ge [sflag:s19], $0x1000  }
0x119: {  	[sflag:s19] =	ssyncset.done $0x0  }
0x11a: {  	[sflag:s19] =	ssyncadd.s32 $0xFFFFF000  }
0x11b: {  	_ =	swait.ge [sflag:s19], $0x1000  }
0x11c: {  	[sflag:s19] =	ssyncset.done $0x0  }
0x11d: {  	s10 =	sadd.s32 $0x18BC0, s9;
	[sflag:s19] =	ssyncadd.s32 $0xFFFFF000  }
0x11e: {  	[tilespmem:s28], [sflag:$0x1] =	stream.indirect.gather [hbm4b:s6+s26], $0x20, s10, s26, $0xb8;
	[tilespmem:$0x1F100] =	vst v63  }
0x11f: {  	_ =	swait.ge [sflag:s16], $0x2000  }
0x120: {  	[sflag:s16] =	ssyncset.done $0x0  }
0x121: {  	s10 =	sor.u32 $0x198C0, s9;
	[sflag:s16] =	ssyncadd.s32 $0xFFFFE000  }
0x122: {  	[spmem:s1] =	stream.indirect.scatter.add.f32 [tilespmem:s29], [sflag:$0x4], $0x20, s10, s31, $0xb8;
	[tilespmem:$0x1F100] =	vst v63  }
0x123: {  	s10 =	sadd.s32 $0x19940, s9  }
0x124: {  	[spmem:s1] =	stream.indirect.scatter.add.f32 [tilespmem:s17], [sflag:$0x4], $0x20, s10, s31, $0xb8;
	[tilespmem:$0x1F100] =	vst v63  }
0x125: {  	_ =	swait.ge [sflag:s2], $0x1000  }
0x126: {  	[sflag:s2] =	ssyncset.done $0x0  }
0x127: {  	[sflag:s2] =	ssyncadd.s32 $0xFFFFF000  }
0x128: {  	_ =	swait.ge [sflag:s2], $0x1000  }
0x129: {  	[sflag:s2] =	ssyncset.done $0x0  }
0x12a: {  	s10 =	sadd.s32 $0x18CC0, s9;
	[sflag:s2] =	ssyncadd.s32 $0xFFFFF000  }
0x12b: {  	[tilespmem:s29], [sflag:$0x2] =	stream.indirect.gather [hbm4b:s6+s26], $0x20, s10, s26, $0xb8;
	[tilespmem:$0x1F100] =	vst v63  }
0x12c: {  	_ =	swait.ge [sflag:s30], $0x2000  }
0x12d: {  	[sflag:s30] =	ssyncset.done $0x0  }
0x12e: {  	s10 =	sadd.s32 $0x199C0, s9;
	[sflag:s30] =	ssyncadd.s32 $0xFFFFE000  }
0x12f: {  	[spmem:s1] =	stream.indirect.scatter.add.f32 [tilespmem:s28], [sflag:$0x3], $0x20, s10, s31, $0xb8;
	[tilespmem:$0x1F100] =	vst v63  }
0x130: {  	s10 =	sadd.s32 $0x19A40, s9  }
0x131: {  	[spmem:s1] =	stream.indirect.scatter.add.f32 [tilespmem:s0], [sflag:$0x3], $0x20, s10, s31, $0xb8;
	[tilespmem:$0x1F100] =	vst v63  }
0x132: {  	_ =	swait.ge [sflag:s19], $0x1000  }
0x133: {  	[sflag:s19] =	ssyncset.done $0x0  }
0x134: {  	[sflag:s19] =	ssyncadd.s32 $0xFFFFF000  }
0x135: {  	_ =	swait.ge [sflag:s19], $0x1000  }
0x136: {  	[sflag:s19] =	ssyncset.done $0x0  }
0x137: {  	s10 =	sadd.s32 $0x18DC0, s9;
	[sflag:s19] =	ssyncadd.s32 $0xFFFFF000  }
0x138: {  	[tilespmem:s28], [sflag:$0x1] =	stream.indirect.gather [hbm4b:s6+s26], $0x20, s10, s26, $0xb8;
	[tilespmem:$0x1F100] =	vst v63  }
0x139: {  	_ =	swait.ge [sflag:s16], $0x2000  }
0x13a: {  	[sflag:s16] =	ssyncset.done $0x0  }
0x13b: {  	s10 =	sadd.s32 $0x19AC0, s9;
	[sflag:s16] =	ssyncadd.s32 $0xFFFFE000  }
0x13c: {  	[spmem:s1] =	stream.indirect.scatter.add.f32 [tilespmem:s29], [sflag:$0x4], $0x20, s10, s31, $0xb8;
	[tilespmem:$0x1F100] =	vst v63  }
0x13d: {  	s10 =	sadd.s32 $0x19B40, s9  }
0x13e: {  	[spmem:s1] =	stream.indirect.scatter.add.f32 [tilespmem:s17], [sflag:$0x4], $0x20, s10, s31, $0xb8;
	[tilespmem:$0x1F100] =	vst v63  }
0x13f: {  	_ =	swait.ge [sflag:s2], $0x1000  }
0x140: {  	[sflag:s2] =	ssyncset.done $0x0  }
0x141: {  	[sflag:s2] =	ssyncadd.s32 $0xFFFFF000  }
0x142: {  	_ =	swait.ge [sflag:s2], $0x1000  }
0x143: {  	[sflag:s2] =	ssyncset.done $0x0  }
0x144: {  	s10 =	sadd.s32 $0x18EC0, s9;
	[sflag:s2] =	ssyncadd.s32 $0xFFFFF000  }
0x145: {  	[tilespmem:s29], [sflag:$0x2] =	stream.indirect.gather [hbm4b:s6+s26], $0x20, s10, s26, $0xb8;
	[tilespmem:$0x1F100] =	vst v63  }
0x146: {  	_ =	swait.ge [sflag:s30], $0x2000  }
0x147: {  	[sflag:s30] =	ssyncset.done $0x0  }
0x148: {  	s10 =	sadd.s32 $0x19BC0, s9;
	[sflag:s30] =	ssyncadd.s32 $0xFFFFE000  }
0x149: {  	[spmem:s1] =	stream.indirect.scatter.add.f32 [tilespmem:s28], [sflag:$0x3], $0x20, s10, s31, $0xb8;
	[tilespmem:$0x1F100] =	vst v63  }
0x14a: {  	s10 =	sadd.s32 $0x19C40, s9  }
0x14b: {  	[spmem:s1] =	stream.indirect.scatter.add.f32 [tilespmem:s0], [sflag:$0x3], $0x20, s10, s31, $0xb8;
	[tilespmem:$0x1F100] =	vst v63  }
0x14c: {  	_ =	swait.ge [sflag:s19], $0x1000  }
0x14d: {  	[sflag:s19] =	ssyncset.done $0x0  }
0x14e: {  	[sflag:s19] =	ssyncadd.s32 $0xFFFFF000  }
0x14f: {  	_ =	swait.ge [sflag:s19], $0x1000  }
0x150: {  	[sflag:s19] =	ssyncset.done $0x0  }
0x151: {  	s10 =	sadd.s32 $0x18FC0, s9;
	[sflag:s19] =	ssyncadd.s32 $0xFFFFF000  }
0x152: {  	[tilespmem:s28], [sflag:$0x1] =	stream.indirect.gather [hbm4b:s6+s26], $0x20, s10, s26, $0xb8;
	[tilespmem:$0x1F100] =	vst v63  }
0x153: {  	_ =	swait.ge [sflag:s16], $0x2000  }
0x154: {  	[sflag:s16] =	ssyncset.done $0x0  }
0x155: {  	s10 =	sadd.s32 $0x19CC0, s9;
	[sflag:s16] =	ssyncadd.s32 $0xFFFFE000  }
0x156: {  	[spmem:s1] =	stream.indirect.scatter.add.f32 [tilespmem:s29], [sflag:$0x4], $0x20, s10, s31, $0xb8;
	[tilespmem:$0x1F100] =	vst v63  }
0x157: {  	s10 =	sadd.s32 $0x19D40, s9  }
0x158: {  	[spmem:s1] =	stream.indirect.scatter.add.f32 [tilespmem:s17], [sflag:$0x4], $0x20, s10, s31, $0xb8;
	[tilespmem:$0x1F100] =	vst v63  }
0x159: {  	_ =	swait.ge [sflag:s30], $0x2000  }
0x15a: {  	[sflag:s30] =	ssyncset.done $0x0  }
0x15b: {  	s10 =	sadd.s32 $0x19DC0, s9;
	[sflag:s30] =	ssyncadd.s32 $0xFFFFE000  }
0x15c: {  	[spmem:s1] =	stream.indirect.scatter.add.f32 [tilespmem:s28], [sflag:$0x3], $0x20, s10, s31, $0xb8;
	[tilespmem:$0x1F100] =	vst v63  }
0x15d: {  	s9 =	sadd.s32 $0x19E40, s9  }
0x15e: {  	[spmem:s1] =	stream.indirect.scatter.add.f32 [tilespmem:s0], [sflag:$0x3], $0x20, s9, s31, $0xb8;
	[tilespmem:$0x1F100] =	vst v63  }
0x15f: {  	_ =	swait.ge [sflag:s2], $0x1000  }
0x160: {  	[sflag:s2] =	ssyncset.done $0x0  }
0x161: {  	[sflag:s2] =	ssyncadd.s32 $0xFFFFF000  }
0x162: {  	_ =	swait.ge [sflag:s2], $0x1000  }
0x163: {  	[sflag:s2] =	ssyncset.done $0x0  }
0x164: {  	[sflag:s2] =	ssyncadd.s32 $0xFFFFF000  }
.Ltmp2:
0x165: {  	_ =	swait.ge [sflag:s19], $0x1000;
	(pc) =	sbr.rel @p0 .LBB2_6-.Ltmp2, $4  }
0x166: {  	[sflag:s19] =	ssyncset.done $0x0  }
0x167: {  	[sflag:s19] =	ssyncadd.s32 $0xFFFFF000  }
0x168: {  	_ =	swait.ge [sflag:s19], $0x1000  }
0x169: {  	s7 =	sadd.s32 $0xE0, s7;
	[sflag:s19] =	ssyncset.done $0x0  }
0x16a: {  	[sflag:s19] =	ssyncadd.s32 $0xFFFFF000;
	s5 =	stileid.u32  }
0x16b: {  	s5 =	sshll.u32 s5, $0x6;
	[bflag:$0x0] =	sbarrier.arrive $0xFFFF  }
0x16c: {  	s5 =	sor.u32 $0x1C06, s5;
	s7 =	rddreg [dreg:$0x5]  }
0x16d: {  	[hbm:s7], [sflag:s5] =	dma.local [spmem:s21], $0x9C4  }
0x16e: {  	_ =	swait.ge [sflag:s3], $0x9C4  }
0x16f: {  	[sflag:s3] =	ssyncset.done $0x0  }
0x170: {  	s9 =	rddreg [dreg:$0x7];
	[sflag:s3] =	ssyncadd.s32 $0xFFFFF63C  }
0x171: {  	[hbm:s9], [sflag:s5] =	dma.local [spmem:s22], $0x9C4  }
0x172: {  	_ =	swait.ge [sflag:s3], $0x9C4  }
0x173: {  	[sflag:s3] =	ssyncset.done $0x0  }
0x174: {  	s10 =	rddreg [dreg:$0x8];
	[sflag:s3] =	ssyncadd.s32 $0xFFFFF63C  }
0x175: {  	[hbm:s10], [sflag:s5] =	dma.local [spmem:s23], $0x9C4  }
0x176: {  	_ =	swait.ge [sflag:s3], $0x9C4  }
0x177: {  	[sflag:s3] =	ssyncset.done $0x0  }
0x178: {  	s11 =	rddreg [dreg:$0x9];
	[sflag:s3] =	ssyncadd.s32 $0xFFFFF63C  }
0x179: {  	[hbm:s11], [sflag:s5] =	dma.local [spmem:s24], $0x9C4  }
0x17a: {  	_ =	swait.ge [sflag:s3], $0x9C4  }
0x17b: {  	[sflag:s3] =	ssyncset.done $0x0  }
0x17c: {  	s12 =	rddreg [dreg:$0xa];
	[sflag:s3] =	ssyncadd.s32 $0xFFFFF63C  }
0x17d: {  	[hbm:s12], [sflag:s5] =	dma.local [spmem:s25], $0x9C4  }
0x17e: {  	_ =	swait.ge [sflag:s3], $0x9C4  }
0x17f: {  	s4 =	sadd.s32 $0x1, s4;
	s14 =	rddreg [dreg:$0x6]  }
0x180: {  	p0 =	sne.s32 s4, s14  }
.Ltmp3:
0x181: {  	_ = 	snop;
	(pc) =	sbr.rel @p0 .LBB2_1-.Ltmp3, $3  }
0x182: {  	_ =	sdelay $0x1  }
0x183: {  	[sflag:s3] =	ssyncset.done $0x0  }
0x184: {  	[sflag:s3] =	ssyncadd.s32 $0xFFFFF63C  }
0x185: {  	_ =	sfence.sel $0x180000  }
0x186: {  	[bflag:$0x0] =	sbarrier.arrive $0xFFFF  }
0x187: {  	_ =	strace $0x9000004A  }
0x188: {  	s0 =	stileid.u32;
	[bflag:$0x2] =	sbarrier.arrive $0xFFFF  }
0x189: {  	p0 =	sne.s32 s0, $0x0;
	s0 =	rddreg [dreg:$0x2]  }
0x18a: {  	s0 =	sadd.s32 @!p0 $0x100000, s0  }
0x18b: {  	[sflag:s0] =	ssyncadd.tile.s32 @!p0 $0x1;
	_ =	shalt  }
.Lfunc_end2:
_tile_overlayer_lowered:
.L_overlay_start_2:
0x18c: {  	(tag) =	ssettag $0x2  }
0x18d: {  	s0 =	rddreg [dreg:$0x0];
	s2 =	stileid.u32  }
0x18e: {  	s1 =	rddreg [dreg:$0x1];
	p0 =	sne.s32 s2, $0x0  }
0x18f: {  	s3 =	rddreg [dreg:$0x2];
	[bflag:$0x3] =	sbarrier.arrive $0xFFFF;
	s2 =	simm.s32 @!p0 $0x1C06  }
0x190: {  	[timem:s3], [sflag:s2] =	dma.local @!p0 [hbm:s0], s1  }
0x191: {  	s0 =	simm.s32 @!p0 $0x6  }
0x192: {  	_ =	swait.ge @!p0 [sflag:s0], s1  }
0x193: {  	s1 =	ssub.s32 @!p0 $0x0, s1;
	[sflag:s0] =	ssyncset.done @!p0 $0x0  }
0x194: {  	[sflag:s0] =	ssyncadd.s32 @!p0 s1  }
0x195: {  	[bflag:$0x3] =	sbarrier.arrive $0xFFFF  }
0x196: {  	_ =	shalt  }

// kernel: kernel.15.cloned.1.call-start
scs
__scs_entry_jumppad:
0x0: {  	(pc) =	sbr.rel $0x88, $3  }
0x1: {  	(tag) =	ssettag $0x0;
	lr =	simm.s32 $0x1  }
0x2: {  	[smem:$0x3F8A] =	sst lr;
	_ =	strace $0xD0000000  }
0x3: {  	_ = 	snop  }
0x4: {  	_ = 	snop  }
0x5: {  	_ = 	snop  }
0x6: {  	_ = 	snop  }
0x7: {  	_ = 	snop  }
__scs_overlays_trampoline_lowered:
0x8: {  	[smem:$0x3F99] =	sst s0  }
0x9: {  	[smem:$0x3F9A] =	sst s1  }
0xa: {  	[smem:$0x3F9B] =	sst s2  }
0xb: {  	[smem:$0x3F9C] =	sst s3  }
0xc: {  	[smem:$0x3F9D] =	sst s4  }
0xd: {  	[smem:$0x3F9E] =	sst s5  }
0xe: {  	[smem:$0x3F9F] =	sst s6  }
0xf: {  	[smem:$0x3FA0] =	sst s7  }
0x10: {  	[smem:$0x3FA1] =	sst s8  }
0x11: {  	[smem:$0x3FA2] =	sst s9;
	s0 =	simm.s32 @!p0 $0x0  }
0x12: {  	s1 =	sld [smem:$0x3F88];
	s0 =	simm.s32 @p0 $0x1  }
0x13: {  	[smem:$0x3FA3] =	sst s0;
	s0 =	simm.s32 @!p1 $0x0  }
0x14: {  	s2 =	sld [smem:$0x3F87];
	s0 =	simm.s32 @p1 $0x1  }
0x15: {  	[smem:$0x3FA4] =	sst s0;
	s0 =	simm.s32 @!p2 $0x0  }
0x16: {  	s3 =	sld [smem:$0x3FDB];
	s0 =	simm.s32 @p2 $0x1  }
0x17: {  	s4 =	simm.s32 $0x1BF5;
	[smem:$0x3FA6] =	sst s0  }
0x18: {  	s0 =	sld [smem:$0x3F89];
	_ =	swait.ge [sflag:s4], $0x0  }
0x19: {  	s7 =	sld [smem:$0x3F8A]  }
0x1a: {  	s8 =	sadd.s32 $0xFFFFE003, lr  }
0x1b: {  	s9 =	sadd.s32 $0xFFFFFEF7, lr;
	s5 =	simm.s32 $0xFFFFFFFF;
	p2 =	slt.u32 s8, $0xFFFFF086  }
0x1c: {  	p1 =	slt.u32 s9, $0xF7A;
	s5 =	simm.s32 @!p2 $0x0  }
0x1d: {  	s5 =	simm.s32 @p1 $0x1;
	p0 =	seq.s32 s7, s2  }
0x1e: {  	s7 =	smul.u32 @!p0 $0xF7A, s2;
	p2 =	seq.s32 @!p0 s5, $0x0  }
0x1f: {  	s9 =	smul.u32 $0xF7A, s1;
	s8 =	simm.s32 @!p0 $0x1BF5;
	p2 =	por !p2, p0  }
0x20: {  	[sflag:s8] =	ssyncset.s32 @!p0 $0xFFFFF086;
	s6 =	sadd.s32 @!p0 s3, s7;
	s7 =	simm.s32 @!p0 $0x108  }
0x21: {  	s3 =	sadd.s32 s3, s9;
	s6 =	sadd.s32 @!p0 $0x88, s6;
	s7 =	simm.s32 @p2 $0x1082  }
0x22: {  	[simem:s7], [sflag:s8] =	dma.local @!p0 [hbm:s6], $0xF7A  }
0x23: {  	s9 =	sor.u32 $0xD0000000, s2;
	s6 =	simm.s32 $0x108;
	_ =	swait.ge @!p0 [sflag:s8], $0x0  }
0x24: {  	s3 =	sadd.s32 $0x88, s3;
	s6 =	simm.s32 @!p1 $0x1082;
	[sflag:s4] =	ssyncset.s32 $0xFFFFF086  }
0x25: {  	[simem:s6], [sflag:s4] =	dma.local [hbm:s3], $0xF7A  }
0x26: {  	[smem:$0x3F8A] =	sst s1;
	(tag) =	ssettag s2;
	_ =	strace s9  }
0x27: {  	s1 =	sld [smem:$0x3F9A]  }
0x28: {  	s2 =	sld [smem:$0x3F9B]  }
0x29: {  	s4 =	sld [smem:$0x3F9D]  }
0x2a: {  	p0 =	seq.s32 s5, $0x0;
	s5 =	sld [smem:$0x3F9E]  }
0x2b: {  	s6 =	sld [smem:$0x3F9F]  }
0x2c: {  	s7 =	sld [smem:$0x3FA0]  }
0x2d: {  	s3 =	simm.s32 $0x108;
	s8 =	sld [smem:$0x3FA1]  }
0x2e: {  	s3 =	simm.s32 @!p0 $0x1082;
	s9 =	sld [smem:$0x3FA2]  }
0x2f: {  	lr =	sadd.s32 s0, s3;
	s0 =	sld [smem:$0x3F99]  }
0x30: {  	s3 =	sld [smem:$0x3F9C]  }
0x31: {  	[smem:$0x3FA5] =	sst s10  }
0x32: {  	s10 =	sld [smem:$0x3FA3];
	_ =	sdelay $0x3  }
0x33: {  	p0 =	seq.s32 s10, $0x1;
	s10 =	sld [smem:$0x3FA5];
	_ =	sdelay $0x3  }
0x34: {  	[smem:$0x3FA5] =	sst s10  }
0x35: {  	s10 =	sld [smem:$0x3FA4];
	_ =	sdelay $0x3  }
0x36: {  	p1 =	seq.s32 s10, $0x1;
	s10 =	sld [smem:$0x3FA5];
	_ =	sdelay $0x3  }
0x37: {  	[smem:$0x3FA5] =	sst s10  }
0x38: {  	s10 =	sld [smem:$0x3FA6]  }
0x39: {  	_ = 	snop;
	(pc) =	sbr.ind lr, $3  }
0x3a: {  	_ = 	snop  }
0x3b: {  	_ = 	snop  }
0x3c: {  	p2 =	seq.s32 s10, $0x1;
	s10 =	sld [smem:$0x3FA5]  }
0x3d: {  	_ =	shalt  }
0x3e: {  	_ =	shalt  }
0x3f: {  	_ =	shalt  }
0x40: {  	_ =	shalt  }
0x41: {  	_ =	shalt  }
0x42: {  	_ =	shalt  }
0x43: {  	_ =	shalt  }
0x44: {  	_ =	shalt  }
0x45: {  	_ =	shalt  }
0x46: {  	_ =	shalt  }
0x47: {  	_ =	shalt  }
0x48: {  	_ =	shalt  }
0x49: {  	_ =	shalt  }
0x4a: {  	_ =	shalt  }
0x4b: {  	_ =	shalt  }
0x4c: {  	_ =	shalt  }
0x4d: {  	_ =	shalt  }
0x4e: {  	_ =	shalt  }
0x4f: {  	_ =	shalt  }
0x50: {  	_ =	shalt  }
0x51: {  	_ =	shalt  }
0x52: {  	_ =	shalt  }
0x53: {  	_ =	shalt  }
0x54: {  	_ =	shalt  }
0x55: {  	_ =	shalt  }
0x56: {  	_ =	shalt  }
0x57: {  	_ =	shalt  }
0x58: {  	_ =	shalt  }
0x59: {  	_ =	shalt  }
0x5a: {  	_ =	shalt  }
0x5b: {  	_ =	shalt  }
0x5c: {  	_ =	shalt  }
0x5d: {  	_ =	shalt  }
0x5e: {  	_ =	shalt  }
0x5f: {  	_ =	shalt  }
0x60: {  	_ =	shalt  }
0x61: {  	_ =	shalt  }
0x62: {  	_ =	shalt  }
0x63: {  	_ =	shalt  }
0x64: {  	_ =	shalt  }
0x65: {  	_ =	shalt  }
0x66: {  	_ =	shalt  }
0x67: {  	_ =	shalt  }
0x68: {  	_ =	shalt  }
0x69: {  	_ =	shalt  }
0x6a: {  	_ =	shalt  }
0x6b: {  	_ =	shalt  }
0x6c: {  	_ =	shalt  }
0x6d: {  	_ =	shalt  }
0x6e: {  	_ =	shalt  }
0x6f: {  	_ =	shalt  }
0x70: {  	_ =	shalt  }
0x71: {  	_ =	shalt  }
0x72: {  	_ =	shalt  }
0x73: {  	_ =	shalt  }
0x74: {  	_ =	shalt  }
0x75: {  	_ =	shalt  }
0x76: {  	_ =	shalt  }
0x77: {  	_ =	shalt  }
0x78: {  	_ =	shalt  }
0x79: {  	_ =	shalt  }
0x7a: {  	_ =	shalt  }
0x7b: {  	_ =	shalt  }
0x7c: {  	_ =	shalt  }
0x7d: {  	_ =	shalt  }
0x7e: {  	_ =	shalt  }
0x7f: {  	_ =	shalt  }
0x80: {  	_ =	shalt  }
0x81: {  	_ =	shalt  }
0x82: {  	_ =	shalt  }
0x83: {  	_ =	shalt  }
0x84: {  	_ =	shalt  }
0x85: {  	_ =	shalt  }
0x86: {  	_ =	shalt  }
0x87: {  	_ =	shalt  }
.Lfunc_end0:
.L_simem_size_0:
called_computation.2_lowered:
.L_overlay_start_0:
0x88: {  	s2 =	sld [smem:$0x3FD9]  }
0x89: {  	s3 =	sld [smem:$0x3FFE];
	_ =	sdelay $0x1  }
0x8a: {  	s1 =	srdreg.scid  }
0x8b: {  	s0 =	sand.u32 $0x1, s1  }
0x8c: {  	s16 =	sshll.u32 s0, $0xA;
	s2 =	sadd.s32 s3, s2  }
0x8d: {  	s2 =	sadd.s32 s2, s16  }
0x8e: {  	[smem:$0x3FB1] =	sst s2  }
0x8f: {  	_ = 	snop  }
0x90: {  	(tm) =	ssettm $0x1  }
0x91: {  	s17 =	sld [smem:$0x3FFB];
	_ =	sdelay $0x3  }
0x92: {  	_ =	strace s17  }
0x93: {  	s2 =	sld [smem:$0x3FFC];
	_ =	sdelay $0x3  }
0x94: {  	_ =	strace s2  }
0x95: {  	s2 =	sld [smem:$0x3FFD];
	_ =	sdelay $0x3  }
0x96: {  	_ =	strace s2  }
0x97: {  	_ =	strace $0x8FFFFFFF  }
0x98: {  	s18 =	sld [smem:$0x3FDB];
	_ =	sdelay $0x1  }
0x99: {  	s19 =	simm.s32 $_scs_section_size  }
0x9a: {  	s4 =	simm.s32 $_size__tile_overlayer_lowered;
	s5 =	simm.s32 $_tile_overlayer_lowered  }
0x9b: {  	s22 =	simm.s32 $0x1BFF;
	s21 =	sshll.u32 s5, $0x1;
	s2 =	sadd.s32 s19, s18  }
0x9c: {  	s6 =	simm.s32 $0x0;
	s20 =	sshll.u32 s4, $0x1;
	s4 =	sadd.s32 s21, s2  }
0x9d: {  	[timem:s6], [sflag:s22] =	dma.local [hbm:s4], s20  }
0x9e: {  	_ =	swait.ge [sflag:s22], s20  }
0x9f: {  	s3 =	ssub.s32 $0x0, s20;
	[sflag:s22] =	ssyncset.done $0x0  }
0xa0: {  	[sflag:s22] =	ssyncadd.s32 s3;
	_ =	sdelay $0x1  }
0xa1: {  	s23 =	simm.s32 $0x1B8B  }
0xa2: {  	_ =	swait.ge [sflag:s23], $0x1  }
0xa3: {  	[sflag:s23] =	ssyncset.done $0x0  }
0xa4: {  	s25 =	simm.s32 $0x1B8E;
	s24 =	sld [smem:$0x3FFE];
	[sflag:s23] =	ssyncadd.s32 $0xFFFFFFFF  }
0xa5: {  	s26 =	simm.s32 $execute0_lowered;
	[smem:$0x3FD2] =	sst s25  }
0xa6: {  	s4 =	sshll.u32 s26, $0x1;
	_ =	strace $0x8000004C;
	[dreg:$0x1] =	wrdreg $0xFFFFFFFF  }
0xa7: {  	s28 =	simm.s32 $_size_execute0_lowered;
	s2 =	sadd.s32 s2, s4;
	[dreg:$0x0] =	wrdreg $0x0  }
0xa8: {  	s4 =	sshll.u32 s28, $0x1;
	[dreg:$0x2] =	wrdreg s2  }
0xa9: {  	[dreg:$0x3] =	wrdreg s4  }
0xaa: {  	[dreg:$0x4] =	wrdreg $0xC0  }
0xab: {  	_ =	task [dreg:s6], $0x5FFFF  }
0xac: {  	[dreg:$0x1] =	wrdreg $0xFFFFFFFF  }
0xad: {  	[dreg:$0x0] =	wrdreg $0x60  }
0xae: {  	[dreg:$0x2] =	wrdreg s24  }
0xaf: {  	[dreg:$0x3] =	wrdreg $0x0  }
0xb0: {  	[dreg:$0x4] =	wrdreg $0x9  }
0xb1: {  	_ =	task.clear_ibuf [dreg:s6], $0x5FFFF;
	_ =	strace $0x9000004C  }
0xb2: {  	s29 =	simm.s32 $0x9;
	_ =	strace $0x8000004E  }
0xb3: {  	_ =	swait.ge [sflag:s29], $0x1  }
0xb4: {  	[sflag:s29] =	ssyncadd.s32 $0xFFFFFFFF  }
0xb5: {  	_ =	strace $0x9000004E  }
0xb6: {  	_ =	sfence  }
0xb7: {  	s30 =	sld [smem:$0x0];
	_ =	sdelay $0x2  }
0xb8: {  	s31 =	sshll.u32 s1, $0xD;
	s1 =	sshrl.u32 s1, $0x2  }
0xb9: {  	s3 =	sand.u32 $0x4000, s31;
	s1 =	sadd.s32 s1, s30  }
0xba: {  	s0 =	sor.u32 s3, s0;
	s1 =	sshll.u32 s1, $0x11  }
0xbb: {  	s0 =	sor.u32 s1, s0  }
0xbc: {  	s0 =	sadd.s32 $0x8F2B, s0  }
0xbd: {  	[sflag:s0] =	ssyncadd.remote.s32 $0x1  }
0xbe: {  	_ =	sfence.sel $0xFFFF  }
0xbf: {  	[dreg:$0x0] =	wrdreg $0xFFFFFFFF;
	(pc) =	sbr.abs _section_cstart, $3  }
0xc0: {  	[dreg:$0x1] =	wrdreg $0xFFFFFFFF  }
0xc1: {  	_ =	task.clear_ibuf [dreg:s6], $0x2FFFF;
	_ =	strace $0x9FFFFFFF  }
0xc2: {  	(tm) =	ssettm $0x7FFFFFFF  }
0xc3: {  	_ =	shalt  }
tec
execute0_lowered:
.L_overlay_start_1:
0x0: {  	(tag) =	ssettag $0x1  }
0x1: {  	s0 =	rddreg [dreg:$0x0]  }
0x2: {  	s2 =	srdreg.scid;
	s15 =	stileid.u32  }
0x3: {  	s1 =	rddreg [dreg:$0x1];
	s16 =	smul.u32 $0xC400, s15  }
0x4: {  	s4 =	simm.s32 $0x0;
	s28 =	simm.s32 $0x1A5C0;
	s6 =	smul.u32 $0x5, s15  }
0x5: {  	s29 =	simm.s32 $0x1C5C0;
	s30 =	simm.s32 $0x1;
	s10 =	smul.u32 $0x186A0, s15  }
0x6: {  	s31 =	simm.s32 $0x80;
	s2 =	sand.u32 $0x1, s2;
	s19 =	smul.u32 $0x61A80, s15  }
0x7: {  	[smem:$0x7FF] =	sst s4;
	s5 =	sadd.s32 $0x34000, s0;
	s3 =	smul.u32 $0x30D40, s2  }
0x8: {  	s7 =	sadd.s32 $0x1B800, s0;
	s8 =	smul.u32 $0x186A00, s2;
	s2 =	ssub.s32 $0x2, s2  }
0x9: {  	_ =	strace $0x8000004D;
	s9 =	sshrl.u32 s2, $0x1;
	s4 =	sshrl.u32 s16, $0x3  }
0xa: {  	s25 =	sadd.s32 $0x1, s6;
	s12 =	sshrl.u32 s19, $0x2;
	s21 =	sadd.s32 $0x27100, s19  }
0xb: {  	s3 =	sadd.s32 s3, s0;
	s0 =	sadd.s32 $0xAE400, s0;
	s2 =	ssub.s32 s2, s9  }
0xc: {  	s17 =	sadd.s32 s5, s4;
	s4 =	sadd.s32 s7, s4;
	s11 =	smul.u32 $0x4E20, s25  }
0xd: {  	s18 =	sadd.s32 s8, s10;
	s10 =	smul.u32 $0x13880, s25;
	[dreg:$0x3] =	wrdreg s17  }
0xe: {  	s9 =	sadd.s32 $0x4E200, s19;
	[dreg:$0x4] =	wrdreg s4;
	s6 =	sadd.s32 $0x4C800, s3  }
0xf: {  	s26 =	sshrl.u32 s18, $0x3;
	s2 =	smax.u32 s2, $0x1;
	s16 =	sadd.s32 $0x9C40, s18  }
0x10: {  	s22 =	sadd.s32 $0xEA60, s18;
	s4 =	sadd.s32 $0x13880, s18;
	s9 =	sshrl.u32 s9, $0x2  }
0x11: {  	s18 =	simm.s32 $0x1E5C0;
	s3 =	sadd.s32 s0, s26;
	[dreg:$0x6] =	wrdreg s2  }
0x12: {  	s2 =	sadd.s32 s12, s1;
	s13 =	sadd.s32 s8, s11;
	s14 =	sshrl.u32 s10, $0x2  }
0x13: {  	s20 =	sshrl.u32 s16, $0x3;
	s11 =	sshrl.u32 s22, $0x3;
	s12 =	sadd.s32 $0x3A980, s19  }
0x14: {  	s4 =	sshrl.u32 s4, $0x3;
	s25 =	sadd.s32 s9, s1;
	s19 =	simm.s32 $0x3  }
0x15: {  	[dreg:$0x5] =	wrdreg s3;
	s3 =	sshrl.u32 s13, $0x3;
	s17 =	sadd.s32 s14, s1  }
0x16: {  	s8 =	sadd.s32 s0, s20;
	s23 =	sadd.s32 s0, s11;
	s13 =	smul.u32 $0x62700, s15  }
0x17: {  	s24 =	sshrl.u32 s12, $0x2;
	s15 =	smul.u32 $0x1880, s15;
	s20 =	simm.s32 $0x5  }
0x18: {  	s25 =	sshrl.u32 s25, $0x3;
	s3 =	sadd.s32 s0, s3;
	[dreg:$0x8] =	wrdreg s8  }
0x19: {  	s8 =	sshrl.u32 s21, $0x2;
	[dreg:$0x9] =	wrdreg s23;
	s16 =	sadd.s32 s24, s1  }
0x1a: {  	s0 =	sadd.s32 s0, s4;
	s21 =	sshrl.u32 s2, $0x3;
	s22 =	sshrl.u32 s17, $0x3  }
0x1b: {  	s17 =	simm.s32 $0x1D5C0;
	s2 =	simm.s32 $0x4;
	[dreg:$0x7] =	wrdreg s3  }
0x1c: {  	s4 =	simm.s32 $0x0;
	s14 =	sadd.s32 s8, s1;
	[dreg:$0xa] =	wrdreg s0  }
0x1d: {  	s26 =	sshrl.u32 s13, $0x2;
	s7 =	sadd.s32 s15, s7;
	s5 =	sadd.s32 s15, s5  }
0x1e: {  	s24 =	sshrl.u32 s16, $0x3;
	s0 =	simm.s32 $0x1B5C0;
	s16 =	simm.s32 $0x2  }
0x1f: {  	s3 =	simm.s32 $0x6;
	s13 =	sadd.s32 s26, s1;
	s8 =	sadd.s32 $0xE0, s7  }
0x20: {  	v0 =	vimm.f32 $0.0e+00;
	s15 =	sadd.s32 $0xE0, s5;
	s23 =	sshrl.u32 s14, $0x3;
	s26 =	simm.s32 $0x100  }
.LBB2_1:
0x21: {  	s5 =	simm.s32 $0x0;
	s7 =	rddreg [dreg:$0x3];
	s9 =	simm.s32 $0x189C0  }
0x22: {  	[tilespmem:s9], [sflag:$0x5] =	stream.linear.gather [hbm4b:s7+s5], $0x700, $0x38;
	[tilespmem:$0x1F100] =	vst v63  }
0x23: {  	s12 =	rddreg [dreg:$0x4];
	s14 =	simm.s32 $0x197C0  }
0x24: {  	[tilespmem:s14], [sflag:$0x5] =	stream.linear.gather [hbm4b:s12+s5], $0x700, $0x38;
	[tilespmem:$0x1F100] =	vst v63  }
0x25: {  	s5 =	simm.s32 $0x0  }
.LBB2_2:
0x26: {  	p0 =	sne.s32 s5, $0x2C80  }
.Ltmp0:
0x27: {  	_ = 	snop;
	(pc) =	sbr.rel @p0 .LBB2_2-.Ltmp0, $4  }
0x28: {  	_ = 	snop  }
0x29: {  	s7 =	sshra.s32 s5, $0x2  }
0x2a: {  	[tilespmem:s7+$0x1E5C0] =	vst v0  }
0x2b: {  	s5 =	sadd.s32 $0x80, s5;
	[tilespmem:s7+$0x1E5D0] =	vst v0  }
0x2c: {  	s5 =	simm.s32 $0x2D00;
	s7 =	sadd.s32 $0x0, s13  }
.LBB2_4:
0x2d: {  	[spmem:s7] =	stream.linear.scatter [tilespmem:s18], [sflag:$0x3], $0xB40, $0x38;
	[tilespmem:$0x1F100] =	vst v63  }
0x2e: {  	s7 =	smov.u32 s5;
	p0 =	sne.s32 s5, $0x5FA00  }
.Ltmp1:
0x2f: {  	s5 =	sadd.s32 $0x2D00, s5;
	(pc) =	sbr.rel @p0 .LBB2_4-.Ltmp1, $3  }
0x30: {  	_ =	sdelay $0x1  }
0x31: {  	s7 =	sshra.s32 s7, $0x2  }
0x32: {  	s7 =	sadd.s32 s7, s13  }
0x33: {  	[spmem:s7] =	stream.linear.scatter [tilespmem:s18], [sflag:$0x3], $0xB40, $0x38;
	[tilespmem:$0x1F100] =	vst v63  }
0x34: {  	_ =	swait.ge [sflag:s19], $0xB40  }
0x35: {  	[sflag:s19] =	ssyncset.done $0x0  }
0x36: {  	[sflag:s19] =	ssyncadd.s32 $0xFFFFF4C0  }
0x37: {  	_ =	swait.ge [sflag:s19], $0xB40  }
0x38: {  	[sflag:s19] =	ssyncset.done $0x0  }
0x39: {  	[sflag:s19] =	ssyncadd.s32 $0xFFFFF4C0  }
0x3a: {  	_ =	swait.ge [sflag:s19], $0xB40  }
0x3b: {  	[sflag:s19] =	ssyncset.done $0x0  }
0x3c: {  	[sflag:s19] =	ssyncadd.s32 $0xFFFFF4C0  }
0x3d: {  	_ =	swait.ge [sflag:s19], $0xB40  }
0x3e: {  	[sflag:s19] =	ssyncset.done $0x0  }
0x3f: {  	[sflag:s19] =	ssyncadd.s32 $0xFFFFF4C0  }
0x40: {  	_ =	swait.ge [sflag:s19], $0xB40  }
0x41: {  	[sflag:s19] =	ssyncset.done $0x0  }
0x42: {  	[sflag:s19] =	ssyncadd.s32 $0xFFFFF4C0  }
0x43: {  	_ =	swait.ge [sflag:s19], $0xB40  }
0x44: {  	[sflag:s19] =	ssyncset.done $0x0  }
0x45: {  	[sflag:s19] =	ssyncadd.s32 $0xFFFFF4C0  }
0x46: {  	_ =	swait.ge [sflag:s19], $0xB40  }
0x47: {  	[sflag:s19] =	ssyncset.done $0x0  }
0x48: {  	[sflag:s19] =	ssyncadd.s32 $0xFFFFF4C0  }
0x49: {  	_ =	swait.ge [sflag:s19], $0xB40  }
0x4a: {  	[sflag:s19] =	ssyncset.done $0x0  }
0x4b: {  	[sflag:s19] =	ssyncadd.s32 $0xFFFFF4C0  }
0x4c: {  	_ =	swait.ge [sflag:s19], $0xB40  }
0x4d: {  	[sflag:s19] =	ssyncset.done $0x0  }
0x4e: {  	[sflag:s19] =	ssyncadd.s32 $0xFFFFF4C0  }
0x4f: {  	_ =	swait.ge [sflag:s19], $0xB40  }
0x50: {  	[sflag:s19] =	ssyncset.done $0x0  }
0x51: {  	[sflag:s19] =	ssyncadd.s32 $0xFFFFF4C0  }
0x52: {  	_ =	swait.ge [sflag:s19], $0xB40  }
0x53: {  	[sflag:s19] =	ssyncset.done $0x0  }
0x54: {  	[sflag:s19] =	ssyncadd.s32 $0xFFFFF4C0  }
0x55: {  	_ =	swait.ge [sflag:s19], $0xB40  }
0x56: {  	[sflag:s19] =	ssyncset.done $0x0  }
0x57: {  	[sflag:s19] =	ssyncadd.s32 $0xFFFFF4C0  }
0x58: {  	_ =	swait.ge [sflag:s19], $0xB40  }
0x59: {  	[sflag:s19] =	ssyncset.done $0x0  }
0x5a: {  	[sflag:s19] =	ssyncadd.s32 $0xFFFFF4C0  }
0x5b: {  	_ =	swait.ge [sflag:s19], $0xB40  }
0x5c: {  	[sflag:s19] =	ssyncset.done $0x0  }
0x5d: {  	[sflag:s19] =	ssyncadd.s32 $0xFFFFF4C0  }
0x5e: {  	_ =	swait.ge [sflag:s19], $0xB40  }
0x5f: {  	[sflag:s19] =	ssyncset.done $0x0  }
0x60: {  	[sflag:s19] =	ssyncadd.s32 $0xFFFFF4C0  }
0x61: {  	_ =	swait.ge [sflag:s19], $0xB40  }
0x62: {  	[sflag:s19] =	ssyncset.done $0x0  }
0x63: {  	[sflag:s19] =	ssyncadd.s32 $0xFFFFF4C0  }
0x64: {  	_ =	swait.ge [sflag:s19], $0xB40  }
0x65: {  	[sflag:s19] =	ssyncset.done $0x0  }
0x66: {  	[sflag:s19] =	ssyncadd.s32 $0xFFFFF4C0  }
0x67: {  	_ =	swait.ge [sflag:s19], $0xB40  }
0x68: {  	[sflag:s19] =	ssyncset.done $0x0  }
0x69: {  	[sflag:s19] =	ssyncadd.s32 $0xFFFFF4C0  }
0x6a: {  	_ =	swait.ge [sflag:s19], $0xB40  }
0x6b: {  	[sflag:s19] =	ssyncset.done $0x0  }
0x6c: {  	[sflag:s19] =	ssyncadd.s32 $0xFFFFF4C0  }
0x6d: {  	_ =	swait.ge [sflag:s19], $0xB40  }
0x6e: {  	[sflag:s19] =	ssyncset.done $0x0  }
0x6f: {  	[sflag:s19] =	ssyncadd.s32 $0xFFFFF4C0  }
0x70: {  	_ =	swait.ge [sflag:s19], $0xB40  }
0x71: {  	[sflag:s19] =	ssyncset.done $0x0  }
0x72: {  	[sflag:s19] =	ssyncadd.s32 $0xFFFFF4C0  }
0x73: {  	_ =	swait.ge [sflag:s19], $0xB40  }
0x74: {  	[sflag:s19] =	ssyncset.done $0x0  }
0x75: {  	[sflag:s19] =	ssyncadd.s32 $0xFFFFF4C0  }
0x76: {  	_ =	swait.ge [sflag:s19], $0xB40  }
0x77: {  	[sflag:s19] =	ssyncset.done $0x0  }
0x78: {  	[sflag:s19] =	ssyncadd.s32 $0xFFFFF4C0  }
0x79: {  	_ =	swait.ge [sflag:s19], $0xB40  }
0x7a: {  	[sflag:s19] =	ssyncset.done $0x0  }
0x7b: {  	[sflag:s19] =	ssyncadd.s32 $0xFFFFF4C0  }
0x7c: {  	_ =	swait.ge [sflag:s19], $0xB40  }
0x7d: {  	[sflag:s19] =	ssyncset.done $0x0  }
0x7e: {  	[sflag:s19] =	ssyncadd.s32 $0xFFFFF4C0  }
0x7f: {  	_ =	swait.ge [sflag:s19], $0xB40  }
0x80: {  	[sflag:s19] =	ssyncset.done $0x0  }
0x81: {  	[sflag:s19] =	ssyncadd.s32 $0xFFFFF4C0  }
0x82: {  	_ =	swait.ge [sflag:s19], $0xB40  }
0x83: {  	[sflag:s19] =	ssyncset.done $0x0  }
0x84: {  	[sflag:s19] =	ssyncadd.s32 $0xFFFFF4C0  }
0x85: {  	_ =	swait.ge [sflag:s19], $0xB40  }
0x86: {  	[sflag:s19] =	ssyncset.done $0x0  }
0x87: {  	[sflag:s19] =	ssyncadd.s32 $0xFFFFF4C0  }
0x88: {  	_ =	swait.ge [sflag:s19], $0xB40  }
0x89: {  	[sflag:s19] =	ssyncset.done $0x0  }
0x8a: {  	[sflag:s19] =	ssyncadd.s32 $0xFFFFF4C0  }
0x8b: {  	_ =	swait.ge [sflag:s19], $0xB40  }
0x8c: {  	[sflag:s19] =	ssyncset.done $0x0  }
0x8d: {  	[sflag:s19] =	ssyncadd.s32 $0xFFFFF4C0  }
0x8e: {  	_ =	swait.ge [sflag:s19], $0xB40  }
0x8f: {  	[sflag:s19] =	ssyncset.done $0x0  }
0x90: {  	[sflag:s19] =	ssyncadd.s32 $0xFFFFF4C0  }
0x91: {  	_ =	swait.ge [sflag:s19], $0xB40  }
0x92: {  	[sflag:s19] =	ssyncset.done $0x0  }
0x93: {  	[sflag:s19] =	ssyncadd.s32 $0xFFFFF4C0  }
0x94: {  	_ =	swait.ge [sflag:s19], $0xB40  }
0x95: {  	[sflag:s19] =	ssyncset.done $0x0  }
0x96: {  	[sflag:s19] =	ssyncadd.s32 $0xFFFFF4C0  }
0x97: {  	_ =	swait.ge [sflag:s19], $0xB40  }
0x98: {  	[sflag:s19] =	ssyncset.done $0x0  }
0x99: {  	[sflag:s19] =	ssyncadd.s32 $0xFFFFF4C0  }
0x9a: {  	_ =	swait.ge [sflag:s19], $0xB40  }
0x9b: {  	[sflag:s19] =	ssyncset.done $0x0  }
0x9c: {  	[sflag:s19] =	ssyncadd.s32 $0xFFFFF4C0  }
0x9d: {  	[bflag:$0x0] =	sbarrier.arrive $0xFFFF  }
0x9e: {  	s5 =	simm.s32 $0x0;
	_ =	swait.ge [sflag:s20], $0x700  }
0x9f: {  	p0 =	por $0x0, $0x0;
	s5 =	sand.u32 $0x1, s5;
	[sflag:s20] =	ssyncset.done $0x0  }
0xa0: {  	s7 =	sxor.u32 @!p0 $0x1, s5;
	[sflag:s20] =	ssyncadd.s32 $0xFFFFF900  }
0xa1: {  	s7 =	smul.u32 @!p0 $0x700, s7;
	_ =	swait.ge [sflag:s20], $0x700  }
0xa2: {  	[sflag:s20] =	ssyncset.done $0x0  }
0xa3: {  	s14 =	simm.s32 @!p0 $0x0;
	s9 =	sadd.s32 @!p0 $0x189C0, s7;
	[sflag:s20] =	ssyncadd.s32 $0xFFFFF900  }
0xa4: {  	[tilespmem:s9], [sflag:$0x5] =	stream.linear.gather @!p0 [hbm4b:s15+s14], $0x700, $0x38;
	[tilespmem:$0x1F100] =	vst v63  }
0xa5: {  	s5 =	smul.u32 $0x700, s5;
	s7 =	sadd.s32 @!p0 $0x197C0, s7  }
0xa6: {  	[tilespmem:s7], [sflag:$0x5] =	stream.linear.gather @!p0 [hbm4b:s8+s14], $0x700, $0x38;
	[tilespmem:$0x1F100] =	vst v63  }
0xa7: {  	s9 =	sadd.s32 $0x189C0, s5  }
0xa8: {  	[tilespmem:s28], [sflag:$0x1] =	stream.indirect.gather [hbm4b:s6+s26], $0x20, s9, s26, $0xb8;
	[tilespmem:$0x1F100] =	vst v63  }
0xa9: {  	s10 =	sadd.s32 $0x18AC0, s5  }
0xaa: {  	[tilespmem:s29], [sflag:$0x2] =	stream.indirect.gather [hbm4b:s6+s26], $0x20, s10, s26, $0xb8;
	[tilespmem:$0x1F100] =	vst v63  }
0xab: {  	_ =	swait.ge [sflag:s30], $0x2000  }
0xac: {  	[sflag:s30] =	ssyncset.done $0x0  }
0xad: {  	s11 =	sadd.s32 $0x197C0, s5;
	[sflag:s30] =	ssyncadd.s32 $0xFFFFE000  }
0xae: {  	[spmem:s1] =	stream.indirect.scatter.add.f32 [tilespmem:s28], [sflag:$0x3], $0x20, s11, s31, $0xb8;
	[tilespmem:$0x1F100] =	vst v63  }
0xaf: {  	s12 =	sor.u32 $0x19840, s5  }
0xb0: {  	[spmem:s1] =	stream.indirect.scatter.add.f32 [tilespmem:s0], [sflag:$0x3], $0x20, s12, s31, $0xb8;
	[tilespmem:$0x1F100] =	vst v63  }
0xb1: {  	_ =	swait.ge [sflag:s19], $0x1000  }
0xb2: {  	[sflag:s19] =	ssyncset.done $0x0  }
0xb3: {  	[sflag:s19] =	ssyncadd.s32 $0xFFFFF000  }
0xb4: {  	_ =	swait.ge [sflag:s19], $0x1000  }
0xb5: {  	[sflag:s19] =	ssyncset.done $0x0  }
0xb6: {  	s14 =	sadd.s32 $0x18BC0, s5;
	[sflag:s19] =	ssyncadd.s32 $0xFFFFF000  }
0xb7: {  	[tilespmem:s28], [sflag:$0x1] =	stream.indirect.gather [hbm4b:s6+s26], $0x20, s14, s26, $0xb8;
	[tilespmem:$0x1F100] =	vst v63  }
0xb8: {  	_ =	swait.ge [sflag:s16], $0x2000  }
0xb9: {  	[sflag:s16] =	ssyncset.done $0x0  }
0xba: {  	s9 =	sor.u32 $0x198C0, s5;
	[sflag:s16] =	ssyncadd.s32 $0xFFFFE000  }
0xbb: {  	[spmem:s1] =	stream.indirect.scatter.add.f32 [tilespmem:s29], [sflag:$0x4], $0x20, s9, s31, $0xb8;
	[tilespmem:$0x1F100] =	vst v63  }
0xbc: {  	s10 =	sadd.s32 $0x19940, s5  }
0xbd: {  	[spmem:s1] =	stream.indirect.scatter.add.f32 [tilespmem:s17], [sflag:$0x4], $0x20, s10, s31, $0xb8;
	[tilespmem:$0x1F100] =	vst v63  }
0xbe: {  	_ =	swait.ge [sflag:s2], $0x1000  }
0xbf: {  	[sflag:s2] =	ssyncset.done $0x0  }
0xc0: {  	[sflag:s2] =	ssyncadd.s32 $0xFFFFF000  }
0xc1: {  	_ =	swait.ge [sflag:s2], $0x1000  }
0xc2: {  	[sflag:s2] =	ssyncset.done $0x0  }
0xc3: {  	s11 =	sadd.s32 $0x18CC0, s5;
	[sflag:s2] =	ssyncadd.s32 $0xFFFFF000  }
0xc4: {  	[tilespmem:s29], [sflag:$0x2] =	stream.indirect.gather [hbm4b:s6+s26], $0x20, s11, s26, $0xb8;
	[tilespmem:$0x1F100] =	vst v63  }
0xc5: {  	_ =	swait.ge [sflag:s30], $0x2000  }
0xc6: {  	[sflag:s30] =	ssyncset.done $0x0  }
0xc7: {  	s12 =	sadd.s32 $0x199C0, s5;
	[sflag:s30] =	ssyncadd.s32 $0xFFFFE000  }
0xc8: {  	[spmem:s1] =	stream.indirect.scatter.add.f32 [tilespmem:s28], [sflag:$0x3], $0x20, s12, s31, $0xb8;
	[tilespmem:$0x1F100] =	vst v63  }
0xc9: {  	s14 =	sadd.s32 $0x19A40, s5  }
0xca: {  	[spmem:s1] =	stream.indirect.scatter.add.f32 [tilespmem:s0], [sflag:$0x3], $0x20, s14, s31, $0xb8;
	[tilespmem:$0x1F100] =	vst v63  }
0xcb: {  	_ =	swait.ge [sflag:s19], $0x1000  }
0xcc: {  	[sflag:s19] =	ssyncset.done $0x0  }
0xcd: {  	[sflag:s19] =	ssyncadd.s32 $0xFFFFF000  }
0xce: {  	_ =	swait.ge [sflag:s19], $0x1000  }
0xcf: {  	[sflag:s19] =	ssyncset.done $0x0  }
0xd0: {  	s9 =	sadd.s32 $0x18DC0, s5;
	[sflag:s19] =	ssyncadd.s32 $0xFFFFF000  }
0xd1: {  	[tilespmem:s28], [sflag:$0x1] =	stream.indirect.gather [hbm4b:s6+s26], $0x20, s9, s26, $0xb8;
	[tilespmem:$0x1F100] =	vst v63  }
0xd2: {  	_ =	swait.ge [sflag:s16], $0x2000  }
0xd3: {  	[sflag:s16] =	ssyncset.done $0x0  }
0xd4: {  	s10 =	sadd.s32 $0x19AC0, s5;
	[sflag:s16] =	ssyncadd.s32 $0xFFFFE000  }
0xd5: {  	[spmem:s1] =	stream.indirect.scatter.add.f32 [tilespmem:s29], [sflag:$0x4], $0x20, s10, s31, $0xb8;
	[tilespmem:$0x1F100] =	vst v63  }
0xd6: {  	s11 =	sadd.s32 $0x19B40, s5  }
0xd7: {  	[spmem:s1] =	stream.indirect.scatter.add.f32 [tilespmem:s17], [sflag:$0x4], $0x20, s11, s31, $0xb8;
	[tilespmem:$0x1F100] =	vst v63  }
0xd8: {  	_ =	swait.ge [sflag:s2], $0x1000  }
0xd9: {  	[sflag:s2] =	ssyncset.done $0x0  }
0xda: {  	[sflag:s2] =	ssyncadd.s32 $0xFFFFF000  }
0xdb: {  	_ =	swait.ge [sflag:s2], $0x1000  }
0xdc: {  	[sflag:s2] =	ssyncset.done $0x0  }
0xdd: {  	s12 =	sadd.s32 $0x18EC0, s5;
	[sflag:s2] =	ssyncadd.s32 $0xFFFFF000  }
0xde: {  	[tilespmem:s29], [sflag:$0x2] =	stream.indirect.gather [hbm4b:s6+s26], $0x20, s12, s26, $0xb8;
	[tilespmem:$0x1F100] =	vst v63  }
0xdf: {  	_ =	swait.ge [sflag:s30], $0x2000  }
0xe0: {  	[sflag:s30] =	ssyncset.done $0x0  }
0xe1: {  	s14 =	sadd.s32 $0x19BC0, s5;
	[sflag:s30] =	ssyncadd.s32 $0xFFFFE000  }
0xe2: {  	[spmem:s1] =	stream.indirect.scatter.add.f32 [tilespmem:s28], [sflag:$0x3], $0x20, s14, s31, $0xb8;
	[tilespmem:$0x1F100] =	vst v63  }
0xe3: {  	s9 =	sadd.s32 $0x19C40, s5  }
0xe4: {  	[spmem:s1] =	stream.indirect.scatter.add.f32 [tilespmem:s0], [sflag:$0x3], $0x20, s9, s31, $0xb8;
	[tilespmem:$0x1F100] =	vst v63  }
0xe5: {  	_ =	swait.ge [sflag:s19], $0x1000  }
0xe6: {  	[sflag:s19] =	ssyncset.done $0x0  }
0xe7: {  	[sflag:s19] =	ssyncadd.s32 $0xFFFFF000  }
0xe8: {  	_ =	swait.ge [sflag:s19], $0x1000  }
0xe9: {  	[sflag:s19] =	ssyncset.done $0x0  }
0xea: {  	s10 =	sadd.s32 $0x18FC0, s5;
	[sflag:s19] =	ssyncadd.s32 $0xFFFFF000  }
0xeb: {  	[tilespmem:s28], [sflag:$0x1] =	stream.indirect.gather [hbm4b:s6+s26], $0x20, s10, s26, $0xb8;
	[tilespmem:$0x1F100] =	vst v63  }
0xec: {  	_ =	swait.ge [sflag:s16], $0x2000  }
0xed: {  	[sflag:s16] =	ssyncset.done $0x0  }
0xee: {  	s11 =	sadd.s32 $0x19CC0, s5;
	[sflag:s16] =	ssyncadd.s32 $0xFFFFE000  }
0xef: {  	[spmem:s1] =	stream.indirect.scatter.add.f32 [tilespmem:s29], [sflag:$0x4], $0x20, s11, s31, $0xb8;
	[tilespmem:$0x1F100] =	vst v63  }
0xf0: {  	s12 =	sadd.s32 $0x19D40, s5  }
0xf1: {  	[spmem:s1] =	stream.indirect.scatter.add.f32 [tilespmem:s17], [sflag:$0x4], $0x20, s12, s31, $0xb8;
	[tilespmem:$0x1F100] =	vst v63  }
0xf2: {  	_ =	swait.ge [sflag:s30], $0x2000  }
0xf3: {  	[sflag:s30] =	ssyncset.done $0x0  }
0xf4: {  	s14 =	sadd.s32 $0x19DC0, s5;
	[sflag:s30] =	ssyncadd.s32 $0xFFFFE000  }
0xf5: {  	[spmem:s1] =	stream.indirect.scatter.add.f32 [tilespmem:s28], [sflag:$0x3], $0x20, s14, s31, $0xb8;
	[tilespmem:$0x1F100] =	vst v63  }
0xf6: {  	s5 =	sadd.s32 $0x19E40, s5  }
0xf7: {  	[spmem:s1] =	stream.indirect.scatter.add.f32 [tilespmem:s0], [sflag:$0x3], $0x20, s5, s31, $0xb8;
	[tilespmem:$0x1F100] =	vst v63  }
0xf8: {  	_ =	swait.ge [sflag:s2], $0x1000  }
0xf9: {  	[sflag:s2] =	ssyncset.done $0x0  }
0xfa: {  	[sflag:s2] =	ssyncadd.s32 $0xFFFFF000  }
0xfb: {  	_ =	swait.ge [sflag:s2], $0x1000  }
0xfc: {  	[sflag:s2] =	ssyncset.done $0x0  }
0xfd: {  	[sflag:s2] =	ssyncadd.s32 $0xFFFFF000  }
0xfe: {  	_ =	swait.ge [sflag:s19], $0x1000  }
0xff: {  	[sflag:s19] =	ssyncset.done $0x0  }
0x100: {  	[sflag:s19] =	ssyncadd.s32 $0xFFFFF000  }
0x101: {  	s7 =	sadd.s32 $0xE0, s15;
	_ =	swait.ge [sflag:s19], $0x1000  }
0x102: {  	s14 =	smov.u32 s8;
	s5 =	simm.s32 $0x1;
	[sflag:s19] =	ssyncset.done $0x0  }
.LBB2_6:
0x103: {  	[sflag:s19] =	ssyncadd.s32 $0xFFFFF000  }
0x104: {  	s14 =	sadd.s32 $0xE0, s14;
	s9 =	smov.u32 s5;
	s5 =	sadd.s32 $0x1, s5  }
0x105: {  	_ =	swait.ge [sflag:s20], $0x700;
	p0 =	sne.s32 s5, $0x1C  }
0x106: {  	s10 =	sand.u32 $0x1, s9;
	p1 =	seq.s32 s9, $0x1B;
	[sflag:s20] =	ssyncset.done $0x0  }
0x107: {  	s9 =	sxor.u32 @!p1 $0x1, s10;
	[sflag:s20] =	ssyncadd.s32 $0xFFFFF900  }
0x108: {  	s9 =	smul.u32 @!p1 $0x700, s9;
	_ =	swait.ge [sflag:s20], $0x700  }
0x109: {  	[sflag:s20] =	ssyncset.done $0x0  }
0x10a: {  	s12 =	simm.s32 @!p1 $0x0;
	s11 =	sadd.s32 @!p1 $0x189C0, s9;
	[sflag:s20] =	ssyncadd.s32 $0xFFFFF900  }
0x10b: {  	[tilespmem:s11], [sflag:$0x5] =	stream.linear.gather @!p1 [hbm4b:s7+s12], $0x700, $0x38;
	[tilespmem:$0x1F100] =	vst v63  }
0x10c: {  	s11 =	sadd.s32 @!p1 $0x197C0, s9;
	s9 =	smul.u32 $0x700, s10  }
0x10d: {  	[tilespmem:s11], [sflag:$0x5] =	stream.linear.gather @!p1 [hbm4b:s14+s12], $0x700, $0x38;
	[tilespmem:$0x1F100] =	vst v63  }
0x10e: {  	s10 =	sadd.s32 $0x189C0, s9  }
0x10f: {  	[tilespmem:s28], [sflag:$0x1] =	stream.indirect.gather [hbm4b:s6+s26], $0x20, s10, s26, $0xb8;
	[tilespmem:$0x1F100] =	vst v63  }
0x110: {  	s10 =	sadd.s32 $0x18AC0, s9  }
0x111: {  	[tilespmem:s29], [sflag:$0x2] =	stream.indirect.gather [hbm4b:s6+s26], $0x20, s10, s26, $0xb8;
	[tilespmem:$0x1F100] =	vst v63  }
0x112: {  	_ =	swait.ge [sflag:s30], $0x2000  }
0x113: {  	[sflag:s30] =	ssyncset.done $0x0  }
0x114: {  	s10 =	sadd.s32 $0x197C0, s9;
	[sflag:s30] =	ssyncadd.s32 $0xFFFFE000  }
0x115: {  	[spmem:s1] =	stream.indirect.scatter.add.f32 [tilespmem:s28], [sflag:$0x3], $0x20, s10, s31, $0xb8;
	[tilespmem:$0x1F100] =	vst v63  }
0x116: {  	s10 =	sor.u32 $0x19840, s9  }
0x117: {  	[spmem:s1] =	stream.indirect.scatter.add.f32 [tilespmem:s0], [sflag:$0x3], $0x20, s10, s31, $0xb8;
	[tilespmem:$0x1F100] =	vst v63  }
0x118: {  	_ =	swait.ge [sflag:s19], $0x1000  }
0x119: {  	[sflag:s19] =	ssyncset.done $0x0  }
0x11a: {  	[sflag:s19] =	ssyncadd.s32 $0xFFFFF000  }
0x11b: {  	_ =	swait.ge [sflag:s19], $0x1000  }
0x11c: {  	[sflag:s19] =	ssyncset.done $0x0  }
0x11d: {  	s10 =	sadd.s32 $0x18BC0, s9;
	[sflag:s19] =	ssyncadd.s32 $0xFFFFF000  }
0x11e: {  	[tilespmem:s28], [sflag:$0x1] =	stream.indirect.gather [hbm4b:s6+s26], $0x20, s10, s26, $0xb8;
	[tilespmem:$0x1F100] =	vst v63  }
0x11f: {  	_ =	swait.ge [sflag:s16], $0x2000  }
0x120: {  	[sflag:s16] =	ssyncset.done $0x0  }
0x121: {  	s10 =	sor.u32 $0x198C0, s9;
	[sflag:s16] =	ssyncadd.s32 $0xFFFFE000  }
0x122: {  	[spmem:s1] =	stream.indirect.scatter.add.f32 [tilespmem:s29], [sflag:$0x4], $0x20, s10, s31, $0xb8;
	[tilespmem:$0x1F100] =	vst v63  }
0x123: {  	s10 =	sadd.s32 $0x19940, s9  }
0x124: {  	[spmem:s1] =	stream.indirect.scatter.add.f32 [tilespmem:s17], [sflag:$0x4], $0x20, s10, s31, $0xb8;
	[tilespmem:$0x1F100] =	vst v63  }
0x125: {  	_ =	swait.ge [sflag:s2], $0x1000  }
0x126: {  	[sflag:s2] =	ssyncset.done $0x0  }
0x127: {  	[sflag:s2] =	ssyncadd.s32 $0xFFFFF000  }
0x128: {  	_ =	swait.ge [sflag:s2], $0x1000  }
0x129: {  	[sflag:s2] =	ssyncset.done $0x0  }
0x12a: {  	s10 =	sadd.s32 $0x18CC0, s9;
	[sflag:s2] =	ssyncadd.s32 $0xFFFFF000  }
0x12b: {  	[tilespmem:s29], [sflag:$0x2] =	stream.indirect.gather [hbm4b:s6+s26], $0x20, s10, s26, $0xb8;
	[tilespmem:$0x1F100] =	vst v63  }
0x12c: {  	_ =	swait.ge [sflag:s30], $0x2000  }
0x12d: {  	[sflag:s30] =	ssyncset.done $0x0  }
0x12e: {  	s10 =	sadd.s32 $0x199C0, s9;
	[sflag:s30] =	ssyncadd.s32 $0xFFFFE000  }
0x12f: {  	[spmem:s1] =	stream.indirect.scatter.add.f32 [tilespmem:s28], [sflag:$0x3], $0x20, s10, s31, $0xb8;
	[tilespmem:$0x1F100] =	vst v63  }
0x130: {  	s10 =	sadd.s32 $0x19A40, s9  }
0x131: {  	[spmem:s1] =	stream.indirect.scatter.add.f32 [tilespmem:s0], [sflag:$0x3], $0x20, s10, s31, $0xb8;
	[tilespmem:$0x1F100] =	vst v63  }
0x132: {  	_ =	swait.ge [sflag:s19], $0x1000  }
0x133: {  	[sflag:s19] =	ssyncset.done $0x0  }
0x134: {  	[sflag:s19] =	ssyncadd.s32 $0xFFFFF000  }
0x135: {  	_ =	swait.ge [sflag:s19], $0x1000  }
0x136: {  	[sflag:s19] =	ssyncset.done $0x0  }
0x137: {  	s10 =	sadd.s32 $0x18DC0, s9;
	[sflag:s19] =	ssyncadd.s32 $0xFFFFF000  }
0x138: {  	[tilespmem:s28], [sflag:$0x1] =	stream.indirect.gather [hbm4b:s6+s26], $0x20, s10, s26, $0xb8;
	[tilespmem:$0x1F100] =	vst v63  }
0x139: {  	_ =	swait.ge [sflag:s16], $0x2000  }
0x13a: {  	[sflag:s16] =	ssyncset.done $0x0  }
0x13b: {  	s10 =	sadd.s32 $0x19AC0, s9;
	[sflag:s16] =	ssyncadd.s32 $0xFFFFE000  }
0x13c: {  	[spmem:s1] =	stream.indirect.scatter.add.f32 [tilespmem:s29], [sflag:$0x4], $0x20, s10, s31, $0xb8;
	[tilespmem:$0x1F100] =	vst v63  }
0x13d: {  	s10 =	sadd.s32 $0x19B40, s9  }
0x13e: {  	[spmem:s1] =	stream.indirect.scatter.add.f32 [tilespmem:s17], [sflag:$0x4], $0x20, s10, s31, $0xb8;
	[tilespmem:$0x1F100] =	vst v63  }
0x13f: {  	_ =	swait.ge [sflag:s2], $0x1000  }
0x140: {  	[sflag:s2] =	ssyncset.done $0x0  }
0x141: {  	[sflag:s2] =	ssyncadd.s32 $0xFFFFF000  }
0x142: {  	_ =	swait.ge [sflag:s2], $0x1000  }
0x143: {  	[sflag:s2] =	ssyncset.done $0x0  }
0x144: {  	s10 =	sadd.s32 $0x18EC0, s9;
	[sflag:s2] =	ssyncadd.s32 $0xFFFFF000  }
0x145: {  	[tilespmem:s29], [sflag:$0x2] =	stream.indirect.gather [hbm4b:s6+s26], $0x20, s10, s26, $0xb8;
	[tilespmem:$0x1F100] =	vst v63  }
0x146: {  	_ =	swait.ge [sflag:s30], $0x2000  }
0x147: {  	[sflag:s30] =	ssyncset.done $0x0  }
0x148: {  	s10 =	sadd.s32 $0x19BC0, s9;
	[sflag:s30] =	ssyncadd.s32 $0xFFFFE000  }
0x149: {  	[spmem:s1] =	stream.indirect.scatter.add.f32 [tilespmem:s28], [sflag:$0x3], $0x20, s10, s31, $0xb8;
	[tilespmem:$0x1F100] =	vst v63  }
0x14a: {  	s10 =	sadd.s32 $0x19C40, s9  }
0x14b: {  	[spmem:s1] =	stream.indirect.scatter.add.f32 [tilespmem:s0], [sflag:$0x3], $0x20, s10, s31, $0xb8;
	[tilespmem:$0x1F100] =	vst v63  }
0x14c: {  	_ =	swait.ge [sflag:s19], $0x1000  }
0x14d: {  	[sflag:s19] =	ssyncset.done $0x0  }
0x14e: {  	[sflag:s19] =	ssyncadd.s32 $0xFFFFF000  }
0x14f: {  	_ =	swait.ge [sflag:s19], $0x1000  }
0x150: {  	[sflag:s19] =	ssyncset.done $0x0  }
0x151: {  	s10 =	sadd.s32 $0x18FC0, s9;
	[sflag:s19] =	ssyncadd.s32 $0xFFFFF000  }
0x152: {  	[tilespmem:s28], [sflag:$0x1] =	stream.indirect.gather [hbm4b:s6+s26], $0x20, s10, s26, $0xb8;
	[tilespmem:$0x1F100] =	vst v63  }
0x153: {  	_ =	swait.ge [sflag:s16], $0x2000  }
0x154: {  	[sflag:s16] =	ssyncset.done $0x0  }
0x155: {  	s10 =	sadd.s32 $0x19CC0, s9;
	[sflag:s16] =	ssyncadd.s32 $0xFFFFE000  }
0x156: {  	[spmem:s1] =	stream.indirect.scatter.add.f32 [tilespmem:s29], [sflag:$0x4], $0x20, s10, s31, $0xb8;
	[tilespmem:$0x1F100] =	vst v63  }
0x157: {  	s10 =	sadd.s32 $0x19D40, s9  }
0x158: {  	[spmem:s1] =	stream.indirect.scatter.add.f32 [tilespmem:s17], [sflag:$0x4], $0x20, s10, s31, $0xb8;
	[tilespmem:$0x1F100] =	vst v63  }
0x159: {  	_ =	swait.ge [sflag:s30], $0x2000  }
0x15a: {  	[sflag:s30] =	ssyncset.done $0x0  }
0x15b: {  	s10 =	sadd.s32 $0x19DC0, s9;
	[sflag:s30] =	ssyncadd.s32 $0xFFFFE000  }
0x15c: {  	[spmem:s1] =	stream.indirect.scatter.add.f32 [tilespmem:s28], [sflag:$0x3], $0x20, s10, s31, $0xb8;
	[tilespmem:$0x1F100] =	vst v63  }
0x15d: {  	s9 =	sadd.s32 $0x19E40, s9  }
0x15e: {  	[spmem:s1] =	stream.indirect.scatter.add.f32 [tilespmem:s0], [sflag:$0x3], $0x20, s9, s31, $0xb8;
	[tilespmem:$0x1F100] =	vst v63  }
0x15f: {  	_ =	swait.ge [sflag:s2], $0x1000  }
0x160: {  	[sflag:s2] =	ssyncset.done $0x0  }
0x161: {  	[sflag:s2] =	ssyncadd.s32 $0xFFFFF000  }
0x162: {  	_ =	swait.ge [sflag:s2], $0x1000  }
0x163: {  	[sflag:s2] =	ssyncset.done $0x0  }
0x164: {  	[sflag:s2] =	ssyncadd.s32 $0xFFFFF000  }
.Ltmp2:
0x165: {  	_ =	swait.ge [sflag:s19], $0x1000;
	(pc) =	sbr.rel @p0 .LBB2_6-.Ltmp2, $4  }
0x166: {  	[sflag:s19] =	ssyncset.done $0x0  }
0x167: {  	[sflag:s19] =	ssyncadd.s32 $0xFFFFF000  }
0x168: {  	_ =	swait.ge [sflag:s19], $0x1000  }
0x169: {  	s7 =	sadd.s32 $0xE0, s7;
	[sflag:s19] =	ssyncset.done $0x0  }
0x16a: {  	[sflag:s19] =	ssyncadd.s32 $0xFFFFF000;
	s5 =	stileid.u32  }
0x16b: {  	s5 =	sshll.u32 s5, $0x6;
	[bflag:$0x0] =	sbarrier.arrive $0xFFFF  }
0x16c: {  	s5 =	sor.u32 $0x1C06, s5;
	s7 =	rddreg [dreg:$0x5]  }
0x16d: {  	[hbm:s7], [sflag:s5] =	dma.local [spmem:s21], $0x9C4  }
0x16e: {  	_ =	swait.ge [sflag:s3], $0x9C4  }
0x16f: {  	[sflag:s3] =	ssyncset.done $0x0  }
0x170: {  	s9 =	rddreg [dreg:$0x7];
	[sflag:s3] =	ssyncadd.s32 $0xFFFFF63C  }
0x171: {  	[hbm:s9], [sflag:s5] =	dma.local [spmem:s22], $0x9C4  }
0x172: {  	_ =	swait.ge [sflag:s3], $0x9C4  }
0x173: {  	[sflag:s3] =	ssyncset.done $0x0  }
0x174: {  	s10 =	rddreg [dreg:$0x8];
	[sflag:s3] =	ssyncadd.s32 $0xFFFFF63C  }
0x175: {  	[hbm:s10], [sflag:s5] =	dma.local [spmem:s23], $0x9C4  }
0x176: {  	_ =	swait.ge [sflag:s3], $0x9C4  }
0x177: {  	[sflag:s3] =	ssyncset.done $0x0  }
0x178: {  	s11 =	rddreg [dreg:$0x9];
	[sflag:s3] =	ssyncadd.s32 $0xFFFFF63C  }
0x179: {  	[hbm:s11], [sflag:s5] =	dma.local [spmem:s24], $0x9C4  }
0x17a: {  	_ =	swait.ge [sflag:s3], $0x9C4  }
0x17b: {  	[sflag:s3] =	ssyncset.done $0x0  }
0x17c: {  	s12 =	rddreg [dreg:$0xa];
	[sflag:s3] =	ssyncadd.s32 $0xFFFFF63C  }
0x17d: {  	[hbm:s12], [sflag:s5] =	dma.local [spmem:s25], $0x9C4  }
0x17e: {  	_ =	swait.ge [sflag:s3], $0x9C4  }
0x17f: {  	s4 =	sadd.s32 $0x1, s4;
	s14 =	rddreg [dreg:$0x6]  }
0x180: {  	p0 =	sne.s32 s4, s14  }
.Ltmp3:
0x181: {  	_ = 	snop;
	(pc) =	sbr.rel @p0 .LBB2_1-.Ltmp3, $3  }
0x182: {  	_ =	sdelay $0x1  }
0x183: {  	[sflag:s3] =	ssyncset.done $0x0  }
0x184: {  	[sflag:s3] =	ssyncadd.s32 $0xFFFFF63C  }
0x185: {  	_ =	sfence.sel $0x180000  }
0x186: {  	[bflag:$0x0] =	sbarrier.arrive $0xFFFF  }
0x187: {  	_ =	strace $0x9000004D  }
0x188: {  	s0 =	stileid.u32;
	[bflag:$0x2] =	sbarrier.arrive $0xFFFF  }
0x189: {  	p0 =	sne.s32 s0, $0x0;
	s0 =	rddreg [dreg:$0x2]  }
0x18a: {  	s0 =	sadd.s32 @!p0 $0x100000, s0  }
0x18b: {  	[sflag:s0] =	ssyncadd.tile.s32 @!p0 $0x1;
	_ =	shalt  }
.Lfunc_end2:
_tile_overlayer_lowered:
.L_overlay_start_2:
0x18c: {  	(tag) =	ssettag $0x2  }
0x18d: {  	s0 =	rddreg [dreg:$0x0];
	s2 =	stileid.u32  }
0x18e: {  	s1 =	rddreg [dreg:$0x1];
	p0 =	sne.s32 s2, $0x0  }
0x18f: {  	s3 =	rddreg [dreg:$0x2];
	[bflag:$0x3] =	sbarrier.arrive $0xFFFF;
	s2 =	simm.s32 @!p0 $0x1C06  }
0x190: {  	[timem:s3], [sflag:s2] =	dma.local @!p0 [hbm:s0], s1  }
0x191: {  	s0 =	simm.s32 @!p0 $0x6  }
0x192: {  	_ =	swait.ge @!p0 [sflag:s0], s1  }
0x193: {  	s1 =	ssub.s32 @!p0 $0x0, s1;
	[sflag:s0] =	ssyncset.done @!p0 $0x0  }
0x194: {  	[sflag:s0] =	ssyncadd.s32 @!p0 s1  }
0x195: {  	[bflag:$0x3] =	sbarrier.arrive $0xFFFF  }
0x196: {  	_ =	shalt  }

// kernel: kernel.9.cloned.1.call-start
scs
__scs_entry_jumppad:
0x0: {  	(pc) =	sbr.rel $0x88, $3  }
0x1: {  	(tag) =	ssettag $0x0;
	lr =	simm.s32 $0x1  }
0x2: {  	[smem:$0x3F8A] =	sst lr;
	_ =	strace $0xD0000000  }
0x3: {  	_ = 	snop  }
0x4: {  	_ = 	snop  }
0x5: {  	_ = 	snop  }
0x6: {  	_ = 	snop  }
0x7: {  	_ = 	snop  }
__scs_overlays_trampoline_lowered:
0x8: {  	[smem:$0x3F99] =	sst s0  }
0x9: {  	[smem:$0x3F9A] =	sst s1  }
0xa: {  	[smem:$0x3F9B] =	sst s2  }
0xb: {  	[smem:$0x3F9C] =	sst s3  }
0xc: {  	[smem:$0x3F9D] =	sst s4  }
0xd: {  	[smem:$0x3F9E] =	sst s5  }
0xe: {  	[smem:$0x3F9F] =	sst s6  }
0xf: {  	[smem:$0x3FA0] =	sst s7  }
0x10: {  	[smem:$0x3FA1] =	sst s8  }
0x11: {  	[smem:$0x3FA2] =	sst s9;
	s0 =	simm.s32 @!p0 $0x0  }
0x12: {  	s1 =	sld [smem:$0x3F88];
	s0 =	simm.s32 @p0 $0x1  }
0x13: {  	[smem:$0x3FA3] =	sst s0;
	s0 =	simm.s32 @!p1 $0x0  }
0x14: {  	s2 =	sld [smem:$0x3F87];
	s0 =	simm.s32 @p1 $0x1  }
0x15: {  	[smem:$0x3FA4] =	sst s0;
	s0 =	simm.s32 @!p2 $0x0  }
0x16: {  	s3 =	sld [smem:$0x3FDB];
	s0 =	simm.s32 @p2 $0x1  }
0x17: {  	s4 =	simm.s32 $0x1BF5;
	[smem:$0x3FA6] =	sst s0  }
0x18: {  	s0 =	sld [smem:$0x3F89];
	_ =	swait.ge [sflag:s4], $0x0  }
0x19: {  	s7 =	sld [smem:$0x3F8A]  }
0x1a: {  	s8 =	sadd.s32 $0xFFFFE003, lr  }
0x1b: {  	s9 =	sadd.s32 $0xFFFFFEF7, lr;
	s5 =	simm.s32 $0xFFFFFFFF;
	p2 =	slt.u32 s8, $0xFFFFF086  }
0x1c: {  	p1 =	slt.u32 s9, $0xF7A;
	s5 =	simm.s32 @!p2 $0x0  }
0x1d: {  	s5 =	simm.s32 @p1 $0x1;
	p0 =	seq.s32 s7, s2  }
0x1e: {  	s7 =	smul.u32 @!p0 $0xF7A, s2;
	p2 =	seq.s32 @!p0 s5, $0x0  }
0x1f: {  	s9 =	smul.u32 $0xF7A, s1;
	s8 =	simm.s32 @!p0 $0x1BF5;
	p2 =	por !p2, p0  }
0x20: {  	[sflag:s8] =	ssyncset.s32 @!p0 $0xFFFFF086;
	s6 =	sadd.s32 @!p0 s3, s7;
	s7 =	simm.s32 @!p0 $0x108  }
0x21: {  	s3 =	sadd.s32 s3, s9;
	s6 =	sadd.s32 @!p0 $0x88, s6;
	s7 =	simm.s32 @p2 $0x1082  }
0x22: {  	[simem:s7], [sflag:s8] =	dma.local @!p0 [hbm:s6], $0xF7A  }
0x23: {  	s9 =	sor.u32 $0xD0000000, s2;
	s6 =	simm.s32 $0x108;
	_ =	swait.ge @!p0 [sflag:s8], $0x0  }
0x24: {  	s3 =	sadd.s32 $0x88, s3;
	s6 =	simm.s32 @!p1 $0x1082;
	[sflag:s4] =	ssyncset.s32 $0xFFFFF086  }
0x25: {  	[simem:s6], [sflag:s4] =	dma.local [hbm:s3], $0xF7A  }
0x26: {  	[smem:$0x3F8A] =	sst s1;
	(tag) =	ssettag s2;
	_ =	strace s9  }
0x27: {  	s1 =	sld [smem:$0x3F9A]  }
0x28: {  	s2 =	sld [smem:$0x3F9B]  }
0x29: {  	s4 =	sld [smem:$0x3F9D]  }
0x2a: {  	p0 =	seq.s32 s5, $0x0;
	s5 =	sld [smem:$0x3F9E]  }
0x2b: {  	s6 =	sld [smem:$0x3F9F]  }
0x2c: {  	s7 =	sld [smem:$0x3FA0]  }
0x2d: {  	s3 =	simm.s32 $0x108;
	s8 =	sld [smem:$0x3FA1]  }
0x2e: {  	s3 =	simm.s32 @!p0 $0x1082;
	s9 =	sld [smem:$0x3FA2]  }
0x2f: {  	lr =	sadd.s32 s0, s3;
	s0 =	sld [smem:$0x3F99]  }
0x30: {  	s3 =	sld [smem:$0x3F9C]  }
0x31: {  	[smem:$0x3FA5] =	sst s10  }
0x32: {  	s10 =	sld [smem:$0x3FA3];
	_ =	sdelay $0x3  }
0x33: {  	p0 =	seq.s32 s10, $0x1;
	s10 =	sld [smem:$0x3FA5];
	_ =	sdelay $0x3  }
0x34: {  	[smem:$0x3FA5] =	sst s10  }
0x35: {  	s10 =	sld [smem:$0x3FA4];
	_ =	sdelay $0x3  }
0x36: {  	p1 =	seq.s32 s10, $0x1;
	s10 =	sld [smem:$0x3FA5];
	_ =	sdelay $0x3  }
0x37: {  	[smem:$0x3FA5] =	sst s10  }
0x38: {  	s10 =	sld [smem:$0x3FA6]  }
0x39: {  	_ = 	snop;
	(pc) =	sbr.ind lr, $3  }
0x3a: {  	_ = 	snop  }
0x3b: {  	_ = 	snop  }
0x3c: {  	p2 =	seq.s32 s10, $0x1;
	s10 =	sld [smem:$0x3FA5]  }
0x3d: {  	_ =	shalt  }
0x3e: {  	_ =	shalt  }
0x3f: {  	_ =	shalt  }
0x40: {  	_ =	shalt  }
0x41: {  	_ =	shalt  }
0x42: {  	_ =	shalt  }
0x43: {  	_ =	shalt  }
0x44: {  	_ =	shalt  }
0x45: {  	_ =	shalt  }
0x46: {  	_ =	shalt  }
0x47: {  	_ =	shalt  }
0x48: {  	_ =	shalt  }
0x49: {  	_ =	shalt  }
0x4a: {  	_ =	shalt  }
0x4b: {  	_ =	shalt  }
0x4c: {  	_ =	shalt  }
0x4d: {  	_ =	shalt  }
0x4e: {  	_ =	shalt  }
0x4f: {  	_ =	shalt  }
0x50: {  	_ =	shalt  }
0x51: {  	_ =	shalt  }
0x52: {  	_ =	shalt  }
0x53: {  	_ =	shalt  }
0x54: {  	_ =	shalt  }
0x55: {  	_ =	shalt  }
0x56: {  	_ =	shalt  }
0x57: {  	_ =	shalt  }
0x58: {  	_ =	shalt  }
0x59: {  	_ =	shalt  }
0x5a: {  	_ =	shalt  }
0x5b: {  	_ =	shalt  }
0x5c: {  	_ =	shalt  }
0x5d: {  	_ =	shalt  }
0x5e: {  	_ =	shalt  }
0x5f: {  	_ =	shalt  }
0x60: {  	_ =	shalt  }
0x61: {  	_ =	shalt  }
0x62: {  	_ =	shalt  }
0x63: {  	_ =	shalt  }
0x64: {  	_ =	shalt  }
0x65: {  	_ =	shalt  }
0x66: {  	_ =	shalt  }
0x67: {  	_ =	shalt  }
0x68: {  	_ =	shalt  }
0x69: {  	_ =	shalt  }
0x6a: {  	_ =	shalt  }
0x6b: {  	_ =	shalt  }
0x6c: {  	_ =	shalt  }
0x6d: {  	_ =	shalt  }
0x6e: {  	_ =	shalt  }
0x6f: {  	_ =	shalt  }
0x70: {  	_ =	shalt  }
0x71: {  	_ =	shalt  }
0x72: {  	_ =	shalt  }
0x73: {  	_ =	shalt  }
0x74: {  	_ =	shalt  }
0x75: {  	_ =	shalt  }
0x76: {  	_ =	shalt  }
0x77: {  	_ =	shalt  }
0x78: {  	_ =	shalt  }
0x79: {  	_ =	shalt  }
0x7a: {  	_ =	shalt  }
0x7b: {  	_ =	shalt  }
0x7c: {  	_ =	shalt  }
0x7d: {  	_ =	shalt  }
0x7e: {  	_ =	shalt  }
0x7f: {  	_ =	shalt  }
0x80: {  	_ =	shalt  }
0x81: {  	_ =	shalt  }
0x82: {  	_ =	shalt  }
0x83: {  	_ =	shalt  }
0x84: {  	_ =	shalt  }
0x85: {  	_ =	shalt  }
0x86: {  	_ =	shalt  }
0x87: {  	_ =	shalt  }
.Lfunc_end0:
.L_simem_size_0:
called_computation_lowered:
.L_overlay_start_0:
0x88: {  	s2 =	sld [smem:$0x3FD9]  }
0x89: {  	s3 =	sld [smem:$0x3FFE];
	_ =	sdelay $0x1  }
0x8a: {  	s1 =	srdreg.scid  }
0x8b: {  	s0 =	sand.u32 $0x1, s1  }
0x8c: {  	s16 =	sshll.u32 s0, $0xA;
	s2 =	sadd.s32 s3, s2  }
0x8d: {  	s2 =	sadd.s32 s2, s16  }
0x8e: {  	[smem:$0x3FB1] =	sst s2  }
0x8f: {  	_ = 	snop  }
0x90: {  	(tm) =	ssettm $0x1  }
0x91: {  	s17 =	sld [smem:$0x3FFB];
	_ =	sdelay $0x3  }
0x92: {  	_ =	strace s17  }
0x93: {  	s2 =	sld [smem:$0x3FFC];
	_ =	sdelay $0x3  }
0x94: {  	_ =	strace s2  }
0x95: {  	s2 =	sld [smem:$0x3FFD];
	_ =	sdelay $0x3  }
0x96: {  	_ =	strace s2  }
0x97: {  	_ =	strace $0x8FFFFFFF  }
0x98: {  	s18 =	sld [smem:$0x3FDB];
	_ =	sdelay $0x1  }
0x99: {  	s19 =	simm.s32 $_scs_section_size  }
0x9a: {  	s4 =	simm.s32 $_size__tile_overlayer_lowered;
	s5 =	simm.s32 $_tile_overlayer_lowered  }
0x9b: {  	s22 =	simm.s32 $0x1BFF;
	s21 =	sshll.u32 s5, $0x1;
	s2 =	sadd.s32 s19, s18  }
0x9c: {  	s6 =	simm.s32 $0x0;
	s20 =	sshll.u32 s4, $0x1;
	s4 =	sadd.s32 s21, s2  }
0x9d: {  	[timem:s6], [sflag:s22] =	dma.local [hbm:s4], s20  }
0x9e: {  	_ =	swait.ge [sflag:s22], s20  }
0x9f: {  	s3 =	ssub.s32 $0x0, s20;
	[sflag:s22] =	ssyncset.done $0x0  }
0xa0: {  	[sflag:s22] =	ssyncadd.s32 s3;
	_ =	sdelay $0x1  }
0xa1: {  	s23 =	simm.s32 $0x1B8B  }
0xa2: {  	_ =	swait.ge [sflag:s23], $0x1  }
0xa3: {  	[sflag:s23] =	ssyncset.done $0x0  }
0xa4: {  	s25 =	simm.s32 $0x1B8E;
	s24 =	sld [smem:$0x3FFE];
	[sflag:s23] =	ssyncadd.s32 $0xFFFFFFFF  }
0xa5: {  	s26 =	simm.s32 $execute0_lowered;
	[smem:$0x3FD2] =	sst s25  }
0xa6: {  	s4 =	sshll.u32 s26, $0x1;
	_ =	strace $0x80000046;
	[dreg:$0x1] =	wrdreg $0xFFFFFFFF  }
0xa7: {  	s28 =	simm.s32 $_size_execute0_lowered;
	s2 =	sadd.s32 s2, s4;
	[dreg:$0x0] =	wrdreg $0x0  }
0xa8: {  	s4 =	sshll.u32 s28, $0x1;
	[dreg:$0x2] =	wrdreg s2  }
0xa9: {  	[dreg:$0x3] =	wrdreg s4  }
0xaa: {  	[dreg:$0x4] =	wrdreg $0xC0  }
0xab: {  	_ =	task [dreg:s6], $0x5FFFF  }
0xac: {  	[dreg:$0x1] =	wrdreg $0xFFFFFFFF  }
0xad: {  	[dreg:$0x0] =	wrdreg $0x60  }
0xae: {  	[dreg:$0x2] =	wrdreg s24  }
0xaf: {  	[dreg:$0x3] =	wrdreg $0x0  }
0xb0: {  	[dreg:$0x4] =	wrdreg $0x9  }
0xb1: {  	_ =	task.clear_ibuf [dreg:s6], $0x5FFFF;
	_ =	strace $0x90000046  }
0xb2: {  	s29 =	simm.s32 $0x9;
	_ =	strace $0x80000048  }
0xb3: {  	_ =	swait.ge [sflag:s29], $0x1  }
0xb4: {  	[sflag:s29] =	ssyncadd.s32 $0xFFFFFFFF  }
0xb5: {  	_ =	strace $0x90000048  }
0xb6: {  	_ =	sfence  }
0xb7: {  	s30 =	sld [smem:$0x0];
	_ =	sdelay $0x2  }
0xb8: {  	s31 =	sshll.u32 s1, $0xD;
	s1 =	sshrl.u32 s1, $0x2  }
0xb9: {  	s3 =	sand.u32 $0x4000, s31;
	s1 =	sadd.s32 s1, s30  }
0xba: {  	s0 =	sor.u32 s3, s0;
	s1 =	sshll.u32 s1, $0x11  }
0xbb: {  	s0 =	sor.u32 s1, s0  }
0xbc: {  	s0 =	sadd.s32 $0x8F2B, s0  }
0xbd: {  	[sflag:s0] =	ssyncadd.remote.s32 $0x1  }
0xbe: {  	_ =	sfence.sel $0xFFFF  }
0xbf: {  	[dreg:$0x0] =	wrdreg $0xFFFFFFFF;
	(pc) =	sbr.abs _section_cstart, $3  }
0xc0: {  	[dreg:$0x1] =	wrdreg $0xFFFFFFFF  }
0xc1: {  	_ =	task.clear_ibuf [dreg:s6], $0x2FFFF;
	_ =	strace $0x9FFFFFFF  }
0xc2: {  	(tm) =	ssettm $0x7FFFFFFF  }
0xc3: {  	_ =	shalt  }
tec
execute0_lowered:
.L_overlay_start_1:
0x0: {  	(tag) =	ssettag $0x1  }
0x1: {  	s1 =	rddreg [dreg:$0x0]  }
0x2: {  	s0 =	srdreg.scid;
	s2 =	rddreg [dreg:$0x1]  }
0x3: {  	s15 =	stileid.u32;
	s4 =	simm.s32 $0x0;
	s28 =	simm.s32 $0x100  }
0x4: {  	s29 =	simm.s32 $0xE0E0;
	s30 =	simm.s32 $0xF0E0;
	s9 =	smul.u32 $0x5, s15  }
0x5: {  	s31 =	simm.s32 $0x1;
	s0 =	sand.u32 $0x1, s0;
	s11 =	smul.u32 $0xC350, s15  }
0x6: {  	[smem:$0x7FF] =	sst s4;
	s4 =	sadd.s32 $0x3000, s1;
	s25 =	smul.u32 $0x30D40, s15  }
0x7: {  	s5 =	sadd.s32 $0x34000, s1;
	s6 =	sadd.s32 $0x1B800, s1;
	s23 =	smul.u32 $0x31380, s15  }
0x8: {  	s1 =	sadd.s32 $0x4C800, s1;
	s3 =	sshll.u32 s0, $0x4;
	s7 =	smul.u32 $0xC3500, s0  }
0x9: {  	_ =	strace $0x80000047;
	s8 =	ssub.s32 $0x2, s0;
	s0 =	smul.u32 $0x62000, s0  }
0xa: {  	s3 =	sor.u32 s15, s3;
	s10 =	sshrl.u32 s8, $0x1;
	s15 =	smul.u32 $0x6200, s15  }
0xb: {  	s9 =	sadd.s32 $0x1, s9;
	s17 =	sshrl.u32 s25, $0x2;
	s3 =	smul.u32 $0x6200, s3  }
0xc: {  	s19 =	sadd.s32 $0x13880, s25;
	s8 =	ssub.s32 s8, s10;
	s13 =	smul.u32 $0x2710, s9  }
0xd: {  	s24 =	sadd.s32 s7, s11;
	s16 =	smul.u32 $0x9C40, s9;
	s21 =	sshrl.u32 s19, $0x2  }
0xe: {  	s19 =	simm.s32 $0x100E0;
	s26 =	sshrl.u32 s24, $0x3;
	s8 =	smax.u32 s8, $0x1  }
0xf: {  	s18 =	sadd.s32 $0x4E20, s24;
	s20 =	sadd.s32 $0x7530, s24;
	s10 =	sadd.s32 $0x9C40, s24  }
0x10: {  	s24 =	sadd.s32 $0x27100, s25;
	s0 =	sadd.s32 s15, s0;
	s3 =	sshrl.u32 s3, $0x3  }
0x11: {  	s14 =	sadd.s32 s1, s26;
	[dreg:$0x6] =	wrdreg s8;
	s7 =	sadd.s32 s7, s13  }
0x12: {  	s8 =	sadd.s32 s17, s2;
	s22 =	sshrl.u32 s20, $0x3;
	s10 =	sshrl.u32 s10, $0x3  }
0x13: {  	s20 =	simm.s32 $0x3;
	s17 =	simm.s32 $0xE8E0;
	s12 =	sadd.s32 s5, s3  }
0x14: {  	s3 =	sadd.s32 s6, s3;
	[dreg:$0x5] =	wrdreg s14;
	s7 =	sshrl.u32 s7, $0x3  }
0x15: {  	s9 =	sadd.s32 s1, s22;
	s14 =	sadd.s32 $0x1D4C0, s25;
	[dreg:$0x3] =	wrdreg s12  }
0x16: {  	s25 =	sshrl.u32 s8, $0x3;
	s8 =	simm.s32 $0x0;
	[dreg:$0x4] =	wrdreg s3  }
0x17: {  	s3 =	sshrl.u32 s16, $0x2;
	s7 =	sadd.s32 s1, s7;
	[dreg:$0x9] =	wrdreg s9  }
0x18: {  	s14 =	sshrl.u32 s14, $0x2;
	s9 =	sshrl.u32 s23, $0x2;
	[dreg:$0xb] =	wrdreg s25  }
0x19: {  	[dreg:$0x7] =	wrdreg s7;
	s3 =	sadd.s32 s3, s2;
	s7 =	sshrl.u32 s18, $0x3  }
0x1a: {  	s16 =	sadd.s32 s14, s2;
	s15 =	sadd.s32 s9, s2;
	s18 =	simm.s32 $0x2  }
0x1b: {  	s7 =	sadd.s32 s1, s7;
	s1 =	sadd.s32 s1, s10;
	s10 =	sadd.s32 $0x700, s0  }
0x1c: {  	s26 =	sshrl.u32 s3, $0x3;
	s0 =	simm.s32 $0x80;
	[dreg:$0x8] =	wrdreg s7  }
0x1d: {  	s3 =	simm.s32 $0x4;
	s7 =	sadd.s32 s21, s2;
	[dreg:$0xa] =	wrdreg s1  }
0x1e: {  	s1 =	sshrl.u32 s24, $0x2;
	[dreg:$0xc] =	wrdreg s26;
	s24 =	sshrl.u32 s16, $0x3  }
0x1f: {  	s26 =	simm.s32 $0x5;
	s1 =	sadd.s32 s1, s2;
	s23 =	sshrl.u32 s7, $0x3  }
0x20: {  	v0 =	vimm.f32 $0.0e+00;
	s7 =	simm.s32 $0x6;
	s25 =	sshrl.u32 s1, $0x3;
	s1 =	simm.s32 $0xF8E0  }
.LBB2_1:
0x21: {  	s9 =	simm.s32 $0x0;
	s11 =	rddreg [dreg:$0x3];
	s12 =	simm.s32 $0xC4E0  }
0x22: {  	[tilespmem:s12], [sflag:$0x5] =	stream.linear.gather [hbm4b:s11+s9], $0x700, $0x38;
	[tilespmem:$0x10680] =	vst v63  }
0x23: {  	s21 =	rddreg [dreg:$0x4];
	s22 =	simm.s32 $0xD2E0  }
0x24: {  	[tilespmem:s22], [sflag:$0x5] =	stream.linear.gather [hbm4b:s21+s9], $0x700, $0x38;
	[tilespmem:$0x10680] =	vst v63  }
0x25: {  	s9 =	simm.s32 $0x0  }
.LBB2_2:
0x26: {  	p0 =	sne.s32 s9, $0x1640  }
.Ltmp0:
0x27: {  	_ = 	snop;
	(pc) =	sbr.rel @p0 .LBB2_2-.Ltmp0, $3  }
0x28: {  	_ =	sdelay $0x1  }
0x29: {  	s11 =	sshra.s32 s9, $0x2  }
0x2a: {  	s9 =	sadd.s32 $0x40, s9;
	[tilespmem:s11+$0x100E0] =	vst v0  }
0x2b: {  	s9 =	simm.s32 $0x1680;
	s11 =	sadd.s32 $0x0, s15  }
.LBB2_4:
0x2c: {  	[spmem:s11] =	stream.linear.scatter [tilespmem:s19], [sflag:$0x3], $0x5A0, $0x38;
	[tilespmem:$0x10680] =	vst v63  }
0x2d: {  	s11 =	smov.u32 s9;
	p0 =	sne.s32 s9, $0x2FD00  }
.Ltmp1:
0x2e: {  	s9 =	sadd.s32 $0x1680, s9;
	(pc) =	sbr.rel @p0 .LBB2_4-.Ltmp1, $3  }
0x2f: {  	_ =	sdelay $0x1  }
0x30: {  	s11 =	sshra.s32 s11, $0x2  }
0x31: {  	s11 =	sadd.s32 s11, s15  }
0x32: {  	[spmem:s11] =	stream.linear.scatter [tilespmem:s19], [sflag:$0x3], $0x5A0, $0x38;
	[tilespmem:$0x10680] =	vst v63  }
0x33: {  	_ =	swait.ge [sflag:s20], $0x5A0  }
0x34: {  	[sflag:s20] =	ssyncset.done $0x0  }
0x35: {  	[sflag:s20] =	ssyncadd.s32 $0xFFFFFA60  }
0x36: {  	_ =	swait.ge [sflag:s20], $0x5A0  }
0x37: {  	[sflag:s20] =	ssyncset.done $0x0  }
0x38: {  	[sflag:s20] =	ssyncadd.s32 $0xFFFFFA60  }
0x39: {  	_ =	swait.ge [sflag:s20], $0x5A0  }
0x3a: {  	[sflag:s20] =	ssyncset.done $0x0  }
0x3b: {  	[sflag:s20] =	ssyncadd.s32 $0xFFFFFA60  }
0x3c: {  	_ =	swait.ge [sflag:s20], $0x5A0  }
0x3d: {  	[sflag:s20] =	ssyncset.done $0x0  }
0x3e: {  	[sflag:s20] =	ssyncadd.s32 $0xFFFFFA60  }
0x3f: {  	_ =	swait.ge [sflag:s20], $0x5A0  }
0x40: {  	[sflag:s20] =	ssyncset.done $0x0  }
0x41: {  	[sflag:s20] =	ssyncadd.s32 $0xFFFFFA60  }
0x42: {  	_ =	swait.ge [sflag:s20], $0x5A0  }
0x43: {  	[sflag:s20] =	ssyncset.done $0x0  }
0x44: {  	[sflag:s20] =	ssyncadd.s32 $0xFFFFFA60  }
0x45: {  	_ =	swait.ge [sflag:s20], $0x5A0  }
0x46: {  	[sflag:s20] =	ssyncset.done $0x0  }
0x47: {  	[sflag:s20] =	ssyncadd.s32 $0xFFFFFA60  }
0x48: {  	_ =	swait.ge [sflag:s20], $0x5A0  }
0x49: {  	[sflag:s20] =	ssyncset.done $0x0  }
0x4a: {  	[sflag:s20] =	ssyncadd.s32 $0xFFFFFA60  }
0x4b: {  	_ =	swait.ge [sflag:s20], $0x5A0  }
0x4c: {  	[sflag:s20] =	ssyncset.done $0x0  }
0x4d: {  	[sflag:s20] =	ssyncadd.s32 $0xFFFFFA60  }
0x4e: {  	_ =	swait.ge [sflag:s20], $0x5A0  }
0x4f: {  	[sflag:s20] =	ssyncset.done $0x0  }
0x50: {  	[sflag:s20] =	ssyncadd.s32 $0xFFFFFA60  }
0x51: {  	_ =	swait.ge [sflag:s20], $0x5A0  }
0x52: {  	[sflag:s20] =	ssyncset.done $0x0  }
0x53: {  	[sflag:s20] =	ssyncadd.s32 $0xFFFFFA60  }
0x54: {  	_ =	swait.ge [sflag:s20], $0x5A0  }
0x55: {  	[sflag:s20] =	ssyncset.done $0x0  }
0x56: {  	[sflag:s20] =	ssyncadd.s32 $0xFFFFFA60  }
0x57: {  	_ =	swait.ge [sflag:s20], $0x5A0  }
0x58: {  	[sflag:s20] =	ssyncset.done $0x0  }
0x59: {  	[sflag:s20] =	ssyncadd.s32 $0xFFFFFA60  }
0x5a: {  	_ =	swait.ge [sflag:s20], $0x5A0  }
0x5b: {  	[sflag:s20] =	ssyncset.done $0x0  }
0x5c: {  	[sflag:s20] =	ssyncadd.s32 $0xFFFFFA60  }
0x5d: {  	_ =	swait.ge [sflag:s20], $0x5A0  }
0x5e: {  	[sflag:s20] =	ssyncset.done $0x0  }
0x5f: {  	[sflag:s20] =	ssyncadd.s32 $0xFFFFFA60  }
0x60: {  	_ =	swait.ge [sflag:s20], $0x5A0  }
0x61: {  	[sflag:s20] =	ssyncset.done $0x0  }
0x62: {  	[sflag:s20] =	ssyncadd.s32 $0xFFFFFA60  }
0x63: {  	_ =	swait.ge [sflag:s20], $0x5A0  }
0x64: {  	[sflag:s20] =	ssyncset.done $0x0  }
0x65: {  	[sflag:s20] =	ssyncadd.s32 $0xFFFFFA60  }
0x66: {  	_ =	swait.ge [sflag:s20], $0x5A0  }
0x67: {  	[sflag:s20] =	ssyncset.done $0x0  }
0x68: {  	[sflag:s20] =	ssyncadd.s32 $0xFFFFFA60  }
0x69: {  	_ =	swait.ge [sflag:s20], $0x5A0  }
0x6a: {  	[sflag:s20] =	ssyncset.done $0x0  }
0x6b: {  	[sflag:s20] =	ssyncadd.s32 $0xFFFFFA60  }
0x6c: {  	_ =	swait.ge [sflag:s20], $0x5A0  }
0x6d: {  	[sflag:s20] =	ssyncset.done $0x0  }
0x6e: {  	[sflag:s20] =	ssyncadd.s32 $0xFFFFFA60  }
0x6f: {  	_ =	swait.ge [sflag:s20], $0x5A0  }
0x70: {  	[sflag:s20] =	ssyncset.done $0x0  }
0x71: {  	[sflag:s20] =	ssyncadd.s32 $0xFFFFFA60  }
0x72: {  	_ =	swait.ge [sflag:s20], $0x5A0  }
0x73: {  	[sflag:s20] =	ssyncset.done $0x0  }
0x74: {  	[sflag:s20] =	ssyncadd.s32 $0xFFFFFA60  }
0x75: {  	_ =	swait.ge [sflag:s20], $0x5A0  }
0x76: {  	[sflag:s20] =	ssyncset.done $0x0  }
0x77: {  	[sflag:s20] =	ssyncadd.s32 $0xFFFFFA60  }
0x78: {  	_ =	swait.ge [sflag:s20], $0x5A0  }
0x79: {  	[sflag:s20] =	ssyncset.done $0x0  }
0x7a: {  	[sflag:s20] =	ssyncadd.s32 $0xFFFFFA60  }
0x7b: {  	_ =	swait.ge [sflag:s20], $0x5A0  }
0x7c: {  	[sflag:s20] =	ssyncset.done $0x0  }
0x7d: {  	[sflag:s20] =	ssyncadd.s32 $0xFFFFFA60  }
0x7e: {  	_ =	swait.ge [sflag:s20], $0x5A0  }
0x7f: {  	[sflag:s20] =	ssyncset.done $0x0  }
0x80: {  	[sflag:s20] =	ssyncadd.s32 $0xFFFFFA60  }
0x81: {  	_ =	swait.ge [sflag:s20], $0x5A0  }
0x82: {  	[sflag:s20] =	ssyncset.done $0x0  }
0x83: {  	[sflag:s20] =	ssyncadd.s32 $0xFFFFFA60  }
0x84: {  	_ =	swait.ge [sflag:s20], $0x5A0  }
0x85: {  	[sflag:s20] =	ssyncset.done $0x0  }
0x86: {  	[sflag:s20] =	ssyncadd.s32 $0xFFFFFA60  }
0x87: {  	_ =	swait.ge [sflag:s20], $0x5A0  }
0x88: {  	[sflag:s20] =	ssyncset.done $0x0  }
0x89: {  	[sflag:s20] =	ssyncadd.s32 $0xFFFFFA60  }
0x8a: {  	_ =	swait.ge [sflag:s20], $0x5A0  }
0x8b: {  	[sflag:s20] =	ssyncset.done $0x0  }
0x8c: {  	[sflag:s20] =	ssyncadd.s32 $0xFFFFFA60  }
0x8d: {  	_ =	swait.ge [sflag:s20], $0x5A0  }
0x8e: {  	[sflag:s20] =	ssyncset.done $0x0  }
0x8f: {  	[sflag:s20] =	ssyncadd.s32 $0xFFFFFA60  }
0x90: {  	_ =	swait.ge [sflag:s20], $0x5A0  }
0x91: {  	[sflag:s20] =	ssyncset.done $0x0  }
0x92: {  	[sflag:s20] =	ssyncadd.s32 $0xFFFFFA60  }
0x93: {  	_ =	swait.ge [sflag:s20], $0x5A0  }
0x94: {  	[sflag:s20] =	ssyncset.done $0x0  }
0x95: {  	[sflag:s20] =	ssyncadd.s32 $0xFFFFFA60  }
0x96: {  	_ =	swait.ge [sflag:s20], $0x5A0  }
0x97: {  	[sflag:s20] =	ssyncset.done $0x0  }
0x98: {  	[sflag:s20] =	ssyncadd.s32 $0xFFFFFA60  }
0x99: {  	_ =	swait.ge [sflag:s20], $0x5A0  }
0x9a: {  	[sflag:s20] =	ssyncset.done $0x0  }
0x9b: {  	[sflag:s20] =	ssyncadd.s32 $0xFFFFFA60  }
0x9c: {  	[bflag:$0x0] =	sbarrier.arrive $0xFFFF  }
0x9d: {  	s9 =	simm.s32 $0x0;
	_ =	swait.ge [sflag:s26], $0x700  }
0x9e: {  	p0 =	por $0x0, $0x0;
	s9 =	sand.u32 $0x1, s9;
	[sflag:s26] =	ssyncset.done $0x0  }
0x9f: {  	s11 =	sxor.u32 @!p0 $0x1, s9;
	[sflag:s26] =	ssyncadd.s32 $0xFFFFF900  }
0xa0: {  	s11 =	smul.u32 @!p0 $0x700, s11;
	_ =	swait.ge [sflag:s26], $0x700  }
0xa1: {  	s16 =	sshrl.u32 @!p0 s10, $0x3;
	s14 =	simm.s32 @!p0 $0x0;
	[sflag:s26] =	ssyncset.done $0x0  }
0xa2: {  	s12 =	sadd.s32 @!p0 s5, s16;
	s13 =	sadd.s32 @!p0 $0xC4E0, s11;
	[sflag:s26] =	ssyncadd.s32 $0xFFFFF900  }
0xa3: {  	[tilespmem:s13], [sflag:$0x5] =	stream.linear.gather @!p0 [hbm4b:s12+s14], $0x700, $0x38;
	[tilespmem:$0x10680] =	vst v63  }
0xa4: {  	s9 =	smul.u32 $0x700, s9;
	s11 =	sadd.s32 @!p0 $0xD2E0, s11;
	s12 =	sadd.s32 @!p0 s6, s16  }
0xa5: {  	[tilespmem:s11], [sflag:$0x5] =	stream.linear.gather @!p0 [hbm4b:s12+s14], $0x700, $0x38;
	[tilespmem:$0x10680] =	vst v63  }
0xa6: {  	s21 =	sadd.s32 $0xC4E0, s9  }
0xa7: {  	[tilespmem:s29], [sflag:$0x1] =	stream.indirect.gather [hbm4b:s4+s28], $0x10, s21, s28, $0xb8;
	[tilespmem:$0x10680] =	vst v63  }
0xa8: {  	s22 =	sadd.s32 $0xC5E0, s9  }
0xa9: {  	[tilespmem:s30], [sflag:$0x2] =	stream.indirect.gather [hbm4b:s4+s28], $0x10, s22, s28, $0xb8;
	[tilespmem:$0x10680] =	vst v63  }
0xaa: {  	_ =	swait.ge [sflag:s31], $0x1000  }
0xab: {  	[sflag:s31] =	ssyncset.done $0x0  }
0xac: {  	s12 =	sadd.s32 $0xD2E0, s9;
	[sflag:s31] =	ssyncadd.s32 $0xFFFFF000  }
0xad: {  	[spmem:s2] =	stream.indirect.scatter.add.f32 [tilespmem:s29], [sflag:$0x3], $0x10, s12, s0, $0xb8;
	[tilespmem:$0x10680] =	vst v63  }
0xae: {  	s13 =	sadd.s32 $0xD360, s9  }
0xaf: {  	[spmem:s2] =	stream.indirect.scatter.add.f32 [tilespmem:s17], [sflag:$0x3], $0x10, s13, s0, $0xb8;
	[tilespmem:$0x10680] =	vst v63  }
0xb0: {  	_ =	swait.ge [sflag:s20], $0x800  }
0xb1: {  	[sflag:s20] =	ssyncset.done $0x0  }
0xb2: {  	[sflag:s20] =	ssyncadd.s32 $0xFFFFF800  }
0xb3: {  	_ =	swait.ge [sflag:s20], $0x800  }
0xb4: {  	[sflag:s20] =	ssyncset.done $0x0  }
0xb5: {  	s14 =	sadd.s32 $0xC6E0, s9;
	[sflag:s20] =	ssyncadd.s32 $0xFFFFF800  }
0xb6: {  	[tilespmem:s29], [sflag:$0x1] =	stream.indirect.gather [hbm4b:s4+s28], $0x10, s14, s28, $0xb8;
	[tilespmem:$0x10680] =	vst v63  }
0xb7: {  	_ =	swait.ge [sflag:s18], $0x1000  }
0xb8: {  	[sflag:s18] =	ssyncset.done $0x0  }
0xb9: {  	s16 =	sadd.s32 $0xD3E0, s9;
	[sflag:s18] =	ssyncadd.s32 $0xFFFFF000  }
0xba: {  	[spmem:s2] =	stream.indirect.scatter.add.f32 [tilespmem:s30], [sflag:$0x4], $0x10, s16, s0, $0xb8;
	[tilespmem:$0x10680] =	vst v63  }
0xbb: {  	s21 =	sadd.s32 $0xD460, s9  }
0xbc: {  	[spmem:s2] =	stream.indirect.scatter.add.f32 [tilespmem:s1], [sflag:$0x4], $0x10, s21, s0, $0xb8;
	[tilespmem:$0x10680] =	vst v63  }
0xbd: {  	_ =	swait.ge [sflag:s3], $0x800  }
0xbe: {  	[sflag:s3] =	ssyncset.done $0x0  }
0xbf: {  	[sflag:s3] =	ssyncadd.s32 $0xFFFFF800  }
0xc0: {  	_ =	swait.ge [sflag:s3], $0x800  }
0xc1: {  	[sflag:s3] =	ssyncset.done $0x0  }
0xc2: {  	s22 =	sadd.s32 $0xC7E0, s9;
	[sflag:s3] =	ssyncadd.s32 $0xFFFFF800  }
0xc3: {  	[tilespmem:s30], [sflag:$0x2] =	stream.indirect.gather [hbm4b:s4+s28], $0x10, s22, s28, $0xb8;
	[tilespmem:$0x10680] =	vst v63  }
0xc4: {  	_ =	swait.ge [sflag:s31], $0x1000  }
0xc5: {  	[sflag:s31] =	ssyncset.done $0x0  }
0xc6: {  	s12 =	sadd.s32 $0xD4E0, s9;
	[sflag:s31] =	ssyncadd.s32 $0xFFFFF000  }
0xc7: {  	[spmem:s2] =	stream.indirect.scatter.add.f32 [tilespmem:s29], [sflag:$0x3], $0x10, s12, s0, $0xb8;
	[tilespmem:$0x10680] =	vst v63  }
0xc8: {  	s13 =	sadd.s32 $0xD560, s9  }
0xc9: {  	[spmem:s2] =	stream.indirect.scatter.add.f32 [tilespmem:s17], [sflag:$0x3], $0x10, s13, s0, $0xb8;
	[tilespmem:$0x10680] =	vst v63  }
0xca: {  	_ =	swait.ge [sflag:s20], $0x800  }
0xcb: {  	[sflag:s20] =	ssyncset.done $0x0  }
0xcc: {  	[sflag:s20] =	ssyncadd.s32 $0xFFFFF800  }
0xcd: {  	_ =	swait.ge [sflag:s20], $0x800  }
0xce: {  	[sflag:s20] =	ssyncset.done $0x0  }
0xcf: {  	s14 =	sor.u32 $0xC8E0, s9;
	[sflag:s20] =	ssyncadd.s32 $0xFFFFF800  }
0xd0: {  	[tilespmem:s29], [sflag:$0x1] =	stream.indirect.gather [hbm4b:s4+s28], $0x10, s14, s28, $0xb8;
	[tilespmem:$0x10680] =	vst v63  }
0xd1: {  	_ =	swait.ge [sflag:s18], $0x1000  }
0xd2: {  	[sflag:s18] =	ssyncset.done $0x0  }
0xd3: {  	s16 =	sadd.s32 $0xD5E0, s9;
	[sflag:s18] =	ssyncadd.s32 $0xFFFFF000  }
0xd4: {  	[spmem:s2] =	stream.indirect.scatter.add.f32 [tilespmem:s30], [sflag:$0x4], $0x10, s16, s0, $0xb8;
	[tilespmem:$0x10680] =	vst v63  }
0xd5: {  	s21 =	sadd.s32 $0xD660, s9  }
0xd6: {  	[spmem:s2] =	stream.indirect.scatter.add.f32 [tilespmem:s1], [sflag:$0x4], $0x10, s21, s0, $0xb8;
	[tilespmem:$0x10680] =	vst v63  }
0xd7: {  	_ =	swait.ge [sflag:s3], $0x800  }
0xd8: {  	[sflag:s3] =	ssyncset.done $0x0  }
0xd9: {  	[sflag:s3] =	ssyncadd.s32 $0xFFFFF800  }
0xda: {  	_ =	swait.ge [sflag:s3], $0x800  }
0xdb: {  	[sflag:s3] =	ssyncset.done $0x0  }
0xdc: {  	s22 =	sadd.s32 $0xC9E0, s9;
	[sflag:s3] =	ssyncadd.s32 $0xFFFFF800  }
0xdd: {  	[tilespmem:s30], [sflag:$0x2] =	stream.indirect.gather [hbm4b:s4+s28], $0x10, s22, s28, $0xb8;
	[tilespmem:$0x10680] =	vst v63  }
0xde: {  	_ =	swait.ge [sflag:s31], $0x1000  }
0xdf: {  	[sflag:s31] =	ssyncset.done $0x0  }
0xe0: {  	s12 =	sadd.s32 $0xD6E0, s9;
	[sflag:s31] =	ssyncadd.s32 $0xFFFFF000  }
0xe1: {  	[spmem:s2] =	stream.indirect.scatter.add.f32 [tilespmem:s29], [sflag:$0x3], $0x10, s12, s0, $0xb8;
	[tilespmem:$0x10680] =	vst v63  }
0xe2: {  	s13 =	sadd.s32 $0xD760, s9  }
0xe3: {  	[spmem:s2] =	stream.indirect.scatter.add.f32 [tilespmem:s17], [sflag:$0x3], $0x10, s13, s0, $0xb8;
	[tilespmem:$0x10680] =	vst v63  }
0xe4: {  	_ =	swait.ge [sflag:s20], $0x800  }
0xe5: {  	[sflag:s20] =	ssyncset.done $0x0  }
0xe6: {  	[sflag:s20] =	ssyncadd.s32 $0xFFFFF800  }
0xe7: {  	_ =	swait.ge [sflag:s20], $0x800  }
0xe8: {  	[sflag:s20] =	ssyncset.done $0x0  }
0xe9: {  	s14 =	sadd.s32 $0xCAE0, s9;
	[sflag:s20] =	ssyncadd.s32 $0xFFFFF800  }
0xea: {  	[tilespmem:s29], [sflag:$0x1] =	stream.indirect.gather [hbm4b:s4+s28], $0x10, s14, s28, $0xb8;
	[tilespmem:$0x10680] =	vst v63  }
0xeb: {  	_ =	swait.ge [sflag:s18], $0x1000  }
0xec: {  	[sflag:s18] =	ssyncset.done $0x0  }
0xed: {  	s16 =	sadd.s32 $0xD7E0, s9;
	[sflag:s18] =	ssyncadd.s32 $0xFFFFF000  }
0xee: {  	[spmem:s2] =	stream.indirect.scatter.add.f32 [tilespmem:s30], [sflag:$0x4], $0x10, s16, s0, $0xb8;
	[tilespmem:$0x10680] =	vst v63  }
0xef: {  	s21 =	sor.u32 $0xD860, s9  }
0xf0: {  	[spmem:s2] =	stream.indirect.scatter.add.f32 [tilespmem:s1], [sflag:$0x4], $0x10, s21, s0, $0xb8;
	[tilespmem:$0x10680] =	vst v63  }
0xf1: {  	_ =	swait.ge [sflag:s31], $0x1000  }
0xf2: {  	[sflag:s31] =	ssyncset.done $0x0  }
0xf3: {  	s22 =	sor.u32 $0xD8E0, s9;
	[sflag:s31] =	ssyncadd.s32 $0xFFFFF000  }
0xf4: {  	[spmem:s2] =	stream.indirect.scatter.add.f32 [tilespmem:s29], [sflag:$0x3], $0x10, s22, s0, $0xb8;
	[tilespmem:$0x10680] =	vst v63  }
0xf5: {  	s9 =	sadd.s32 $0xD960, s9  }
0xf6: {  	[spmem:s2] =	stream.indirect.scatter.add.f32 [tilespmem:s17], [sflag:$0x3], $0x10, s9, s0, $0xb8;
	[tilespmem:$0x10680] =	vst v63  }
0xf7: {  	_ =	swait.ge [sflag:s3], $0x800  }
0xf8: {  	[sflag:s3] =	ssyncset.done $0x0  }
0xf9: {  	[sflag:s3] =	ssyncadd.s32 $0xFFFFF800  }
0xfa: {  	_ =	swait.ge [sflag:s3], $0x800  }
0xfb: {  	[sflag:s3] =	ssyncset.done $0x0  }
0xfc: {  	[sflag:s3] =	ssyncadd.s32 $0xFFFFF800  }
0xfd: {  	_ =	swait.ge [sflag:s20], $0x800  }
0xfe: {  	[sflag:s20] =	ssyncset.done $0x0  }
0xff: {  	[sflag:s20] =	ssyncadd.s32 $0xFFFFF800  }
0x100: {  	_ =	swait.ge [sflag:s20], $0x800  }
0x101: {  	s16 =	smov.u32 s10;
	s9 =	simm.s32 $0x1;
	[sflag:s20] =	ssyncset.done $0x0  }
.LBB2_6:
0x102: {  	[sflag:s20] =	ssyncadd.s32 $0xFFFFF800  }
0x103: {  	s16 =	sadd.s32 $0x700, s16;
	s11 =	smov.u32 s9;
	s9 =	sadd.s32 $0x1, s9  }
0x104: {  	_ =	swait.ge [sflag:s26], $0x700;
	p0 =	sne.s32 s9, $0xE  }
0x105: {  	s12 =	sand.u32 $0x1, s11;
	p1 =	seq.s32 s11, $0xD;
	[sflag:s26] =	ssyncset.done $0x0  }
0x106: {  	s11 =	sxor.u32 @!p1 $0x1, s12;
	s13 =	sshrl.u32 @!p1 s16, $0x3;
	[sflag:s26] =	ssyncadd.s32 $0xFFFFF900  }
0x107: {  	s11 =	smul.u32 @!p1 $0x700, s11;
	s14 =	sadd.s32 @!p1 s5, s13;
	_ =	swait.ge [sflag:s26], $0x700  }
0x108: {  	s13 =	sadd.s32 @!p1 s6, s13;
	[sflag:s26] =	ssyncset.done $0x0  }
0x109: {  	s22 =	simm.s32 @!p1 $0x0;
	s21 =	sadd.s32 @!p1 $0xC4E0, s11;
	[sflag:s26] =	ssyncadd.s32 $0xFFFFF900  }
0x10a: {  	[tilespmem:s21], [sflag:$0x5] =	stream.linear.gather @!p1 [hbm4b:s14+s22], $0x700, $0x38;
	[tilespmem:$0x10680] =	vst v63  }
0x10b: {  	s14 =	sadd.s32 @!p1 $0xD2E0, s11;
	s11 =	smul.u32 $0x700, s12  }
0x10c: {  	[tilespmem:s14], [sflag:$0x5] =	stream.linear.gather @!p1 [hbm4b:s13+s22], $0x700, $0x38;
	[tilespmem:$0x10680] =	vst v63  }
0x10d: {  	s12 =	sadd.s32 $0xC4E0, s11  }
0x10e: {  	[tilespmem:s29], [sflag:$0x1] =	stream.indirect.gather [hbm4b:s4+s28], $0x10, s12, s28, $0xb8;
	[tilespmem:$0x10680] =	vst v63  }
0x10f: {  	s12 =	sadd.s32 $0xC5E0, s11  }
0x110: {  	[tilespmem:s30], [sflag:$0x2] =	stream.indirect.gather [hbm4b:s4+s28], $0x10, s12, s28, $0xb8;
	[tilespmem:$0x10680] =	vst v63  }
0x111: {  	_ =	swait.ge [sflag:s31], $0x1000  }
0x112: {  	[sflag:s31] =	ssyncset.done $0x0  }
0x113: {  	s12 =	sadd.s32 $0xD2E0, s11;
	[sflag:s31] =	ssyncadd.s32 $0xFFFFF000  }
0x114: {  	[spmem:s2] =	stream.indirect.scatter.add.f32 [tilespmem:s29], [sflag:$0x3], $0x10, s12, s0, $0xb8;
	[tilespmem:$0x10680] =	vst v63  }
0x115: {  	s12 =	sadd.s32 $0xD360, s11  }
0x116: {  	[spmem:s2] =	stream.indirect.scatter.add.f32 [tilespmem:s17], [sflag:$0x3], $0x10, s12, s0, $0xb8;
	[tilespmem:$0x10680] =	vst v63  }
0x117: {  	_ =	swait.ge [sflag:s20], $0x800  }
0x118: {  	[sflag:s20] =	ssyncset.done $0x0  }
0x119: {  	[sflag:s20] =	ssyncadd.s32 $0xFFFFF800  }
0x11a: {  	_ =	swait.ge [sflag:s20], $0x800  }
0x11b: {  	[sflag:s20] =	ssyncset.done $0x0  }
0x11c: {  	s12 =	sadd.s32 $0xC6E0, s11;
	[sflag:s20] =	ssyncadd.s32 $0xFFFFF800  }
0x11d: {  	[tilespmem:s29], [sflag:$0x1] =	stream.indirect.gather [hbm4b:s4+s28], $0x10, s12, s28, $0xb8;
	[tilespmem:$0x10680] =	vst v63  }
0x11e: {  	_ =	swait.ge [sflag:s18], $0x1000  }
0x11f: {  	[sflag:s18] =	ssyncset.done $0x0  }
0x120: {  	s12 =	sadd.s32 $0xD3E0, s11;
	[sflag:s18] =	ssyncadd.s32 $0xFFFFF000  }
0x121: {  	[spmem:s2] =	stream.indirect.scatter.add.f32 [tilespmem:s30], [sflag:$0x4], $0x10, s12, s0, $0xb8;
	[tilespmem:$0x10680] =	vst v63  }
0x122: {  	s12 =	sadd.s32 $0xD460, s11  }
0x123: {  	[spmem:s2] =	stream.indirect.scatter.add.f32 [tilespmem:s1], [sflag:$0x4], $0x10, s12, s0, $0xb8;
	[tilespmem:$0x10680] =	vst v63  }
0x124: {  	_ =	swait.ge [sflag:s3], $0x800  }
0x125: {  	[sflag:s3] =	ssyncset.done $0x0  }
0x126: {  	[sflag:s3] =	ssyncadd.s32 $0xFFFFF800  }
0x127: {  	_ =	swait.ge [sflag:s3], $0x800  }
0x128: {  	[sflag:s3] =	ssyncset.done $0x0  }
0x129: {  	s12 =	sadd.s32 $0xC7E0, s11;
	[sflag:s3] =	ssyncadd.s32 $0xFFFFF800  }
0x12a: {  	[tilespmem:s30], [sflag:$0x2] =	stream.indirect.gather [hbm4b:s4+s28], $0x10, s12, s28, $0xb8;
	[tilespmem:$0x10680] =	vst v63  }
0x12b: {  	_ =	swait.ge [sflag:s31], $0x1000  }
0x12c: {  	[sflag:s31] =	ssyncset.done $0x0  }
0x12d: {  	s12 =	sadd.s32 $0xD4E0, s11;
	[sflag:s31] =	ssyncadd.s32 $0xFFFFF000  }
0x12e: {  	[spmem:s2] =	stream.indirect.scatter.add.f32 [tilespmem:s29], [sflag:$0x3], $0x10, s12, s0, $0xb8;
	[tilespmem:$0x10680] =	vst v63  }
0x12f: {  	s12 =	sadd.s32 $0xD560, s11  }
0x130: {  	[spmem:s2] =	stream.indirect.scatter.add.f32 [tilespmem:s17], [sflag:$0x3], $0x10, s12, s0, $0xb8;
	[tilespmem:$0x10680] =	vst v63  }
0x131: {  	_ =	swait.ge [sflag:s20], $0x800  }
0x132: {  	[sflag:s20] =	ssyncset.done $0x0  }
0x133: {  	[sflag:s20] =	ssyncadd.s32 $0xFFFFF800  }
0x134: {  	_ =	swait.ge [sflag:s20], $0x800  }
0x135: {  	[sflag:s20] =	ssyncset.done $0x0  }
0x136: {  	s12 =	sor.u32 $0xC8E0, s11;
	[sflag:s20] =	ssyncadd.s32 $0xFFFFF800  }
0x137: {  	[tilespmem:s29], [sflag:$0x1] =	stream.indirect.gather [hbm4b:s4+s28], $0x10, s12, s28, $0xb8;
	[tilespmem:$0x10680] =	vst v63  }
0x138: {  	_ =	swait.ge [sflag:s18], $0x1000  }
0x139: {  	[sflag:s18] =	ssyncset.done $0x0  }
0x13a: {  	s12 =	sadd.s32 $0xD5E0, s11;
	[sflag:s18] =	ssyncadd.s32 $0xFFFFF000  }
0x13b: {  	[spmem:s2] =	stream.indirect.scatter.add.f32 [tilespmem:s30], [sflag:$0x4], $0x10, s12, s0, $0xb8;
	[tilespmem:$0x10680] =	vst v63  }
0x13c: {  	s12 =	sadd.s32 $0xD660, s11  }
0x13d: {  	[spmem:s2] =	stream.indirect.scatter.add.f32 [tilespmem:s1], [sflag:$0x4], $0x10, s12, s0, $0xb8;
	[tilespmem:$0x10680] =	vst v63  }
0x13e: {  	_ =	swait.ge [sflag:s3], $0x800  }
0x13f: {  	[sflag:s3] =	ssyncset.done $0x0  }
0x140: {  	[sflag:s3] =	ssyncadd.s32 $0xFFFFF800  }
0x141: {  	_ =	swait.ge [sflag:s3], $0x800  }
0x142: {  	[sflag:s3] =	ssyncset.done $0x0  }
0x143: {  	s12 =	sadd.s32 $0xC9E0, s11;
	[sflag:s3] =	ssyncadd.s32 $0xFFFFF800  }
0x144: {  	[tilespmem:s30], [sflag:$0x2] =	stream.indirect.gather [hbm4b:s4+s28], $0x10, s12, s28, $0xb8;
	[tilespmem:$0x10680] =	vst v63  }
0x145: {  	_ =	swait.ge [sflag:s31], $0x1000  }
0x146: {  	[sflag:s31] =	ssyncset.done $0x0  }
0x147: {  	s12 =	sadd.s32 $0xD6E0, s11;
	[sflag:s31] =	ssyncadd.s32 $0xFFFFF000  }
0x148: {  	[spmem:s2] =	stream.indirect.scatter.add.f32 [tilespmem:s29], [sflag:$0x3], $0x10, s12, s0, $0xb8;
	[tilespmem:$0x10680] =	vst v63  }
0x149: {  	s12 =	sadd.s32 $0xD760, s11  }
0x14a: {  	[spmem:s2] =	stream.indirect.scatter.add.f32 [tilespmem:s17], [sflag:$0x3], $0x10, s12, s0, $0xb8;
	[tilespmem:$0x10680] =	vst v63  }
0x14b: {  	_ =	swait.ge [sflag:s20], $0x800  }
0x14c: {  	[sflag:s20] =	ssyncset.done $0x0  }
0x14d: {  	[sflag:s20] =	ssyncadd.s32 $0xFFFFF800  }
0x14e: {  	_ =	swait.ge [sflag:s20], $0x800  }
0x14f: {  	[sflag:s20] =	ssyncset.done $0x0  }
0x150: {  	s12 =	sadd.s32 $0xCAE0, s11;
	[sflag:s20] =	ssyncadd.s32 $0xFFFFF800  }
0x151: {  	[tilespmem:s29], [sflag:$0x1] =	stream.indirect.gather [hbm4b:s4+s28], $0x10, s12, s28, $0xb8;
	[tilespmem:$0x10680] =	vst v63  }
0x152: {  	_ =	swait.ge [sflag:s18], $0x1000  }
0x153: {  	[sflag:s18] =	ssyncset.done $0x0  }
0x154: {  	s12 =	sadd.s32 $0xD7E0, s11;
	[sflag:s18] =	ssyncadd.s32 $0xFFFFF000  }
0x155: {  	[spmem:s2] =	stream.indirect.scatter.add.f32 [tilespmem:s30], [sflag:$0x4], $0x10, s12, s0, $0xb8;
	[tilespmem:$0x10680] =	vst v63  }
0x156: {  	s12 =	sor.u32 $0xD860, s11  }
0x157: {  	[spmem:s2] =	stream.indirect.scatter.add.f32 [tilespmem:s1], [sflag:$0x4], $0x10, s12, s0, $0xb8;
	[tilespmem:$0x10680] =	vst v63  }
0x158: {  	_ =	swait.ge [sflag:s31], $0x1000  }
0x159: {  	[sflag:s31] =	ssyncset.done $0x0  }
0x15a: {  	s12 =	sor.u32 $0xD8E0, s11;
	[sflag:s31] =	ssyncadd.s32 $0xFFFFF000  }
0x15b: {  	[spmem:s2] =	stream.indirect.scatter.add.f32 [tilespmem:s29], [sflag:$0x3], $0x10, s12, s0, $0xb8;
	[tilespmem:$0x10680] =	vst v63  }
0x15c: {  	s11 =	sadd.s32 $0xD960, s11  }
0x15d: {  	[spmem:s2] =	stream.indirect.scatter.add.f32 [tilespmem:s17], [sflag:$0x3], $0x10, s11, s0, $0xb8;
	[tilespmem:$0x10680] =	vst v63  }
0x15e: {  	_ =	swait.ge [sflag:s3], $0x800  }
0x15f: {  	[sflag:s3] =	ssyncset.done $0x0  }
0x160: {  	[sflag:s3] =	ssyncadd.s32 $0xFFFFF800  }
0x161: {  	_ =	swait.ge [sflag:s3], $0x800  }
0x162: {  	[sflag:s3] =	ssyncset.done $0x0  }
0x163: {  	[sflag:s3] =	ssyncadd.s32 $0xFFFFF800  }
.Ltmp2:
0x164: {  	_ =	swait.ge [sflag:s20], $0x800;
	(pc) =	sbr.rel @p0 .LBB2_6-.Ltmp2, $4  }
0x165: {  	[sflag:s20] =	ssyncset.done $0x0  }
0x166: {  	[sflag:s20] =	ssyncadd.s32 $0xFFFFF800  }
0x167: {  	_ =	swait.ge [sflag:s20], $0x800  }
0x168: {  	[sflag:s20] =	ssyncset.done $0x0  }
0x169: {  	[sflag:s20] =	ssyncadd.s32 $0xFFFFF800  }
0x16a: {  	s9 =	stileid.u32;
	[bflag:$0x0] =	sbarrier.arrive $0xFFFF  }
0x16b: {  	s9 =	sshll.u32 s9, $0x6;
	s11 =	rddreg [dreg:$0x5]  }
0x16c: {  	s9 =	sor.u32 $0x1C06, s9;
	s12 =	rddreg [dreg:$0xb]  }
0x16d: {  	[hbm:s11], [sflag:s9] =	dma.local [spmem:s12], $0x4E2  }
0x16e: {  	_ =	swait.ge [sflag:s7], $0x4E2  }
0x16f: {  	[sflag:s7] =	ssyncset.done $0x0;
	s12 =	rddreg [dreg:$0x7]  }
0x170: {  	s13 =	rddreg [dreg:$0xc];
	[sflag:s7] =	ssyncadd.s32 $0xFFFFFB1E  }
0x171: {  	[hbm:s12], [sflag:s9] =	dma.local [spmem:s13], $0x4E2  }
0x172: {  	_ =	swait.ge [sflag:s7], $0x4E2  }
0x173: {  	[sflag:s7] =	ssyncset.done $0x0  }
0x174: {  	s14 =	rddreg [dreg:$0x8];
	[sflag:s7] =	ssyncadd.s32 $0xFFFFFB1E  }
0x175: {  	[hbm:s14], [sflag:s9] =	dma.local [spmem:s23], $0x4E2  }
0x176: {  	_ =	swait.ge [sflag:s7], $0x4E2  }
0x177: {  	[sflag:s7] =	ssyncset.done $0x0  }
0x178: {  	s16 =	rddreg [dreg:$0x9];
	[sflag:s7] =	ssyncadd.s32 $0xFFFFFB1E  }
0x179: {  	[hbm:s16], [sflag:s9] =	dma.local [spmem:s24], $0x4E2  }
0x17a: {  	_ =	swait.ge [sflag:s7], $0x4E2  }
0x17b: {  	[sflag:s7] =	ssyncset.done $0x0  }
0x17c: {  	s21 =	rddreg [dreg:$0xa];
	[sflag:s7] =	ssyncadd.s32 $0xFFFFFB1E  }
0x17d: {  	[hbm:s21], [sflag:s9] =	dma.local [spmem:s25], $0x4E2  }
0x17e: {  	_ =	swait.ge [sflag:s7], $0x4E2  }
0x17f: {  	s8 =	sadd.s32 $0x1, s8;
	s22 =	rddreg [dreg:$0x6]  }
0x180: {  	p0 =	sne.s32 s8, s22  }
.Ltmp3:
0x181: {  	_ = 	snop;
	(pc) =	sbr.rel @p0 .LBB2_1-.Ltmp3, $3  }
0x182: {  	_ =	sdelay $0x1  }
0x183: {  	[sflag:s7] =	ssyncset.done $0x0  }
0x184: {  	[sflag:s7] =	ssyncadd.s32 $0xFFFFFB1E  }
0x185: {  	_ =	sfence.sel $0x180000  }
0x186: {  	[bflag:$0x0] =	sbarrier.arrive $0xFFFF  }
0x187: {  	_ =	strace $0x90000047  }
0x188: {  	s0 =	stileid.u32;
	[bflag:$0x2] =	sbarrier.arrive $0xFFFF  }
0x189: {  	p0 =	sne.s32 s0, $0x0;
	s0 =	rddreg [dreg:$0x2]  }
0x18a: {  	s0 =	sadd.s32 @!p0 $0x100000, s0  }
0x18b: {  	[sflag:s0] =	ssyncadd.tile.s32 @!p0 $0x1;
	_ =	shalt  }
.Lfunc_end2:
_tile_overlayer_lowered:
.L_overlay_start_2:
0x18c: {  	(tag) =	ssettag $0x2  }
0x18d: {  	s0 =	rddreg [dreg:$0x0];
	s2 =	stileid.u32  }
0x18e: {  	s1 =	rddreg [dreg:$0x1];
	p0 =	sne.s32 s2, $0x0  }
0x18f: {  	s3 =	rddreg [dreg:$0x2];
	[bflag:$0x3] =	sbarrier.arrive $0xFFFF;
	s2 =	simm.s32 @!p0 $0x1C06  }
0x190: {  	[timem:s3], [sflag:s2] =	dma.local @!p0 [hbm:s0], s1  }
0x191: {  	s0 =	simm.s32 @!p0 $0x6  }
0x192: {  	_ =	swait.ge @!p0 [sflag:s0], s1  }
0x193: {  	s1 =	ssub.s32 @!p0 $0x0, s1;
	[sflag:s0] =	ssyncset.done @!p0 $0x0  }
0x194: {  	[sflag:s0] =	ssyncadd.s32 @!p0 s1  }
0x195: {  	[bflag:$0x3] =	sbarrier.arrive $0xFFFF  }
0x196: {  	_ =	shalt  }

</sc_bundles>
